<compile_context>
chip_gen: v7x
topology: tpu7x:2x2x1
jax: 0.10.2.dev20260603
libtpu: 0.0.44.dev20260713+nightly
codegen_flags: <defaults>
</compile_context>

<pallas_src>
import functools

import jax
import jax.numpy as jnp
from jax import lax
from jax.experimental import pallas as pl
from jax.experimental.pallas import tpu as pltpu
from jax.experimental.pallas import tpu_sc as plsc

N_NODES = 10000
N_EDGES = 320000
D = 128
EPS = 1e-5

E_BLK = 2000



def _dot(a, b):
    return jax.lax.dot_general(a, b, (((1,), (0,)), ((), ())),
                               preferred_element_type=jnp.float32)


def _prep_body(h_in, embW, embb, V, U, B, C, h0, Vh, Uh, Bh, Ch):
    x = _dot(h_in[...], embW[...]) + embb[...][None, :]
    h0[...] = x
    Vh[...] = _dot(x, V[...])
    Uh[...] = _dot(x, U[...])
    Bh[...] = _dot(x, B[...])
    Ch[...] = _dot(x, C[...])


def _prep(h_in, embW, embb, V, U, B, C):
    n = h_in.shape[0]
    out = [jax.ShapeDtypeStruct((n, D), jnp.float32)] * 5
    return pl.pallas_call(_prep_body, out_shape=out)(h_in, embW, embb, V, U, B, C)


def _edge_embed_body(e_in, W, b, e0):
    e0[...] = _dot(e_in[...], W[...]) + b[...][None, :]


def _edge_embed(e_in, W, b):
    ne, fe = e_in.shape
    grid = ne // E_BLK
    return pl.pallas_call(
        _edge_embed_body,
        grid=(grid,),
        in_specs=[
            pl.BlockSpec((E_BLK, fe), lambda i: (i, 0)),
            pl.BlockSpec((fe, D), lambda i: (0, 0)),
            pl.BlockSpec((D,), lambda i: (0,)),
        ],
        out_specs=pl.BlockSpec((E_BLK, D), lambda i: (i, 0)),
        out_shape=jax.ShapeDtypeStruct((ne, D), jnp.float32),
    )(e_in, W, b)


def _node_update_body(h, Uh, agg, mats, outs):
    x = Uh[...] + agg[...]
    mu = jnp.mean(x, axis=0)
    var = jnp.mean(x * x, axis=0) - mu * mu
    y = h[...] + jnp.maximum((x - mu[None, :]) * jax.lax.rsqrt(var + EPS)[None, :], 0.0)
    outs[0][...] = y
    for m_ref, o_ref in zip(mats, outs[1:]):
        o_ref[...] = _dot(y, m_ref[...])


def _node_update(h, Uh, agg, mats):
    n = h.shape[0]
    nmat = len(mats)

    def body(*refs):
        _node_update_body(refs[0], refs[1], refs[2], refs[3:3 + nmat],
                          refs[3 + nmat:])

    out = [jax.ShapeDtypeStruct((n, D), jnp.float32)] * (1 + nmat)
    return pl.pallas_call(body, out_shape=out)(h, Uh, agg, *mats)


def _edge_stats_body(e0, g, A, out, acc):
    i = pl.program_id(0)
    t = _dot(e0[...], A[...]) + g[...]
    s = jnp.sum(t, axis=0)
    s2 = jnp.sum(t * t, axis=0)

    @pl.when(i == 0)
    def _():
        acc[...] = jnp.zeros_like(acc)

    acc[0, :] += s
    acc[1, :] += s2

    @pl.when(i == pl.num_programs(0) - 1)
    def _():
        out[...] = acc[...]


def _edge_stats(e0, g, A):
    ne = e0.shape[0]
    grid = ne // E_BLK
    return pl.pallas_call(
        _edge_stats_body,
        grid=(grid,),
        in_specs=[
            pl.BlockSpec((E_BLK, D), lambda i: (i, 0)),
            pl.BlockSpec((E_BLK, D), lambda i: (i, 0)),
            pl.BlockSpec((D, D), lambda i: (0, 0)),
        ],
        out_specs=pl.BlockSpec((8, D), lambda i: (0, 0)),
        out_shape=jax.ShapeDtypeStruct((8, D), jnp.float32),
        scratch_shapes=[pltpu.VMEM((8, D), jnp.float32)],
    )(e0, g, A)


def _edge_update_body(e0, g, A, stats, e1):
    inv_n = 1.0 / N_EDGES
    mu = stats[0, :] * inv_n
    var = stats[1, :] * inv_n - mu * mu
    t = _dot(e0[...], A[...]) + g[...]
    y = (t - mu[None, :]) * jax.lax.rsqrt(var + EPS)[None, :]
    e1[...] = e0[...] + jnp.maximum(y, 0.0)


def _edge_update(e0, g, A, stats):
    ne = e0.shape[0]
    grid = ne // E_BLK
    return pl.pallas_call(
        _edge_update_body,
        grid=(grid,),
        in_specs=[
            pl.BlockSpec((E_BLK, D), lambda i: (i, 0)),
            pl.BlockSpec((E_BLK, D), lambda i: (i, 0)),
            pl.BlockSpec((D, D), lambda i: (0, 0)),
            pl.BlockSpec((8, D), lambda i: (0, 0)),
        ],
        out_specs=pl.BlockSpec((E_BLK, D), lambda i: (i, 0)),
        out_shape=jax.ShapeDtypeStruct((ne, D), jnp.float32),
    )(e0, g, A, stats)


def _final_head_body(h, W1a, W1b, W1c, b1, r_out, P, Q):
    y = h[...]
    moy = jnp.mean(y, axis=0)
    r = _dot(moy[None, :], W1a[...]) + b1[...][None, :]
    r_out[...] = jnp.broadcast_to(r, r_out.shape)
    P[...] = _dot(y, W1b[...])
    Q[...] = _dot(y, W1c[...])


def _final_head(h, W1a, W1b, W1c, b1):
    n = h.shape[0]
    out = [
        jax.ShapeDtypeStruct((8, D), jnp.float32),
        jax.ShapeDtypeStruct((n, D), jnp.float32),
        jax.ShapeDtypeStruct((n, D), jnp.float32),
    ]
    return pl.pallas_call(_final_head_body, out_shape=out)(h, W1a, W1b, W1c, b1)



_NW = 32
_PER_W = N_EDGES // _NW
_KG = 128
_NFULL = _PER_W // _KG
_TAIL = _PER_W - _NFULL * _KG


def _message_rows_gather(Vh, e, src, dst, Bh, Ch):
    mesh = plsc.VectorSubcoreMesh(core_axis_name="c", subcore_axis_name="s")

    @functools.partial(
        pl.kernel,
        out_type=(jax.ShapeDtypeStruct((N_EDGES, D), jnp.float32),
                  jax.ShapeDtypeStruct((N_EDGES, D), jnp.float32)),
        mesh=mesh,
        scratch_types=[
            pltpu.VMEM((_KG,), jnp.int32),
            pltpu.VMEM((_KG,), jnp.int32),
            pltpu.VMEM((_KG, D), jnp.float32),
            pltpu.VMEM((_KG, D), jnp.float32),
            pltpu.VMEM((_KG, D), jnp.float32),
            pltpu.SemaphoreType.DMA,
            pltpu.SemaphoreType.DMA,
            pltpu.SemaphoreType.DMA,
        ],
    )
    def sc_message_gather(vh_h, e_h, src_h, dst_h, bh_h, ch_h, m_h, g_h,
                          idx_s, idx_d, erows, vrows, grows,
                          sem_v, sem_e, sem_b):
        wid = lax.axis_index("s") * 2 + lax.axis_index("c")
        base_w = wid * _PER_W

        def chunk(base, n):
            base = pl.multiple_of(base, 8)
            pltpu.sync_copy(src_h.at[pl.ds(base, n)], idx_s.at[pl.ds(0, n)])
            pltpu.sync_copy(dst_h.at[pl.ds(base, n)], idx_d.at[pl.ds(0, n)])
            cp_e = pltpu.async_copy(e_h.at[pl.ds(base, n)],
                                    erows.at[pl.ds(0, n)], sem_e)
            cp_v = pltpu.async_copy(vh_h.at[idx_s.at[pl.ds(0, n)]],
                                    vrows.at[pl.ds(0, n)], sem_v)
            cp_b = pltpu.async_copy(bh_h.at[idx_d.at[pl.ds(0, n)]],
                                    grows.at[pl.ds(0, n)], sem_b)
            cp_b.wait()
            cp_c = pltpu.async_copy(ch_h.at[idx_s.at[pl.ds(0, n)]],
                                    grows.at[pl.ds(0, n)], sem_b, add=True)
            cp_e.wait()
            cp_v.wait()

            def edge_body(i, c):
                for j in range(D // 16):
                    ev = erows[i, pl.ds(j * 16, 16)]
                    sig = 1.0 / (1.0 + jnp.exp(-ev))
                    erows[i, pl.ds(j * 16, 16)] = (
                        vrows[i, pl.ds(j * 16, 16)] * sig)
                return c

            lax.fori_loop(0, n, edge_body, 0)
            pltpu.sync_copy(erows.at[pl.ds(0, n)], m_h.at[pl.ds(base, n)])
            cp_c.wait()
            pltpu.sync_copy(grows.at[pl.ds(0, n)], g_h.at[pl.ds(base, n)])

        def body(i, carry):
            chunk(base_w + i * _KG, _KG)
            return carry

        lax.fori_loop(0, _NFULL, body, 0)
        chunk(base_w + _NFULL * _KG, _TAIL)

    return sc_message_gather(Vh, e, src, dst, Bh, Ch)


def _message_rows(Vh, e, src):
    mesh = plsc.VectorSubcoreMesh(core_axis_name="c", subcore_axis_name="s")

    @functools.partial(
        pl.kernel,
        out_type=jax.ShapeDtypeStruct((N_EDGES, D), jnp.float32),
        mesh=mesh,
        scratch_types=[
            pltpu.VMEM((_KG,), jnp.int32),
            pltpu.VMEM((_KG, D), jnp.float32),
            pltpu.VMEM((_KG, D), jnp.float32),
            pltpu.SemaphoreType.DMA,
        ],
    )
    def sc_message_rows(vh_h, e_h, src_h, out_h, idx_s, vrows, erows, sem):
        wid = lax.axis_index("s") * 2 + lax.axis_index("c")
        base_w = wid * _PER_W

        def chunk(base, n):
            base = pl.multiple_of(base, 8)
            pltpu.sync_copy(src_h.at[pl.ds(base, n)], idx_s.at[pl.ds(0, n)])
            cp_v = pltpu.async_copy(vh_h.at[idx_s.at[pl.ds(0, n)]],
                                    vrows.at[pl.ds(0, n)], sem)
            pltpu.sync_copy(e_h.at[pl.ds(base, n)], erows.at[pl.ds(0, n)])
            cp_v.wait()

            def edge_body(i, c):
                for j in range(D // 16):
                    ev = erows[i, pl.ds(j * 16, 16)]
                    sig = 1.0 / (1.0 + jnp.exp(-ev))
                    erows[i, pl.ds(j * 16, 16)] = (
                        vrows[i, pl.ds(j * 16, 16)] * sig)
                return c

            lax.fori_loop(0, n, edge_body, 0)
            pltpu.sync_copy(erows.at[pl.ds(0, n)], out_h.at[pl.ds(base, n)])

        def body(i, carry):
            chunk(base_w + i * _KG, _KG)
            return carry

        lax.fori_loop(0, _NFULL, body, 0)
        chunk(base_w + _NFULL * _KG, _TAIL)

    return sc_message_rows(Vh, e, src)


def _final_gather_relu(r, P, Q, src, dst):
    mesh = plsc.VectorSubcoreMesh(core_axis_name="c", subcore_axis_name="s")

    @functools.partial(
        pl.kernel,
        out_type=jax.ShapeDtypeStruct((N_EDGES, D), jnp.float32),
        mesh=mesh,
        scratch_types=[
            pltpu.VMEM((_KG,), jnp.int32),
            pltpu.VMEM((_KG,), jnp.int32),
            pltpu.VMEM((_KG, D), jnp.float32),
            pltpu.VMEM((_KG, D), jnp.float32),
            pltpu.VMEM((8, D), jnp.float32),
            pltpu.SemaphoreType.DMA,
            pltpu.SemaphoreType.DMA,
        ],
    )
    def sc_final_rows(p_h, q_h, r_h, src_h, dst_h, out_h,
                      idx_s, idx_d, rows, qrows, r_v, sem, sem_q):
        wid = lax.axis_index("s") * 2 + lax.axis_index("c")
        base_w = wid * _PER_W
        pltpu.sync_copy(r_h, r_v)
        rj = [r_v[0, pl.ds(j * 16, 16)] for j in range(D // 16)]

        def chunk(base, n):
            base = pl.multiple_of(base, 8)
            pltpu.sync_copy(src_h.at[pl.ds(base, n)], idx_s.at[pl.ds(0, n)])
            pltpu.sync_copy(dst_h.at[pl.ds(base, n)], idx_d.at[pl.ds(0, n)])
            cp_p = pltpu.async_copy(p_h.at[idx_s.at[pl.ds(0, n)]],
                                    rows.at[pl.ds(0, n)], sem)
            cp_q = pltpu.async_copy(q_h.at[idx_d.at[pl.ds(0, n)]],
                                    qrows.at[pl.ds(0, n)], sem_q)
            cp_p.wait()
            cp_q.wait()

            def edge_body(i, c):
                for j in range(D // 16):
                    rows[i, pl.ds(j * 16, 16)] = jnp.maximum(
                        rows[i, pl.ds(j * 16, 16)]
                        + qrows[i, pl.ds(j * 16, 16)] + rj[j], 0.0)
                return c

            lax.fori_loop(0, n, edge_body, 0)
            pltpu.sync_copy(rows.at[pl.ds(0, n)], out_h.at[pl.ds(base, n)])

        def body(i, carry):
            chunk(base_w + i * _KG, _KG)
            return carry

        lax.fori_loop(0, _NFULL, body, 0)
        chunk(base_w + _NFULL * _KG, _TAIL)

    return sc_final_rows(P, Q, r, src, dst)


_NPW = 320
_CSC = 2000
_NB16 = _CSC // 16
_PCAP = _CSC + 256
_NEG = -3.0e38


def _message_segmax(Vh, e, src, dst):
    mesh = plsc.VectorSubcoreMesh(core_axis_name="c", subcore_axis_name="s")

    @functools.partial(
        pl.kernel,
        out_type=jax.ShapeDtypeStruct((_NW * _NPW, D), jnp.float32),
        mesh=mesh,
        scratch_types=[
            pltpu.VMEM((_CSC,), jnp.int32),
            pltpu.VMEM((_PCAP,), jnp.int32),
            pltpu.VMEM((_PCAP,), jnp.int32),
            pltpu.VMEM((_KG, D), jnp.float32),
            pltpu.VMEM((_KG, D), jnp.float32),
            pltpu.VMEM((_KG,), jnp.int32),
            pltpu.VMEM((_NPW + 1, D), jnp.float32),
            pltpu.SemaphoreType.DMA,
        ],
    )
    def sc_segmax(vh_h, e_h, src_h, dst_h, out_h,
                  dchunk, p_eid, p_off, erows, vrows, sbuf, tab, sem):
        wid = lax.axis_index("s") * 2 + lax.axis_index("c")
        lo = pl.multiple_of(wid * _NPW, 8)

        neg = jnp.full((16,), _NEG, jnp.float32)

        def init_row(i, c):
            for j in range(D // 16):
                tab[i, pl.ds(j * 16, 16)] = neg
            return c

        lax.fori_loop(0, _NPW + 1, init_row, 0)

        iota16 = lax.iota(jnp.int32, 16)

        def drain(q):
            q = pl.multiple_of(q, _KG)
            idx = p_eid.at[pl.ds(q, _KG)]
            pltpu.async_copy(e_h.at[idx], erows, sem).wait()
            pltpu.async_copy(src_h.at[idx], sbuf, sem).wait()
            pltpu.async_copy(vh_h.at[sbuf], vrows, sem).wait()

            def group_body(g, c):
                offs = p_off[pl.ds(pl.multiple_of(q + g * 16, 16), 16)]
                for t in range(16):
                    off = offs[t]
                    i = g * 16 + t
                    for j in range(D // 16):
                        ev = erows[i, pl.ds(j * 16, 16)]
                        sig = 1.0 / (1.0 + jnp.exp(-ev))
                        m = vrows[i, pl.ds(j * 16, 16)] * sig
                        tt = tab[off, pl.ds(j * 16, 16)]
                        tab[off, pl.ds(j * 16, 16)] = jnp.maximum(tt, m)
                return c

            lax.fori_loop(0, _KG // 16, group_body, 0)

        def chunk_body(ci, cnt):
            pltpu.sync_copy(dst_h.at[pl.ds(pl.multiple_of(ci * _CSC, 8), _CSC)],
                            dchunk)

            def blk_body(b, cnt):
                d = dchunk[pl.ds(pl.multiple_of(b * 16, 16), 16)]
                mask = (d >= lo) & (d < lo + _NPW)
                eid = iota16 + (ci * _CSC + b * 16)
                msel = mask.astype(jnp.int32)
                pref = plsc.cumsum(msel)
                pos = cnt + pref - msel
                plsc.store_scatter(p_eid, [pos], eid, mask=mask)
                plsc.store_scatter(p_off, [pos], d - lo, mask=mask)
                return cnt + pref[15]

            cnt = lax.fori_loop(0, _NB16, blk_body, cnt)

            nb = cnt // _KG

            def bstep(b, c):
                @pl.when(b < nb)
                def _():
                    drain(b * _KG)
                return c

            lax.fori_loop(0, _PCAP // _KG, bstep, 0)

            @pl.when(nb > 0)
            def _():
                dd = pl.multiple_of(nb * _KG, _KG)
                for t in range(_KG // 16):
                    p_eid[pl.ds(t * 16, 16)] = p_eid[pl.ds(dd + t * 16, 16)]
                    p_off[pl.ds(t * 16, 16)] = p_off[pl.ds(dd + t * 16, 16)]

            return cnt - nb * _KG

        cnt = lax.fori_loop(0, N_EDGES // _CSC, chunk_body, 0)

        zero16 = jnp.zeros((16,), jnp.int32)
        trash16 = jnp.full((16,), _NPW, jnp.int32)
        for t in range(_KG // 16):
            pos = cnt + iota16 + (t * 16)
            plsc.store_scatter(p_eid, [pos], zero16,
                               mask=jnp.full((16,), True))
            plsc.store_scatter(p_off, [pos], trash16,
                               mask=jnp.full((16,), True))

        @pl.when(cnt > 0)
        def _():
            drain(0)

        def flush_row(i, c):
            for j in range(D // 16):
                v = tab[i, pl.ds(j * 16, 16)]
                tab[i, pl.ds(j * 16, 16)] = jnp.where(v > -1.0e37, v, 0.0)
            return c

        lax.fori_loop(0, _NPW, flush_row, 0)
        pltpu.sync_copy(tab.at[pl.ds(0, _NPW)], out_h.at[pl.ds(lo, _NPW)])

    return sc_segmax(Vh, e, src, dst)[:N_NODES]





def _segmax_from_rows(m, src, dst):
    agg = jax.ops.segment_max(m, dst, num_segments=N_NODES)
    deg = jax.ops.segment_sum(jnp.ones_like(src, jnp.float32), dst,
                              num_segments=N_NODES)
    return jnp.where((deg > 0)[:, None], agg, 0.0)


def _segmax_xla(Vh, e, src, dst):
    return _segmax_from_rows(_message_rows(Vh, e, src), src, dst)


def kernel(h, e, edge_index, params):
    src = edge_index[0]
    dst = edge_index[1]

    h0, Vh0, Uh0, Bh0, Ch0 = _prep(
        h, params['emb_n_W'], params['emb_n_b'],
        params['V0'], params['U0'], params['B0'], params['C0'])
    e0 = _edge_embed(e, params['emb_e_W'], params['emb_e_b'])

    m0, g0 = _message_rows_gather(Vh0, e0, src, dst, Bh0, Ch0)
    agg0 = _segmax_from_rows(m0, src, dst)
    h1, Vh1, Uh1 = _node_update(h0, Uh0, agg0, [params['V1'], params['U1']])
    stats0 = _edge_stats(e0, g0, params['A0'])
    e1 = _edge_update(e0, g0, params['A0'], stats0)

    agg1 = _segmax_xla(Vh1, e1, src, dst)
    W1 = params['W1_W']
    (h2,) = _node_update(h1, Uh1, agg1, [])

    r, P, Q = _final_head(h2, W1[:D], W1[D:2 * D], W1[2 * D:], params['W1_b'])
    rows = _final_gather_relu(r, P, Q, src, dst)
    z = rows @ params['W2_W'] + params['W2_b']
    return jax.nn.sigmoid(z[:, 0])

# --- scband reference (transcript-rebuilt; emitter-appended) ---
"""Pipeline reference for scband-model-46952582480549 (READ-ONLY COPY).

The authoritative reference and input builder live on the scoring server;
editing this copy changes nothing except your own understanding.
"""

import jax, jax.numpy as jnp
import numpy as np

N_NODES = 10000
N_EDGES = 320000
F_N = 128
F_E = 16
D = 128
L = 2


def _init_params(key):
    ks = jax.random.split(key, 4 + 5 * L)
    p = {}

    def nrm(k, shape, scale):
        return jax.random.normal(k, shape, dtype=jnp.float32) * scale

    p['emb_n_W'] = nrm(ks[0], (F_N, D), 1.0 / np.sqrt(F_N))
    p['emb_n_b'] = jnp.zeros((D,), jnp.float32)
    p['emb_e_W'] = nrm(ks[1], (F_E, D), 1.0 / np.sqrt(F_E))
    p['emb_e_b'] = jnp.zeros((D,), jnp.float32)
    for l in range(L):
        for j, name in enumerate(['U', 'V', 'A', 'B', 'C']):
            p[f'{name}{l}'] = nrm(ks[2 + 5 * l + j], (D, D), 1.0 / np.sqrt(D))
    p['W1_W'] = nrm(ks[2 + 5 * L], (3 * D, D), 1.0 / np.sqrt(3 * D))
    p['W1_b'] = jnp.zeros((D,), jnp.float32)
    p['W2_W'] = nrm(ks[3 + 5 * L], (D, 1), 1.0 / np.sqrt(D))
    p['W2_b'] = jnp.zeros((1,), jnp.float32)
    return p


def setup_inputs(seed: int = 0):
    key = jax.random.key(seed)
    k1, k2, k3, k4 = jax.random.split(key, 4)
    h = jax.random.normal(k1, (N_NODES, F_N), dtype=jnp.float32)
    e = jax.random.normal(k2, (N_EDGES, F_E), dtype=jnp.float32)
    edge_index = jax.random.randint(k3, (2, N_EDGES), 0, N_NODES, dtype=jnp.int32)
    params = _init_params(k4)
    return {'h': h, 'e': e, 'edge_index': edge_index, 'params': params}


def _bn(x):
    # BatchNorm1d(affine=False) in training mode: batch stats, biased variance, eps=1e-5
    mu = jnp.mean(x, axis=0)
    var = jnp.var(x, axis=0)
    return (x - mu) / jnp.sqrt(var + 1e-5)


def _forward(h_in, e_in, params, src, dst):
    h = h_in @ params['emb_n_W'] + params['emb_n_b']
    e = e_in @ params['emb_e_W'] + params['emb_e_b']
    deg = jax.ops.segment_sum(jnp.ones((src.shape[0],), jnp.float32), dst, num_segments=N_NODES)
    has_in = (deg > 0)[:, None]
    for l in range(L):
        # message: m_e = V(h)[src] * sigmoid(e_feat); reduce: max over incoming edges per dst
        Vh = h @ params[f'V{l}']
        w = jax.nn.sigmoid(e)
        m = Vh[src] * w
        agg = jax.ops.segment_max(m, dst, num_segments=N_NODES)
        agg = jnp.where(has_in, agg, 0.0)  # DGL zero-fills nodes with no in-edges
        out_h = h + jax.nn.relu(_bn(h @ params[f'U{l}'] + agg))
        # inc('in').T @ B(h) = B(h)[dst]; inc('out').T @ C(h) = C(h)[src]
        out_e = e + jax.nn.relu(_bn(e @ params[f'A{l}'] + (h @ params[f'B{l}'])[dst] + (h @ params[f'C{l}'])[src]))
        h, e = out_h, out_e
    n_edges = e.shape[0]
    moy = jnp.broadcast_to(jnp.mean(h, axis=0)[None, :], (n_edges, h.shape[1]))
    hi = h[src]  # inc('out').T @ h
    hj = h[dst]  # inc('in').T @ h
    out = jnp.concatenate([moy, hi, hj], axis=1)
    out = jax.nn.relu(out @ params['W1_W'] + params['W1_b'])
    out = out @ params['W2_W'] + params['W2_b']
    return jax.nn.sigmoid(out[:, 0])


def reference(h, e, edge_index, params):
    src = edge_index[0]
    dst = edge_index[1]
    return _forward(h, e, params, src, dst)

if __name__ == "__main__":
    import jax
    _d = setup_inputs()
    print(jax.jit(kernel)(*tuple(_d.values())))

</pallas_src>

<mosaic_0001>
#map = affine_map<(d0, d1) -> (0, 0)>
#map1 = affine_map<(d0, d1) -> (0)>
module attributes {stable_mosaic.version = 14 : i64} {
  func.func @sc_message_gather(%arg0: i32, %arg1: i32, %arg2: memref<10000x128xf32, #tpu.memory_space<hbm>>, %arg3: memref<320000x128xf32, #tpu.memory_space<hbm>>, %arg4: memref<320000xi32, #tpu.memory_space<hbm>>, %arg5: memref<320000xi32, #tpu.memory_space<hbm>>, %arg6: memref<10000x128xf32, #tpu.memory_space<hbm>>, %arg7: memref<10000x128xf32, #tpu.memory_space<hbm>>, %arg8: memref<320000x128xf32, #tpu.memory_space<hbm>>, %arg9: memref<320000x128xf32, #tpu.memory_space<hbm>>, %arg10: memref<128xi32, #tpu.memory_space<vmem>>, %arg11: memref<128xi32, #tpu.memory_space<vmem>>, %arg12: memref<128x128xf32, #tpu.memory_space<vmem>>, %arg13: memref<128x128xf32, #tpu.memory_space<vmem>>, %arg14: memref<128x128xf32, #tpu.memory_space<vmem>>, %arg15: memref<!tpu.dma_semaphore, #tpu.memory_space<semaphore_mem>>, %arg16: memref<!tpu.dma_semaphore, #tpu.memory_space<semaphore_mem>>, %arg17: memref<!tpu.dma_semaphore, #tpu.memory_space<semaphore_mem>>) attributes {dimension_semantics = [#tpu.dimension_semantics<core_parallel>, #tpu.dimension_semantics<subcore_parallel>], iteration_bounds = array<i64: 2, 16>, scalar_prefetch = 0 : i64, scratch_operands = 8 : i64, tpu.core_type = #tpu.core_type<sc_vector_subcore>, window_params = [{transform_indices = #map}, {transform_indices = #map}, {transform_indices = #map1}, {transform_indices = #map1}, {transform_indices = #map}, {transform_indices = #map}, {transform_indices = #map}, {transform_indices = #map}]} {
    %mul3A = arith.constant 2 : i32
    %mul3A_0 = arith.muli %arg1, %mul3A : i32
    %add3A = arith.addi %mul3A_0, %arg0 : i32
    %mul3A_1 = arith.constant 10000 : i32
    %mul3A_2 = arith.muli %add3A, %mul3A_1 : i32
    %scan3A = arith.constant 0 : i32
    %scan3A_3 = arith.constant 0 : i32
    %scan3A_4 = arith.constant 78 : i32
    %scan3A_5 = arith.addi %scan3A_3, %scan3A_4 : i32
    %scan3A_6 = arith.constant 1 : i32
    scf.for %scan3A_82 = %scan3A_3 to %scan3A_5 step %scan3A_6  : i32 {
      %mul3A_83 = arith.constant 128 : i32
      %mul3A_84 = arith.muli %scan3A_82, %mul3A_83 : i32
      %add3A_85 = arith.addi %mul3A_2, %mul3A_84 : i32
      %multiple_of3A_86 = tpu.assume_multiple %add3A_85, 8 : i32
      "tpu.region"() ({
        %run_scoped3A = tpu.sem_alloc : memref<!tpu.dma_semaphore, #tpu.memory_space<semaphore_mem>>
        %dma_start3A_161 = arith.constant 0 : i32
        %dma_start3A_162 = tpu.memref_slice %arg10[%dma_start3A_161] : memref<128xi32, #tpu.memory_space<vmem>> -> memref<128xi32, #tpu.memory_space<vmem>>
        %dma_start3A_163 = tpu.memref_slice %arg4[%multiple_of3A_86] : memref<320000xi32, #tpu.memory_space<hbm>> -> memref<128xi32, #tpu.memory_space<hbm>>
        %dma_start3A_164 = arith.constant 0 : i32
        %dma_start3A_165 = tpu.memref_slice %arg10[%dma_start3A_164] : memref<128xi32, #tpu.memory_space<vmem>> -> memref<128xi32, #tpu.memory_space<vmem>>
        %dma_start3A_166 = tpu.memref_slice %arg4[%multiple_of3A_86] : memref<320000xi32, #tpu.memory_space<hbm>> -> memref<128xi32, #tpu.memory_space<hbm>>
        tpu.enqueue_dma source(%dma_start3A_166 : memref<128xi32, #tpu.memory_space<hbm>>) target(%dma_start3A_165 : memref<128xi32, #tpu.memory_space<vmem>>) target_semaphore(%run_scoped3A : memref<!tpu.dma_semaphore, #tpu.memory_space<semaphore_mem>>)
        %dma_wait3A_167 = arith.constant 0 : i32
        %dma_wait3A_168 = tpu.memref_slice %arg10[%dma_wait3A_167] : memref<128xi32, #tpu.memory_space<vmem>> -> memref<128xi32, #tpu.memory_space<vmem>>
        %dma_wait3A_169 = tpu.memref_slice %arg4[%multiple_of3A_86] : memref<320000xi32, #tpu.memory_space<hbm>> -> memref<128xi32, #tpu.memory_space<hbm>>
        %dma_wait3A_170 = arith.constant 0 : i32
        %dma_wait3A_171 = tpu.memref_slice %arg10[%dma_wait3A_170] : memref<128xi32, #tpu.memory_space<vmem>> -> memref<128xi32, #tpu.memory_space<vmem>>
        %dma_wait3A_172 = tpu.memref_slice %arg4[%multiple_of3A_86] : memref<320000xi32, #tpu.memory_space<hbm>> -> memref<128xi32, #tpu.memory_space<hbm>>
        tpu.wait_dma2 semaphore(%run_scoped3A : memref<!tpu.dma_semaphore, #tpu.memory_space<semaphore_mem>>) src(%dma_wait3A_172 : memref<128xi32, #tpu.memory_space<hbm>>) dst(%dma_wait3A_171 : memref<128xi32, #tpu.memory_space<vmem>>)
        tpu.yield
      }) : () -> ()
      "tpu.region"() ({
        %run_scoped3A = tpu.sem_alloc : memref<!tpu.dma_semaphore, #tpu.memory_space<semaphore_mem>>
        %dma_start3A_161 = arith.constant 0 : i32
        %dma_start3A_162 = tpu.memref_slice %arg11[%dma_start3A_161] : memref<128xi32, #tpu.memory_space<vmem>> -> memref<128xi32, #tpu.memory_space<vmem>>
        %dma_start3A_163 = tpu.memref_slice %arg5[%multiple_of3A_86] : memref<320000xi32, #tpu.memory_space<hbm>> -> memref<128xi32, #tpu.memory_space<hbm>>
        %dma_start3A_164 = arith.constant 0 : i32
        %dma_start3A_165 = tpu.memref_slice %arg11[%dma_start3A_164] : memref<128xi32, #tpu.memory_space<vmem>> -> memref<128xi32, #tpu.memory_space<vmem>>
        %dma_start3A_166 = tpu.memref_slice %arg5[%multiple_of3A_86] : memref<320000xi32, #tpu.memory_space<hbm>> -> memref<128xi32, #tpu.memory_space<hbm>>
        tpu.enqueue_dma source(%dma_start3A_166 : memref<128xi32, #tpu.memory_space<hbm>>) target(%dma_start3A_165 : memref<128xi32, #tpu.memory_space<vmem>>) target_semaphore(%run_scoped3A : memref<!tpu.dma_semaphore, #tpu.memory_space<semaphore_mem>>)
        %dma_wait3A_167 = arith.constant 0 : i32
        %dma_wait3A_168 = tpu.memref_slice %arg11[%dma_wait3A_167] : memref<128xi32, #tpu.memory_space<vmem>> -> memref<128xi32, #tpu.memory_space<vmem>>
        %dma_wait3A_169 = tpu.memref_slice %arg5[%multiple_of3A_86] : memref<320000xi32, #tpu.memory_space<hbm>> -> memref<128xi32, #tpu.memory_space<hbm>>
        %dma_wait3A_170 = arith.constant 0 : i32
        %dma_wait3A_171 = tpu.memref_slice %arg11[%dma_wait3A_170] : memref<128xi32, #tpu.memory_space<vmem>> -> memref<128xi32, #tpu.memory_space<vmem>>
        %dma_wait3A_172 = tpu.memref_slice %arg5[%multiple_of3A_86] : memref<320000xi32, #tpu.memory_space<hbm>> -> memref<128xi32, #tpu.memory_space<hbm>>
        tpu.wait_dma2 semaphore(%run_scoped3A : memref<!tpu.dma_semaphore, #tpu.memory_space<semaphore_mem>>) src(%dma_wait3A_172 : memref<128xi32, #tpu.memory_space<hbm>>) dst(%dma_wait3A_171 : memref<128xi32, #tpu.memory_space<vmem>>)
        tpu.yield
      }) : () -> ()
      %dma_start3A_87 = arith.constant 0 : i32
      %dma_start3A_88 = arith.constant 0 : i32
      %dma_start3A_89 = tpu.memref_slice %arg12[%dma_start3A_87, %dma_start3A_88] : memref<128x128xf32, #tpu.memory_space<vmem>> -> memref<128x128xf32, #tpu.memory_space<vmem>>
      %dma_start3A_90 = arith.constant 0 : i32
      %dma_start3A_91 = tpu.memref_slice %arg3[%multiple_of3A_86, %dma_start3A_90] : memref<320000x128xf32, #tpu.memory_space<hbm>> -> memref<128x128xf32, #tpu.memory_space<hbm>>
      %dma_start3A_92 = arith.constant 0 : i32
      %dma_start3A_93 = arith.constant 0 : i32
      %dma_start3A_94 = tpu.memref_slice %arg12[%dma_start3A_92, %dma_start3A_93] : memref<128x128xf32, #tpu.memory_space<vmem>> -> memref<128x128xf32, #tpu.memory_space<vmem>>
      %dma_start3A_95 = arith.constant 0 : i32
      %dma_start3A_96 = tpu.memref_slice %arg3[%multiple_of3A_86, %dma_start3A_95] : memref<320000x128xf32, #tpu.memory_space<hbm>> -> memref<128x128xf32, #tpu.memory_space<hbm>>
      tpu.enqueue_dma source(%dma_start3A_96 : memref<128x128xf32, #tpu.memory_space<hbm>>) target(%dma_start3A_94 : memref<128x128xf32, #tpu.memory_space<vmem>>) target_semaphore(%arg16 : memref<!tpu.dma_semaphore, #tpu.memory_space<semaphore_mem>>)
      %dma_start3A_97 = arith.constant 0 : i32
      %dma_start3A_98 = arith.constant 0 : i32
      %dma_start3A_99 = tpu.memref_slice %arg13[%dma_start3A_97, %dma_start3A_98] : memref<128x128xf32, #tpu.memory_space<vmem>> -> memref<128x128xf32, #tpu.memory_space<vmem>>
      %dma_start3A_100 = arith.constant 0 : i32
      %dma_start3A_101 = tpu.memref_slice %arg10[%dma_start3A_100] : memref<128xi32, #tpu.memory_space<vmem>> -> memref<128xi32, #tpu.memory_space<vmem>>
      %dma_start3A_102 = arith.constant 0 : i32
      %dma_start3A_103 = arith.constant 0 : i32
      %dma_start3A_104 = tpu.memref_slice %arg2[%dma_start3A_102, %dma_start3A_103] : memref<10000x128xf32, #tpu.memory_space<hbm>> -> memref<10000x128xf32, #tpu.memory_space<hbm>>
      tpu.enqueue_indirect_dma source(%dma_start3A_104 : memref<10000x128xf32, #tpu.memory_space<hbm>>) target(%dma_start3A_99 : memref<128x128xf32, #tpu.memory_space<vmem>>) offsets(%dma_start3A_101 : memref<128xi32, #tpu.memory_space<vmem>>) semaphore(%arg15 : memref<!tpu.dma_semaphore, #tpu.memory_space<semaphore_mem>>)
      %dma_start3A_105 = arith.constant 0 : i32
      %dma_start3A_106 = arith.constant 0 : i32
      %dma_start3A_107 = tpu.memref_slice %arg14[%dma_start3A_105, %dma_start3A_106] : memref<128x128xf32, #tpu.memory_space<vmem>> -> memref<128x128xf32, #tpu.memory_space<vmem>>
      %dma_start3A_108 = arith.constant 0 : i32
      %dma_start3A_109 = tpu.memref_slice %arg11[%dma_start3A_108] : memref<128xi32, #tpu.memory_space<vmem>> -> memref<128xi32, #tpu.memory_space<vmem>>
      %dma_start3A_110 = arith.constant 0 : i32
      %dma_start3A_111 = arith.constant 0 : i32
      %dma_start3A_112 = tpu.memref_slice %arg6[%dma_start3A_110, %dma_start3A_111] : memref<10000x128xf32, #tpu.memory_space<hbm>> -> memref<10000x128xf32, #tpu.memory_space<hbm>>
      tpu.enqueue_indirect_dma source(%dma_start3A_112 : memref<10000x128xf32, #tpu.memory_space<hbm>>) target(%dma_start3A_107 : memref<128x128xf32, #tpu.memory_space<vmem>>) offsets(%dma_start3A_109 : memref<128xi32, #tpu.memory_space<vmem>>) semaphore(%arg17 : memref<!tpu.dma_semaphore, #tpu.memory_space<semaphore_mem>>)
      %dma_wait3A_113 = arith.constant 0 : i32
      %dma_wait3A_114 = arith.constant 0 : i32
      %dma_wait3A_115 = tpu.memref_slice %arg14[%dma_wait3A_113, %dma_wait3A_114] : memref<128x128xf32, #tpu.memory_space<vmem>> -> memref<128x128xf32, #tpu.memory_space<vmem>>
      %dma_wait3A_116 = arith.constant 0 : i32
      %dma_wait3A_117 = tpu.memref_slice %arg11[%dma_wait3A_116] : memref<128xi32, #tpu.memory_space<vmem>> -> memref<128xi32, #tpu.memory_space<vmem>>
      %dma_wait3A_118 = arith.constant 0 : i32
      %dma_wait3A_119 = arith.constant 0 : i32
      %dma_wait3A_120 = tpu.memref_slice %arg6[%dma_wait3A_118, %dma_wait3A_119] : memref<10000x128xf32, #tpu.memory_space<hbm>> -> memref<10000x128xf32, #tpu.memory_space<hbm>>
      tpu.wait_indirect_dma semaphore(%arg17 : memref<!tpu.dma_semaphore, #tpu.memory_space<semaphore_mem>>) src(%dma_wait3A_120 : memref<10000x128xf32, #tpu.memory_space<hbm>>) dst(%dma_wait3A_115 : memref<128x128xf32, #tpu.memory_space<vmem>>)
      %dma_start3A_121 = arith.constant 0 : i32
      %dma_start3A_122 = arith.constant 0 : i32
      %dma_start3A_123 = tpu.memref_slice %arg14[%dma_start3A_121, %dma_start3A_122] : memref<128x128xf32, #tpu.memory_space<vmem>> -> memref<128x128xf32, #tpu.memory_space<vmem>>
      %dma_start3A_124 = arith.constant 0 : i32
      %dma_start3A_125 = tpu.memref_slice %arg10[%dma_start3A_124] : memref<128xi32, #tpu.memory_space<vmem>> -> memref<128xi32, #tpu.memory_space<vmem>>
      %dma_start3A_126 = arith.constant 0 : i32
      %dma_start3A_127 = arith.constant 0 : i32
      %dma_start3A_128 = tpu.memref_slice %arg7[%dma_start3A_126, %dma_start3A_127] : memref<10000x128xf32, #tpu.memory_space<hbm>> -> memref<10000x128xf32, #tpu.memory_space<hbm>>
      tpu.enqueue_indirect_dma source(%dma_start3A_128 : memref<10000x128xf32, #tpu.memory_space<hbm>>) target(%dma_start3A_123 : memref<128x128xf32, #tpu.memory_space<vmem>>) offsets(%dma_start3A_125 : memref<128xi32, #tpu.memory_space<vmem>>) semaphore(%arg17 : memref<!tpu.dma_semaphore, #tpu.memory_space<semaphore_mem>>) {add = true}
      %dma_wait3A_129 = arith.constant 0 : i32
      %dma_wait3A_130 = arith.constant 0 : i32
      %dma_wait3A_131 = tpu.memref_slice %arg12[%dma_wait3A_129, %dma_wait3A_130] : memref<128x128xf32, #tpu.memory_space<vmem>> -> memref<128x128xf32, #tpu.memory_space<vmem>>
      %dma_wait3A_132 = arith.constant 0 : i32
      %dma_wait3A_133 = tpu.memref_slice %arg3[%multiple_of3A_86, %dma_wait3A_132] : memref<320000x128xf32, #tpu.memory_space<hbm>> -> memref<128x128xf32, #tpu.memory_space<hbm>>
      %dma_wait3A_134 = arith.constant 0 : i32
      %dma_wait3A_135 = arith.constant 0 : i32
      %dma_wait3A_136 = tpu.memref_slice %arg12[%dma_wait3A_134, %dma_wait3A_135] : memref<128x128xf32, #tpu.memory_space<vmem>> -> memref<128x128xf32, #tpu.memory_space<vmem>>
      %dma_wait3A_137 = arith.constant 0 : i32
      %dma_wait3A_138 = tpu.memref_slice %arg3[%multiple_of3A_86, %dma_wait3A_137] : memref<320000x128xf32, #tpu.memory_space<hbm>> -> memref<128x128xf32, #tpu.memory_space<hbm>>
      tpu.wait_dma2 semaphore(%arg16 : memref<!tpu.dma_semaphore, #tpu.memory_space<semaphore_mem>>) src(%dma_wait3A_138 : memref<128x128xf32, #tpu.memory_space<hbm>>) dst(%dma_wait3A_136 : memref<128x128xf32, #tpu.memory_space<vmem>>)
      %dma_wait3A_139 = arith.constant 0 : i32
      %dma_wait3A_140 = arith.constant 0 : i32
      %dma_wait3A_141 = tpu.memref_slice %arg13[%dma_wait3A_139, %dma_wait3A_140] : memref<128x128xf32, #tpu.memory_space<vmem>> -> memref<128x128xf32, #tpu.memory_space<vmem>>
      %dma_wait3A_142 = arith.constant 0 : i32
      %dma_wait3A_143 = tpu.memref_slice %arg10[%dma_wait3A_142] : memref<128xi32, #tpu.memory_space<vmem>> -> memref<128xi32, #tpu.memory_space<vmem>>
      %dma_wait3A_144 = arith.constant 0 : i32
      %dma_wait3A_145 = arith.constant 0 : i32
      %dma_wait3A_146 = tpu.memref_slice %arg2[%dma_wait3A_144, %dma_wait3A_145] : memref<10000x128xf32, #tpu.memory_space<hbm>> -> memref<10000x128xf32, #tpu.memory_space<hbm>>
      tpu.wait_indirect_dma semaphore(%arg15 : memref<!tpu.dma_semaphore, #tpu.memory_space<semaphore_mem>>) src(%dma_wait3A_146 : memref<10000x128xf32, #tpu.memory_space<hbm>>) dst(%dma_wait3A_141 : memref<128x128xf32, #tpu.memory_space<vmem>>)
      %scan3A_147 = arith.constant 0 : i32
      %scan3A_148 = arith.constant 0 : i32
      %scan3A_149 = arith.constant 128 : i32
      %scan3A_150 = arith.addi %scan3A_148, %scan3A_149 : i32
      %scan3A_151 = arith.constant 1 : i32
      scf.for %scan3A_161 = %scan3A_148 to %scan3A_150 step %scan3A_151  : i32 {
        %get3A = arith.index_cast %scan3A_161 : i32 to index
        %get3A_162 = arith.constant 0 : index
        %get3A_163 = tpu.vector_load %arg12[%get3A, %get3A_162] {strides = array<i32>} : memref<128x128xf32, #tpu.memory_space<vmem>>, vector<1x16xf32>,
        %get3A_164 = vector.shape_cast %get3A_163 : vector<1x16xf32> to vector<16xf32>
        %neg3A = arith.constant 0.000000e+00 : f32
        %neg3A_165 = vector.broadcast %neg3A : f32 to vector<16xf32>
        %neg3A_166 = arith.subf %neg3A_165, %get3A_164 : vector<16xf32>
        %exp3A = math.exp %neg3A_166 : vector<16xf32>
        %add3A_167 = arith.constant 1.000000e+00 : f32
        %add3A_168 = vector.broadcast %add3A_167 : f32 to vector<16xf32>
        %add3A_169 = arith.addf %add3A_168, %exp3A : vector<16xf32>
        %div3A = arith.constant 1.000000e+00 : f32
        %div3A_170 = vector.broadcast %div3A : f32 to vector<16xf32>
        %div3A_171 = arith.divf %div3A_170, %add3A_169 : vector<16xf32>
        %get3A_172 = arith.index_cast %scan3A_161 : i32 to index
        %get3A_173 = arith.constant 0 : index
        %get3A_174 = tpu.vector_load %arg13[%get3A_172, %get3A_173] {strides = array<i32>} : memref<128x128xf32, #tpu.memory_space<vmem>>, vector<1x16xf32>,
        %get3A_175 = vector.shape_cast %get3A_174 : vector<1x16xf32> to vector<16xf32>
        %mul3A_176 = arith.mulf %get3A_175, %div3A_171 : vector<16xf32>
        %swap3A = arith.index_cast %scan3A_161 : i32 to index
        %swap3A_177 = arith.constant 0 : index
        %swap3A_178 = tpu.vector_load %arg12[%swap3A, %swap3A_177] {strides = array<i32>} : memref<128x128xf32, #tpu.memory_space<vmem>>, vector<1x16xf32>,
        %swap3A_179 = vector.shape_cast %swap3A_178 : vector<1x16xf32> to vector<16xf32>
        %swap3A_180 = vector.shape_cast %mul3A_176 : vector<16xf32> to vector<1x16xf32>
        tpu.vector_store %arg12[%swap3A, %swap3A_177], %swap3A_180 {strides = array<i32>} : memref<128x128xf32, #tpu.memory_space<vmem>>, vector<1x16xf32>,
        %get3A_181 = arith.index_cast %scan3A_161 : i32 to index
        %get3A_182 = arith.constant 16 : index
        %get3A_183 = tpu.vector_load %arg12[%get3A_181, %get3A_182] {strides = array<i32>} : memref<128x128xf32, #tpu.memory_space<vmem>>, vector<1x16xf32>,
        %get3A_184 = vector.shape_cast %get3A_183 : vector<1x16xf32> to vector<16xf32>
        %neg3A_185 = arith.constant 0.000000e+00 : f32
        %neg3A_186 = vector.broadcast %neg3A_185 : f32 to vector<16xf32>
        %neg3A_187 = arith.subf %neg3A_186, %get3A_184 : vector<16xf32>
        %exp3A_188 = math.exp %neg3A_187 : vector<16xf32>
        %add3A_189 = arith.constant 1.000000e+00 : f32
        %add3A_190 = vector.broadcast %add3A_189 : f32 to vector<16xf32>
        %add3A_191 = arith.addf %add3A_190, %exp3A_188 : vector<16xf32>
        %div3A_192 = arith.constant 1.000000e+00 : f32
        %div3A_193 = vector.broadcast %div3A_192 : f32 to vector<16xf32>
        %div3A_194 = arith.divf %div3A_193, %add3A_191 : vector<16xf32>
        %get3A_195 = arith.index_cast %scan3A_161 : i32 to index
        %get3A_196 = arith.constant 16 : index
        %get3A_197 = tpu.vector_load %arg13[%get3A_195, %get3A_196] {strides = array<i32>} : memref<128x128xf32, #tpu.memory_space<vmem>>, vector<1x16xf32>,
        %get3A_198 = vector.shape_cast %get3A_197 : vector<1x16xf32> to vector<16xf32>
        %mul3A_199 = arith.mulf %get3A_198, %div3A_194 : vector<16xf32>
        %swap3A_200 = arith.index_cast %scan3A_161 : i32 to index
        %swap3A_201 = arith.constant 16 : index
        %swap3A_202 = tpu.vector_load %arg12[%swap3A_200, %swap3A_201] {strides = array<i32>} : memref<128x128xf32, #tpu.memory_space<vmem>>, vector<1x16xf32>,
        %swap3A_203 = vector.shape_cast %swap3A_202 : vector<1x16xf32> to vector<16xf32>
        %swap3A_204 = vector.shape_cast %mul3A_199 : vector<16xf32> to vector<1x16xf32>
        tpu.vector_store %arg12[%swap3A_200, %swap3A_201], %swap3A_204 {strides = array<i32>} : memref<128x128xf32, #tpu.memory_space<vmem>>, vector<1x16xf32>,
        %get3A_205 = arith.index_cast %scan3A_161 : i32 to index
        %get3A_206 = arith.constant 32 : index
        %get3A_207 = tpu.vector_load %arg12[%get3A_205, %get3A_206] {strides = array<i32>} : memref<128x128xf32, #tpu.memory_space<vmem>>, vector<1x16xf32>,
        %get3A_208 = vector.shape_cast %get3A_207 : vector<1x16xf32> to vector<16xf32>
        %neg3A_209 = arith.constant 0.000000e+00 : f32
        %neg3A_210 = vector.broadcast %neg3A_209 : f32 to vector<16xf32>
        %neg3A_211 = arith.subf %neg3A_210, %get3A_208 : vector<16xf32>
        %exp3A_212 = math.exp %neg3A_211 : vector<16xf32>
        %add3A_213 = arith.constant 1.000000e+00 : f32
        %add3A_214 = vector.broadcast %add3A_213 : f32 to vector<16xf32>
        %add3A_215 = arith.addf %add3A_214, %exp3A_212 : vector<16xf32>
        %div3A_216 = arith.constant 1.000000e+00 : f32
        %div3A_217 = vector.broadcast %div3A_216 : f32 to vector<16xf32>
        %div3A_218 = arith.divf %div3A_217, %add3A_215 : vector<16xf32>
        %get3A_219 = arith.index_cast %scan3A_161 : i32 to index
        %get3A_220 = arith.constant 32 : index
        %get3A_221 = tpu.vector_load %arg13[%get3A_219, %get3A_220] {strides = array<i32>} : memref<128x128xf32, #tpu.memory_space<vmem>>, vector<1x16xf32>,
        %get3A_222 = vector.shape_cast %get3A_221 : vector<1x16xf32> to vector<16xf32>
        %mul3A_223 = arith.mulf %get3A_222, %div3A_218 : vector<16xf32>
        %swap3A_224 = arith.index_cast %scan3A_161 : i32 to index
        %swap3A_225 = arith.constant 32 : index
        %swap3A_226 = tpu.vector_load %arg12[%swap3A_224, %swap3A_225] {strides = array<i32>} : memref<128x128xf32, #tpu.memory_space<vmem>>, vector<1x16xf32>,
        %swap3A_227 = vector.shape_cast %swap3A_226 : vector<1x16xf32> to vector<16xf32>
        %swap3A_228 = vector.shape_cast %mul3A_223 : vector<16xf32> to vector<1x16xf32>
        tpu.vector_store %arg12[%swap3A_224, %swap3A_225], %swap3A_228 {strides = array<i32>} : memref<128x128xf32, #tpu.memory_space<vmem>>, vector<1x16xf32>,
        %get3A_229 = arith.index_cast %scan3A_161 : i32 to index
        %get3A_230 = arith.constant 48 : index
        %get3A_231 = tpu.vector_load %arg12[%get3A_229, %get3A_230] {strides = array<i32>} : memref<128x128xf32, #tpu.memory_space<vmem>>, vector<1x16xf32>,
        %get3A_232 = vector.shape_cast %get3A_231 : vector<1x16xf32> to vector<16xf32>
        %neg3A_233 = arith.constant 0.000000e+00 : f32
        %neg3A_234 = vector.broadcast %neg3A_233 : f32 to vector<16xf32>
        %neg3A_235 = arith.subf %neg3A_234, %get3A_232 : vector<16xf32>
        %exp3A_236 = math.exp %neg3A_235 : vector<16xf32>
        %add3A_237 = arith.constant 1.000000e+00 : f32
        %add3A_238 = vector.broadcast %add3A_237 : f32 to vector<16xf32>
        %add3A_239 = arith.addf %add3A_238, %exp3A_236 : vector<16xf32>
        %div3A_240 = arith.constant 1.000000e+00 : f32
        %div3A_241 = vector.broadcast %div3A_240 : f32 to vector<16xf32>
        %div3A_242 = arith.divf %div3A_241, %add3A_239 : vector<16xf32>
        %get3A_243 = arith.index_cast %scan3A_161 : i32 to index
        %get3A_244 = arith.constant 48 : index
        %get3A_245 = tpu.vector_load %arg13[%get3A_243, %get3A_244] {strides = array<i32>} : memref<128x128xf32, #tpu.memory_space<vmem>>, vector<1x16xf32>,
        %get3A_246 = vector.shape_cast %get3A_245 : vector<1x16xf32> to vector<16xf32>
        %mul3A_247 = arith.mulf %get3A_246, %div3A_242 : vector<16xf32>
        %swap3A_248 = arith.index_cast %scan3A_161 : i32 to index
        %swap3A_249 = arith.constant 48 : index
        %swap3A_250 = tpu.vector_load %arg12[%swap3A_248, %swap3A_249] {strides = array<i32>} : memref<128x128xf32, #tpu.memory_space<vmem>>, vector<1x16xf32>,
        %swap3A_251 = vector.shape_cast %swap3A_250 : vector<1x16xf32> to vector<16xf32>
        %swap3A_252 = vector.shape_cast %mul3A_247 : vector<16xf32> to vector<1x16xf32>
        tpu.vector_store %arg12[%swap3A_248, %swap3A_249], %swap3A_252 {strides = array<i32>} : memref<128x128xf32, #tpu.memory_space<vmem>>, vector<1x16xf32>,
        %get3A_253 = arith.index_cast %scan3A_161 : i32 to index
        %get3A_254 = arith.constant 64 : index
        %get3A_255 = tpu.vector_load %arg12[%get3A_253, %get3A_254] {strides = array<i32>} : memref<128x128xf32, #tpu.memory_space<vmem>>, vector<1x16xf32>,
        %get3A_256 = vector.shape_cast %get3A_255 : vector<1x16xf32> to vector<16xf32>
        %neg3A_257 = arith.constant 0.000000e+00 : f32
        %neg3A_258 = vector.broadcast %neg3A_257 : f32 to vector<16xf32>
        %neg3A_259 = arith.subf %neg3A_258, %get3A_256 : vector<16xf32>
        %exp3A_260 = math.exp %neg3A_259 : vector<16xf32>
        %add3A_261 = arith.constant 1.000000e+00 : f32
        %add3A_262 = vector.broadcast %add3A_261 : f32 to vector<16xf32>
        %add3A_263 = arith.addf %add3A_262, %exp3A_260 : vector<16xf32>
        %div3A_264 = arith.constant 1.000000e+00 : f32
        %div3A_265 = vector.broadcast %div3A_264 : f32 to vector<16xf32>
        %div3A_266 = arith.divf %div3A_265, %add3A_263 : vector<16xf32>
        %get3A_267 = arith.index_cast %scan3A_161 : i32 to index
        %get3A_268 = arith.constant 64 : index
        %get3A_269 = tpu.vector_load %arg13[%get3A_267, %get3A_268] {strides = array<i32>} : memref<128x128xf32, #tpu.memory_space<vmem>>, vector<1x16xf32>,
        %get3A_270 = vector.shape_cast %get3A_269 : vector<1x16xf32> to vector<16xf32>
        %mul3A_271 = arith.mulf %get3A_270, %div3A_266 : vector<16xf32>
        %swap3A_272 = arith.index_cast %scan3A_161 : i32 to index
        %swap3A_273 = arith.constant 64 : index
        %swap3A_274 = tpu.vector_load %arg12[%swap3A_272, %swap3A_273] {strides = array<i32>} : memref<128x128xf32, #tpu.memory_space<vmem>>, vector<1x16xf32>,
        %swap3A_275 = vector.shape_cast %swap3A_274 : vector<1x16xf32> to vector<16xf32>
        %swap3A_276 = vector.shape_cast %mul3A_271 : vector<16xf32> to vector<1x16xf32>
        tpu.vector_store %arg12[%swap3A_272, %swap3A_273], %swap3A_276 {strides = array<i32>} : memref<128x128xf32, #tpu.memory_space<vmem>>, vector<1x16xf32>,
        %get3A_277 = arith.index_cast %scan3A_161 : i32 to index
        %get3A_278 = arith.constant 80 : index
        %get3A_279 = tpu.vector_load %arg12[%get3A_277, %get3A_278] {strides = array<i32>} : memref<128x128xf32, #tpu.memory_space<vmem>>, vector<1x16xf32>,
        %get3A_280 = vector.shape_cast %get3A_279 : vector<1x16xf32> to vector<16xf32>
        %neg3A_281 = arith.constant 0.000000e+00 : f32
        %neg3A_282 = vector.broadcast %neg3A_281 : f32 to vector<16xf32>
        %neg3A_283 = arith.subf %neg3A_282, %get3A_280 : vector<16xf32>
        %exp3A_284 = math.exp %neg3A_283 : vector<16xf32>
        %add3A_285 = arith.constant 1.000000e+00 : f32
        %add3A_286 = vector.broadcast %add3A_285 : f32 to vector<16xf32>
        %add3A_287 = arith.addf %add3A_286, %exp3A_284 : vector<16xf32>
        %div3A_288 = arith.constant 1.000000e+00 : f32
        %div3A_289 = vector.broadcast %div3A_288 : f32 to vector<16xf32>
        %div3A_290 = arith.divf %div3A_289, %add3A_287 : vector<16xf32>
        %get3A_291 = arith.index_cast %scan3A_161 : i32 to index
        %get3A_292 = arith.constant 80 : index
        %get3A_293 = tpu.vector_load %arg13[%get3A_291, %get3A_292] {strides = array<i32>} : memref<128x128xf32, #tpu.memory_space<vmem>>, vector<1x16xf32>,
        %get3A_294 = vector.shape_cast %get3A_293 : vector<1x16xf32> to vector<16xf32>
        %mul3A_295 = arith.mulf %get3A_294, %div3A_290 : vector<16xf32>
        %swap3A_296 = arith.index_cast %scan3A_161 : i32 to index
        %swap3A_297 = arith.constant 80 : index
        %swap3A_298 = tpu.vector_load %arg12[%swap3A_296, %swap3A_297] {strides = array<i32>} : memref<128x128xf32, #tpu.memory_space<vmem>>, vector<1x16xf32>,
        %swap3A_299 = vector.shape_cast %swap3A_298 : vector<1x16xf32> to vector<16xf32>
        %swap3A_300 = vector.shape_cast %mul3A_295 : vector<16xf32> to vector<1x16xf32>
        tpu.vector_store %arg12[%swap3A_296, %swap3A_297], %swap3A_300 {strides = array<i32>} : memref<128x128xf32, #tpu.memory_space<vmem>>, vector<1x16xf32>,
        %get3A_301 = arith.index_cast %scan3A_161 : i32 to index
        %get3A_302 = arith.constant 96 : index
        %get3A_303 = tpu.vector_load %arg12[%get3A_301, %get3A_302] {strides = array<i32>} : memref<128x128xf32, #tpu.memory_space<vmem>>, vector<1x16xf32>,
        %get3A_304 = vector.shape_cast %get3A_303 : vector<1x16xf32> to vector<16xf32>
        %neg3A_305 = arith.constant 0.000000e+00 : f32
        %neg3A_306 = vector.broadcast %neg3A_305 : f32 to vector<16xf32>
        %neg3A_307 = arith.subf %neg3A_306, %get3A_304 : vector<16xf32>
        %exp3A_308 = math.exp %neg3A_307 : vector<16xf32>
        %add3A_309 = arith.constant 1.000000e+00 : f32
        %add3A_310 = vector.broadcast %add3A_309 : f32 to vector<16xf32>
        %add3A_311 = arith.addf %add3A_310, %exp3A_308 : vector<16xf32>
        %div3A_312 = arith.constant 1.000000e+00 : f32
        %div3A_313 = vector.broadcast %div3A_312 : f32 to vector<16xf32>
        %div3A_314 = arith.divf %div3A_313, %add3A_311 : vector<16xf32>
        %get3A_315 = arith.index_cast %scan3A_161 : i32 to index
        %get3A_316 = arith.constant 96 : index
        %get3A_317 = tpu.vector_load %arg13[%get3A_315, %get3A_316] {strides = array<i32>} : memref<128x128xf32, #tpu.memory_space<vmem>>, vector<1x16xf32>,
        %get3A_318 = vector.shape_cast %get3A_317 : vector<1x16xf32> to vector<16xf32>
        %mul3A_319 = arith.mulf %get3A_318, %div3A_314 : vector<16xf32>
        %swap3A_320 = arith.index_cast %scan3A_161 : i32 to index
        %swap3A_321 = arith.constant 96 : index
        %swap3A_322 = tpu.vector_load %arg12[%swap3A_320, %swap3A_321] {strides = array<i32>} : memref<128x128xf32, #tpu.memory_space<vmem>>, vector<1x16xf32>,
        %swap3A_323 = vector.shape_cast %swap3A_322 : vector<1x16xf32> to vector<16xf32>
        %swap3A_324 = vector.shape_cast %mul3A_319 : vector<16xf32> to vector<1x16xf32>
        tpu.vector_store %arg12[%swap3A_320, %swap3A_321], %swap3A_324 {strides = array<i32>} : memref<128x128xf32, #tpu.memory_space<vmem>>, vector<1x16xf32>,
        %get3A_325 = arith.index_cast %scan3A_161 : i32 to index
        %get3A_326 = arith.constant 112 : index
        %get3A_327 = tpu.vector_load %arg12[%get3A_325, %get3A_326] {strides = array<i32>} : memref<128x128xf32, #tpu.memory_space<vmem>>, vector<1x16xf32>,
        %get3A_328 = vector.shape_cast %get3A_327 : vector<1x16xf32> to vector<16xf32>
        %neg3A_329 = arith.constant 0.000000e+00 : f32
        %neg3A_330 = vector.broadcast %neg3A_329 : f32 to vector<16xf32>
        %neg3A_331 = arith.subf %neg3A_330, %get3A_328 : vector<16xf32>
        %exp3A_332 = math.exp %neg3A_331 : vector<16xf32>
        %add3A_333 = arith.constant 1.000000e+00 : f32
        %add3A_334 = vector.broadcast %add3A_333 : f32 to vector<16xf32>
        %add3A_335 = arith.addf %add3A_334, %exp3A_332 : vector<16xf32>
        %div3A_336 = arith.constant 1.000000e+00 : f32
        %div3A_337 = vector.broadcast %div3A_336 : f32 to vector<16xf32>
        %div3A_338 = arith.divf %div3A_337, %add3A_335 : vector<16xf32>
        %get3A_339 = arith.index_cast %scan3A_161 : i32 to index
        %get3A_340 = arith.constant 112 : index
        %get3A_341 = tpu.vector_load %arg13[%get3A_339, %get3A_340] {strides = array<i32>} : memref<128x128xf32, #tpu.memory_space<vmem>>, vector<1x16xf32>,
        %get3A_342 = vector.shape_cast %get3A_341 : vector<1x16xf32> to vector<16xf32>
        %mul3A_343 = arith.mulf %get3A_342, %div3A_338 : vector<16xf32>
        %swap3A_344 = arith.index_cast %scan3A_161 : i32 to index
        %swap3A_345 = arith.constant 112 : index
        %swap3A_346 = tpu.vector_load %arg12[%swap3A_344, %swap3A_345] {strides = array<i32>} : memref<128x128xf32, #tpu.memory_space<vmem>>, vector<1x16xf32>,
        %swap3A_347 = vector.shape_cast %swap3A_346 : vector<1x16xf32> to vector<16xf32>
        %swap3A_348 = vector.shape_cast %mul3A_343 : vector<16xf32> to vector<1x16xf32>
        tpu.vector_store %arg12[%swap3A_344, %swap3A_345], %swap3A_348 {strides = array<i32>} : memref<128x128xf32, #tpu.memory_space<vmem>>, vector<1x16xf32>,
      }
      %scan3A_152 = arith.constant 128 : i32
      "tpu.region"() ({
        %run_scoped3A = tpu.sem_alloc : memref<!tpu.dma_semaphore, #tpu.memory_space<semaphore_mem>>
        %dma_start3A_161 = arith.constant 0 : i32
        %dma_start3A_162 = arith.constant 0 : i32
        %dma_start3A_163 = tpu.memref_slice %arg12[%dma_start3A_161, %dma_start3A_162] : memref<128x128xf32, #tpu.memory_space<vmem>> -> memref<128x128xf32, #tpu.memory_space<vmem>>
        %dma_start3A_164 = arith.constant 0 : i32
        %dma_start3A_165 = tpu.memref_slice %arg8[%multiple_of3A_86, %dma_start3A_164] : memref<320000x128xf32, #tpu.memory_space<hbm>> -> memref<128x128xf32, #tpu.memory_space<hbm>>
        %dma_start3A_166 = arith.constant 0 : i32
        %dma_start3A_167 = tpu.memref_slice %arg8[%multiple_of3A_86, %dma_start3A_166] : memref<320000x128xf32, #tpu.memory_space<hbm>> -> memref<128x128xf32, #tpu.memory_space<hbm>>
        %dma_start3A_168 = arith.constant 0 : i32
        %dma_start3A_169 = arith.constant 0 : i32
        %dma_start3A_170 = tpu.memref_slice %arg12[%dma_start3A_168, %dma_start3A_169] : memref<128x128xf32, #tpu.memory_space<vmem>> -> memref<128x128xf32, #tpu.memory_space<vmem>>
        tpu.enqueue_dma source(%dma_start3A_170 : memref<128x128xf32, #tpu.memory_space<vmem>>) target(%dma_start3A_167 : memref<128x128xf32, #tpu.memory_space<hbm>>) target_semaphore(%run_scoped3A : memref<!tpu.dma_semaphore, #tpu.memory_space<semaphore_mem>>)
        %dma_wait3A_171 = arith.constant 0 : i32
        %dma_wait3A_172 = arith.constant 0 : i32
        %dma_wait3A_173 = tpu.memref_slice %arg12[%dma_wait3A_171, %dma_wait3A_172] : memref<128x128xf32, #tpu.memory_space<vmem>> -> memref<128x128xf32, #tpu.memory_space<vmem>>
        %dma_wait3A_174 = arith.constant 0 : i32
        %dma_wait3A_175 = tpu.memref_slice %arg8[%multiple_of3A_86, %dma_wait3A_174] : memref<320000x128xf32, #tpu.memory_space<hbm>> -> memref<128x128xf32, #tpu.memory_space<hbm>>
        %dma_wait3A_176 = arith.constant 0 : i32
        %dma_wait3A_177 = tpu.memref_slice %arg8[%multiple_of3A_86, %dma_wait3A_176] : memref<320000x128xf32, #tpu.memory_space<hbm>> -> memref<128x128xf32, #tpu.memory_space<hbm>>
        %dma_wait3A_178 = arith.constant 0 : i32
        %dma_wait3A_179 = arith.constant 0 : i32
        %dma_wait3A_180 = tpu.memref_slice %arg12[%dma_wait3A_178, %dma_wait3A_179] : memref<128x128xf32, #tpu.memory_space<vmem>> -> memref<128x128xf32, #tpu.memory_space<vmem>>
        tpu.wait_dma2 semaphore(%run_scoped3A : memref<!tpu.dma_semaphore, #tpu.memory_space<semaphore_mem>>) src(%dma_wait3A_180 : memref<128x128xf32, #tpu.memory_space<vmem>>) dst(%dma_wait3A_177 : memref<128x128xf32, #tpu.memory_space<hbm>>)
        tpu.yield
      }) : () -> ()
      %dma_wait3A_153 = arith.constant 0 : i32
      %dma_wait3A_154 = arith.constant 0 : i32
      %dma_wait3A_155 = tpu.memref_slice %arg14[%dma_wait3A_153, %dma_wait3A_154] : memref<128x128xf32, #tpu.memory_space<vmem>> -> memref<128x128xf32, #tpu.memory_space<vmem>>
      %dma_wait3A_156 = arith.constant 0 : i32
      %dma_wait3A_157 = tpu.memref_slice %arg10[%dma_wait3A_156] : memref<128xi32, #tpu.memory_space<vmem>> -> memref<128xi32, #tpu.memory_space<vmem>>
      %dma_wait3A_158 = arith.constant 0 : i32
      %dma_wait3A_159 = arith.constant 0 : i32
      %dma_wait3A_160 = tpu.memref_slice %arg7[%dma_wait3A_158, %dma_wait3A_159] : memref<10000x128xf32, #tpu.memory_space<hbm>> -> memref<10000x128xf32, #tpu.memory_space<hbm>>
      tpu.wait_indirect_dma semaphore(%arg17 : memref<!tpu.dma_semaphore, #tpu.memory_space<semaphore_mem>>) src(%dma_wait3A_160 : memref<10000x128xf32, #tpu.memory_space<hbm>>) dst(%dma_wait3A_155 : memref<128x128xf32, #tpu.memory_space<vmem>>)
      "tpu.region"() ({
        %run_scoped3A = tpu.sem_alloc : memref<!tpu.dma_semaphore, #tpu.memory_space<semaphore_mem>>
        %dma_start3A_161 = arith.constant 0 : i32
        %dma_start3A_162 = arith.constant 0 : i32
        %dma_start3A_163 = tpu.memref_slice %arg14[%dma_start3A_161, %dma_start3A_162] : memref<128x128xf32, #tpu.memory_space<vmem>> -> memref<128x128xf32, #tpu.memory_space<vmem>>
        %dma_start3A_164 = arith.constant 0 : i32
        %dma_start3A_165 = tpu.memref_slice %arg9[%multiple_of3A_86, %dma_start3A_164] : memref<320000x128xf32, #tpu.memory_space<hbm>> -> memref<128x128xf32, #tpu.memory_space<hbm>>
        %dma_start3A_166 = arith.constant 0 : i32
        %dma_start3A_167 = tpu.memref_slice %arg9[%multiple_of3A_86, %dma_start3A_166] : memref<320000x128xf32, #tpu.memory_space<hbm>> -> memref<128x128xf32, #tpu.memory_space<hbm>>
        %dma_start3A_168 = arith.constant 0 : i32
        %dma_start3A_169 = arith.constant 0 : i32
        %dma_start3A_170 = tpu.memref_slice %arg14[%dma_start3A_168, %dma_start3A_169] : memref<128x128xf32, #tpu.memory_space<vmem>> -> memref<128x128xf32, #tpu.memory_space<vmem>>
        tpu.enqueue_dma source(%dma_start3A_170 : memref<128x128xf32, #tpu.memory_space<vmem>>) target(%dma_start3A_167 : memref<128x128xf32, #tpu.memory_space<hbm>>) target_semaphore(%run_scoped3A : memref<!tpu.dma_semaphore, #tpu.memory_space<semaphore_mem>>)
        %dma_wait3A_171 = arith.constant 0 : i32
        %dma_wait3A_172 = arith.constant 0 : i32
        %dma_wait3A_173 = tpu.memref_slice %arg14[%dma_wait3A_171, %dma_wait3A_172] : memref<128x128xf32, #tpu.memory_space<vmem>> -> memref<128x128xf32, #tpu.memory_space<vmem>>
        %dma_wait3A_174 = arith.constant 0 : i32
        %dma_wait3A_175 = tpu.memref_slice %arg9[%multiple_of3A_86, %dma_wait3A_174] : memref<320000x128xf32, #tpu.memory_space<hbm>> -> memref<128x128xf32, #tpu.memory_space<hbm>>
        %dma_wait3A_176 = arith.constant 0 : i32
        %dma_wait3A_177 = tpu.memref_slice %arg9[%multiple_of3A_86, %dma_wait3A_176] : memref<320000x128xf32, #tpu.memory_space<hbm>> -> memref<128x128xf32, #tpu.memory_space<hbm>>
        %dma_wait3A_178 = arith.constant 0 : i32
        %dma_wait3A_179 = arith.constant 0 : i32
        %dma_wait3A_180 = tpu.memref_slice %arg14[%dma_wait3A_178, %dma_wait3A_179] : memref<128x128xf32, #tpu.memory_space<vmem>> -> memref<128x128xf32, #tpu.memory_space<vmem>>
        tpu.wait_dma2 semaphore(%run_scoped3A : memref<!tpu.dma_semaphore, #tpu.memory_space<semaphore_mem>>) src(%dma_wait3A_180 : memref<128x128xf32, #tpu.memory_space<vmem>>) dst(%dma_wait3A_177 : memref<128x128xf32, #tpu.memory_space<hbm>>)
        tpu.yield
      }) : () -> ()
    }
    %scan3A_7 = arith.constant 78 : i32
    %add3A_8 = arith.constant 9984 : i32
    %add3A_9 = arith.addi %mul3A_2, %add3A_8 : i32
    %multiple_of3A = tpu.assume_multiple %add3A_9, 8 : i32
    "tpu.region"() ({
      %run_scoped3A = tpu.sem_alloc : memref<!tpu.dma_semaphore, #tpu.memory_space<semaphore_mem>>
      %dma_start3A_82 = arith.constant 0 : i32
      %dma_start3A_83 = tpu.memref_slice %arg10[%dma_start3A_82] : memref<128xi32, #tpu.memory_space<vmem>> -> memref<16xi32, #tpu.memory_space<vmem>>
      %dma_start3A_84 = tpu.memref_slice %arg4[%multiple_of3A] : memref<320000xi32, #tpu.memory_space<hbm>> -> memref<16xi32, #tpu.memory_space<hbm>>
      %dma_start3A_85 = arith.constant 0 : i32
      %dma_start3A_86 = tpu.memref_slice %arg10[%dma_start3A_85] : memref<128xi32, #tpu.memory_space<vmem>> -> memref<16xi32, #tpu.memory_space<vmem>>
      %dma_start3A_87 = tpu.memref_slice %arg4[%multiple_of3A] : memref<320000xi32, #tpu.memory_space<hbm>> -> memref<16xi32, #tpu.memory_space<hbm>>
      tpu.enqueue_dma source(%dma_start3A_87 : memref<16xi32, #tpu.memory_space<hbm>>) target(%dma_start3A_86 : memref<16xi32, #tpu.memory_space<vmem>>) target_semaphore(%run_scoped3A : memref<!tpu.dma_semaphore, #tpu.memory_space<semaphore_mem>>)
      %dma_wait3A_88 = arith.constant 0 : i32
      %dma_wait3A_89 = tpu.memref_slice %arg10[%dma_wait3A_88] : memref<128xi32, #tpu.memory_space<vmem>> -> memref<16xi32, #tpu.memory_space<vmem>>
      %dma_wait3A_90 = tpu.memref_slice %arg4[%multiple_of3A] : memref<320000xi32, #tpu.memory_space<hbm>> -> memref<16xi32, #tpu.memory_space<hbm>>
      %dma_wait3A_91 = arith.constant 0 : i32
      %dma_wait3A_92 = tpu.memref_slice %arg10[%dma_wait3A_91] : memref<128xi32, #tpu.memory_space<vmem>> -> memref<16xi32, #tpu.memory_space<vmem>>
      %dma_wait3A_93 = tpu.memref_slice %arg4[%multiple_of3A] : memref<320000xi32, #tpu.memory_space<hbm>> -> memref<16xi32, #tpu.memory_space<hbm>>
      tpu.wait_dma2 semaphore(%run_scoped3A : memref<!tpu.dma_semaphore, #tpu.memory_space<semaphore_mem>>) src(%dma_wait3A_93 : memref<16xi32, #tpu.memory_space<hbm>>) dst(%dma_wait3A_92 : memref<16xi32, #tpu.memory_space<vmem>>)
      tpu.yield
    }) : () -> ()
    "tpu.region"() ({
      %run_scoped3A = tpu.sem_alloc : memref<!tpu.dma_semaphore, #tpu.memory_space<semaphore_mem>>
      %dma_start3A_82 = arith.constant 0 : i32
      %dma_start3A_83 = tpu.memref_slice %arg11[%dma_start3A_82] : memref<128xi32, #tpu.memory_space<vmem>> -> memref<16xi32, #tpu.memory_space<vmem>>
      %dma_start3A_84 = tpu.memref_slice %arg5[%multiple_of3A] : memref<320000xi32, #tpu.memory_space<hbm>> -> memref<16xi32, #tpu.memory_space<hbm>>
      %dma_start3A_85 = arith.constant 0 : i32
      %dma_start3A_86 = tpu.memref_slice %arg11[%dma_start3A_85] : memref<128xi32, #tpu.memory_space<vmem>> -> memref<16xi32, #tpu.memory_space<vmem>>
      %dma_start3A_87 = tpu.memref_slice %arg5[%multiple_of3A] : memref<320000xi32, #tpu.memory_space<hbm>> -> memref<16xi32, #tpu.memory_space<hbm>>
      tpu.enqueue_dma source(%dma_start3A_87 : memref<16xi32, #tpu.memory_space<hbm>>) target(%dma_start3A_86 : memref<16xi32, #tpu.memory_space<vmem>>) target_semaphore(%run_scoped3A : memref<!tpu.dma_semaphore, #tpu.memory_space<semaphore_mem>>)
      %dma_wait3A_88 = arith.constant 0 : i32
      %dma_wait3A_89 = tpu.memref_slice %arg11[%dma_wait3A_88] : memref<128xi32, #tpu.memory_space<vmem>> -> memref<16xi32, #tpu.memory_space<vmem>>
      %dma_wait3A_90 = tpu.memref_slice %arg5[%multiple_of3A] : memref<320000xi32, #tpu.memory_space<hbm>> -> memref<16xi32, #tpu.memory_space<hbm>>
      %dma_wait3A_91 = arith.constant 0 : i32
      %dma_wait3A_92 = tpu.memref_slice %arg11[%dma_wait3A_91] : memref<128xi32, #tpu.memory_space<vmem>> -> memref<16xi32, #tpu.memory_space<vmem>>
      %dma_wait3A_93 = tpu.memref_slice %arg5[%multiple_of3A] : memref<320000xi32, #tpu.memory_space<hbm>> -> memref<16xi32, #tpu.memory_space<hbm>>
      tpu.wait_dma2 semaphore(%run_scoped3A : memref<!tpu.dma_semaphore, #tpu.memory_space<semaphore_mem>>) src(%dma_wait3A_93 : memref<16xi32, #tpu.memory_space<hbm>>) dst(%dma_wait3A_92 : memref<16xi32, #tpu.memory_space<vmem>>)
      tpu.yield
    }) : () -> ()
    %dma_start3A = arith.constant 0 : i32
    %dma_start3A_10 = arith.constant 0 : i32
    %dma_start3A_11 = tpu.memref_slice %arg12[%dma_start3A, %dma_start3A_10] : memref<128x128xf32, #tpu.memory_space<vmem>> -> memref<16x128xf32, #tpu.memory_space<vmem>>
    %dma_start3A_12 = arith.constant 0 : i32
    %dma_start3A_13 = tpu.memref_slice %arg3[%multiple_of3A, %dma_start3A_12] : memref<320000x128xf32, #tpu.memory_space<hbm>> -> memref<16x128xf32, #tpu.memory_space<hbm>>
    %dma_start3A_14 = arith.constant 0 : i32
    %dma_start3A_15 = arith.constant 0 : i32
    %dma_start3A_16 = tpu.memref_slice %arg12[%dma_start3A_14, %dma_start3A_15] : memref<128x128xf32, #tpu.memory_space<vmem>> -> memref<16x128xf32, #tpu.memory_space<vmem>>
    %dma_start3A_17 = arith.constant 0 : i32
    %dma_start3A_18 = tpu.memref_slice %arg3[%multiple_of3A, %dma_start3A_17] : memref<320000x128xf32, #tpu.memory_space<hbm>> -> memref<16x128xf32, #tpu.memory_space<hbm>>
    tpu.enqueue_dma source(%dma_start3A_18 : memref<16x128xf32, #tpu.memory_space<hbm>>) target(%dma_start3A_16 : memref<16x128xf32, #tpu.memory_space<vmem>>) target_semaphore(%arg16 : memref<!tpu.dma_semaphore, #tpu.memory_space<semaphore_mem>>)
    %dma_start3A_19 = arith.constant 0 : i32
    %dma_start3A_20 = arith.constant 0 : i32
    %dma_start3A_21 = tpu.memref_slice %arg13[%dma_start3A_19, %dma_start3A_20] : memref<128x128xf32, #tpu.memory_space<vmem>> -> memref<16x128xf32, #tpu.memory_space<vmem>>
    %dma_start3A_22 = arith.constant 0 : i32
    %dma_start3A_23 = tpu.memref_slice %arg10[%dma_start3A_22] : memref<128xi32, #tpu.memory_space<vmem>> -> memref<16xi32, #tpu.memory_space<vmem>>
    %dma_start3A_24 = arith.constant 0 : i32
    %dma_start3A_25 = arith.constant 0 : i32
    %dma_start3A_26 = tpu.memref_slice %arg2[%dma_start3A_24, %dma_start3A_25] : memref<10000x128xf32, #tpu.memory_space<hbm>> -> memref<10000x128xf32, #tpu.memory_space<hbm>>
    tpu.enqueue_indirect_dma source(%dma_start3A_26 : memref<10000x128xf32, #tpu.memory_space<hbm>>) target(%dma_start3A_21 : memref<16x128xf32, #tpu.memory_space<vmem>>) offsets(%dma_start3A_23 : memref<16xi32, #tpu.memory_space<vmem>>) semaphore(%arg15 : memref<!tpu.dma_semaphore, #tpu.memory_space<semaphore_mem>>)
    %dma_start3A_27 = arith.constant 0 : i32
    %dma_start3A_28 = arith.constant 0 : i32
    %dma_start3A_29 = tpu.memref_slice %arg14[%dma_start3A_27, %dma_start3A_28] : memref<128x128xf32, #tpu.memory_space<vmem>> -> memref<16x128xf32, #tpu.memory_space<vmem>>
    %dma_start3A_30 = arith.constant 0 : i32
    %dma_start3A_31 = tpu.memref_slice %arg11[%dma_start3A_30] : memref<128xi32, #tpu.memory_space<vmem>> -> memref<16xi32, #tpu.memory_space<vmem>>
    %dma_start3A_32 = arith.constant 0 : i32
    %dma_start3A_33 = arith.constant 0 : i32
    %dma_start3A_34 = tpu.memref_slice %arg6[%dma_start3A_32, %dma_start3A_33] : memref<10000x128xf32, #tpu.memory_space<hbm>> -> memref<10000x128xf32, #tpu.memory_space<hbm>>
    tpu.enqueue_indirect_dma source(%dma_start3A_34 : memref<10000x128xf32, #tpu.memory_space<hbm>>) target(%dma_start3A_29 : memref<16x128xf32, #tpu.memory_space<vmem>>) offsets(%dma_start3A_31 : memref<16xi32, #tpu.memory_space<vmem>>) semaphore(%arg17 : memref<!tpu.dma_semaphore, #tpu.memory_space<semaphore_mem>>)
    %dma_wait3A = arith.constant 0 : i32
    %dma_wait3A_35 = arith.constant 0 : i32
    %dma_wait3A_36 = tpu.memref_slice %arg14[%dma_wait3A, %dma_wait3A_35] : memref<128x128xf32, #tpu.memory_space<vmem>> -> memref<16x128xf32, #tpu.memory_space<vmem>>
    %dma_wait3A_37 = arith.constant 0 : i32
    %dma_wait3A_38 = tpu.memref_slice %arg11[%dma_wait3A_37] : memref<128xi32, #tpu.memory_space<vmem>> -> memref<16xi32, #tpu.memory_space<vmem>>
    %dma_wait3A_39 = arith.constant 0 : i32
    %dma_wait3A_40 = arith.constant 0 : i32
    %dma_wait3A_41 = tpu.memref_slice %arg6[%dma_wait3A_39, %dma_wait3A_40] : memref<10000x128xf32, #tpu.memory_space<hbm>> -> memref<10000x128xf32, #tpu.memory_space<hbm>>
    tpu.wait_indirect_dma semaphore(%arg17 : memref<!tpu.dma_semaphore, #tpu.memory_space<semaphore_mem>>) src(%dma_wait3A_41 : memref<10000x128xf32, #tpu.memory_space<hbm>>) dst(%dma_wait3A_36 : memref<16x128xf32, #tpu.memory_space<vmem>>)
    %dma_start3A_42 = arith.constant 0 : i32
    %dma_start3A_43 = arith.constant 0 : i32
    %dma_start3A_44 = tpu.memref_slice %arg14[%dma_start3A_42, %dma_start3A_43] : memref<128x128xf32, #tpu.memory_space<vmem>> -> memref<16x128xf32, #tpu.memory_space<vmem>>
    %dma_start3A_45 = arith.constant 0 : i32
    %dma_start3A_46 = tpu.memref_slice %arg10[%dma_start3A_45] : memref<128xi32, #tpu.memory_space<vmem>> -> memref<16xi32, #tpu.memory_space<vmem>>
    %dma_start3A_47 = arith.constant 0 : i32
    %dma_start3A_48 = arith.constant 0 : i32
    %dma_start3A_49 = tpu.memref_slice %arg7[%dma_start3A_47, %dma_start3A_48] : memref<10000x128xf32, #tpu.memory_space<hbm>> -> memref<10000x128xf32, #tpu.memory_space<hbm>>
    tpu.enqueue_indirect_dma source(%dma_start3A_49 : memref<10000x128xf32, #tpu.memory_space<hbm>>) target(%dma_start3A_44 : memref<16x128xf32, #tpu.memory_space<vmem>>) offsets(%dma_start3A_46 : memref<16xi32, #tpu.memory_space<vmem>>) semaphore(%arg17 : memref<!tpu.dma_semaphore, #tpu.memory_space<semaphore_mem>>) {add = true}
    %dma_wait3A_50 = arith.constant 0 : i32
    %dma_wait3A_51 = arith.constant 0 : i32
    %dma_wait3A_52 = tpu.memref_slice %arg12[%dma_wait3A_50, %dma_wait3A_51] : memref<128x128xf32, #tpu.memory_space<vmem>> -> memref<16x128xf32, #tpu.memory_space<vmem>>
    %dma_wait3A_53 = arith.constant 0 : i32
    %dma_wait3A_54 = tpu.memref_slice %arg3[%multiple_of3A, %dma_wait3A_53] : memref<320000x128xf32, #tpu.memory_space<hbm>> -> memref<16x128xf32, #tpu.memory_space<hbm>>
    %dma_wait3A_55 = arith.constant 0 : i32
    %dma_wait3A_56 = arith.constant 0 : i32
    %dma_wait3A_57 = tpu.memref_slice %arg12[%dma_wait3A_55, %dma_wait3A_56] : memref<128x128xf32, #tpu.memory_space<vmem>> -> memref<16x128xf32, #tpu.memory_space<vmem>>
    %dma_wait3A_58 = arith.constant 0 : i32
    %dma_wait3A_59 = tpu.memref_slice %arg3[%multiple_of3A, %dma_wait3A_58] : memref<320000x128xf32, #tpu.memory_space<hbm>> -> memref<16x128xf32, #tpu.memory_space<hbm>>
    tpu.wait_dma2 semaphore(%arg16 : memref<!tpu.dma_semaphore, #tpu.memory_space<semaphore_mem>>) src(%dma_wait3A_59 : memref<16x128xf32, #tpu.memory_space<hbm>>) dst(%dma_wait3A_57 : memref<16x128xf32, #tpu.memory_space<vmem>>)
    %dma_wait3A_60 = arith.constant 0 : i32
    %dma_wait3A_61 = arith.constant 0 : i32
    %dma_wait3A_62 = tpu.memref_slice %arg13[%dma_wait3A_60, %dma_wait3A_61] : memref<128x128xf32, #tpu.memory_space<vmem>> -> memref<16x128xf32, #tpu.memory_space<vmem>>
    %dma_wait3A_63 = arith.constant 0 : i32
    %dma_wait3A_64 = tpu.memref_slice %arg10[%dma_wait3A_63] : memref<128xi32, #tpu.memory_space<vmem>> -> memref<16xi32, #tpu.memory_space<vmem>>
    %dma_wait3A_65 = arith.constant 0 : i32
    %dma_wait3A_66 = arith.constant 0 : i32
    %dma_wait3A_67 = tpu.memref_slice %arg2[%dma_wait3A_65, %dma_wait3A_66] : memref<10000x128xf32, #tpu.memory_space<hbm>> -> memref<10000x128xf32, #tpu.memory_space<hbm>>
    tpu.wait_indirect_dma semaphore(%arg15 : memref<!tpu.dma_semaphore, #tpu.memory_space<semaphore_mem>>) src(%dma_wait3A_67 : memref<10000x128xf32, #tpu.memory_space<hbm>>) dst(%dma_wait3A_62 : memref<16x128xf32, #tpu.memory_space<vmem>>)
    %scan3A_68 = arith.constant 0 : i32
    %scan3A_69 = arith.constant 0 : i32
    %scan3A_70 = arith.constant 16 : i32
    %scan3A_71 = arith.addi %scan3A_69, %scan3A_70 : i32
    %scan3A_72 = arith.constant 1 : i32
    scf.for %scan3A_82 = %scan3A_69 to %scan3A_71 step %scan3A_72  : i32 {
      %get3A = arith.index_cast %scan3A_82 : i32 to index
      %get3A_83 = arith.constant 0 : index
      %get3A_84 = tpu.vector_load %arg12[%get3A, %get3A_83] {strides = array<i32>} : memref<128x128xf32, #tpu.memory_space<vmem>>, vector<1x16xf32>,
      %get3A_85 = vector.shape_cast %get3A_84 : vector<1x16xf32> to vector<16xf32>
      %neg3A = arith.constant 0.000000e+00 : f32
      %neg3A_86 = vector.broadcast %neg3A : f32 to vector<16xf32>
      %neg3A_87 = arith.subf %neg3A_86, %get3A_85 : vector<16xf32>
      %exp3A = math.exp %neg3A_87 : vector<16xf32>
      %add3A_88 = arith.constant 1.000000e+00 : f32
      %add3A_89 = vector.broadcast %add3A_88 : f32 to vector<16xf32>
      %add3A_90 = arith.addf %add3A_89, %exp3A : vector<16xf32>
      %div3A = arith.constant 1.000000e+00 : f32
      %div3A_91 = vector.broadcast %div3A : f32 to vector<16xf32>
      %div3A_92 = arith.divf %div3A_91, %add3A_90 : vector<16xf32>
      %get3A_93 = arith.index_cast %scan3A_82 : i32 to index
      %get3A_94 = arith.constant 0 : index
      %get3A_95 = tpu.vector_load %arg13[%get3A_93, %get3A_94] {strides = array<i32>} : memref<128x128xf32, #tpu.memory_space<vmem>>, vector<1x16xf32>,
      %get3A_96 = vector.shape_cast %get3A_95 : vector<1x16xf32> to vector<16xf32>
      %mul3A_97 = arith.mulf %get3A_96, %div3A_92 : vector<16xf32>
      %swap3A = arith.index_cast %scan3A_82 : i32 to index
      %swap3A_98 = arith.constant 0 : index
      %swap3A_99 = tpu.vector_load %arg12[%swap3A, %swap3A_98] {strides = array<i32>} : memref<128x128xf32, #tpu.memory_space<vmem>>, vector<1x16xf32>,
      %swap3A_100 = vector.shape_cast %swap3A_99 : vector<1x16xf32> to vector<16xf32>
      %swap3A_101 = vector.shape_cast %mul3A_97 : vector<16xf32> to vector<1x16xf32>
      tpu.vector_store %arg12[%swap3A, %swap3A_98], %swap3A_101 {strides = array<i32>} : memref<128x128xf32, #tpu.memory_space<vmem>>, vector<1x16xf32>,
      %get3A_102 = arith.index_cast %scan3A_82 : i32 to index
      %get3A_103 = arith.constant 16 : index
      %get3A_104 = tpu.vector_load %arg12[%get3A_102, %get3A_103] {strides = array<i32>} : memref<128x128xf32, #tpu.memory_space<vmem>>, vector<1x16xf32>,
      %get3A_105 = vector.shape_cast %get3A_104 : vector<1x16xf32> to vector<16xf32>
      %neg3A_106 = arith.constant 0.000000e+00 : f32
      %neg3A_107 = vector.broadcast %neg3A_106 : f32 to vector<16xf32>
      %neg3A_108 = arith.subf %neg3A_107, %get3A_105 : vector<16xf32>
      %exp3A_109 = math.exp %neg3A_108 : vector<16xf32>
      %add3A_110 = arith.constant 1.000000e+00 : f32
      %add3A_111 = vector.broadcast %add3A_110 : f32 to vector<16xf32>
      %add3A_112 = arith.addf %add3A_111, %exp3A_109 : vector<16xf32>
      %div3A_113 = arith.constant 1.000000e+00 : f32
      %div3A_114 = vector.broadcast %div3A_113 : f32 to vector<16xf32>
      %div3A_115 = arith.divf %div3A_114, %add3A_112 : vector<16xf32>
      %get3A_116 = arith.index_cast %scan3A_82 : i32 to index
      %get3A_117 = arith.constant 16 : index
      %get3A_118 = tpu.vector_load %arg13[%get3A_116, %get3A_117] {strides = array<i32>} : memref<128x128xf32, #tpu.memory_space<vmem>>, vector<1x16xf32>,
      %get3A_119 = vector.shape_cast %get3A_118 : vector<1x16xf32> to vector<16xf32>
      %mul3A_120 = arith.mulf %get3A_119, %div3A_115 : vector<16xf32>
      %swap3A_121 = arith.index_cast %scan3A_82 : i32 to index
      %swap3A_122 = arith.constant 16 : index
      %swap3A_123 = tpu.vector_load %arg12[%swap3A_121, %swap3A_122] {strides = array<i32>} : memref<128x128xf32, #tpu.memory_space<vmem>>, vector<1x16xf32>,
      %swap3A_124 = vector.shape_cast %swap3A_123 : vector<1x16xf32> to vector<16xf32>
      %swap3A_125 = vector.shape_cast %mul3A_120 : vector<16xf32> to vector<1x16xf32>
      tpu.vector_store %arg12[%swap3A_121, %swap3A_122], %swap3A_125 {strides = array<i32>} : memref<128x128xf32, #tpu.memory_space<vmem>>, vector<1x16xf32>,
      %get3A_126 = arith.index_cast %scan3A_82 : i32 to index
      %get3A_127 = arith.constant 32 : index
      %get3A_128 = tpu.vector_load %arg12[%get3A_126, %get3A_127] {strides = array<i32>} : memref<128x128xf32, #tpu.memory_space<vmem>>, vector<1x16xf32>,
      %get3A_129 = vector.shape_cast %get3A_128 : vector<1x16xf32> to vector<16xf32>
      %neg3A_130 = arith.constant 0.000000e+00 : f32
      %neg3A_131 = vector.broadcast %neg3A_130 : f32 to vector<16xf32>
      %neg3A_132 = arith.subf %neg3A_131, %get3A_129 : vector<16xf32>
      %exp3A_133 = math.exp %neg3A_132 : vector<16xf32>
      %add3A_134 = arith.constant 1.000000e+00 : f32
      %add3A_135 = vector.broadcast %add3A_134 : f32 to vector<16xf32>
      %add3A_136 = arith.addf %add3A_135, %exp3A_133 : vector<16xf32>
      %div3A_137 = arith.constant 1.000000e+00 : f32
      %div3A_138 = vector.broadcast %div3A_137 : f32 to vector<16xf32>
      %div3A_139 = arith.divf %div3A_138, %add3A_136 : vector<16xf32>
      %get3A_140 = arith.index_cast %scan3A_82 : i32 to index
      %get3A_141 = arith.constant 32 : index
      %get3A_142 = tpu.vector_load %arg13[%get3A_140, %get3A_141] {strides = array<i32>} : memref<128x128xf32, #tpu.memory_space<vmem>>, vector<1x16xf32>,
      %get3A_143 = vector.shape_cast %get3A_142 : vector<1x16xf32> to vector<16xf32>
      %mul3A_144 = arith.mulf %get3A_143, %div3A_139 : vector<16xf32>
      %swap3A_145 = arith.index_cast %scan3A_82 : i32 to index
      %swap3A_146 = arith.constant 32 : index
      %swap3A_147 = tpu.vector_load %arg12[%swap3A_145, %swap3A_146] {strides = array<i32>} : memref<128x128xf32, #tpu.memory_space<vmem>>, vector<1x16xf32>,
      %swap3A_148 = vector.shape_cast %swap3A_147 : vector<1x16xf32> to vector<16xf32>
      %swap3A_149 = vector.shape_cast %mul3A_144 : vector<16xf32> to vector<1x16xf32>
      tpu.vector_store %arg12[%swap3A_145, %swap3A_146], %swap3A_149 {strides = array<i32>} : memref<128x128xf32, #tpu.memory_space<vmem>>, vector<1x16xf32>,
      %get3A_150 = arith.index_cast %scan3A_82 : i32 to index
      %get3A_151 = arith.constant 48 : index
      %get3A_152 = tpu.vector_load %arg12[%get3A_150, %get3A_151] {strides = array<i32>} : memref<128x128xf32, #tpu.memory_space<vmem>>, vector<1x16xf32>,
      %get3A_153 = vector.shape_cast %get3A_152 : vector<1x16xf32> to vector<16xf32>
      %neg3A_154 = arith.constant 0.000000e+00 : f32
      %neg3A_155 = vector.broadcast %neg3A_154 : f32 to vector<16xf32>
      %neg3A_156 = arith.subf %neg3A_155, %get3A_153 : vector<16xf32>
      %exp3A_157 = math.exp %neg3A_156 : vector<16xf32>
      %add3A_158 = arith.constant 1.000000e+00 : f32
      %add3A_159 = vector.broadcast %add3A_158 : f32 to vector<16xf32>
      %add3A_160 = arith.addf %add3A_159, %exp3A_157 : vector<16xf32>
      %div3A_161 = arith.constant 1.000000e+00 : f32
      %div3A_162 = vector.broadcast %div3A_161 : f32 to vector<16xf32>
      %div3A_163 = arith.divf %div3A_162, %add3A_160 : vector<16xf32>
      %get3A_164 = arith.index_cast %scan3A_82 : i32 to index
      %get3A_165 = arith.constant 48 : index
      %get3A_166 = tpu.vector_load %arg13[%get3A_164, %get3A_165] {strides = array<i32>} : memref<128x128xf32, #tpu.memory_space<vmem>>, vector<1x16xf32>,
      %get3A_167 = vector.shape_cast %get3A_166 : vector<1x16xf32> to vector<16xf32>
      %mul3A_168 = arith.mulf %get3A_167, %div3A_163 : vector<16xf32>
      %swap3A_169 = arith.index_cast %scan3A_82 : i32 to index
      %swap3A_170 = arith.constant 48 : index
      %swap3A_171 = tpu.vector_load %arg12[%swap3A_169, %swap3A_170] {strides = array<i32>} : memref<128x128xf32, #tpu.memory_space<vmem>>, vector<1x16xf32>,
      %swap3A_172 = vector.shape_cast %swap3A_171 : vector<1x16xf32> to vector<16xf32>
      %swap3A_173 = vector.shape_cast %mul3A_168 : vector<16xf32> to vector<1x16xf32>
      tpu.vector_store %arg12[%swap3A_169, %swap3A_170], %swap3A_173 {strides = array<i32>} : memref<128x128xf32, #tpu.memory_space<vmem>>, vector<1x16xf32>,
      %get3A_174 = arith.index_cast %scan3A_82 : i32 to index
      %get3A_175 = arith.constant 64 : index
      %get3A_176 = tpu.vector_load %arg12[%get3A_174, %get3A_175] {strides = array<i32>} : memref<128x128xf32, #tpu.memory_space<vmem>>, vector<1x16xf32>,
      %get3A_177 = vector.shape_cast %get3A_176 : vector<1x16xf32> to vector<16xf32>
      %neg3A_178 = arith.constant 0.000000e+00 : f32
      %neg3A_179 = vector.broadcast %neg3A_178 : f32 to vector<16xf32>
      %neg3A_180 = arith.subf %neg3A_179, %get3A_177 : vector<16xf32>
      %exp3A_181 = math.exp %neg3A_180 : vector<16xf32>
      %add3A_182 = arith.constant 1.000000e+00 : f32
      %add3A_183 = vector.broadcast %add3A_182 : f32 to vector<16xf32>
      %add3A_184 = arith.addf %add3A_183, %exp3A_181 : vector<16xf32>
      %div3A_185 = arith.constant 1.000000e+00 : f32
      %div3A_186 = vector.broadcast %div3A_185 : f32 to vector<16xf32>
      %div3A_187 = arith.divf %div3A_186, %add3A_184 : vector<16xf32>
      %get3A_188 = arith.index_cast %scan3A_82 : i32 to index
      %get3A_189 = arith.constant 64 : index
      %get3A_190 = tpu.vector_load %arg13[%get3A_188, %get3A_189] {strides = array<i32>} : memref<128x128xf32, #tpu.memory_space<vmem>>, vector<1x16xf32>,
      %get3A_191 = vector.shape_cast %get3A_190 : vector<1x16xf32> to vector<16xf32>
      %mul3A_192 = arith.mulf %get3A_191, %div3A_187 : vector<16xf32>
      %swap3A_193 = arith.index_cast %scan3A_82 : i32 to index
      %swap3A_194 = arith.constant 64 : index
      %swap3A_195 = tpu.vector_load %arg12[%swap3A_193, %swap3A_194] {strides = array<i32>} : memref<128x128xf32, #tpu.memory_space<vmem>>, vector<1x16xf32>,
      %swap3A_196 = vector.shape_cast %swap3A_195 : vector<1x16xf32> to vector<16xf32>
      %swap3A_197 = vector.shape_cast %mul3A_192 : vector<16xf32> to vector<1x16xf32>
      tpu.vector_store %arg12[%swap3A_193, %swap3A_194], %swap3A_197 {strides = array<i32>} : memref<128x128xf32, #tpu.memory_space<vmem>>, vector<1x16xf32>,
      %get3A_198 = arith.index_cast %scan3A_82 : i32 to index
      %get3A_199 = arith.constant 80 : index
      %get3A_200 = tpu.vector_load %arg12[%get3A_198, %get3A_199] {strides = array<i32>} : memref<128x128xf32, #tpu.memory_space<vmem>>, vector<1x16xf32>,
      %get3A_201 = vector.shape_cast %get3A_200 : vector<1x16xf32> to vector<16xf32>
      %neg3A_202 = arith.constant 0.000000e+00 : f32
      %neg3A_203 = vector.broadcast %neg3A_202 : f32 to vector<16xf32>
      %neg3A_204 = arith.subf %neg3A_203, %get3A_201 : vector<16xf32>
      %exp3A_205 = math.exp %neg3A_204 : vector<16xf32>
      %add3A_206 = arith.constant 1.000000e+00 : f32
      %add3A_207 = vector.broadcast %add3A_206 : f32 to vector<16xf32>
      %add3A_208 = arith.addf %add3A_207, %exp3A_205 : vector<16xf32>
      %div3A_209 = arith.constant 1.000000e+00 : f32
      %div3A_210 = vector.broadcast %div3A_209 : f32 to vector<16xf32>
      %div3A_211 = arith.divf %div3A_210, %add3A_208 : vector<16xf32>
      %get3A_212 = arith.index_cast %scan3A_82 : i32 to index
      %get3A_213 = arith.constant 80 : index
      %get3A_214 = tpu.vector_load %arg13[%get3A_212, %get3A_213] {strides = array<i32>} : memref<128x128xf32, #tpu.memory_space<vmem>>, vector<1x16xf32>,
      %get3A_215 = vector.shape_cast %get3A_214 : vector<1x16xf32> to vector<16xf32>
      %mul3A_216 = arith.mulf %get3A_215, %div3A_211 : vector<16xf32>
      %swap3A_217 = arith.index_cast %scan3A_82 : i32 to index
      %swap3A_218 = arith.constant 80 : index
      %swap3A_219 = tpu.vector_load %arg12[%swap3A_217, %swap3A_218] {strides = array<i32>} : memref<128x128xf32, #tpu.memory_space<vmem>>, vector<1x16xf32>,
      %swap3A_220 = vector.shape_cast %swap3A_219 : vector<1x16xf32> to vector<16xf32>
      %swap3A_221 = vector.shape_cast %mul3A_216 : vector<16xf32> to vector<1x16xf32>
      tpu.vector_store %arg12[%swap3A_217, %swap3A_218], %swap3A_221 {strides = array<i32>} : memref<128x128xf32, #tpu.memory_space<vmem>>, vector<1x16xf32>,
      %get3A_222 = arith.index_cast %scan3A_82 : i32 to index
      %get3A_223 = arith.constant 96 : index
      %get3A_224 = tpu.vector_load %arg12[%get3A_222, %get3A_223] {strides = array<i32>} : memref<128x128xf32, #tpu.memory_space<vmem>>, vector<1x16xf32>,
      %get3A_225 = vector.shape_cast %get3A_224 : vector<1x16xf32> to vector<16xf32>
      %neg3A_226 = arith.constant 0.000000e+00 : f32
      %neg3A_227 = vector.broadcast %neg3A_226 : f32 to vector<16xf32>
      %neg3A_228 = arith.subf %neg3A_227, %get3A_225 : vector<16xf32>
      %exp3A_229 = math.exp %neg3A_228 : vector<16xf32>
      %add3A_230 = arith.constant 1.000000e+00 : f32
      %add3A_231 = vector.broadcast %add3A_230 : f32 to vector<16xf32>
      %add3A_232 = arith.addf %add3A_231, %exp3A_229 : vector<16xf32>
      %div3A_233 = arith.constant 1.000000e+00 : f32
      %div3A_234 = vector.broadcast %div3A_233 : f32 to vector<16xf32>
      %div3A_235 = arith.divf %div3A_234, %add3A_232 : vector<16xf32>
      %get3A_236 = arith.index_cast %scan3A_82 : i32 to index
      %get3A_237 = arith.constant 96 : index
      %get3A_238 = tpu.vector_load %arg13[%get3A_236, %get3A_237] {strides = array<i32>} : memref<128x128xf32, #tpu.memory_space<vmem>>, vector<1x16xf32>,
      %get3A_239 = vector.shape_cast %get3A_238 : vector<1x16xf32> to vector<16xf32>
      %mul3A_240 = arith.mulf %get3A_239, %div3A_235 : vector<16xf32>
      %swap3A_241 = arith.index_cast %scan3A_82 : i32 to index
      %swap3A_242 = arith.constant 96 : index
      %swap3A_243 = tpu.vector_load %arg12[%swap3A_241, %swap3A_242] {strides = array<i32>} : memref<128x128xf32, #tpu.memory_space<vmem>>, vector<1x16xf32>,
      %swap3A_244 = vector.shape_cast %swap3A_243 : vector<1x16xf32> to vector<16xf32>
      %swap3A_245 = vector.shape_cast %mul3A_240 : vector<16xf32> to vector<1x16xf32>
      tpu.vector_store %arg12[%swap3A_241, %swap3A_242], %swap3A_245 {strides = array<i32>} : memref<128x128xf32, #tpu.memory_space<vmem>>, vector<1x16xf32>,
      %get3A_246 = arith.index_cast %scan3A_82 : i32 to index
      %get3A_247 = arith.constant 112 : index
      %get3A_248 = tpu.vector_load %arg12[%get3A_246, %get3A_247] {strides = array<i32>} : memref<128x128xf32, #tpu.memory_space<vmem>>, vector<1x16xf32>,
      %get3A_249 = vector.shape_cast %get3A_248 : vector<1x16xf32> to vector<16xf32>
      %neg3A_250 = arith.constant 0.000000e+00 : f32
      %neg3A_251 = vector.broadcast %neg3A_250 : f32 to vector<16xf32>
      %neg3A_252 = arith.subf %neg3A_251, %get3A_249 : vector<16xf32>
      %exp3A_253 = math.exp %neg3A_252 : vector<16xf32>
      %add3A_254 = arith.constant 1.000000e+00 : f32
      %add3A_255 = vector.broadcast %add3A_254 : f32 to vector<16xf32>
      %add3A_256 = arith.addf %add3A_255, %exp3A_253 : vector<16xf32>
      %div3A_257 = arith.constant 1.000000e+00 : f32
      %div3A_258 = vector.broadcast %div3A_257 : f32 to vector<16xf32>
      %div3A_259 = arith.divf %div3A_258, %add3A_256 : vector<16xf32>
      %get3A_260 = arith.index_cast %scan3A_82 : i32 to index
      %get3A_261 = arith.constant 112 : index
      %get3A_262 = tpu.vector_load %arg13[%get3A_260, %get3A_261] {strides = array<i32>} : memref<128x128xf32, #tpu.memory_space<vmem>>, vector<1x16xf32>,
      %get3A_263 = vector.shape_cast %get3A_262 : vector<1x16xf32> to vector<16xf32>
      %mul3A_264 = arith.mulf %get3A_263, %div3A_259 : vector<16xf32>
      %swap3A_265 = arith.index_cast %scan3A_82 : i32 to index
      %swap3A_266 = arith.constant 112 : index
      %swap3A_267 = tpu.vector_load %arg12[%swap3A_265, %swap3A_266] {strides = array<i32>} : memref<128x128xf32, #tpu.memory_space<vmem>>, vector<1x16xf32>,
      %swap3A_268 = vector.shape_cast %swap3A_267 : vector<1x16xf32> to vector<16xf32>
      %swap3A_269 = vector.shape_cast %mul3A_264 : vector<16xf32> to vector<1x16xf32>
      tpu.vector_store %arg12[%swap3A_265, %swap3A_266], %swap3A_269 {strides = array<i32>} : memref<128x128xf32, #tpu.memory_space<vmem>>, vector<1x16xf32>,
    }
    %scan3A_73 = arith.constant 16 : i32
    "tpu.region"() ({
      %run_scoped3A = tpu.sem_alloc : memref<!tpu.dma_semaphore, #tpu.memory_space<semaphore_mem>>
      %dma_start3A_82 = arith.constant 0 : i32
      %dma_start3A_83 = arith.constant 0 : i32
      %dma_start3A_84 = tpu.memref_slice %arg12[%dma_start3A_82, %dma_start3A_83] : memref<128x128xf32, #tpu.memory_space<vmem>> -> memref<16x128xf32, #tpu.memory_space<vmem>>
      %dma_start3A_85 = arith.constant 0 : i32
      %dma_start3A_86 = tpu.memref_slice %arg8[%multiple_of3A, %dma_start3A_85] : memref<320000x128xf32, #tpu.memory_space<hbm>> -> memref<16x128xf32, #tpu.memory_space<hbm>>
      %dma_start3A_87 = arith.constant 0 : i32
      %dma_start3A_88 = tpu.memref_slice %arg8[%multiple_of3A, %dma_start3A_87] : memref<320000x128xf32, #tpu.memory_space<hbm>> -> memref<16x128xf32, #tpu.memory_space<hbm>>
      %dma_start3A_89 = arith.constant 0 : i32
      %dma_start3A_90 = arith.constant 0 : i32
      %dma_start3A_91 = tpu.memref_slice %arg12[%dma_start3A_89, %dma_start3A_90] : memref<128x128xf32, #tpu.memory_space<vmem>> -> memref<16x128xf32, #tpu.memory_space<vmem>>
      tpu.enqueue_dma source(%dma_start3A_91 : memref<16x128xf32, #tpu.memory_space<vmem>>) target(%dma_start3A_88 : memref<16x128xf32, #tpu.memory_space<hbm>>) target_semaphore(%run_scoped3A : memref<!tpu.dma_semaphore, #tpu.memory_space<semaphore_mem>>)
      %dma_wait3A_92 = arith.constant 0 : i32
      %dma_wait3A_93 = arith.constant 0 : i32
      %dma_wait3A_94 = tpu.memref_slice %arg12[%dma_wait3A_92, %dma_wait3A_93] : memref<128x128xf32, #tpu.memory_space<vmem>> -> memref<16x128xf32, #tpu.memory_space<vmem>>
      %dma_wait3A_95 = arith.constant 0 : i32
      %dma_wait3A_96 = tpu.memref_slice %arg8[%multiple_of3A, %dma_wait3A_95] : memref<320000x128xf32, #tpu.memory_space<hbm>> -> memref<16x128xf32, #tpu.memory_space<hbm>>
      %dma_wait3A_97 = arith.constant 0 : i32
      %dma_wait3A_98 = tpu.memref_slice %arg8[%multiple_of3A, %dma_wait3A_97] : memref<320000x128xf32, #tpu.memory_space<hbm>> -> memref<16x128xf32, #tpu.memory_space<hbm>>
      %dma_wait3A_99 = arith.constant 0 : i32
      %dma_wait3A_100 = arith.constant 0 : i32
      %dma_wait3A_101 = tpu.memref_slice %arg12[%dma_wait3A_99, %dma_wait3A_100] : memref<128x128xf32, #tpu.memory_space<vmem>> -> memref<16x128xf32, #tpu.memory_space<vmem>>
      tpu.wait_dma2 semaphore(%run_scoped3A : memref<!tpu.dma_semaphore, #tpu.memory_space<semaphore_mem>>) src(%dma_wait3A_101 : memref<16x128xf32, #tpu.memory_space<vmem>>) dst(%dma_wait3A_98 : memref<16x128xf32, #tpu.memory_space<hbm>>)
      tpu.yield
    }) : () -> ()
    %dma_wait3A_74 = arith.constant 0 : i32
    %dma_wait3A_75 = arith.constant 0 : i32
    %dma_wait3A_76 = tpu.memref_slice %arg14[%dma_wait3A_74, %dma_wait3A_75] : memref<128x128xf32, #tpu.memory_space<vmem>> -> memref<16x128xf32, #tpu.memory_space<vmem>>
    %dma_wait3A_77 = arith.constant 0 : i32
    %dma_wait3A_78 = tpu.memref_slice %arg10[%dma_wait3A_77] : memref<128xi32, #tpu.memory_space<vmem>> -> memref<16xi32, #tpu.memory_space<vmem>>
    %dma_wait3A_79 = arith.constant 0 : i32
    %dma_wait3A_80 = arith.constant 0 : i32
    %dma_wait3A_81 = tpu.memref_slice %arg7[%dma_wait3A_79, %dma_wait3A_80] : memref<10000x128xf32, #tpu.memory_space<hbm>> -> memref<10000x128xf32, #tpu.memory_space<hbm>>
    tpu.wait_indirect_dma semaphore(%arg17 : memref<!tpu.dma_semaphore, #tpu.memory_space<semaphore_mem>>) src(%dma_wait3A_81 : memref<10000x128xf32, #tpu.memory_space<hbm>>) dst(%dma_wait3A_76 : memref<16x128xf32, #tpu.memory_space<vmem>>)
    "tpu.region"() ({
      %run_scoped3A = tpu.sem_alloc : memref<!tpu.dma_semaphore, #tpu.memory_space<semaphore_mem>>
      %dma_start3A_82 = arith.constant 0 : i32
      %dma_start3A_83 = arith.constant 0 : i32
      %dma_start3A_84 = tpu.memref_slice %arg14[%dma_start3A_82, %dma_start3A_83] : memref<128x128xf32, #tpu.memory_space<vmem>> -> memref<16x128xf32, #tpu.memory_space<vmem>>
      %dma_start3A_85 = arith.constant 0 : i32
      %dma_start3A_86 = tpu.memref_slice %arg9[%multiple_of3A, %dma_start3A_85] : memref<320000x128xf32, #tpu.memory_space<hbm>> -> memref<16x128xf32, #tpu.memory_space<hbm>>
      %dma_start3A_87 = arith.constant 0 : i32
      %dma_start3A_88 = tpu.memref_slice %arg9[%multiple_of3A, %dma_start3A_87] : memref<320000x128xf32, #tpu.memory_space<hbm>> -> memref<16x128xf32, #tpu.memory_space<hbm>>
      %dma_start3A_89 = arith.constant 0 : i32
      %dma_start3A_90 = arith.constant 0 : i32
      %dma_start3A_91 = tpu.memref_slice %arg14[%dma_start3A_89, %dma_start3A_90] : memref<128x128xf32, #tpu.memory_space<vmem>> -> memref<16x128xf32, #tpu.memory_space<vmem>>
      tpu.enqueue_dma source(%dma_start3A_91 : memref<16x128xf32, #tpu.memory_space<vmem>>) target(%dma_start3A_88 : memref<16x128xf32, #tpu.memory_space<hbm>>) target_semaphore(%run_scoped3A : memref<!tpu.dma_semaphore, #tpu.memory_space<semaphore_mem>>)
      %dma_wait3A_92 = arith.constant 0 : i32
      %dma_wait3A_93 = arith.constant 0 : i32
      %dma_wait3A_94 = tpu.memref_slice %arg14[%dma_wait3A_92, %dma_wait3A_93] : memref<128x128xf32, #tpu.memory_space<vmem>> -> memref<16x128xf32, #tpu.memory_space<vmem>>
      %dma_wait3A_95 = arith.constant 0 : i32
      %dma_wait3A_96 = tpu.memref_slice %arg9[%multiple_of3A, %dma_wait3A_95] : memref<320000x128xf32, #tpu.memory_space<hbm>> -> memref<16x128xf32, #tpu.memory_space<hbm>>
      %dma_wait3A_97 = arith.constant 0 : i32
      %dma_wait3A_98 = tpu.memref_slice %arg9[%multiple_of3A, %dma_wait3A_97] : memref<320000x128xf32, #tpu.memory_space<hbm>> -> memref<16x128xf32, #tpu.memory_space<hbm>>
      %dma_wait3A_99 = arith.constant 0 : i32
      %dma_wait3A_100 = arith.constant 0 : i32
      %dma_wait3A_101 = tpu.memref_slice %arg14[%dma_wait3A_99, %dma_wait3A_100] : memref<128x128xf32, #tpu.memory_space<vmem>> -> memref<16x128xf32, #tpu.memory_space<vmem>>
      tpu.wait_dma2 semaphore(%run_scoped3A : memref<!tpu.dma_semaphore, #tpu.memory_space<semaphore_mem>>) src(%dma_wait3A_101 : memref<16x128xf32, #tpu.memory_space<vmem>>) dst(%dma_wait3A_98 : memref<16x128xf32, #tpu.memory_space<hbm>>)
      tpu.yield
    }) : () -> ()
    return
  }
}

#map = affine_map<(d0, d1) -> (0, 0)>
#map1 = affine_map<(d0, d1) -> (0)>
module attributes {stable_mosaic.version = 14 : i64} {
  func.func @sc_message_rows(%arg0: i32, %arg1: i32, %arg2: memref<10000x128xf32, #tpu.memory_space<hbm>>, %arg3: memref<320000x128xf32, #tpu.memory_space<hbm>>, %arg4: memref<320000xi32, #tpu.memory_space<hbm>>, %arg5: memref<320000x128xf32, #tpu.memory_space<hbm>>, %arg6: memref<128xi32, #tpu.memory_space<vmem>>, %arg7: memref<128x128xf32, #tpu.memory_space<vmem>>, %arg8: memref<128x128xf32, #tpu.memory_space<vmem>>, %arg9: memref<!tpu.dma_semaphore, #tpu.memory_space<semaphore_mem>>) attributes {dimension_semantics = [#tpu.dimension_semantics<core_parallel>, #tpu.dimension_semantics<subcore_parallel>], iteration_bounds = array<i64: 2, 16>, scalar_prefetch = 0 : i64, scratch_operands = 4 : i64, tpu.core_type = #tpu.core_type<sc_vector_subcore>, window_params = [{transform_indices = #map}, {transform_indices = #map}, {transform_indices = #map1}, {transform_indices = #map}]} {
    %mul3A = arith.constant 2 : i32
    %mul3A_0 = arith.muli %arg1, %mul3A : i32
    %add3A = arith.addi %mul3A_0, %arg0 : i32
    %mul3A_1 = arith.constant 10000 : i32
    %mul3A_2 = arith.muli %add3A, %mul3A_1 : i32
    %scan3A = arith.constant 0 : i32
    %scan3A_3 = arith.constant 0 : i32
    %scan3A_4 = arith.constant 78 : i32
    %scan3A_5 = arith.addi %scan3A_3, %scan3A_4 : i32
    %scan3A_6 = arith.constant 1 : i32
    scf.for %scan3A_30 = %scan3A_3 to %scan3A_5 step %scan3A_6  : i32 {
      %mul3A_31 = arith.constant 128 : i32
      %mul3A_32 = arith.muli %scan3A_30, %mul3A_31 : i32
      %add3A_33 = arith.addi %mul3A_2, %mul3A_32 : i32
      %multiple_of3A_34 = tpu.assume_multiple %add3A_33, 8 : i32
      "tpu.region"() ({
        %run_scoped3A = tpu.sem_alloc : memref<!tpu.dma_semaphore, #tpu.memory_space<semaphore_mem>>
        %dma_start3A_57 = arith.constant 0 : i32
        %dma_start3A_58 = tpu.memref_slice %arg6[%dma_start3A_57] : memref<128xi32, #tpu.memory_space<vmem>> -> memref<128xi32, #tpu.memory_space<vmem>>
        %dma_start3A_59 = tpu.memref_slice %arg4[%multiple_of3A_34] : memref<320000xi32, #tpu.memory_space<hbm>> -> memref<128xi32, #tpu.memory_space<hbm>>
        %dma_start3A_60 = arith.constant 0 : i32
        %dma_start3A_61 = tpu.memref_slice %arg6[%dma_start3A_60] : memref<128xi32, #tpu.memory_space<vmem>> -> memref<128xi32, #tpu.memory_space<vmem>>
        %dma_start3A_62 = tpu.memref_slice %arg4[%multiple_of3A_34] : memref<320000xi32, #tpu.memory_space<hbm>> -> memref<128xi32, #tpu.memory_space<hbm>>
        tpu.enqueue_dma source(%dma_start3A_62 : memref<128xi32, #tpu.memory_space<hbm>>) target(%dma_start3A_61 : memref<128xi32, #tpu.memory_space<vmem>>) target_semaphore(%run_scoped3A : memref<!tpu.dma_semaphore, #tpu.memory_space<semaphore_mem>>)
        %dma_wait3A_63 = arith.constant 0 : i32
        %dma_wait3A_64 = tpu.memref_slice %arg6[%dma_wait3A_63] : memref<128xi32, #tpu.memory_space<vmem>> -> memref<128xi32, #tpu.memory_space<vmem>>
        %dma_wait3A_65 = tpu.memref_slice %arg4[%multiple_of3A_34] : memref<320000xi32, #tpu.memory_space<hbm>> -> memref<128xi32, #tpu.memory_space<hbm>>
        %dma_wait3A_66 = arith.constant 0 : i32
        %dma_wait3A_67 = tpu.memref_slice %arg6[%dma_wait3A_66] : memref<128xi32, #tpu.memory_space<vmem>> -> memref<128xi32, #tpu.memory_space<vmem>>
        %dma_wait3A_68 = tpu.memref_slice %arg4[%multiple_of3A_34] : memref<320000xi32, #tpu.memory_space<hbm>> -> memref<128xi32, #tpu.memory_space<hbm>>
        tpu.wait_dma2 semaphore(%run_scoped3A : memref<!tpu.dma_semaphore, #tpu.memory_space<semaphore_mem>>) src(%dma_wait3A_68 : memref<128xi32, #tpu.memory_space<hbm>>) dst(%dma_wait3A_67 : memref<128xi32, #tpu.memory_space<vmem>>)
        tpu.yield
      }) : () -> ()
      %dma_start3A_35 = arith.constant 0 : i32
      %dma_start3A_36 = arith.constant 0 : i32
      %dma_start3A_37 = tpu.memref_slice %arg7[%dma_start3A_35, %dma_start3A_36] : memref<128x128xf32, #tpu.memory_space<vmem>> -> memref<128x128xf32, #tpu.memory_space<vmem>>
      %dma_start3A_38 = arith.constant 0 : i32
      %dma_start3A_39 = tpu.memref_slice %arg6[%dma_start3A_38] : memref<128xi32, #tpu.memory_space<vmem>> -> memref<128xi32, #tpu.memory_space<vmem>>
      %dma_start3A_40 = arith.constant 0 : i32
      %dma_start3A_41 = arith.constant 0 : i32
      %dma_start3A_42 = tpu.memref_slice %arg2[%dma_start3A_40, %dma_start3A_41] : memref<10000x128xf32, #tpu.memory_space<hbm>> -> memref<10000x128xf32, #tpu.memory_space<hbm>>
      tpu.enqueue_indirect_dma source(%dma_start3A_42 : memref<10000x128xf32, #tpu.memory_space<hbm>>) target(%dma_start3A_37 : memref<128x128xf32, #tpu.memory_space<vmem>>) offsets(%dma_start3A_39 : memref<128xi32, #tpu.memory_space<vmem>>) semaphore(%arg9 : memref<!tpu.dma_semaphore, #tpu.memory_space<semaphore_mem>>)
      "tpu.region"() ({
        %run_scoped3A = tpu.sem_alloc : memref<!tpu.dma_semaphore, #tpu.memory_space<semaphore_mem>>
        %dma_start3A_57 = arith.constant 0 : i32
        %dma_start3A_58 = arith.constant 0 : i32
        %dma_start3A_59 = tpu.memref_slice %arg8[%dma_start3A_57, %dma_start3A_58] : memref<128x128xf32, #tpu.memory_space<vmem>> -> memref<128x128xf32, #tpu.memory_space<vmem>>
        %dma_start3A_60 = arith.constant 0 : i32
        %dma_start3A_61 = tpu.memref_slice %arg3[%multiple_of3A_34, %dma_start3A_60] : memref<320000x128xf32, #tpu.memory_space<hbm>> -> memref<128x128xf32, #tpu.memory_space<hbm>>
        %dma_start3A_62 = arith.constant 0 : i32
        %dma_start3A_63 = arith.constant 0 : i32
        %dma_start3A_64 = tpu.memref_slice %arg8[%dma_start3A_62, %dma_start3A_63] : memref<128x128xf32, #tpu.memory_space<vmem>> -> memref<128x128xf32, #tpu.memory_space<vmem>>
        %dma_start3A_65 = arith.constant 0 : i32
        %dma_start3A_66 = tpu.memref_slice %arg3[%multiple_of3A_34, %dma_start3A_65] : memref<320000x128xf32, #tpu.memory_space<hbm>> -> memref<128x128xf32, #tpu.memory_space<hbm>>
        tpu.enqueue_dma source(%dma_start3A_66 : memref<128x128xf32, #tpu.memory_space<hbm>>) target(%dma_start3A_64 : memref<128x128xf32, #tpu.memory_space<vmem>>) target_semaphore(%run_scoped3A : memref<!tpu.dma_semaphore, #tpu.memory_space<semaphore_mem>>)
        %dma_wait3A_67 = arith.constant 0 : i32
        %dma_wait3A_68 = arith.constant 0 : i32
        %dma_wait3A_69 = tpu.memref_slice %arg8[%dma_wait3A_67, %dma_wait3A_68] : memref<128x128xf32, #tpu.memory_space<vmem>> -> memref<128x128xf32, #tpu.memory_space<vmem>>
        %dma_wait3A_70 = arith.constant 0 : i32
        %dma_wait3A_71 = tpu.memref_slice %arg3[%multiple_of3A_34, %dma_wait3A_70] : memref<320000x128xf32, #tpu.memory_space<hbm>> -> memref<128x128xf32, #tpu.memory_space<hbm>>
        %dma_wait3A_72 = arith.constant 0 : i32
        %dma_wait3A_73 = arith.constant 0 : i32
        %dma_wait3A_74 = tpu.memref_slice %arg8[%dma_wait3A_72, %dma_wait3A_73] : memref<128x128xf32, #tpu.memory_space<vmem>> -> memref<128x128xf32, #tpu.memory_space<vmem>>
        %dma_wait3A_75 = arith.constant 0 : i32
        %dma_wait3A_76 = tpu.memref_slice %arg3[%multiple_of3A_34, %dma_wait3A_75] : memref<320000x128xf32, #tpu.memory_space<hbm>> -> memref<128x128xf32, #tpu.memory_space<hbm>>
        tpu.wait_dma2 semaphore(%run_scoped3A : memref<!tpu.dma_semaphore, #tpu.memory_space<semaphore_mem>>) src(%dma_wait3A_76 : memref<128x128xf32, #tpu.memory_space<hbm>>) dst(%dma_wait3A_74 : memref<128x128xf32, #tpu.memory_space<vmem>>)
        tpu.yield
      }) : () -> ()
      %dma_wait3A_43 = arith.constant 0 : i32
      %dma_wait3A_44 = arith.constant 0 : i32
      %dma_wait3A_45 = tpu.memref_slice %arg7[%dma_wait3A_43, %dma_wait3A_44] : memref<128x128xf32, #tpu.memory_space<vmem>> -> memref<128x128xf32, #tpu.memory_space<vmem>>
      %dma_wait3A_46 = arith.constant 0 : i32
      %dma_wait3A_47 = tpu.memref_slice %arg6[%dma_wait3A_46] : memref<128xi32, #tpu.memory_space<vmem>> -> memref<128xi32, #tpu.memory_space<vmem>>
      %dma_wait3A_48 = arith.constant 0 : i32
      %dma_wait3A_49 = arith.constant 0 : i32
      %dma_wait3A_50 = tpu.memref_slice %arg2[%dma_wait3A_48, %dma_wait3A_49] : memref<10000x128xf32, #tpu.memory_space<hbm>> -> memref<10000x128xf32, #tpu.memory_space<hbm>>
      tpu.wait_indirect_dma semaphore(%arg9 : memref<!tpu.dma_semaphore, #tpu.memory_space<semaphore_mem>>) src(%dma_wait3A_50 : memref<10000x128xf32, #tpu.memory_space<hbm>>) dst(%dma_wait3A_45 : memref<128x128xf32, #tpu.memory_space<vmem>>)
      %scan3A_51 = arith.constant 0 : i32
      %scan3A_52 = arith.constant 0 : i32
      %scan3A_53 = arith.constant 128 : i32
      %scan3A_54 = arith.addi %scan3A_52, %scan3A_53 : i32
      %scan3A_55 = arith.constant 1 : i32
      scf.for %scan3A_57 = %scan3A_52 to %scan3A_54 step %scan3A_55  : i32 {
        %get3A = arith.index_cast %scan3A_57 : i32 to index
        %get3A_58 = arith.constant 0 : index
        %get3A_59 = tpu.vector_load %arg8[%get3A, %get3A_58] {strides = array<i32>} : memref<128x128xf32, #tpu.memory_space<vmem>>, vector<1x16xf32>,
        %get3A_60 = vector.shape_cast %get3A_59 : vector<1x16xf32> to vector<16xf32>
        %neg3A = arith.constant 0.000000e+00 : f32
        %neg3A_61 = vector.broadcast %neg3A : f32 to vector<16xf32>
        %neg3A_62 = arith.subf %neg3A_61, %get3A_60 : vector<16xf32>
        %exp3A = math.exp %neg3A_62 : vector<16xf32>
        %add3A_63 = arith.constant 1.000000e+00 : f32
        %add3A_64 = vector.broadcast %add3A_63 : f32 to vector<16xf32>
        %add3A_65 = arith.addf %add3A_64, %exp3A : vector<16xf32>
        %div3A = arith.constant 1.000000e+00 : f32
        %div3A_66 = vector.broadcast %div3A : f32 to vector<16xf32>
        %div3A_67 = arith.divf %div3A_66, %add3A_65 : vector<16xf32>
        %get3A_68 = arith.index_cast %scan3A_57 : i32 to index
        %get3A_69 = arith.constant 0 : index
        %get3A_70 = tpu.vector_load %arg7[%get3A_68, %get3A_69] {strides = array<i32>} : memref<128x128xf32, #tpu.memory_space<vmem>>, vector<1x16xf32>,
        %get3A_71 = vector.shape_cast %get3A_70 : vector<1x16xf32> to vector<16xf32>
        %mul3A_72 = arith.mulf %get3A_71, %div3A_67 : vector<16xf32>
        %swap3A = arith.index_cast %scan3A_57 : i32 to index
        %swap3A_73 = arith.constant 0 : index
        %swap3A_74 = tpu.vector_load %arg8[%swap3A, %swap3A_73] {strides = array<i32>} : memref<128x128xf32, #tpu.memory_space<vmem>>, vector<1x16xf32>,
        %swap3A_75 = vector.shape_cast %swap3A_74 : vector<1x16xf32> to vector<16xf32>
        %swap3A_76 = vector.shape_cast %mul3A_72 : vector<16xf32> to vector<1x16xf32>
        tpu.vector_store %arg8[%swap3A, %swap3A_73], %swap3A_76 {strides = array<i32>} : memref<128x128xf32, #tpu.memory_space<vmem>>, vector<1x16xf32>,
        %get3A_77 = arith.index_cast %scan3A_57 : i32 to index
        %get3A_78 = arith.constant 16 : index
        %get3A_79 = tpu.vector_load %arg8[%get3A_77, %get3A_78] {strides = array<i32>} : memref<128x128xf32, #tpu.memory_space<vmem>>, vector<1x16xf32>,
        %get3A_80 = vector.shape_cast %get3A_79 : vector<1x16xf32> to vector<16xf32>
        %neg3A_81 = arith.constant 0.000000e+00 : f32
        %neg3A_82 = vector.broadcast %neg3A_81 : f32 to vector<16xf32>
        %neg3A_83 = arith.subf %neg3A_82, %get3A_80 : vector<16xf32>
        %exp3A_84 = math.exp %neg3A_83 : vector<16xf32>
        %add3A_85 = arith.constant 1.000000e+00 : f32
        %add3A_86 = vector.broadcast %add3A_85 : f32 to vector<16xf32>
        %add3A_87 = arith.addf %add3A_86, %exp3A_84 : vector<16xf32>
        %div3A_88 = arith.constant 1.000000e+00 : f32
        %div3A_89 = vector.broadcast %div3A_88 : f32 to vector<16xf32>
        %div3A_90 = arith.divf %div3A_89, %add3A_87 : vector<16xf32>
        %get3A_91 = arith.index_cast %scan3A_57 : i32 to index
        %get3A_92 = arith.constant 16 : index
        %get3A_93 = tpu.vector_load %arg7[%get3A_91, %get3A_92] {strides = array<i32>} : memref<128x128xf32, #tpu.memory_space<vmem>>, vector<1x16xf32>,
        %get3A_94 = vector.shape_cast %get3A_93 : vector<1x16xf32> to vector<16xf32>
        %mul3A_95 = arith.mulf %get3A_94, %div3A_90 : vector<16xf32>
        %swap3A_96 = arith.index_cast %scan3A_57 : i32 to index
        %swap3A_97 = arith.constant 16 : index
        %swap3A_98 = tpu.vector_load %arg8[%swap3A_96, %swap3A_97] {strides = array<i32>} : memref<128x128xf32, #tpu.memory_space<vmem>>, vector<1x16xf32>,
        %swap3A_99 = vector.shape_cast %swap3A_98 : vector<1x16xf32> to vector<16xf32>
        %swap3A_100 = vector.shape_cast %mul3A_95 : vector<16xf32> to vector<1x16xf32>
        tpu.vector_store %arg8[%swap3A_96, %swap3A_97], %swap3A_100 {strides = array<i32>} : memref<128x128xf32, #tpu.memory_space<vmem>>, vector<1x16xf32>,
        %get3A_101 = arith.index_cast %scan3A_57 : i32 to index
        %get3A_102 = arith.constant 32 : index
        %get3A_103 = tpu.vector_load %arg8[%get3A_101, %get3A_102] {strides = array<i32>} : memref<128x128xf32, #tpu.memory_space<vmem>>, vector<1x16xf32>,
        %get3A_104 = vector.shape_cast %get3A_103 : vector<1x16xf32> to vector<16xf32>
        %neg3A_105 = arith.constant 0.000000e+00 : f32
        %neg3A_106 = vector.broadcast %neg3A_105 : f32 to vector<16xf32>
        %neg3A_107 = arith.subf %neg3A_106, %get3A_104 : vector<16xf32>
        %exp3A_108 = math.exp %neg3A_107 : vector<16xf32>
        %add3A_109 = arith.constant 1.000000e+00 : f32
        %add3A_110 = vector.broadcast %add3A_109 : f32 to vector<16xf32>
        %add3A_111 = arith.addf %add3A_110, %exp3A_108 : vector<16xf32>
        %div3A_112 = arith.constant 1.000000e+00 : f32
        %div3A_113 = vector.broadcast %div3A_112 : f32 to vector<16xf32>
        %div3A_114 = arith.divf %div3A_113, %add3A_111 : vector<16xf32>
        %get3A_115 = arith.index_cast %scan3A_57 : i32 to index
        %get3A_116 = arith.constant 32 : index
        %get3A_117 = tpu.vector_load %arg7[%get3A_115, %get3A_116] {strides = array<i32>} : memref<128x128xf32, #tpu.memory_space<vmem>>, vector<1x16xf32>,
        %get3A_118 = vector.shape_cast %get3A_117 : vector<1x16xf32> to vector<16xf32>
        %mul3A_119 = arith.mulf %get3A_118, %div3A_114 : vector<16xf32>
        %swap3A_120 = arith.index_cast %scan3A_57 : i32 to index
        %swap3A_121 = arith.constant 32 : index
        %swap3A_122 = tpu.vector_load %arg8[%swap3A_120, %swap3A_121] {strides = array<i32>} : memref<128x128xf32, #tpu.memory_space<vmem>>, vector<1x16xf32>,
        %swap3A_123 = vector.shape_cast %swap3A_122 : vector<1x16xf32> to vector<16xf32>
        %swap3A_124 = vector.shape_cast %mul3A_119 : vector<16xf32> to vector<1x16xf32>
        tpu.vector_store %arg8[%swap3A_120, %swap3A_121], %swap3A_124 {strides = array<i32>} : memref<128x128xf32, #tpu.memory_space<vmem>>, vector<1x16xf32>,
        %get3A_125 = arith.index_cast %scan3A_57 : i32 to index
        %get3A_126 = arith.constant 48 : index
        %get3A_127 = tpu.vector_load %arg8[%get3A_125, %get3A_126] {strides = array<i32>} : memref<128x128xf32, #tpu.memory_space<vmem>>, vector<1x16xf32>,
        %get3A_128 = vector.shape_cast %get3A_127 : vector<1x16xf32> to vector<16xf32>
        %neg3A_129 = arith.constant 0.000000e+00 : f32
        %neg3A_130 = vector.broadcast %neg3A_129 : f32 to vector<16xf32>
        %neg3A_131 = arith.subf %neg3A_130, %get3A_128 : vector<16xf32>
        %exp3A_132 = math.exp %neg3A_131 : vector<16xf32>
        %add3A_133 = arith.constant 1.000000e+00 : f32
        %add3A_134 = vector.broadcast %add3A_133 : f32 to vector<16xf32>
        %add3A_135 = arith.addf %add3A_134, %exp3A_132 : vector<16xf32>
        %div3A_136 = arith.constant 1.000000e+00 : f32
        %div3A_137 = vector.broadcast %div3A_136 : f32 to vector<16xf32>
        %div3A_138 = arith.divf %div3A_137, %add3A_135 : vector<16xf32>
        %get3A_139 = arith.index_cast %scan3A_57 : i32 to index
        %get3A_140 = arith.constant 48 : index
        %get3A_141 = tpu.vector_load %arg7[%get3A_139, %get3A_140] {strides = array<i32>} : memref<128x128xf32, #tpu.memory_space<vmem>>, vector<1x16xf32>,
        %get3A_142 = vector.shape_cast %get3A_141 : vector<1x16xf32> to vector<16xf32>
        %mul3A_143 = arith.mulf %get3A_142, %div3A_138 : vector<16xf32>
        %swap3A_144 = arith.index_cast %scan3A_57 : i32 to index
        %swap3A_145 = arith.constant 48 : index
        %swap3A_146 = tpu.vector_load %arg8[%swap3A_144, %swap3A_145] {strides = array<i32>} : memref<128x128xf32, #tpu.memory_space<vmem>>, vector<1x16xf32>,
        %swap3A_147 = vector.shape_cast %swap3A_146 : vector<1x16xf32> to vector<16xf32>
        %swap3A_148 = vector.shape_cast %mul3A_143 : vector<16xf32> to vector<1x16xf32>
        tpu.vector_store %arg8[%swap3A_144, %swap3A_145], %swap3A_148 {strides = array<i32>} : memref<128x128xf32, #tpu.memory_space<vmem>>, vector<1x16xf32>,
        %get3A_149 = arith.index_cast %scan3A_57 : i32 to index
        %get3A_150 = arith.constant 64 : index
        %get3A_151 = tpu.vector_load %arg8[%get3A_149, %get3A_150] {strides = array<i32>} : memref<128x128xf32, #tpu.memory_space<vmem>>, vector<1x16xf32>,
        %get3A_152 = vector.shape_cast %get3A_151 : vector<1x16xf32> to vector<16xf32>
        %neg3A_153 = arith.constant 0.000000e+00 : f32
        %neg3A_154 = vector.broadcast %neg3A_153 : f32 to vector<16xf32>
        %neg3A_155 = arith.subf %neg3A_154, %get3A_152 : vector<16xf32>
        %exp3A_156 = math.exp %neg3A_155 : vector<16xf32>
        %add3A_157 = arith.constant 1.000000e+00 : f32
        %add3A_158 = vector.broadcast %add3A_157 : f32 to vector<16xf32>
        %add3A_159 = arith.addf %add3A_158, %exp3A_156 : vector<16xf32>
        %div3A_160 = arith.constant 1.000000e+00 : f32
        %div3A_161 = vector.broadcast %div3A_160 : f32 to vector<16xf32>
        %div3A_162 = arith.divf %div3A_161, %add3A_159 : vector<16xf32>
        %get3A_163 = arith.index_cast %scan3A_57 : i32 to index
        %get3A_164 = arith.constant 64 : index
        %get3A_165 = tpu.vector_load %arg7[%get3A_163, %get3A_164] {strides = array<i32>} : memref<128x128xf32, #tpu.memory_space<vmem>>, vector<1x16xf32>,
        %get3A_166 = vector.shape_cast %get3A_165 : vector<1x16xf32> to vector<16xf32>
        %mul3A_167 = arith.mulf %get3A_166, %div3A_162 : vector<16xf32>
        %swap3A_168 = arith.index_cast %scan3A_57 : i32 to index
        %swap3A_169 = arith.constant 64 : index
        %swap3A_170 = tpu.vector_load %arg8[%swap3A_168, %swap3A_169] {strides = array<i32>} : memref<128x128xf32, #tpu.memory_space<vmem>>, vector<1x16xf32>,
        %swap3A_171 = vector.shape_cast %swap3A_170 : vector<1x16xf32> to vector<16xf32>
        %swap3A_172 = vector.shape_cast %mul3A_167 : vector<16xf32> to vector<1x16xf32>
        tpu.vector_store %arg8[%swap3A_168, %swap3A_169], %swap3A_172 {strides = array<i32>} : memref<128x128xf32, #tpu.memory_space<vmem>>, vector<1x16xf32>,
        %get3A_173 = arith.index_cast %scan3A_57 : i32 to index
        %get3A_174 = arith.constant 80 : index
        %get3A_175 = tpu.vector_load %arg8[%get3A_173, %get3A_174] {strides = array<i32>} : memref<128x128xf32, #tpu.memory_space<vmem>>, vector<1x16xf32>,
        %get3A_176 = vector.shape_cast %get3A_175 : vector<1x16xf32> to vector<16xf32>
        %neg3A_177 = arith.constant 0.000000e+00 : f32
        %neg3A_178 = vector.broadcast %neg3A_177 : f32 to vector<16xf32>
        %neg3A_179 = arith.subf %neg3A_178, %get3A_176 : vector<16xf32>
        %exp3A_180 = math.exp %neg3A_179 : vector<16xf32>
        %add3A_181 = arith.constant 1.000000e+00 : f32
        %add3A_182 = vector.broadcast %add3A_181 : f32 to vector<16xf32>
        %add3A_183 = arith.addf %add3A_182, %exp3A_180 : vector<16xf32>
        %div3A_184 = arith.constant 1.000000e+00 : f32
        %div3A_185 = vector.broadcast %div3A_184 : f32 to vector<16xf32>
        %div3A_186 = arith.divf %div3A_185, %add3A_183 : vector<16xf32>
        %get3A_187 = arith.index_cast %scan3A_57 : i32 to index
        %get3A_188 = arith.constant 80 : index
        %get3A_189 = tpu.vector_load %arg7[%get3A_187, %get3A_188] {strides = array<i32>} : memref<128x128xf32, #tpu.memory_space<vmem>>, vector<1x16xf32>,
        %get3A_190 = vector.shape_cast %get3A_189 : vector<1x16xf32> to vector<16xf32>
        %mul3A_191 = arith.mulf %get3A_190, %div3A_186 : vector<16xf32>
        %swap3A_192 = arith.index_cast %scan3A_57 : i32 to index
        %swap3A_193 = arith.constant 80 : index
        %swap3A_194 = tpu.vector_load %arg8[%swap3A_192, %swap3A_193] {strides = array<i32>} : memref<128x128xf32, #tpu.memory_space<vmem>>, vector<1x16xf32>,
        %swap3A_195 = vector.shape_cast %swap3A_194 : vector<1x16xf32> to vector<16xf32>
        %swap3A_196 = vector.shape_cast %mul3A_191 : vector<16xf32> to vector<1x16xf32>
        tpu.vector_store %arg8[%swap3A_192, %swap3A_193], %swap3A_196 {strides = array<i32>} : memref<128x128xf32, #tpu.memory_space<vmem>>, vector<1x16xf32>,
        %get3A_197 = arith.index_cast %scan3A_57 : i32 to index
        %get3A_198 = arith.constant 96 : index
        %get3A_199 = tpu.vector_load %arg8[%get3A_197, %get3A_198] {strides = array<i32>} : memref<128x128xf32, #tpu.memory_space<vmem>>, vector<1x16xf32>,
        %get3A_200 = vector.shape_cast %get3A_199 : vector<1x16xf32> to vector<16xf32>
        %neg3A_201 = arith.constant 0.000000e+00 : f32
        %neg3A_202 = vector.broadcast %neg3A_201 : f32 to vector<16xf32>
        %neg3A_203 = arith.subf %neg3A_202, %get3A_200 : vector<16xf32>
        %exp3A_204 = math.exp %neg3A_203 : vector<16xf32>
        %add3A_205 = arith.constant 1.000000e+00 : f32
        %add3A_206 = vector.broadcast %add3A_205 : f32 to vector<16xf32>
        %add3A_207 = arith.addf %add3A_206, %exp3A_204 : vector<16xf32>
        %div3A_208 = arith.constant 1.000000e+00 : f32
        %div3A_209 = vector.broadcast %div3A_208 : f32 to vector<16xf32>
        %div3A_210 = arith.divf %div3A_209, %add3A_207 : vector<16xf32>
        %get3A_211 = arith.index_cast %scan3A_57 : i32 to index
        %get3A_212 = arith.constant 96 : index
        %get3A_213 = tpu.vector_load %arg7[%get3A_211, %get3A_212] {strides = array<i32>} : memref<128x128xf32, #tpu.memory_space<vmem>>, vector<1x16xf32>,
        %get3A_214 = vector.shape_cast %get3A_213 : vector<1x16xf32> to vector<16xf32>
        %mul3A_215 = arith.mulf %get3A_214, %div3A_210 : vector<16xf32>
        %swap3A_216 = arith.index_cast %scan3A_57 : i32 to index
        %swap3A_217 = arith.constant 96 : index
        %swap3A_218 = tpu.vector_load %arg8[%swap3A_216, %swap3A_217] {strides = array<i32>} : memref<128x128xf32, #tpu.memory_space<vmem>>, vector<1x16xf32>,
        %swap3A_219 = vector.shape_cast %swap3A_218 : vector<1x16xf32> to vector<16xf32>
        %swap3A_220 = vector.shape_cast %mul3A_215 : vector<16xf32> to vector<1x16xf32>
        tpu.vector_store %arg8[%swap3A_216, %swap3A_217], %swap3A_220 {strides = array<i32>} : memref<128x128xf32, #tpu.memory_space<vmem>>, vector<1x16xf32>,
        %get3A_221 = arith.index_cast %scan3A_57 : i32 to index
        %get3A_222 = arith.constant 112 : index
        %get3A_223 = tpu.vector_load %arg8[%get3A_221, %get3A_222] {strides = array<i32>} : memref<128x128xf32, #tpu.memory_space<vmem>>, vector<1x16xf32>,
        %get3A_224 = vector.shape_cast %get3A_223 : vector<1x16xf32> to vector<16xf32>
        %neg3A_225 = arith.constant 0.000000e+00 : f32
        %neg3A_226 = vector.broadcast %neg3A_225 : f32 to vector<16xf32>
        %neg3A_227 = arith.subf %neg3A_226, %get3A_224 : vector<16xf32>
        %exp3A_228 = math.exp %neg3A_227 : vector<16xf32>
        %add3A_229 = arith.constant 1.000000e+00 : f32
        %add3A_230 = vector.broadcast %add3A_229 : f32 to vector<16xf32>
        %add3A_231 = arith.addf %add3A_230, %exp3A_228 : vector<16xf32>
        %div3A_232 = arith.constant 1.000000e+00 : f32
        %div3A_233 = vector.broadcast %div3A_232 : f32 to vector<16xf32>
        %div3A_234 = arith.divf %div3A_233, %add3A_231 : vector<16xf32>
        %get3A_235 = arith.index_cast %scan3A_57 : i32 to index
        %get3A_236 = arith.constant 112 : index
        %get3A_237 = tpu.vector_load %arg7[%get3A_235, %get3A_236] {strides = array<i32>} : memref<128x128xf32, #tpu.memory_space<vmem>>, vector<1x16xf32>,
        %get3A_238 = vector.shape_cast %get3A_237 : vector<1x16xf32> to vector<16xf32>
        %mul3A_239 = arith.mulf %get3A_238, %div3A_234 : vector<16xf32>
        %swap3A_240 = arith.index_cast %scan3A_57 : i32 to index
        %swap3A_241 = arith.constant 112 : index
        %swap3A_242 = tpu.vector_load %arg8[%swap3A_240, %swap3A_241] {strides = array<i32>} : memref<128x128xf32, #tpu.memory_space<vmem>>, vector<1x16xf32>,
        %swap3A_243 = vector.shape_cast %swap3A_242 : vector<1x16xf32> to vector<16xf32>
        %swap3A_244 = vector.shape_cast %mul3A_239 : vector<16xf32> to vector<1x16xf32>
        tpu.vector_store %arg8[%swap3A_240, %swap3A_241], %swap3A_244 {strides = array<i32>} : memref<128x128xf32, #tpu.memory_space<vmem>>, vector<1x16xf32>,
      }
      %scan3A_56 = arith.constant 128 : i32
      "tpu.region"() ({
        %run_scoped3A = tpu.sem_alloc : memref<!tpu.dma_semaphore, #tpu.memory_space<semaphore_mem>>
        %dma_start3A_57 = arith.constant 0 : i32
        %dma_start3A_58 = arith.constant 0 : i32
        %dma_start3A_59 = tpu.memref_slice %arg8[%dma_start3A_57, %dma_start3A_58] : memref<128x128xf32, #tpu.memory_space<vmem>> -> memref<128x128xf32, #tpu.memory_space<vmem>>
        %dma_start3A_60 = arith.constant 0 : i32
        %dma_start3A_61 = tpu.memref_slice %arg5[%multiple_of3A_34, %dma_start3A_60] : memref<320000x128xf32, #tpu.memory_space<hbm>> -> memref<128x128xf32, #tpu.memory_space<hbm>>
        %dma_start3A_62 = arith.constant 0 : i32
        %dma_start3A_63 = tpu.memref_slice %arg5[%multiple_of3A_34, %dma_start3A_62] : memref<320000x128xf32, #tpu.memory_space<hbm>> -> memref<128x128xf32, #tpu.memory_space<hbm>>
        %dma_start3A_64 = arith.constant 0 : i32
        %dma_start3A_65 = arith.constant 0 : i32
        %dma_start3A_66 = tpu.memref_slice %arg8[%dma_start3A_64, %dma_start3A_65] : memref<128x128xf32, #tpu.memory_space<vmem>> -> memref<128x128xf32, #tpu.memory_space<vmem>>
        tpu.enqueue_dma source(%dma_start3A_66 : memref<128x128xf32, #tpu.memory_space<vmem>>) target(%dma_start3A_63 : memref<128x128xf32, #tpu.memory_space<hbm>>) target_semaphore(%run_scoped3A : memref<!tpu.dma_semaphore, #tpu.memory_space<semaphore_mem>>)
        %dma_wait3A_67 = arith.constant 0 : i32
        %dma_wait3A_68 = arith.constant 0 : i32
        %dma_wait3A_69 = tpu.memref_slice %arg8[%dma_wait3A_67, %dma_wait3A_68] : memref<128x128xf32, #tpu.memory_space<vmem>> -> memref<128x128xf32, #tpu.memory_space<vmem>>
        %dma_wait3A_70 = arith.constant 0 : i32
        %dma_wait3A_71 = tpu.memref_slice %arg5[%multiple_of3A_34, %dma_wait3A_70] : memref<320000x128xf32, #tpu.memory_space<hbm>> -> memref<128x128xf32, #tpu.memory_space<hbm>>
        %dma_wait3A_72 = arith.constant 0 : i32
        %dma_wait3A_73 = tpu.memref_slice %arg5[%multiple_of3A_34, %dma_wait3A_72] : memref<320000x128xf32, #tpu.memory_space<hbm>> -> memref<128x128xf32, #tpu.memory_space<hbm>>
        %dma_wait3A_74 = arith.constant 0 : i32
        %dma_wait3A_75 = arith.constant 0 : i32
        %dma_wait3A_76 = tpu.memref_slice %arg8[%dma_wait3A_74, %dma_wait3A_75] : memref<128x128xf32, #tpu.memory_space<vmem>> -> memref<128x128xf32, #tpu.memory_space<vmem>>
        tpu.wait_dma2 semaphore(%run_scoped3A : memref<!tpu.dma_semaphore, #tpu.memory_space<semaphore_mem>>) src(%dma_wait3A_76 : memref<128x128xf32, #tpu.memory_space<vmem>>) dst(%dma_wait3A_73 : memref<128x128xf32, #tpu.memory_space<hbm>>)
        tpu.yield
      }) : () -> ()
    }
    %scan3A_7 = arith.constant 78 : i32
    %add3A_8 = arith.constant 9984 : i32
    %add3A_9 = arith.addi %mul3A_2, %add3A_8 : i32
    %multiple_of3A = tpu.assume_multiple %add3A_9, 8 : i32
    "tpu.region"() ({
      %run_scoped3A = tpu.sem_alloc : memref<!tpu.dma_semaphore, #tpu.memory_space<semaphore_mem>>
      %dma_start3A_30 = arith.constant 0 : i32
      %dma_start3A_31 = tpu.memref_slice %arg6[%dma_start3A_30] : memref<128xi32, #tpu.memory_space<vmem>> -> memref<16xi32, #tpu.memory_space<vmem>>
      %dma_start3A_32 = tpu.memref_slice %arg4[%multiple_of3A] : memref<320000xi32, #tpu.memory_space<hbm>> -> memref<16xi32, #tpu.memory_space<hbm>>
      %dma_start3A_33 = arith.constant 0 : i32
      %dma_start3A_34 = tpu.memref_slice %arg6[%dma_start3A_33] : memref<128xi32, #tpu.memory_space<vmem>> -> memref<16xi32, #tpu.memory_space<vmem>>
      %dma_start3A_35 = tpu.memref_slice %arg4[%multiple_of3A] : memref<320000xi32, #tpu.memory_space<hbm>> -> memref<16xi32, #tpu.memory_space<hbm>>
      tpu.enqueue_dma source(%dma_start3A_35 : memref<16xi32, #tpu.memory_space<hbm>>) target(%dma_start3A_34 : memref<16xi32, #tpu.memory_space<vmem>>) target_semaphore(%run_scoped3A : memref<!tpu.dma_semaphore, #tpu.memory_space<semaphore_mem>>)
      %dma_wait3A_36 = arith.constant 0 : i32
      %dma_wait3A_37 = tpu.memref_slice %arg6[%dma_wait3A_36] : memref<128xi32, #tpu.memory_space<vmem>> -> memref<16xi32, #tpu.memory_space<vmem>>
      %dma_wait3A_38 = tpu.memref_slice %arg4[%multiple_of3A] : memref<320000xi32, #tpu.memory_space<hbm>> -> memref<16xi32, #tpu.memory_space<hbm>>
      %dma_wait3A_39 = arith.constant 0 : i32
      %dma_wait3A_40 = tpu.memref_slice %arg6[%dma_wait3A_39] : memref<128xi32, #tpu.memory_space<vmem>> -> memref<16xi32, #tpu.memory_space<vmem>>
      %dma_wait3A_41 = tpu.memref_slice %arg4[%multiple_of3A] : memref<320000xi32, #tpu.memory_space<hbm>> -> memref<16xi32, #tpu.memory_space<hbm>>
      tpu.wait_dma2 semaphore(%run_scoped3A : memref<!tpu.dma_semaphore, #tpu.memory_space<semaphore_mem>>) src(%dma_wait3A_41 : memref<16xi32, #tpu.memory_space<hbm>>) dst(%dma_wait3A_40 : memref<16xi32, #tpu.memory_space<vmem>>)
      tpu.yield
    }) : () -> ()
    %dma_start3A = arith.constant 0 : i32
    %dma_start3A_10 = arith.constant 0 : i32
    %dma_start3A_11 = tpu.memref_slice %arg7[%dma_start3A, %dma_start3A_10] : memref<128x128xf32, #tpu.memory_space<vmem>> -> memref<16x128xf32, #tpu.memory_space<vmem>>
    %dma_start3A_12 = arith.constant 0 : i32
    %dma_start3A_13 = tpu.memref_slice %arg6[%dma_start3A_12] : memref<128xi32, #tpu.memory_space<vmem>> -> memref<16xi32, #tpu.memory_space<vmem>>
    %dma_start3A_14 = arith.constant 0 : i32
    %dma_start3A_15 = arith.constant 0 : i32
    %dma_start3A_16 = tpu.memref_slice %arg2[%dma_start3A_14, %dma_start3A_15] : memref<10000x128xf32, #tpu.memory_space<hbm>> -> memref<10000x128xf32, #tpu.memory_space<hbm>>
    tpu.enqueue_indirect_dma source(%dma_start3A_16 : memref<10000x128xf32, #tpu.memory_space<hbm>>) target(%dma_start3A_11 : memref<16x128xf32, #tpu.memory_space<vmem>>) offsets(%dma_start3A_13 : memref<16xi32, #tpu.memory_space<vmem>>) semaphore(%arg9 : memref<!tpu.dma_semaphore, #tpu.memory_space<semaphore_mem>>)
    "tpu.region"() ({
      %run_scoped3A = tpu.sem_alloc : memref<!tpu.dma_semaphore, #tpu.memory_space<semaphore_mem>>
      %dma_start3A_30 = arith.constant 0 : i32
      %dma_start3A_31 = arith.constant 0 : i32
      %dma_start3A_32 = tpu.memref_slice %arg8[%dma_start3A_30, %dma_start3A_31] : memref<128x128xf32, #tpu.memory_space<vmem>> -> memref<16x128xf32, #tpu.memory_space<vmem>>
      %dma_start3A_33 = arith.constant 0 : i32
      %dma_start3A_34 = tpu.memref_slice %arg3[%multiple_of3A, %dma_start3A_33] : memref<320000x128xf32, #tpu.memory_space<hbm>> -> memref<16x128xf32, #tpu.memory_space<hbm>>
      %dma_start3A_35 = arith.constant 0 : i32
      %dma_start3A_36 = arith.constant 0 : i32
      %dma_start3A_37 = tpu.memref_slice %arg8[%dma_start3A_35, %dma_start3A_36] : memref<128x128xf32, #tpu.memory_space<vmem>> -> memref<16x128xf32, #tpu.memory_space<vmem>>
      %dma_start3A_38 = arith.constant 0 : i32
      %dma_start3A_39 = tpu.memref_slice %arg3[%multiple_of3A, %dma_start3A_38] : memref<320000x128xf32, #tpu.memory_space<hbm>> -> memref<16x128xf32, #tpu.memory_space<hbm>>
      tpu.enqueue_dma source(%dma_start3A_39 : memref<16x128xf32, #tpu.memory_space<hbm>>) target(%dma_start3A_37 : memref<16x128xf32, #tpu.memory_space<vmem>>) target_semaphore(%run_scoped3A : memref<!tpu.dma_semaphore, #tpu.memory_space<semaphore_mem>>)
      %dma_wait3A_40 = arith.constant 0 : i32
      %dma_wait3A_41 = arith.constant 0 : i32
      %dma_wait3A_42 = tpu.memref_slice %arg8[%dma_wait3A_40, %dma_wait3A_41] : memref<128x128xf32, #tpu.memory_space<vmem>> -> memref<16x128xf32, #tpu.memory_space<vmem>>
      %dma_wait3A_43 = arith.constant 0 : i32
      %dma_wait3A_44 = tpu.memref_slice %arg3[%multiple_of3A, %dma_wait3A_43] : memref<320000x128xf32, #tpu.memory_space<hbm>> -> memref<16x128xf32, #tpu.memory_space<hbm>>
      %dma_wait3A_45 = arith.constant 0 : i32
      %dma_wait3A_46 = arith.constant 0 : i32
      %dma_wait3A_47 = tpu.memref_slice %arg8[%dma_wait3A_45, %dma_wait3A_46] : memref<128x128xf32, #tpu.memory_space<vmem>> -> memref<16x128xf32, #tpu.memory_space<vmem>>
      %dma_wait3A_48 = arith.constant 0 : i32
      %dma_wait3A_49 = tpu.memref_slice %arg3[%multiple_of3A, %dma_wait3A_48] : memref<320000x128xf32, #tpu.memory_space<hbm>> -> memref<16x128xf32, #tpu.memory_space<hbm>>
      tpu.wait_dma2 semaphore(%run_scoped3A : memref<!tpu.dma_semaphore, #tpu.memory_space<semaphore_mem>>) src(%dma_wait3A_49 : memref<16x128xf32, #tpu.memory_space<hbm>>) dst(%dma_wait3A_47 : memref<16x128xf32, #tpu.memory_space<vmem>>)
      tpu.yield
    }) : () -> ()
    %dma_wait3A = arith.constant 0 : i32
    %dma_wait3A_17 = arith.constant 0 : i32
    %dma_wait3A_18 = tpu.memref_slice %arg7[%dma_wait3A, %dma_wait3A_17] : memref<128x128xf32, #tpu.memory_space<vmem>> -> memref<16x128xf32, #tpu.memory_space<vmem>>
    %dma_wait3A_19 = arith.constant 0 : i32
    %dma_wait3A_20 = tpu.memref_slice %arg6[%dma_wait3A_19] : memref<128xi32, #tpu.memory_space<vmem>> -> memref<16xi32, #tpu.memory_space<vmem>>
    %dma_wait3A_21 = arith.constant 0 : i32
    %dma_wait3A_22 = arith.constant 0 : i32
    %dma_wait3A_23 = tpu.memref_slice %arg2[%dma_wait3A_21, %dma_wait3A_22] : memref<10000x128xf32, #tpu.memory_space<hbm>> -> memref<10000x128xf32, #tpu.memory_space<hbm>>
    tpu.wait_indirect_dma semaphore(%arg9 : memref<!tpu.dma_semaphore, #tpu.memory_space<semaphore_mem>>) src(%dma_wait3A_23 : memref<10000x128xf32, #tpu.memory_space<hbm>>) dst(%dma_wait3A_18 : memref<16x128xf32, #tpu.memory_space<vmem>>)
    %scan3A_24 = arith.constant 0 : i32
    %scan3A_25 = arith.constant 0 : i32
    %scan3A_26 = arith.constant 16 : i32
    %scan3A_27 = arith.addi %scan3A_25, %scan3A_26 : i32
    %scan3A_28 = arith.constant 1 : i32
    scf.for %scan3A_30 = %scan3A_25 to %scan3A_27 step %scan3A_28  : i32 {
      %get3A = arith.index_cast %scan3A_30 : i32 to index
      %get3A_31 = arith.constant 0 : index
      %get3A_32 = tpu.vector_load %arg8[%get3A, %get3A_31] {strides = array<i32>} : memref<128x128xf32, #tpu.memory_space<vmem>>, vector<1x16xf32>,
      %get3A_33 = vector.shape_cast %get3A_32 : vector<1x16xf32> to vector<16xf32>
      %neg3A = arith.constant 0.000000e+00 : f32
      %neg3A_34 = vector.broadcast %neg3A : f32 to vector<16xf32>
      %neg3A_35 = arith.subf %neg3A_34, %get3A_33 : vector<16xf32>
      %exp3A = math.exp %neg3A_35 : vector<16xf32>
      %add3A_36 = arith.constant 1.000000e+00 : f32
      %add3A_37 = vector.broadcast %add3A_36 : f32 to vector<16xf32>
      %add3A_38 = arith.addf %add3A_37, %exp3A : vector<16xf32>
      %div3A = arith.constant 1.000000e+00 : f32
      %div3A_39 = vector.broadcast %div3A : f32 to vector<16xf32>
      %div3A_40 = arith.divf %div3A_39, %add3A_38 : vector<16xf32>
      %get3A_41 = arith.index_cast %scan3A_30 : i32 to index
      %get3A_42 = arith.constant 0 : index
      %get3A_43 = tpu.vector_load %arg7[%get3A_41, %get3A_42] {strides = array<i32>} : memref<128x128xf32, #tpu.memory_space<vmem>>, vector<1x16xf32>,
      %get3A_44 = vector.shape_cast %get3A_43 : vector<1x16xf32> to vector<16xf32>
      %mul3A_45 = arith.mulf %get3A_44, %div3A_40 : vector<16xf32>
      %swap3A = arith.index_cast %scan3A_30 : i32 to index
      %swap3A_46 = arith.constant 0 : index
      %swap3A_47 = tpu.vector_load %arg8[%swap3A, %swap3A_46] {strides = array<i32>} : memref<128x128xf32, #tpu.memory_space<vmem>>, vector<1x16xf32>,
      %swap3A_48 = vector.shape_cast %swap3A_47 : vector<1x16xf32> to vector<16xf32>
      %swap3A_49 = vector.shape_cast %mul3A_45 : vector<16xf32> to vector<1x16xf32>
      tpu.vector_store %arg8[%swap3A, %swap3A_46], %swap3A_49 {strides = array<i32>} : memref<128x128xf32, #tpu.memory_space<vmem>>, vector<1x16xf32>,
      %get3A_50 = arith.index_cast %scan3A_30 : i32 to index
      %get3A_51 = arith.constant 16 : index
      %get3A_52 = tpu.vector_load %arg8[%get3A_50, %get3A_51] {strides = array<i32>} : memref<128x128xf32, #tpu.memory_space<vmem>>, vector<1x16xf32>,
      %get3A_53 = vector.shape_cast %get3A_52 : vector<1x16xf32> to vector<16xf32>
      %neg3A_54 = arith.constant 0.000000e+00 : f32
      %neg3A_55 = vector.broadcast %neg3A_54 : f32 to vector<16xf32>
      %neg3A_56 = arith.subf %neg3A_55, %get3A_53 : vector<16xf32>
      %exp3A_57 = math.exp %neg3A_56 : vector<16xf32>
      %add3A_58 = arith.constant 1.000000e+00 : f32
      %add3A_59 = vector.broadcast %add3A_58 : f32 to vector<16xf32>
      %add3A_60 = arith.addf %add3A_59, %exp3A_57 : vector<16xf32>
      %div3A_61 = arith.constant 1.000000e+00 : f32
      %div3A_62 = vector.broadcast %div3A_61 : f32 to vector<16xf32>
      %div3A_63 = arith.divf %div3A_62, %add3A_60 : vector<16xf32>
      %get3A_64 = arith.index_cast %scan3A_30 : i32 to index
      %get3A_65 = arith.constant 16 : index
      %get3A_66 = tpu.vector_load %arg7[%get3A_64, %get3A_65] {strides = array<i32>} : memref<128x128xf32, #tpu.memory_space<vmem>>, vector<1x16xf32>,
      %get3A_67 = vector.shape_cast %get3A_66 : vector<1x16xf32> to vector<16xf32>
      %mul3A_68 = arith.mulf %get3A_67, %div3A_63 : vector<16xf32>
      %swap3A_69 = arith.index_cast %scan3A_30 : i32 to index
      %swap3A_70 = arith.constant 16 : index
      %swap3A_71 = tpu.vector_load %arg8[%swap3A_69, %swap3A_70] {strides = array<i32>} : memref<128x128xf32, #tpu.memory_space<vmem>>, vector<1x16xf32>,
      %swap3A_72 = vector.shape_cast %swap3A_71 : vector<1x16xf32> to vector<16xf32>
      %swap3A_73 = vector.shape_cast %mul3A_68 : vector<16xf32> to vector<1x16xf32>
      tpu.vector_store %arg8[%swap3A_69, %swap3A_70], %swap3A_73 {strides = array<i32>} : memref<128x128xf32, #tpu.memory_space<vmem>>, vector<1x16xf32>,
      %get3A_74 = arith.index_cast %scan3A_30 : i32 to index
      %get3A_75 = arith.constant 32 : index
      %get3A_76 = tpu.vector_load %arg8[%get3A_74, %get3A_75] {strides = array<i32>} : memref<128x128xf32, #tpu.memory_space<vmem>>, vector<1x16xf32>,
      %get3A_77 = vector.shape_cast %get3A_76 : vector<1x16xf32> to vector<16xf32>
      %neg3A_78 = arith.constant 0.000000e+00 : f32
      %neg3A_79 = vector.broadcast %neg3A_78 : f32 to vector<16xf32>
      %neg3A_80 = arith.subf %neg3A_79, %get3A_77 : vector<16xf32>
      %exp3A_81 = math.exp %neg3A_80 : vector<16xf32>
      %add3A_82 = arith.constant 1.000000e+00 : f32
      %add3A_83 = vector.broadcast %add3A_82 : f32 to vector<16xf32>
      %add3A_84 = arith.addf %add3A_83, %exp3A_81 : vector<16xf32>
      %div3A_85 = arith.constant 1.000000e+00 : f32
      %div3A_86 = vector.broadcast %div3A_85 : f32 to vector<16xf32>
      %div3A_87 = arith.divf %div3A_86, %add3A_84 : vector<16xf32>
      %get3A_88 = arith.index_cast %scan3A_30 : i32 to index
      %get3A_89 = arith.constant 32 : index
      %get3A_90 = tpu.vector_load %arg7[%get3A_88, %get3A_89] {strides = array<i32>} : memref<128x128xf32, #tpu.memory_space<vmem>>, vector<1x16xf32>,
      %get3A_91 = vector.shape_cast %get3A_90 : vector<1x16xf32> to vector<16xf32>
      %mul3A_92 = arith.mulf %get3A_91, %div3A_87 : vector<16xf32>
      %swap3A_93 = arith.index_cast %scan3A_30 : i32 to index
      %swap3A_94 = arith.constant 32 : index
      %swap3A_95 = tpu.vector_load %arg8[%swap3A_93, %swap3A_94] {strides = array<i32>} : memref<128x128xf32, #tpu.memory_space<vmem>>, vector<1x16xf32>,
      %swap3A_96 = vector.shape_cast %swap3A_95 : vector<1x16xf32> to vector<16xf32>
      %swap3A_97 = vector.shape_cast %mul3A_92 : vector<16xf32> to vector<1x16xf32>
      tpu.vector_store %arg8[%swap3A_93, %swap3A_94], %swap3A_97 {strides = array<i32>} : memref<128x128xf32, #tpu.memory_space<vmem>>, vector<1x16xf32>,
      %get3A_98 = arith.index_cast %scan3A_30 : i32 to index
      %get3A_99 = arith.constant 48 : index
      %get3A_100 = tpu.vector_load %arg8[%get3A_98, %get3A_99] {strides = array<i32>} : memref<128x128xf32, #tpu.memory_space<vmem>>, vector<1x16xf32>,
      %get3A_101 = vector.shape_cast %get3A_100 : vector<1x16xf32> to vector<16xf32>
      %neg3A_102 = arith.constant 0.000000e+00 : f32
      %neg3A_103 = vector.broadcast %neg3A_102 : f32 to vector<16xf32>
      %neg3A_104 = arith.subf %neg3A_103, %get3A_101 : vector<16xf32>
      %exp3A_105 = math.exp %neg3A_104 : vector<16xf32>
      %add3A_106 = arith.constant 1.000000e+00 : f32
      %add3A_107 = vector.broadcast %add3A_106 : f32 to vector<16xf32>
      %add3A_108 = arith.addf %add3A_107, %exp3A_105 : vector<16xf32>
      %div3A_109 = arith.constant 1.000000e+00 : f32
      %div3A_110 = vector.broadcast %div3A_109 : f32 to vector<16xf32>
      %div3A_111 = arith.divf %div3A_110, %add3A_108 : vector<16xf32>
      %get3A_112 = arith.index_cast %scan3A_30 : i32 to index
      %get3A_113 = arith.constant 48 : index
      %get3A_114 = tpu.vector_load %arg7[%get3A_112, %get3A_113] {strides = array<i32>} : memref<128x128xf32, #tpu.memory_space<vmem>>, vector<1x16xf32>,
      %get3A_115 = vector.shape_cast %get3A_114 : vector<1x16xf32> to vector<16xf32>
      %mul3A_116 = arith.mulf %get3A_115, %div3A_111 : vector<16xf32>
      %swap3A_117 = arith.index_cast %scan3A_30 : i32 to index
      %swap3A_118 = arith.constant 48 : index
      %swap3A_119 = tpu.vector_load %arg8[%swap3A_117, %swap3A_118] {strides = array<i32>} : memref<128x128xf32, #tpu.memory_space<vmem>>, vector<1x16xf32>,
      %swap3A_120 = vector.shape_cast %swap3A_119 : vector<1x16xf32> to vector<16xf32>
      %swap3A_121 = vector.shape_cast %mul3A_116 : vector<16xf32> to vector<1x16xf32>
      tpu.vector_store %arg8[%swap3A_117, %swap3A_118], %swap3A_121 {strides = array<i32>} : memref<128x128xf32, #tpu.memory_space<vmem>>, vector<1x16xf32>,
      %get3A_122 = arith.index_cast %scan3A_30 : i32 to index
      %get3A_123 = arith.constant 64 : index
      %get3A_124 = tpu.vector_load %arg8[%get3A_122, %get3A_123] {strides = array<i32>} : memref<128x128xf32, #tpu.memory_space<vmem>>, vector<1x16xf32>,
      %get3A_125 = vector.shape_cast %get3A_124 : vector<1x16xf32> to vector<16xf32>
      %neg3A_126 = arith.constant 0.000000e+00 : f32
      %neg3A_127 = vector.broadcast %neg3A_126 : f32 to vector<16xf32>
      %neg3A_128 = arith.subf %neg3A_127, %get3A_125 : vector<16xf32>
      %exp3A_129 = math.exp %neg3A_128 : vector<16xf32>
      %add3A_130 = arith.constant 1.000000e+00 : f32
      %add3A_131 = vector.broadcast %add3A_130 : f32 to vector<16xf32>
      %add3A_132 = arith.addf %add3A_131, %exp3A_129 : vector<16xf32>
      %div3A_133 = arith.constant 1.000000e+00 : f32
      %div3A_134 = vector.broadcast %div3A_133 : f32 to vector<16xf32>
      %div3A_135 = arith.divf %div3A_134, %add3A_132 : vector<16xf32>
      %get3A_136 = arith.index_cast %scan3A_30 : i32 to index
      %get3A_137 = arith.constant 64 : index
      %get3A_138 = tpu.vector_load %arg7[%get3A_136, %get3A_137] {strides = array<i32>} : memref<128x128xf32, #tpu.memory_space<vmem>>, vector<1x16xf32>,
      %get3A_139 = vector.shape_cast %get3A_138 : vector<1x16xf32> to vector<16xf32>
      %mul3A_140 = arith.mulf %get3A_139, %div3A_135 : vector<16xf32>
      %swap3A_141 = arith.index_cast %scan3A_30 : i32 to index
      %swap3A_142 = arith.constant 64 : index
      %swap3A_143 = tpu.vector_load %arg8[%swap3A_141, %swap3A_142] {strides = array<i32>} : memref<128x128xf32, #tpu.memory_space<vmem>>, vector<1x16xf32>,
      %swap3A_144 = vector.shape_cast %swap3A_143 : vector<1x16xf32> to vector<16xf32>
      %swap3A_145 = vector.shape_cast %mul3A_140 : vector<16xf32> to vector<1x16xf32>
      tpu.vector_store %arg8[%swap3A_141, %swap3A_142], %swap3A_145 {strides = array<i32>} : memref<128x128xf32, #tpu.memory_space<vmem>>, vector<1x16xf32>,
      %get3A_146 = arith.index_cast %scan3A_30 : i32 to index
      %get3A_147 = arith.constant 80 : index
      %get3A_148 = tpu.vector_load %arg8[%get3A_146, %get3A_147] {strides = array<i32>} : memref<128x128xf32, #tpu.memory_space<vmem>>, vector<1x16xf32>,
      %get3A_149 = vector.shape_cast %get3A_148 : vector<1x16xf32> to vector<16xf32>
      %neg3A_150 = arith.constant 0.000000e+00 : f32
      %neg3A_151 = vector.broadcast %neg3A_150 : f32 to vector<16xf32>
      %neg3A_152 = arith.subf %neg3A_151, %get3A_149 : vector<16xf32>
      %exp3A_153 = math.exp %neg3A_152 : vector<16xf32>
      %add3A_154 = arith.constant 1.000000e+00 : f32
      %add3A_155 = vector.broadcast %add3A_154 : f32 to vector<16xf32>
      %add3A_156 = arith.addf %add3A_155, %exp3A_153 : vector<16xf32>
      %div3A_157 = arith.constant 1.000000e+00 : f32
      %div3A_158 = vector.broadcast %div3A_157 : f32 to vector<16xf32>
      %div3A_159 = arith.divf %div3A_158, %add3A_156 : vector<16xf32>
      %get3A_160 = arith.index_cast %scan3A_30 : i32 to index
      %get3A_161 = arith.constant 80 : index
      %get3A_162 = tpu.vector_load %arg7[%get3A_160, %get3A_161] {strides = array<i32>} : memref<128x128xf32, #tpu.memory_space<vmem>>, vector<1x16xf32>,
      %get3A_163 = vector.shape_cast %get3A_162 : vector<1x16xf32> to vector<16xf32>
      %mul3A_164 = arith.mulf %get3A_163, %div3A_159 : vector<16xf32>
      %swap3A_165 = arith.index_cast %scan3A_30 : i32 to index
      %swap3A_166 = arith.constant 80 : index
      %swap3A_167 = tpu.vector_load %arg8[%swap3A_165, %swap3A_166] {strides = array<i32>} : memref<128x128xf32, #tpu.memory_space<vmem>>, vector<1x16xf32>,
      %swap3A_168 = vector.shape_cast %swap3A_167 : vector<1x16xf32> to vector<16xf32>
      %swap3A_169 = vector.shape_cast %mul3A_164 : vector<16xf32> to vector<1x16xf32>
      tpu.vector_store %arg8[%swap3A_165, %swap3A_166], %swap3A_169 {strides = array<i32>} : memref<128x128xf32, #tpu.memory_space<vmem>>, vector<1x16xf32>,
      %get3A_170 = arith.index_cast %scan3A_30 : i32 to index
      %get3A_171 = arith.constant 96 : index
      %get3A_172 = tpu.vector_load %arg8[%get3A_170, %get3A_171] {strides = array<i32>} : memref<128x128xf32, #tpu.memory_space<vmem>>, vector<1x16xf32>,
      %get3A_173 = vector.shape_cast %get3A_172 : vector<1x16xf32> to vector<16xf32>
      %neg3A_174 = arith.constant 0.000000e+00 : f32
      %neg3A_175 = vector.broadcast %neg3A_174 : f32 to vector<16xf32>
      %neg3A_176 = arith.subf %neg3A_175, %get3A_173 : vector<16xf32>
      %exp3A_177 = math.exp %neg3A_176 : vector<16xf32>
      %add3A_178 = arith.constant 1.000000e+00 : f32
      %add3A_179 = vector.broadcast %add3A_178 : f32 to vector<16xf32>
      %add3A_180 = arith.addf %add3A_179, %exp3A_177 : vector<16xf32>
      %div3A_181 = arith.constant 1.000000e+00 : f32
      %div3A_182 = vector.broadcast %div3A_181 : f32 to vector<16xf32>
      %div3A_183 = arith.divf %div3A_182, %add3A_180 : vector<16xf32>
      %get3A_184 = arith.index_cast %scan3A_30 : i32 to index
      %get3A_185 = arith.constant 96 : index
      %get3A_186 = tpu.vector_load %arg7[%get3A_184, %get3A_185] {strides = array<i32>} : memref<128x128xf32, #tpu.memory_space<vmem>>, vector<1x16xf32>,
      %get3A_187 = vector.shape_cast %get3A_186 : vector<1x16xf32> to vector<16xf32>
      %mul3A_188 = arith.mulf %get3A_187, %div3A_183 : vector<16xf32>
      %swap3A_189 = arith.index_cast %scan3A_30 : i32 to index
      %swap3A_190 = arith.constant 96 : index
      %swap3A_191 = tpu.vector_load %arg8[%swap3A_189, %swap3A_190] {strides = array<i32>} : memref<128x128xf32, #tpu.memory_space<vmem>>, vector<1x16xf32>,
      %swap3A_192 = vector.shape_cast %swap3A_191 : vector<1x16xf32> to vector<16xf32>
      %swap3A_193 = vector.shape_cast %mul3A_188 : vector<16xf32> to vector<1x16xf32>
      tpu.vector_store %arg8[%swap3A_189, %swap3A_190], %swap3A_193 {strides = array<i32>} : memref<128x128xf32, #tpu.memory_space<vmem>>, vector<1x16xf32>,
      %get3A_194 = arith.index_cast %scan3A_30 : i32 to index
      %get3A_195 = arith.constant 112 : index
      %get3A_196 = tpu.vector_load %arg8[%get3A_194, %get3A_195] {strides = array<i32>} : memref<128x128xf32, #tpu.memory_space<vmem>>, vector<1x16xf32>,
      %get3A_197 = vector.shape_cast %get3A_196 : vector<1x16xf32> to vector<16xf32>
      %neg3A_198 = arith.constant 0.000000e+00 : f32
      %neg3A_199 = vector.broadcast %neg3A_198 : f32 to vector<16xf32>
      %neg3A_200 = arith.subf %neg3A_199, %get3A_197 : vector<16xf32>
      %exp3A_201 = math.exp %neg3A_200 : vector<16xf32>
      %add3A_202 = arith.constant 1.000000e+00 : f32
      %add3A_203 = vector.broadcast %add3A_202 : f32 to vector<16xf32>
      %add3A_204 = arith.addf %add3A_203, %exp3A_201 : vector<16xf32>
      %div3A_205 = arith.constant 1.000000e+00 : f32
      %div3A_206 = vector.broadcast %div3A_205 : f32 to vector<16xf32>
      %div3A_207 = arith.divf %div3A_206, %add3A_204 : vector<16xf32>
      %get3A_208 = arith.index_cast %scan3A_30 : i32 to index
      %get3A_209 = arith.constant 112 : index
      %get3A_210 = tpu.vector_load %arg7[%get3A_208, %get3A_209] {strides = array<i32>} : memref<128x128xf32, #tpu.memory_space<vmem>>, vector<1x16xf32>,
      %get3A_211 = vector.shape_cast %get3A_210 : vector<1x16xf32> to vector<16xf32>
      %mul3A_212 = arith.mulf %get3A_211, %div3A_207 : vector<16xf32>
      %swap3A_213 = arith.index_cast %scan3A_30 : i32 to index
      %swap3A_214 = arith.constant 112 : index
      %swap3A_215 = tpu.vector_load %arg8[%swap3A_213, %swap3A_214] {strides = array<i32>} : memref<128x128xf32, #tpu.memory_space<vmem>>, vector<1x16xf32>,
      %swap3A_216 = vector.shape_cast %swap3A_215 : vector<1x16xf32> to vector<16xf32>
      %swap3A_217 = vector.shape_cast %mul3A_212 : vector<16xf32> to vector<1x16xf32>
      tpu.vector_store %arg8[%swap3A_213, %swap3A_214], %swap3A_217 {strides = array<i32>} : memref<128x128xf32, #tpu.memory_space<vmem>>, vector<1x16xf32>,
    }
    %scan3A_29 = arith.constant 16 : i32
    "tpu.region"() ({
      %run_scoped3A = tpu.sem_alloc : memref<!tpu.dma_semaphore, #tpu.memory_space<semaphore_mem>>
      %dma_start3A_30 = arith.constant 0 : i32
      %dma_start3A_31 = arith.constant 0 : i32
      %dma_start3A_32 = tpu.memref_slice %arg8[%dma_start3A_30, %dma_start3A_31] : memref<128x128xf32, #tpu.memory_space<vmem>> -> memref<16x128xf32, #tpu.memory_space<vmem>>
      %dma_start3A_33 = arith.constant 0 : i32
      %dma_start3A_34 = tpu.memref_slice %arg5[%multiple_of3A, %dma_start3A_33] : memref<320000x128xf32, #tpu.memory_space<hbm>> -> memref<16x128xf32, #tpu.memory_space<hbm>>
      %dma_start3A_35 = arith.constant 0 : i32
      %dma_start3A_36 = tpu.memref_slice %arg5[%multiple_of3A, %dma_start3A_35] : memref<320000x128xf32, #tpu.memory_space<hbm>> -> memref<16x128xf32, #tpu.memory_space<hbm>>
      %dma_start3A_37 = arith.constant 0 : i32
      %dma_start3A_38 = arith.constant 0 : i32
      %dma_start3A_39 = tpu.memref_slice %arg8[%dma_start3A_37, %dma_start3A_38] : memref<128x128xf32, #tpu.memory_space<vmem>> -> memref<16x128xf32, #tpu.memory_space<vmem>>
      tpu.enqueue_dma source(%dma_start3A_39 : memref<16x128xf32, #tpu.memory_space<vmem>>) target(%dma_start3A_36 : memref<16x128xf32, #tpu.memory_space<hbm>>) target_semaphore(%run_scoped3A : memref<!tpu.dma_semaphore, #tpu.memory_space<semaphore_mem>>)
      %dma_wait3A_40 = arith.constant 0 : i32
      %dma_wait3A_41 = arith.constant 0 : i32
      %dma_wait3A_42 = tpu.memref_slice %arg8[%dma_wait3A_40, %dma_wait3A_41] : memref<128x128xf32, #tpu.memory_space<vmem>> -> memref<16x128xf32, #tpu.memory_space<vmem>>
      %dma_wait3A_43 = arith.constant 0 : i32
      %dma_wait3A_44 = tpu.memref_slice %arg5[%multiple_of3A, %dma_wait3A_43] : memref<320000x128xf32, #tpu.memory_space<hbm>> -> memref<16x128xf32, #tpu.memory_space<hbm>>
      %dma_wait3A_45 = arith.constant 0 : i32
      %dma_wait3A_46 = tpu.memref_slice %arg5[%multiple_of3A, %dma_wait3A_45] : memref<320000x128xf32, #tpu.memory_space<hbm>> -> memref<16x128xf32, #tpu.memory_space<hbm>>
      %dma_wait3A_47 = arith.constant 0 : i32
      %dma_wait3A_48 = arith.constant 0 : i32
      %dma_wait3A_49 = tpu.memref_slice %arg8[%dma_wait3A_47, %dma_wait3A_48] : memref<128x128xf32, #tpu.memory_space<vmem>> -> memref<16x128xf32, #tpu.memory_space<vmem>>
      tpu.wait_dma2 semaphore(%run_scoped3A : memref<!tpu.dma_semaphore, #tpu.memory_space<semaphore_mem>>) src(%dma_wait3A_49 : memref<16x128xf32, #tpu.memory_space<vmem>>) dst(%dma_wait3A_46 : memref<16x128xf32, #tpu.memory_space<hbm>>)
      tpu.yield
    }) : () -> ()
    return
  }
}

#map = affine_map<(d0, d1) -> (0, 0)>
#map1 = affine_map<(d0, d1) -> (0)>
module attributes {stable_mosaic.version = 14 : i64} {
  func.func @sc_final_rows(%arg0: i32, %arg1: i32, %arg2: memref<10000x128xf32, #tpu.memory_space<hbm>>, %arg3: memref<10000x128xf32, #tpu.memory_space<hbm>>, %arg4: memref<8x128xf32, #tpu.memory_space<hbm>>, %arg5: memref<320000xi32, #tpu.memory_space<hbm>>, %arg6: memref<320000xi32, #tpu.memory_space<hbm>>, %arg7: memref<320000x128xf32, #tpu.memory_space<hbm>>, %arg8: memref<128xi32, #tpu.memory_space<vmem>>, %arg9: memref<128xi32, #tpu.memory_space<vmem>>, %arg10: memref<128x128xf32, #tpu.memory_space<vmem>>, %arg11: memref<128x128xf32, #tpu.memory_space<vmem>>, %arg12: memref<8x128xf32, #tpu.memory_space<vmem>>, %arg13: memref<!tpu.dma_semaphore, #tpu.memory_space<semaphore_mem>>, %arg14: memref<!tpu.dma_semaphore, #tpu.memory_space<semaphore_mem>>) attributes {dimension_semantics = [#tpu.dimension_semantics<core_parallel>, #tpu.dimension_semantics<subcore_parallel>], iteration_bounds = array<i64: 2, 16>, scalar_prefetch = 0 : i64, scratch_operands = 7 : i64, tpu.core_type = #tpu.core_type<sc_vector_subcore>, window_params = [{transform_indices = #map}, {transform_indices = #map}, {transform_indices = #map}, {transform_indices = #map1}, {transform_indices = #map1}, {transform_indices = #map}]} {
    %mul3A = arith.constant 2 : i32
    %mul3A_0 = arith.muli %arg1, %mul3A : i32
    %add3A = arith.addi %mul3A_0, %arg0 : i32
    %mul3A_1 = arith.constant 10000 : i32
    %mul3A_2 = arith.muli %add3A, %mul3A_1 : i32
    "tpu.region"() ({
      %run_scoped3A = tpu.sem_alloc : memref<!tpu.dma_semaphore, #tpu.memory_space<semaphore_mem>>
      tpu.enqueue_dma source(%arg4 : memref<8x128xf32, #tpu.memory_space<hbm>>) target(%arg12 : memref<8x128xf32, #tpu.memory_space<vmem>>) target_semaphore(%run_scoped3A : memref<!tpu.dma_semaphore, #tpu.memory_space<semaphore_mem>>)
      tpu.wait_dma2 semaphore(%run_scoped3A : memref<!tpu.dma_semaphore, #tpu.memory_space<semaphore_mem>>) src(%arg4 : memref<8x128xf32, #tpu.memory_space<hbm>>) dst(%arg12 : memref<8x128xf32, #tpu.memory_space<vmem>>)
      tpu.yield
    }) : () -> ()
    %get3A = arith.constant 0 : i32
    %get3A_3 = arith.index_cast %get3A : i32 to index
    %get3A_4 = arith.constant 0 : index
    %get3A_5 = tpu.vector_load %arg12[%get3A_3, %get3A_4] {strides = array<i32>} : memref<8x128xf32, #tpu.memory_space<vmem>>, vector<1x16xf32>,
    %get3A_6 = vector.shape_cast %get3A_5 : vector<1x16xf32> to vector<16xf32>
    %get3A_7 = arith.constant 0 : i32
    %get3A_8 = arith.index_cast %get3A_7 : i32 to index
    %get3A_9 = arith.constant 16 : index
    %get3A_10 = tpu.vector_load %arg12[%get3A_8, %get3A_9] {strides = array<i32>} : memref<8x128xf32, #tpu.memory_space<vmem>>, vector<1x16xf32>,
    %get3A_11 = vector.shape_cast %get3A_10 : vector<1x16xf32> to vector<16xf32>
    %get3A_12 = arith.constant 0 : i32
    %get3A_13 = arith.index_cast %get3A_12 : i32 to index
    %get3A_14 = arith.constant 32 : index
    %get3A_15 = tpu.vector_load %arg12[%get3A_13, %get3A_14] {strides = array<i32>} : memref<8x128xf32, #tpu.memory_space<vmem>>, vector<1x16xf32>,
    %get3A_16 = vector.shape_cast %get3A_15 : vector<1x16xf32> to vector<16xf32>
    %get3A_17 = arith.constant 0 : i32
    %get3A_18 = arith.index_cast %get3A_17 : i32 to index
    %get3A_19 = arith.constant 48 : index
    %get3A_20 = tpu.vector_load %arg12[%get3A_18, %get3A_19] {strides = array<i32>} : memref<8x128xf32, #tpu.memory_space<vmem>>, vector<1x16xf32>,
    %get3A_21 = vector.shape_cast %get3A_20 : vector<1x16xf32> to vector<16xf32>
    %get3A_22 = arith.constant 0 : i32
    %get3A_23 = arith.index_cast %get3A_22 : i32 to index
    %get3A_24 = arith.constant 64 : index
    %get3A_25 = tpu.vector_load %arg12[%get3A_23, %get3A_24] {strides = array<i32>} : memref<8x128xf32, #tpu.memory_space<vmem>>, vector<1x16xf32>,
    %get3A_26 = vector.shape_cast %get3A_25 : vector<1x16xf32> to vector<16xf32>
    %get3A_27 = arith.constant 0 : i32
    %get3A_28 = arith.index_cast %get3A_27 : i32 to index
    %get3A_29 = arith.constant 80 : index
    %get3A_30 = tpu.vector_load %arg12[%get3A_28, %get3A_29] {strides = array<i32>} : memref<8x128xf32, #tpu.memory_space<vmem>>, vector<1x16xf32>,
    %get3A_31 = vector.shape_cast %get3A_30 : vector<1x16xf32> to vector<16xf32>
    %get3A_32 = arith.constant 0 : i32
    %get3A_33 = arith.index_cast %get3A_32 : i32 to index
    %get3A_34 = arith.constant 96 : index
    %get3A_35 = tpu.vector_load %arg12[%get3A_33, %get3A_34] {strides = array<i32>} : memref<8x128xf32, #tpu.memory_space<vmem>>, vector<1x16xf32>,
    %get3A_36 = vector.shape_cast %get3A_35 : vector<1x16xf32> to vector<16xf32>
    %get3A_37 = arith.constant 0 : i32
    %get3A_38 = arith.index_cast %get3A_37 : i32 to index
    %get3A_39 = arith.constant 112 : index
    %get3A_40 = tpu.vector_load %arg12[%get3A_38, %get3A_39] {strides = array<i32>} : memref<8x128xf32, #tpu.memory_space<vmem>>, vector<1x16xf32>,
    %get3A_41 = vector.shape_cast %get3A_40 : vector<1x16xf32> to vector<16xf32>
    %scan3A = arith.constant 0 : i32
    %scan3A_42 = arith.constant 0 : i32
    %scan3A_43 = arith.constant 78 : i32
    %scan3A_44 = arith.addi %scan3A_42, %scan3A_43 : i32
    %scan3A_45 = arith.constant 1 : i32
    scf.for %scan3A_85 = %scan3A_42 to %scan3A_44 step %scan3A_45  : i32 {
      %mul3A_86 = arith.constant 128 : i32
      %mul3A_87 = arith.muli %scan3A_85, %mul3A_86 : i32
      %add3A_88 = arith.addi %mul3A_2, %mul3A_87 : i32
      %multiple_of3A_89 = tpu.assume_multiple %add3A_88, 8 : i32
      "tpu.region"() ({
        %run_scoped3A = tpu.sem_alloc : memref<!tpu.dma_semaphore, #tpu.memory_space<semaphore_mem>>
        %dma_start3A_128 = arith.constant 0 : i32
        %dma_start3A_129 = tpu.memref_slice %arg8[%dma_start3A_128] : memref<128xi32, #tpu.memory_space<vmem>> -> memref<128xi32, #tpu.memory_space<vmem>>
        %dma_start3A_130 = tpu.memref_slice %arg5[%multiple_of3A_89] : memref<320000xi32, #tpu.memory_space<hbm>> -> memref<128xi32, #tpu.memory_space<hbm>>
        %dma_start3A_131 = arith.constant 0 : i32
        %dma_start3A_132 = tpu.memref_slice %arg8[%dma_start3A_131] : memref<128xi32, #tpu.memory_space<vmem>> -> memref<128xi32, #tpu.memory_space<vmem>>
        %dma_start3A_133 = tpu.memref_slice %arg5[%multiple_of3A_89] : memref<320000xi32, #tpu.memory_space<hbm>> -> memref<128xi32, #tpu.memory_space<hbm>>
        tpu.enqueue_dma source(%dma_start3A_133 : memref<128xi32, #tpu.memory_space<hbm>>) target(%dma_start3A_132 : memref<128xi32, #tpu.memory_space<vmem>>) target_semaphore(%run_scoped3A : memref<!tpu.dma_semaphore, #tpu.memory_space<semaphore_mem>>)
        %dma_wait3A_134 = arith.constant 0 : i32
        %dma_wait3A_135 = tpu.memref_slice %arg8[%dma_wait3A_134] : memref<128xi32, #tpu.memory_space<vmem>> -> memref<128xi32, #tpu.memory_space<vmem>>
        %dma_wait3A_136 = tpu.memref_slice %arg5[%multiple_of3A_89] : memref<320000xi32, #tpu.memory_space<hbm>> -> memref<128xi32, #tpu.memory_space<hbm>>
        %dma_wait3A_137 = arith.constant 0 : i32
        %dma_wait3A_138 = tpu.memref_slice %arg8[%dma_wait3A_137] : memref<128xi32, #tpu.memory_space<vmem>> -> memref<128xi32, #tpu.memory_space<vmem>>
        %dma_wait3A_139 = tpu.memref_slice %arg5[%multiple_of3A_89] : memref<320000xi32, #tpu.memory_space<hbm>> -> memref<128xi32, #tpu.memory_space<hbm>>
        tpu.wait_dma2 semaphore(%run_scoped3A : memref<!tpu.dma_semaphore, #tpu.memory_space<semaphore_mem>>) src(%dma_wait3A_139 : memref<128xi32, #tpu.memory_space<hbm>>) dst(%dma_wait3A_138 : memref<128xi32, #tpu.memory_space<vmem>>)
        tpu.yield
      }) : () -> ()
      "tpu.region"() ({
        %run_scoped3A = tpu.sem_alloc : memref<!tpu.dma_semaphore, #tpu.memory_space<semaphore_mem>>
        %dma_start3A_128 = arith.constant 0 : i32
        %dma_start3A_129 = tpu.memref_slice %arg9[%dma_start3A_128] : memref<128xi32, #tpu.memory_space<vmem>> -> memref<128xi32, #tpu.memory_space<vmem>>
        %dma_start3A_130 = tpu.memref_slice %arg6[%multiple_of3A_89] : memref<320000xi32, #tpu.memory_space<hbm>> -> memref<128xi32, #tpu.memory_space<hbm>>
        %dma_start3A_131 = arith.constant 0 : i32
        %dma_start3A_132 = tpu.memref_slice %arg9[%dma_start3A_131] : memref<128xi32, #tpu.memory_space<vmem>> -> memref<128xi32, #tpu.memory_space<vmem>>
        %dma_start3A_133 = tpu.memref_slice %arg6[%multiple_of3A_89] : memref<320000xi32, #tpu.memory_space<hbm>> -> memref<128xi32, #tpu.memory_space<hbm>>
        tpu.enqueue_dma source(%dma_start3A_133 : memref<128xi32, #tpu.memory_space<hbm>>) target(%dma_start3A_132 : memref<128xi32, #tpu.memory_space<vmem>>) target_semaphore(%run_scoped3A : memref<!tpu.dma_semaphore, #tpu.memory_space<semaphore_mem>>)
        %dma_wait3A_134 = arith.constant 0 : i32
        %dma_wait3A_135 = tpu.memref_slice %arg9[%dma_wait3A_134] : memref<128xi32, #tpu.memory_space<vmem>> -> memref<128xi32, #tpu.memory_space<vmem>>
        %dma_wait3A_136 = tpu.memref_slice %arg6[%multiple_of3A_89] : memref<320000xi32, #tpu.memory_space<hbm>> -> memref<128xi32, #tpu.memory_space<hbm>>
        %dma_wait3A_137 = arith.constant 0 : i32
        %dma_wait3A_138 = tpu.memref_slice %arg9[%dma_wait3A_137] : memref<128xi32, #tpu.memory_space<vmem>> -> memref<128xi32, #tpu.memory_space<vmem>>
        %dma_wait3A_139 = tpu.memref_slice %arg6[%multiple_of3A_89] : memref<320000xi32, #tpu.memory_space<hbm>> -> memref<128xi32, #tpu.memory_space<hbm>>
        tpu.wait_dma2 semaphore(%run_scoped3A : memref<!tpu.dma_semaphore, #tpu.memory_space<semaphore_mem>>) src(%dma_wait3A_139 : memref<128xi32, #tpu.memory_space<hbm>>) dst(%dma_wait3A_138 : memref<128xi32, #tpu.memory_space<vmem>>)
        tpu.yield
      }) : () -> ()
      %dma_start3A_90 = arith.constant 0 : i32
      %dma_start3A_91 = arith.constant 0 : i32
      %dma_start3A_92 = tpu.memref_slice %arg10[%dma_start3A_90, %dma_start3A_91] : memref<128x128xf32, #tpu.memory_space<vmem>> -> memref<128x128xf32, #tpu.memory_space<vmem>>
      %dma_start3A_93 = arith.constant 0 : i32
      %dma_start3A_94 = tpu.memref_slice %arg8[%dma_start3A_93] : memref<128xi32, #tpu.memory_space<vmem>> -> memref<128xi32, #tpu.memory_space<vmem>>
      %dma_start3A_95 = arith.constant 0 : i32
      %dma_start3A_96 = arith.constant 0 : i32
      %dma_start3A_97 = tpu.memref_slice %arg2[%dma_start3A_95, %dma_start3A_96] : memref<10000x128xf32, #tpu.memory_space<hbm>> -> memref<10000x128xf32, #tpu.memory_space<hbm>>
      tpu.enqueue_indirect_dma source(%dma_start3A_97 : memref<10000x128xf32, #tpu.memory_space<hbm>>) target(%dma_start3A_92 : memref<128x128xf32, #tpu.memory_space<vmem>>) offsets(%dma_start3A_94 : memref<128xi32, #tpu.memory_space<vmem>>) semaphore(%arg13 : memref<!tpu.dma_semaphore, #tpu.memory_space<semaphore_mem>>)
      %dma_start3A_98 = arith.constant 0 : i32
      %dma_start3A_99 = arith.constant 0 : i32
      %dma_start3A_100 = tpu.memref_slice %arg11[%dma_start3A_98, %dma_start3A_99] : memref<128x128xf32, #tpu.memory_space<vmem>> -> memref<128x128xf32, #tpu.memory_space<vmem>>
      %dma_start3A_101 = arith.constant 0 : i32
      %dma_start3A_102 = tpu.memref_slice %arg9[%dma_start3A_101] : memref<128xi32, #tpu.memory_space<vmem>> -> memref<128xi32, #tpu.memory_space<vmem>>
      %dma_start3A_103 = arith.constant 0 : i32
      %dma_start3A_104 = arith.constant 0 : i32
      %dma_start3A_105 = tpu.memref_slice %arg3[%dma_start3A_103, %dma_start3A_104] : memref<10000x128xf32, #tpu.memory_space<hbm>> -> memref<10000x128xf32, #tpu.memory_space<hbm>>
      tpu.enqueue_indirect_dma source(%dma_start3A_105 : memref<10000x128xf32, #tpu.memory_space<hbm>>) target(%dma_start3A_100 : memref<128x128xf32, #tpu.memory_space<vmem>>) offsets(%dma_start3A_102 : memref<128xi32, #tpu.memory_space<vmem>>) semaphore(%arg14 : memref<!tpu.dma_semaphore, #tpu.memory_space<semaphore_mem>>)
      %dma_wait3A_106 = arith.constant 0 : i32
      %dma_wait3A_107 = arith.constant 0 : i32
      %dma_wait3A_108 = tpu.memref_slice %arg10[%dma_wait3A_106, %dma_wait3A_107] : memref<128x128xf32, #tpu.memory_space<vmem>> -> memref<128x128xf32, #tpu.memory_space<vmem>>
      %dma_wait3A_109 = arith.constant 0 : i32
      %dma_wait3A_110 = tpu.memref_slice %arg8[%dma_wait3A_109] : memref<128xi32, #tpu.memory_space<vmem>> -> memref<128xi32, #tpu.memory_space<vmem>>
      %dma_wait3A_111 = arith.constant 0 : i32
      %dma_wait3A_112 = arith.constant 0 : i32
      %dma_wait3A_113 = tpu.memref_slice %arg2[%dma_wait3A_111, %dma_wait3A_112] : memref<10000x128xf32, #tpu.memory_space<hbm>> -> memref<10000x128xf32, #tpu.memory_space<hbm>>
      tpu.wait_indirect_dma semaphore(%arg13 : memref<!tpu.dma_semaphore, #tpu.memory_space<semaphore_mem>>) src(%dma_wait3A_113 : memref<10000x128xf32, #tpu.memory_space<hbm>>) dst(%dma_wait3A_108 : memref<128x128xf32, #tpu.memory_space<vmem>>)
      %dma_wait3A_114 = arith.constant 0 : i32
      %dma_wait3A_115 = arith.constant 0 : i32
      %dma_wait3A_116 = tpu.memref_slice %arg11[%dma_wait3A_114, %dma_wait3A_115] : memref<128x128xf32, #tpu.memory_space<vmem>> -> memref<128x128xf32, #tpu.memory_space<vmem>>
      %dma_wait3A_117 = arith.constant 0 : i32
      %dma_wait3A_118 = tpu.memref_slice %arg9[%dma_wait3A_117] : memref<128xi32, #tpu.memory_space<vmem>> -> memref<128xi32, #tpu.memory_space<vmem>>
      %dma_wait3A_119 = arith.constant 0 : i32
      %dma_wait3A_120 = arith.constant 0 : i32
      %dma_wait3A_121 = tpu.memref_slice %arg3[%dma_wait3A_119, %dma_wait3A_120] : memref<10000x128xf32, #tpu.memory_space<hbm>> -> memref<10000x128xf32, #tpu.memory_space<hbm>>
      tpu.wait_indirect_dma semaphore(%arg14 : memref<!tpu.dma_semaphore, #tpu.memory_space<semaphore_mem>>) src(%dma_wait3A_121 : memref<10000x128xf32, #tpu.memory_space<hbm>>) dst(%dma_wait3A_116 : memref<128x128xf32, #tpu.memory_space<vmem>>)
      %scan3A_122 = arith.constant 0 : i32
      %scan3A_123 = arith.constant 0 : i32
      %scan3A_124 = arith.constant 128 : i32
      %scan3A_125 = arith.addi %scan3A_123, %scan3A_124 : i32
      %scan3A_126 = arith.constant 1 : i32
      scf.for %scan3A_128 = %scan3A_123 to %scan3A_125 step %scan3A_126  : i32 {
        %get3A_129 = arith.index_cast %scan3A_128 : i32 to index
        %get3A_130 = arith.constant 0 : index
        %get3A_131 = tpu.vector_load %arg10[%get3A_129, %get3A_130] {strides = array<i32>} : memref<128x128xf32, #tpu.memory_space<vmem>>, vector<1x16xf32>,
        %get3A_132 = vector.shape_cast %get3A_131 : vector<1x16xf32> to vector<16xf32>
        %get3A_133 = arith.index_cast %scan3A_128 : i32 to index
        %get3A_134 = arith.constant 0 : index
        %get3A_135 = tpu.vector_load %arg11[%get3A_133, %get3A_134] {strides = array<i32>} : memref<128x128xf32, #tpu.memory_space<vmem>>, vector<1x16xf32>,
        %get3A_136 = vector.shape_cast %get3A_135 : vector<1x16xf32> to vector<16xf32>
        %add3A_137 = arith.addf %get3A_132, %get3A_136 : vector<16xf32>
        %add3A_138 = arith.addf %add3A_137, %get3A_6 : vector<16xf32>
        %max3A = arith.constant 0.000000e+00 : f32
        %max3A_139 = vector.broadcast %max3A : f32 to vector<16xf32>
        %max3A_140 = arith.maximumf %add3A_138, %max3A_139 : vector<16xf32>
        %swap3A = arith.index_cast %scan3A_128 : i32 to index
        %swap3A_141 = arith.constant 0 : index
        %swap3A_142 = tpu.vector_load %arg10[%swap3A, %swap3A_141] {strides = array<i32>} : memref<128x128xf32, #tpu.memory_space<vmem>>, vector<1x16xf32>,
        %swap3A_143 = vector.shape_cast %swap3A_142 : vector<1x16xf32> to vector<16xf32>
        %swap3A_144 = vector.shape_cast %max3A_140 : vector<16xf32> to vector<1x16xf32>
        tpu.vector_store %arg10[%swap3A, %swap3A_141], %swap3A_144 {strides = array<i32>} : memref<128x128xf32, #tpu.memory_space<vmem>>, vector<1x16xf32>,
        %get3A_145 = arith.index_cast %scan3A_128 : i32 to index
        %get3A_146 = arith.constant 16 : index
        %get3A_147 = tpu.vector_load %arg10[%get3A_145, %get3A_146] {strides = array<i32>} : memref<128x128xf32, #tpu.memory_space<vmem>>, vector<1x16xf32>,
        %get3A_148 = vector.shape_cast %get3A_147 : vector<1x16xf32> to vector<16xf32>
        %get3A_149 = arith.index_cast %scan3A_128 : i32 to index
        %get3A_150 = arith.constant 16 : index
        %get3A_151 = tpu.vector_load %arg11[%get3A_149, %get3A_150] {strides = array<i32>} : memref<128x128xf32, #tpu.memory_space<vmem>>, vector<1x16xf32>,
        %get3A_152 = vector.shape_cast %get3A_151 : vector<1x16xf32> to vector<16xf32>
        %add3A_153 = arith.addf %get3A_148, %get3A_152 : vector<16xf32>
        %add3A_154 = arith.addf %add3A_153, %get3A_11 : vector<16xf32>
        %max3A_155 = arith.constant 0.000000e+00 : f32
        %max3A_156 = vector.broadcast %max3A_155 : f32 to vector<16xf32>
        %max3A_157 = arith.maximumf %add3A_154, %max3A_156 : vector<16xf32>
        %swap3A_158 = arith.index_cast %scan3A_128 : i32 to index
        %swap3A_159 = arith.constant 16 : index
        %swap3A_160 = tpu.vector_load %arg10[%swap3A_158, %swap3A_159] {strides = array<i32>} : memref<128x128xf32, #tpu.memory_space<vmem>>, vector<1x16xf32>,
        %swap3A_161 = vector.shape_cast %swap3A_160 : vector<1x16xf32> to vector<16xf32>
        %swap3A_162 = vector.shape_cast %max3A_157 : vector<16xf32> to vector<1x16xf32>
        tpu.vector_store %arg10[%swap3A_158, %swap3A_159], %swap3A_162 {strides = array<i32>} : memref<128x128xf32, #tpu.memory_space<vmem>>, vector<1x16xf32>,
        %get3A_163 = arith.index_cast %scan3A_128 : i32 to index
        %get3A_164 = arith.constant 32 : index
        %get3A_165 = tpu.vector_load %arg10[%get3A_163, %get3A_164] {strides = array<i32>} : memref<128x128xf32, #tpu.memory_space<vmem>>, vector<1x16xf32>,
        %get3A_166 = vector.shape_cast %get3A_165 : vector<1x16xf32> to vector<16xf32>
        %get3A_167 = arith.index_cast %scan3A_128 : i32 to index
        %get3A_168 = arith.constant 32 : index
        %get3A_169 = tpu.vector_load %arg11[%get3A_167, %get3A_168] {strides = array<i32>} : memref<128x128xf32, #tpu.memory_space<vmem>>, vector<1x16xf32>,
        %get3A_170 = vector.shape_cast %get3A_169 : vector<1x16xf32> to vector<16xf32>
        %add3A_171 = arith.addf %get3A_166, %get3A_170 : vector<16xf32>
        %add3A_172 = arith.addf %add3A_171, %get3A_16 : vector<16xf32>
        %max3A_173 = arith.constant 0.000000e+00 : f32
        %max3A_174 = vector.broadcast %max3A_173 : f32 to vector<16xf32>
        %max3A_175 = arith.maximumf %add3A_172, %max3A_174 : vector<16xf32>
        %swap3A_176 = arith.index_cast %scan3A_128 : i32 to index
        %swap3A_177 = arith.constant 32 : index
        %swap3A_178 = tpu.vector_load %arg10[%swap3A_176, %swap3A_177] {strides = array<i32>} : memref<128x128xf32, #tpu.memory_space<vmem>>, vector<1x16xf32>,
        %swap3A_179 = vector.shape_cast %swap3A_178 : vector<1x16xf32> to vector<16xf32>
        %swap3A_180 = vector.shape_cast %max3A_175 : vector<16xf32> to vector<1x16xf32>
        tpu.vector_store %arg10[%swap3A_176, %swap3A_177], %swap3A_180 {strides = array<i32>} : memref<128x128xf32, #tpu.memory_space<vmem>>, vector<1x16xf32>,
        %get3A_181 = arith.index_cast %scan3A_128 : i32 to index
        %get3A_182 = arith.constant 48 : index
        %get3A_183 = tpu.vector_load %arg10[%get3A_181, %get3A_182] {strides = array<i32>} : memref<128x128xf32, #tpu.memory_space<vmem>>, vector<1x16xf32>,
        %get3A_184 = vector.shape_cast %get3A_183 : vector<1x16xf32> to vector<16xf32>
        %get3A_185 = arith.index_cast %scan3A_128 : i32 to index
        %get3A_186 = arith.constant 48 : index
        %get3A_187 = tpu.vector_load %arg11[%get3A_185, %get3A_186] {strides = array<i32>} : memref<128x128xf32, #tpu.memory_space<vmem>>, vector<1x16xf32>,
        %get3A_188 = vector.shape_cast %get3A_187 : vector<1x16xf32> to vector<16xf32>
        %add3A_189 = arith.addf %get3A_184, %get3A_188 : vector<16xf32>
        %add3A_190 = arith.addf %add3A_189, %get3A_21 : vector<16xf32>
        %max3A_191 = arith.constant 0.000000e+00 : f32
        %max3A_192 = vector.broadcast %max3A_191 : f32 to vector<16xf32>
        %max3A_193 = arith.maximumf %add3A_190, %max3A_192 : vector<16xf32>
        %swap3A_194 = arith.index_cast %scan3A_128 : i32 to index
        %swap3A_195 = arith.constant 48 : index
        %swap3A_196 = tpu.vector_load %arg10[%swap3A_194, %swap3A_195] {strides = array<i32>} : memref<128x128xf32, #tpu.memory_space<vmem>>, vector<1x16xf32>,
        %swap3A_197 = vector.shape_cast %swap3A_196 : vector<1x16xf32> to vector<16xf32>
        %swap3A_198 = vector.shape_cast %max3A_193 : vector<16xf32> to vector<1x16xf32>
        tpu.vector_store %arg10[%swap3A_194, %swap3A_195], %swap3A_198 {strides = array<i32>} : memref<128x128xf32, #tpu.memory_space<vmem>>, vector<1x16xf32>,
        %get3A_199 = arith.index_cast %scan3A_128 : i32 to index
        %get3A_200 = arith.constant 64 : index
        %get3A_201 = tpu.vector_load %arg10[%get3A_199, %get3A_200] {strides = array<i32>} : memref<128x128xf32, #tpu.memory_space<vmem>>, vector<1x16xf32>,
        %get3A_202 = vector.shape_cast %get3A_201 : vector<1x16xf32> to vector<16xf32>
        %get3A_203 = arith.index_cast %scan3A_128 : i32 to index
        %get3A_204 = arith.constant 64 : index
        %get3A_205 = tpu.vector_load %arg11[%get3A_203, %get3A_204] {strides = array<i32>} : memref<128x128xf32, #tpu.memory_space<vmem>>, vector<1x16xf32>,
        %get3A_206 = vector.shape_cast %get3A_205 : vector<1x16xf32> to vector<16xf32>
        %add3A_207 = arith.addf %get3A_202, %get3A_206 : vector<16xf32>
        %add3A_208 = arith.addf %add3A_207, %get3A_26 : vector<16xf32>
        %max3A_209 = arith.constant 0.000000e+00 : f32
        %max3A_210 = vector.broadcast %max3A_209 : f32 to vector<16xf32>
        %max3A_211 = arith.maximumf %add3A_208, %max3A_210 : vector<16xf32>
        %swap3A_212 = arith.index_cast %scan3A_128 : i32 to index
        %swap3A_213 = arith.constant 64 : index
        %swap3A_214 = tpu.vector_load %arg10[%swap3A_212, %swap3A_213] {strides = array<i32>} : memref<128x128xf32, #tpu.memory_space<vmem>>, vector<1x16xf32>,
        %swap3A_215 = vector.shape_cast %swap3A_214 : vector<1x16xf32> to vector<16xf32>
        %swap3A_216 = vector.shape_cast %max3A_211 : vector<16xf32> to vector<1x16xf32>
        tpu.vector_store %arg10[%swap3A_212, %swap3A_213], %swap3A_216 {strides = array<i32>} : memref<128x128xf32, #tpu.memory_space<vmem>>, vector<1x16xf32>,
        %get3A_217 = arith.index_cast %scan3A_128 : i32 to index
        %get3A_218 = arith.constant 80 : index
        %get3A_219 = tpu.vector_load %arg10[%get3A_217, %get3A_218] {strides = array<i32>} : memref<128x128xf32, #tpu.memory_space<vmem>>, vector<1x16xf32>,
        %get3A_220 = vector.shape_cast %get3A_219 : vector<1x16xf32> to vector<16xf32>
        %get3A_221 = arith.index_cast %scan3A_128 : i32 to index
        %get3A_222 = arith.constant 80 : index
        %get3A_223 = tpu.vector_load %arg11[%get3A_221, %get3A_222] {strides = array<i32>} : memref<128x128xf32, #tpu.memory_space<vmem>>, vector<1x16xf32>,
        %get3A_224 = vector.shape_cast %get3A_223 : vector<1x16xf32> to vector<16xf32>
        %add3A_225 = arith.addf %get3A_220, %get3A_224 : vector<16xf32>
        %add3A_226 = arith.addf %add3A_225, %get3A_31 : vector<16xf32>
        %max3A_227 = arith.constant 0.000000e+00 : f32
        %max3A_228 = vector.broadcast %max3A_227 : f32 to vector<16xf32>
        %max3A_229 = arith.maximumf %add3A_226, %max3A_228 : vector<16xf32>
        %swap3A_230 = arith.index_cast %scan3A_128 : i32 to index
        %swap3A_231 = arith.constant 80 : index
        %swap3A_232 = tpu.vector_load %arg10[%swap3A_230, %swap3A_231] {strides = array<i32>} : memref<128x128xf32, #tpu.memory_space<vmem>>, vector<1x16xf32>,
        %swap3A_233 = vector.shape_cast %swap3A_232 : vector<1x16xf32> to vector<16xf32>
        %swap3A_234 = vector.shape_cast %max3A_229 : vector<16xf32> to vector<1x16xf32>
        tpu.vector_store %arg10[%swap3A_230, %swap3A_231], %swap3A_234 {strides = array<i32>} : memref<128x128xf32, #tpu.memory_space<vmem>>, vector<1x16xf32>,
        %get3A_235 = arith.index_cast %scan3A_128 : i32 to index
        %get3A_236 = arith.constant 96 : index
        %get3A_237 = tpu.vector_load %arg10[%get3A_235, %get3A_236] {strides = array<i32>} : memref<128x128xf32, #tpu.memory_space<vmem>>, vector<1x16xf32>,
        %get3A_238 = vector.shape_cast %get3A_237 : vector<1x16xf32> to vector<16xf32>
        %get3A_239 = arith.index_cast %scan3A_128 : i32 to index
        %get3A_240 = arith.constant 96 : index
        %get3A_241 = tpu.vector_load %arg11[%get3A_239, %get3A_240] {strides = array<i32>} : memref<128x128xf32, #tpu.memory_space<vmem>>, vector<1x16xf32>,
        %get3A_242 = vector.shape_cast %get3A_241 : vector<1x16xf32> to vector<16xf32>
        %add3A_243 = arith.addf %get3A_238, %get3A_242 : vector<16xf32>
        %add3A_244 = arith.addf %add3A_243, %get3A_36 : vector<16xf32>
        %max3A_245 = arith.constant 0.000000e+00 : f32
        %max3A_246 = vector.broadcast %max3A_245 : f32 to vector<16xf32>
        %max3A_247 = arith.maximumf %add3A_244, %max3A_246 : vector<16xf32>
        %swap3A_248 = arith.index_cast %scan3A_128 : i32 to index
        %swap3A_249 = arith.constant 96 : index
        %swap3A_250 = tpu.vector_load %arg10[%swap3A_248, %swap3A_249] {strides = array<i32>} : memref<128x128xf32, #tpu.memory_space<vmem>>, vector<1x16xf32>,
        %swap3A_251 = vector.shape_cast %swap3A_250 : vector<1x16xf32> to vector<16xf32>
        %swap3A_252 = vector.shape_cast %max3A_247 : vector<16xf32> to vector<1x16xf32>
        tpu.vector_store %arg10[%swap3A_248, %swap3A_249], %swap3A_252 {strides = array<i32>} : memref<128x128xf32, #tpu.memory_space<vmem>>, vector<1x16xf32>,
        %get3A_253 = arith.index_cast %scan3A_128 : i32 to index
        %get3A_254 = arith.constant 112 : index
        %get3A_255 = tpu.vector_load %arg10[%get3A_253, %get3A_254] {strides = array<i32>} : memref<128x128xf32, #tpu.memory_space<vmem>>, vector<1x16xf32>,
        %get3A_256 = vector.shape_cast %get3A_255 : vector<1x16xf32> to vector<16xf32>
        %get3A_257 = arith.index_cast %scan3A_128 : i32 to index
        %get3A_258 = arith.constant 112 : index
        %get3A_259 = tpu.vector_load %arg11[%get3A_257, %get3A_258] {strides = array<i32>} : memref<128x128xf32, #tpu.memory_space<vmem>>, vector<1x16xf32>,
        %get3A_260 = vector.shape_cast %get3A_259 : vector<1x16xf32> to vector<16xf32>
        %add3A_261 = arith.addf %get3A_256, %get3A_260 : vector<16xf32>
        %add3A_262 = arith.addf %add3A_261, %get3A_41 : vector<16xf32>
        %max3A_263 = arith.constant 0.000000e+00 : f32
        %max3A_264 = vector.broadcast %max3A_263 : f32 to vector<16xf32>
        %max3A_265 = arith.maximumf %add3A_262, %max3A_264 : vector<16xf32>
        %swap3A_266 = arith.index_cast %scan3A_128 : i32 to index
        %swap3A_267 = arith.constant 112 : index
        %swap3A_268 = tpu.vector_load %arg10[%swap3A_266, %swap3A_267] {strides = array<i32>} : memref<128x128xf32, #tpu.memory_space<vmem>>, vector<1x16xf32>,
        %swap3A_269 = vector.shape_cast %swap3A_268 : vector<1x16xf32> to vector<16xf32>
        %swap3A_270 = vector.shape_cast %max3A_265 : vector<16xf32> to vector<1x16xf32>
        tpu.vector_store %arg10[%swap3A_266, %swap3A_267], %swap3A_270 {strides = array<i32>} : memref<128x128xf32, #tpu.memory_space<vmem>>, vector<1x16xf32>,
      }
      %scan3A_127 = arith.constant 128 : i32
      "tpu.region"() ({
        %run_scoped3A = tpu.sem_alloc : memref<!tpu.dma_semaphore, #tpu.memory_space<semaphore_mem>>
        %dma_start3A_128 = arith.constant 0 : i32
        %dma_start3A_129 = arith.constant 0 : i32
        %dma_start3A_130 = tpu.memref_slice %arg10[%dma_start3A_128, %dma_start3A_129] : memref<128x128xf32, #tpu.memory_space<vmem>> -> memref<128x128xf32, #tpu.memory_space<vmem>>
        %dma_start3A_131 = arith.constant 0 : i32
        %dma_start3A_132 = tpu.memref_slice %arg7[%multiple_of3A_89, %dma_start3A_131] : memref<320000x128xf32, #tpu.memory_space<hbm>> -> memref<128x128xf32, #tpu.memory_space<hbm>>
        %dma_start3A_133 = arith.constant 0 : i32
        %dma_start3A_134 = tpu.memref_slice %arg7[%multiple_of3A_89, %dma_start3A_133] : memref<320000x128xf32, #tpu.memory_space<hbm>> -> memref<128x128xf32, #tpu.memory_space<hbm>>
        %dma_start3A_135 = arith.constant 0 : i32
        %dma_start3A_136 = arith.constant 0 : i32
        %dma_start3A_137 = tpu.memref_slice %arg10[%dma_start3A_135, %dma_start3A_136] : memref<128x128xf32, #tpu.memory_space<vmem>> -> memref<128x128xf32, #tpu.memory_space<vmem>>
        tpu.enqueue_dma source(%dma_start3A_137 : memref<128x128xf32, #tpu.memory_space<vmem>>) target(%dma_start3A_134 : memref<128x128xf32, #tpu.memory_space<hbm>>) target_semaphore(%run_scoped3A : memref<!tpu.dma_semaphore, #tpu.memory_space<semaphore_mem>>)
        %dma_wait3A_138 = arith.constant 0 : i32
        %dma_wait3A_139 = arith.constant 0 : i32
        %dma_wait3A_140 = tpu.memref_slice %arg10[%dma_wait3A_138, %dma_wait3A_139] : memref<128x128xf32, #tpu.memory_space<vmem>> -> memref<128x128xf32, #tpu.memory_space<vmem>>
        %dma_wait3A_141 = arith.constant 0 : i32
        %dma_wait3A_142 = tpu.memref_slice %arg7[%multiple_of3A_89, %dma_wait3A_141] : memref<320000x128xf32, #tpu.memory_space<hbm>> -> memref<128x128xf32, #tpu.memory_space<hbm>>
        %dma_wait3A_143 = arith.constant 0 : i32
        %dma_wait3A_144 = tpu.memref_slice %arg7[%multiple_of3A_89, %dma_wait3A_143] : memref<320000x128xf32, #tpu.memory_space<hbm>> -> memref<128x128xf32, #tpu.memory_space<hbm>>
        %dma_wait3A_145 = arith.constant 0 : i32
        %dma_wait3A_146 = arith.constant 0 : i32
        %dma_wait3A_147 = tpu.memref_slice %arg10[%dma_wait3A_145, %dma_wait3A_146] : memref<128x128xf32, #tpu.memory_space<vmem>> -> memref<128x128xf32, #tpu.memory_space<vmem>>
        tpu.wait_dma2 semaphore(%run_scoped3A : memref<!tpu.dma_semaphore, #tpu.memory_space<semaphore_mem>>) src(%dma_wait3A_147 : memref<128x128xf32, #tpu.memory_space<vmem>>) dst(%dma_wait3A_144 : memref<128x128xf32, #tpu.memory_space<hbm>>)
        tpu.yield
      }) : () -> ()
    }
    %scan3A_46 = arith.constant 78 : i32
    %add3A_47 = arith.constant 9984 : i32
    %add3A_48 = arith.addi %mul3A_2, %add3A_47 : i32
    %multiple_of3A = tpu.assume_multiple %add3A_48, 8 : i32
    "tpu.region"() ({
      %run_scoped3A = tpu.sem_alloc : memref<!tpu.dma_semaphore, #tpu.memory_space<semaphore_mem>>
      %dma_start3A_85 = arith.constant 0 : i32
      %dma_start3A_86 = tpu.memref_slice %arg8[%dma_start3A_85] : memref<128xi32, #tpu.memory_space<vmem>> -> memref<16xi32, #tpu.memory_space<vmem>>
      %dma_start3A_87 = tpu.memref_slice %arg5[%multiple_of3A] : memref<320000xi32, #tpu.memory_space<hbm>> -> memref<16xi32, #tpu.memory_space<hbm>>
      %dma_start3A_88 = arith.constant 0 : i32
      %dma_start3A_89 = tpu.memref_slice %arg8[%dma_start3A_88] : memref<128xi32, #tpu.memory_space<vmem>> -> memref<16xi32, #tpu.memory_space<vmem>>
      %dma_start3A_90 = tpu.memref_slice %arg5[%multiple_of3A] : memref<320000xi32, #tpu.memory_space<hbm>> -> memref<16xi32, #tpu.memory_space<hbm>>
      tpu.enqueue_dma source(%dma_start3A_90 : memref<16xi32, #tpu.memory_space<hbm>>) target(%dma_start3A_89 : memref<16xi32, #tpu.memory_space<vmem>>) target_semaphore(%run_scoped3A : memref<!tpu.dma_semaphore, #tpu.memory_space<semaphore_mem>>)
      %dma_wait3A_91 = arith.constant 0 : i32
      %dma_wait3A_92 = tpu.memref_slice %arg8[%dma_wait3A_91] : memref<128xi32, #tpu.memory_space<vmem>> -> memref<16xi32, #tpu.memory_space<vmem>>
      %dma_wait3A_93 = tpu.memref_slice %arg5[%multiple_of3A] : memref<320000xi32, #tpu.memory_space<hbm>> -> memref<16xi32, #tpu.memory_space<hbm>>
      %dma_wait3A_94 = arith.constant 0 : i32
      %dma_wait3A_95 = tpu.memref_slice %arg8[%dma_wait3A_94] : memref<128xi32, #tpu.memory_space<vmem>> -> memref<16xi32, #tpu.memory_space<vmem>>
      %dma_wait3A_96 = tpu.memref_slice %arg5[%multiple_of3A] : memref<320000xi32, #tpu.memory_space<hbm>> -> memref<16xi32, #tpu.memory_space<hbm>>
      tpu.wait_dma2 semaphore(%run_scoped3A : memref<!tpu.dma_semaphore, #tpu.memory_space<semaphore_mem>>) src(%dma_wait3A_96 : memref<16xi32, #tpu.memory_space<hbm>>) dst(%dma_wait3A_95 : memref<16xi32, #tpu.memory_space<vmem>>)
      tpu.yield
    }) : () -> ()
    "tpu.region"() ({
      %run_scoped3A = tpu.sem_alloc : memref<!tpu.dma_semaphore, #tpu.memory_space<semaphore_mem>>
      %dma_start3A_85 = arith.constant 0 : i32
      %dma_start3A_86 = tpu.memref_slice %arg9[%dma_start3A_85] : memref<128xi32, #tpu.memory_space<vmem>> -> memref<16xi32, #tpu.memory_space<vmem>>
      %dma_start3A_87 = tpu.memref_slice %arg6[%multiple_of3A] : memref<320000xi32, #tpu.memory_space<hbm>> -> memref<16xi32, #tpu.memory_space<hbm>>
      %dma_start3A_88 = arith.constant 0 : i32
      %dma_start3A_89 = tpu.memref_slice %arg9[%dma_start3A_88] : memref<128xi32, #tpu.memory_space<vmem>> -> memref<16xi32, #tpu.memory_space<vmem>>
      %dma_start3A_90 = tpu.memref_slice %arg6[%multiple_of3A] : memref<320000xi32, #tpu.memory_space<hbm>> -> memref<16xi32, #tpu.memory_space<hbm>>
      tpu.enqueue_dma source(%dma_start3A_90 : memref<16xi32, #tpu.memory_space<hbm>>) target(%dma_start3A_89 : memref<16xi32, #tpu.memory_space<vmem>>) target_semaphore(%run_scoped3A : memref<!tpu.dma_semaphore, #tpu.memory_space<semaphore_mem>>)
      %dma_wait3A_91 = arith.constant 0 : i32
      %dma_wait3A_92 = tpu.memref_slice %arg9[%dma_wait3A_91] : memref<128xi32, #tpu.memory_space<vmem>> -> memref<16xi32, #tpu.memory_space<vmem>>
      %dma_wait3A_93 = tpu.memref_slice %arg6[%multiple_of3A] : memref<320000xi32, #tpu.memory_space<hbm>> -> memref<16xi32, #tpu.memory_space<hbm>>
      %dma_wait3A_94 = arith.constant 0 : i32
      %dma_wait3A_95 = tpu.memref_slice %arg9[%dma_wait3A_94] : memref<128xi32, #tpu.memory_space<vmem>> -> memref<16xi32, #tpu.memory_space<vmem>>
      %dma_wait3A_96 = tpu.memref_slice %arg6[%multiple_of3A] : memref<320000xi32, #tpu.memory_space<hbm>> -> memref<16xi32, #tpu.memory_space<hbm>>
      tpu.wait_dma2 semaphore(%run_scoped3A : memref<!tpu.dma_semaphore, #tpu.memory_space<semaphore_mem>>) src(%dma_wait3A_96 : memref<16xi32, #tpu.memory_space<hbm>>) dst(%dma_wait3A_95 : memref<16xi32, #tpu.memory_space<vmem>>)
      tpu.yield
    }) : () -> ()
    %dma_start3A = arith.constant 0 : i32
    %dma_start3A_49 = arith.constant 0 : i32
    %dma_start3A_50 = tpu.memref_slice %arg10[%dma_start3A, %dma_start3A_49] : memref<128x128xf32, #tpu.memory_space<vmem>> -> memref<16x128xf32, #tpu.memory_space<vmem>>
    %dma_start3A_51 = arith.constant 0 : i32
    %dma_start3A_52 = tpu.memref_slice %arg8[%dma_start3A_51] : memref<128xi32, #tpu.memory_space<vmem>> -> memref<16xi32, #tpu.memory_space<vmem>>
    %dma_start3A_53 = arith.constant 0 : i32
    %dma_start3A_54 = arith.constant 0 : i32
    %dma_start3A_55 = tpu.memref_slice %arg2[%dma_start3A_53, %dma_start3A_54] : memref<10000x128xf32, #tpu.memory_space<hbm>> -> memref<10000x128xf32, #tpu.memory_space<hbm>>
    tpu.enqueue_indirect_dma source(%dma_start3A_55 : memref<10000x128xf32, #tpu.memory_space<hbm>>) target(%dma_start3A_50 : memref<16x128xf32, #tpu.memory_space<vmem>>) offsets(%dma_start3A_52 : memref<16xi32, #tpu.memory_space<vmem>>) semaphore(%arg13 : memref<!tpu.dma_semaphore, #tpu.memory_space<semaphore_mem>>)
    %dma_start3A_56 = arith.constant 0 : i32
    %dma_start3A_57 = arith.constant 0 : i32
    %dma_start3A_58 = tpu.memref_slice %arg11[%dma_start3A_56, %dma_start3A_57] : memref<128x128xf32, #tpu.memory_space<vmem>> -> memref<16x128xf32, #tpu.memory_space<vmem>>
    %dma_start3A_59 = arith.constant 0 : i32
    %dma_start3A_60 = tpu.memref_slice %arg9[%dma_start3A_59] : memref<128xi32, #tpu.memory_space<vmem>> -> memref<16xi32, #tpu.memory_space<vmem>>
    %dma_start3A_61 = arith.constant 0 : i32
    %dma_start3A_62 = arith.constant 0 : i32
    %dma_start3A_63 = tpu.memref_slice %arg3[%dma_start3A_61, %dma_start3A_62] : memref<10000x128xf32, #tpu.memory_space<hbm>> -> memref<10000x128xf32, #tpu.memory_space<hbm>>
    tpu.enqueue_indirect_dma source(%dma_start3A_63 : memref<10000x128xf32, #tpu.memory_space<hbm>>) target(%dma_start3A_58 : memref<16x128xf32, #tpu.memory_space<vmem>>) offsets(%dma_start3A_60 : memref<16xi32, #tpu.memory_space<vmem>>) semaphore(%arg14 : memref<!tpu.dma_semaphore, #tpu.memory_space<semaphore_mem>>)
    %dma_wait3A = arith.constant 0 : i32
    %dma_wait3A_64 = arith.constant 0 : i32
    %dma_wait3A_65 = tpu.memref_slice %arg10[%dma_wait3A, %dma_wait3A_64] : memref<128x128xf32, #tpu.memory_space<vmem>> -> memref<16x128xf32, #tpu.memory_space<vmem>>
    %dma_wait3A_66 = arith.constant 0 : i32
    %dma_wait3A_67 = tpu.memref_slice %arg8[%dma_wait3A_66] : memref<128xi32, #tpu.memory_space<vmem>> -> memref<16xi32, #tpu.memory_space<vmem>>
    %dma_wait3A_68 = arith.constant 0 : i32
    %dma_wait3A_69 = arith.constant 0 : i32
    %dma_wait3A_70 = tpu.memref_slice %arg2[%dma_wait3A_68, %dma_wait3A_69] : memref<10000x128xf32, #tpu.memory_space<hbm>> -> memref<10000x128xf32, #tpu.memory_space<hbm>>
    tpu.wait_indirect_dma semaphore(%arg13 : memref<!tpu.dma_semaphore, #tpu.memory_space<semaphore_mem>>) src(%dma_wait3A_70 : memref<10000x128xf32, #tpu.memory_space<hbm>>) dst(%dma_wait3A_65 : memref<16x128xf32, #tpu.memory_space<vmem>>)
    %dma_wait3A_71 = arith.constant 0 : i32
    %dma_wait3A_72 = arith.constant 0 : i32
    %dma_wait3A_73 = tpu.memref_slice %arg11[%dma_wait3A_71, %dma_wait3A_72] : memref<128x128xf32, #tpu.memory_space<vmem>> -> memref<16x128xf32, #tpu.memory_space<vmem>>
    %dma_wait3A_74 = arith.constant 0 : i32
    %dma_wait3A_75 = tpu.memref_slice %arg9[%dma_wait3A_74] : memref<128xi32, #tpu.memory_space<vmem>> -> memref<16xi32, #tpu.memory_space<vmem>>
    %dma_wait3A_76 = arith.constant 0 : i32
    %dma_wait3A_77 = arith.constant 0 : i32
    %dma_wait3A_78 = tpu.memref_slice %arg3[%dma_wait3A_76, %dma_wait3A_77] : memref<10000x128xf32, #tpu.memory_space<hbm>> -> memref<10000x128xf32, #tpu.memory_space<hbm>>
    tpu.wait_indirect_dma semaphore(%arg14 : memref<!tpu.dma_semaphore, #tpu.memory_space<semaphore_mem>>) src(%dma_wait3A_78 : memref<10000x128xf32, #tpu.memory_space<hbm>>) dst(%dma_wait3A_73 : memref<16x128xf32, #tpu.memory_space<vmem>>)
    %scan3A_79 = arith.constant 0 : i32
    %scan3A_80 = arith.constant 0 : i32
    %scan3A_81 = arith.constant 16 : i32
    %scan3A_82 = arith.addi %scan3A_80, %scan3A_81 : i32
    %scan3A_83 = arith.constant 1 : i32
    scf.for %scan3A_85 = %scan3A_80 to %scan3A_82 step %scan3A_83  : i32 {
      %get3A_86 = arith.index_cast %scan3A_85 : i32 to index
      %get3A_87 = arith.constant 0 : index
      %get3A_88 = tpu.vector_load %arg10[%get3A_86, %get3A_87] {strides = array<i32>} : memref<128x128xf32, #tpu.memory_space<vmem>>, vector<1x16xf32>,
      %get3A_89 = vector.shape_cast %get3A_88 : vector<1x16xf32> to vector<16xf32>
      %get3A_90 = arith.index_cast %scan3A_85 : i32 to index
      %get3A_91 = arith.constant 0 : index
      %get3A_92 = tpu.vector_load %arg11[%get3A_90, %get3A_91] {strides = array<i32>} : memref<128x128xf32, #tpu.memory_space<vmem>>, vector<1x16xf32>,
      %get3A_93 = vector.shape_cast %get3A_92 : vector<1x16xf32> to vector<16xf32>
      %add3A_94 = arith.addf %get3A_89, %get3A_93 : vector<16xf32>
      %add3A_95 = arith.addf %add3A_94, %get3A_6 : vector<16xf32>
      %max3A = arith.constant 0.000000e+00 : f32
      %max3A_96 = vector.broadcast %max3A : f32 to vector<16xf32>
      %max3A_97 = arith.maximumf %add3A_95, %max3A_96 : vector<16xf32>
      %swap3A = arith.index_cast %scan3A_85 : i32 to index
      %swap3A_98 = arith.constant 0 : index
      %swap3A_99 = tpu.vector_load %arg10[%swap3A, %swap3A_98] {strides = array<i32>} : memref<128x128xf32, #tpu.memory_space<vmem>>, vector<1x16xf32>,
      %swap3A_100 = vector.shape_cast %swap3A_99 : vector<1x16xf32> to vector<16xf32>
      %swap3A_101 = vector.shape_cast %max3A_97 : vector<16xf32> to vector<1x16xf32>
      tpu.vector_store %arg10[%swap3A, %swap3A_98], %swap3A_101 {strides = array<i32>} : memref<128x128xf32, #tpu.memory_space<vmem>>, vector<1x16xf32>,
      %get3A_102 = arith.index_cast %scan3A_85 : i32 to index
      %get3A_103 = arith.constant 16 : index
      %get3A_104 = tpu.vector_load %arg10[%get3A_102, %get3A_103] {strides = array<i32>} : memref<128x128xf32, #tpu.memory_space<vmem>>, vector<1x16xf32>,
      %get3A_105 = vector.shape_cast %get3A_104 : vector<1x16xf32> to vector<16xf32>
      %get3A_106 = arith.index_cast %scan3A_85 : i32 to index
      %get3A_107 = arith.constant 16 : index
      %get3A_108 = tpu.vector_load %arg11[%get3A_106, %get3A_107] {strides = array<i32>} : memref<128x128xf32, #tpu.memory_space<vmem>>, vector<1x16xf32>,
      %get3A_109 = vector.shape_cast %get3A_108 : vector<1x16xf32> to vector<16xf32>
      %add3A_110 = arith.addf %get3A_105, %get3A_109 : vector<16xf32>
      %add3A_111 = arith.addf %add3A_110, %get3A_11 : vector<16xf32>
      %max3A_112 = arith.constant 0.000000e+00 : f32
      %max3A_113 = vector.broadcast %max3A_112 : f32 to vector<16xf32>
      %max3A_114 = arith.maximumf %add3A_111, %max3A_113 : vector<16xf32>
      %swap3A_115 = arith.index_cast %scan3A_85 : i32 to index
      %swap3A_116 = arith.constant 16 : index
      %swap3A_117 = tpu.vector_load %arg10[%swap3A_115, %swap3A_116] {strides = array<i32>} : memref<128x128xf32, #tpu.memory_space<vmem>>, vector<1x16xf32>,
      %swap3A_118 = vector.shape_cast %swap3A_117 : vector<1x16xf32> to vector<16xf32>
      %swap3A_119 = vector.shape_cast %max3A_114 : vector<16xf32> to vector<1x16xf32>
      tpu.vector_store %arg10[%swap3A_115, %swap3A_116], %swap3A_119 {strides = array<i32>} : memref<128x128xf32, #tpu.memory_space<vmem>>, vector<1x16xf32>,
      %get3A_120 = arith.index_cast %scan3A_85 : i32 to index
      %get3A_121 = arith.constant 32 : index
      %get3A_122 = tpu.vector_load %arg10[%get3A_120, %get3A_121] {strides = array<i32>} : memref<128x128xf32, #tpu.memory_space<vmem>>, vector<1x16xf32>,
      %get3A_123 = vector.shape_cast %get3A_122 : vector<1x16xf32> to vector<16xf32>
      %get3A_124 = arith.index_cast %scan3A_85 : i32 to index
      %get3A_125 = arith.constant 32 : index
      %get3A_126 = tpu.vector_load %arg11[%get3A_124, %get3A_125] {strides = array<i32>} : memref<128x128xf32, #tpu.memory_space<vmem>>, vector<1x16xf32>,
      %get3A_127 = vector.shape_cast %get3A_126 : vector<1x16xf32> to vector<16xf32>
      %add3A_128 = arith.addf %get3A_123, %get3A_127 : vector<16xf32>
      %add3A_129 = arith.addf %add3A_128, %get3A_16 : vector<16xf32>
      %max3A_130 = arith.constant 0.000000e+00 : f32
      %max3A_131 = vector.broadcast %max3A_130 : f32 to vector<16xf32>
      %max3A_132 = arith.maximumf %add3A_129, %max3A_131 : vector<16xf32>
      %swap3A_133 = arith.index_cast %scan3A_85 : i32 to index
      %swap3A_134 = arith.constant 32 : index
      %swap3A_135 = tpu.vector_load %arg10[%swap3A_133, %swap3A_134] {strides = array<i32>} : memref<128x128xf32, #tpu.memory_space<vmem>>, vector<1x16xf32>,
      %swap3A_136 = vector.shape_cast %swap3A_135 : vector<1x16xf32> to vector<16xf32>
      %swap3A_137 = vector.shape_cast %max3A_132 : vector<16xf32> to vector<1x16xf32>
      tpu.vector_store %arg10[%swap3A_133, %swap3A_134], %swap3A_137 {strides = array<i32>} : memref<128x128xf32, #tpu.memory_space<vmem>>, vector<1x16xf32>,
      %get3A_138 = arith.index_cast %scan3A_85 : i32 to index
      %get3A_139 = arith.constant 48 : index
      %get3A_140 = tpu.vector_load %arg10[%get3A_138, %get3A_139] {strides = array<i32>} : memref<128x128xf32, #tpu.memory_space<vmem>>, vector<1x16xf32>,
      %get3A_141 = vector.shape_cast %get3A_140 : vector<1x16xf32> to vector<16xf32>
      %get3A_142 = arith.index_cast %scan3A_85 : i32 to index
      %get3A_143 = arith.constant 48 : index
      %get3A_144 = tpu.vector_load %arg11[%get3A_142, %get3A_143] {strides = array<i32>} : memref<128x128xf32, #tpu.memory_space<vmem>>, vector<1x16xf32>,
      %get3A_145 = vector.shape_cast %get3A_144 : vector<1x16xf32> to vector<16xf32>
      %add3A_146 = arith.addf %get3A_141, %get3A_145 : vector<16xf32>
      %add3A_147 = arith.addf %add3A_146, %get3A_21 : vector<16xf32>
      %max3A_148 = arith.constant 0.000000e+00 : f32
      %max3A_149 = vector.broadcast %max3A_148 : f32 to vector<16xf32>
      %max3A_150 = arith.maximumf %add3A_147, %max3A_149 : vector<16xf32>
      %swap3A_151 = arith.index_cast %scan3A_85 : i32 to index
      %swap3A_152 = arith.constant 48 : index
      %swap3A_153 = tpu.vector_load %arg10[%swap3A_151, %swap3A_152] {strides = array<i32>} : memref<128x128xf32, #tpu.memory_space<vmem>>, vector<1x16xf32>,
      %swap3A_154 = vector.shape_cast %swap3A_153 : vector<1x16xf32> to vector<16xf32>
      %swap3A_155 = vector.shape_cast %max3A_150 : vector<16xf32> to vector<1x16xf32>
      tpu.vector_store %arg10[%swap3A_151, %swap3A_152], %swap3A_155 {strides = array<i32>} : memref<128x128xf32, #tpu.memory_space<vmem>>, vector<1x16xf32>,
      %get3A_156 = arith.index_cast %scan3A_85 : i32 to index
      %get3A_157 = arith.constant 64 : index
      %get3A_158 = tpu.vector_load %arg10[%get3A_156, %get3A_157] {strides = array<i32>} : memref<128x128xf32, #tpu.memory_space<vmem>>, vector<1x16xf32>,
      %get3A_159 = vector.shape_cast %get3A_158 : vector<1x16xf32> to vector<16xf32>
      %get3A_160 = arith.index_cast %scan3A_85 : i32 to index
      %get3A_161 = arith.constant 64 : index
      %get3A_162 = tpu.vector_load %arg11[%get3A_160, %get3A_161] {strides = array<i32>} : memref<128x128xf32, #tpu.memory_space<vmem>>, vector<1x16xf32>,
      %get3A_163 = vector.shape_cast %get3A_162 : vector<1x16xf32> to vector<16xf32>
      %add3A_164 = arith.addf %get3A_159, %get3A_163 : vector<16xf32>
      %add3A_165 = arith.addf %add3A_164, %get3A_26 : vector<16xf32>
      %max3A_166 = arith.constant 0.000000e+00 : f32
      %max3A_167 = vector.broadcast %max3A_166 : f32 to vector<16xf32>
      %max3A_168 = arith.maximumf %add3A_165, %max3A_167 : vector<16xf32>
      %swap3A_169 = arith.index_cast %scan3A_85 : i32 to index
      %swap3A_170 = arith.constant 64 : index
      %swap3A_171 = tpu.vector_load %arg10[%swap3A_169, %swap3A_170] {strides = array<i32>} : memref<128x128xf32, #tpu.memory_space<vmem>>, vector<1x16xf32>,
      %swap3A_172 = vector.shape_cast %swap3A_171 : vector<1x16xf32> to vector<16xf32>
      %swap3A_173 = vector.shape_cast %max3A_168 : vector<16xf32> to vector<1x16xf32>
      tpu.vector_store %arg10[%swap3A_169, %swap3A_170], %swap3A_173 {strides = array<i32>} : memref<128x128xf32, #tpu.memory_space<vmem>>, vector<1x16xf32>,
      %get3A_174 = arith.index_cast %scan3A_85 : i32 to index
      %get3A_175 = arith.constant 80 : index
      %get3A_176 = tpu.vector_load %arg10[%get3A_174, %get3A_175] {strides = array<i32>} : memref<128x128xf32, #tpu.memory_space<vmem>>, vector<1x16xf32>,
      %get3A_177 = vector.shape_cast %get3A_176 : vector<1x16xf32> to vector<16xf32>
      %get3A_178 = arith.index_cast %scan3A_85 : i32 to index
      %get3A_179 = arith.constant 80 : index
      %get3A_180 = tpu.vector_load %arg11[%get3A_178, %get3A_179] {strides = array<i32>} : memref<128x128xf32, #tpu.memory_space<vmem>>, vector<1x16xf32>,
      %get3A_181 = vector.shape_cast %get3A_180 : vector<1x16xf32> to vector<16xf32>
      %add3A_182 = arith.addf %get3A_177, %get3A_181 : vector<16xf32>
      %add3A_183 = arith.addf %add3A_182, %get3A_31 : vector<16xf32>
      %max3A_184 = arith.constant 0.000000e+00 : f32
      %max3A_185 = vector.broadcast %max3A_184 : f32 to vector<16xf32>
      %max3A_186 = arith.maximumf %add3A_183, %max3A_185 : vector<16xf32>
      %swap3A_187 = arith.index_cast %scan3A_85 : i32 to index
      %swap3A_188 = arith.constant 80 : index
      %swap3A_189 = tpu.vector_load %arg10[%swap3A_187, %swap3A_188] {strides = array<i32>} : memref<128x128xf32, #tpu.memory_space<vmem>>, vector<1x16xf32>,
      %swap3A_190 = vector.shape_cast %swap3A_189 : vector<1x16xf32> to vector<16xf32>
      %swap3A_191 = vector.shape_cast %max3A_186 : vector<16xf32> to vector<1x16xf32>
      tpu.vector_store %arg10[%swap3A_187, %swap3A_188], %swap3A_191 {strides = array<i32>} : memref<128x128xf32, #tpu.memory_space<vmem>>, vector<1x16xf32>,
      %get3A_192 = arith.index_cast %scan3A_85 : i32 to index
      %get3A_193 = arith.constant 96 : index
      %get3A_194 = tpu.vector_load %arg10[%get3A_192, %get3A_193] {strides = array<i32>} : memref<128x128xf32, #tpu.memory_space<vmem>>, vector<1x16xf32>,
      %get3A_195 = vector.shape_cast %get3A_194 : vector<1x16xf32> to vector<16xf32>
      %get3A_196 = arith.index_cast %scan3A_85 : i32 to index
      %get3A_197 = arith.constant 96 : index
      %get3A_198 = tpu.vector_load %arg11[%get3A_196, %get3A_197] {strides = array<i32>} : memref<128x128xf32, #tpu.memory_space<vmem>>, vector<1x16xf32>,
      %get3A_199 = vector.shape_cast %get3A_198 : vector<1x16xf32> to vector<16xf32>
      %add3A_200 = arith.addf %get3A_195, %get3A_199 : vector<16xf32>
      %add3A_201 = arith.addf %add3A_200, %get3A_36 : vector<16xf32>
      %max3A_202 = arith.constant 0.000000e+00 : f32
      %max3A_203 = vector.broadcast %max3A_202 : f32 to vector<16xf32>
      %max3A_204 = arith.maximumf %add3A_201, %max3A_203 : vector<16xf32>
      %swap3A_205 = arith.index_cast %scan3A_85 : i32 to index
      %swap3A_206 = arith.constant 96 : index
      %swap3A_207 = tpu.vector_load %arg10[%swap3A_205, %swap3A_206] {strides = array<i32>} : memref<128x128xf32, #tpu.memory_space<vmem>>, vector<1x16xf32>,
      %swap3A_208 = vector.shape_cast %swap3A_207 : vector<1x16xf32> to vector<16xf32>
      %swap3A_209 = vector.shape_cast %max3A_204 : vector<16xf32> to vector<1x16xf32>
      tpu.vector_store %arg10[%swap3A_205, %swap3A_206], %swap3A_209 {strides = array<i32>} : memref<128x128xf32, #tpu.memory_space<vmem>>, vector<1x16xf32>,
      %get3A_210 = arith.index_cast %scan3A_85 : i32 to index
      %get3A_211 = arith.constant 112 : index
      %get3A_212 = tpu.vector_load %arg10[%get3A_210, %get3A_211] {strides = array<i32>} : memref<128x128xf32, #tpu.memory_space<vmem>>, vector<1x16xf32>,
      %get3A_213 = vector.shape_cast %get3A_212 : vector<1x16xf32> to vector<16xf32>
      %get3A_214 = arith.index_cast %scan3A_85 : i32 to index
      %get3A_215 = arith.constant 112 : index
      %get3A_216 = tpu.vector_load %arg11[%get3A_214, %get3A_215] {strides = array<i32>} : memref<128x128xf32, #tpu.memory_space<vmem>>, vector<1x16xf32>,
      %get3A_217 = vector.shape_cast %get3A_216 : vector<1x16xf32> to vector<16xf32>
      %add3A_218 = arith.addf %get3A_213, %get3A_217 : vector<16xf32>
      %add3A_219 = arith.addf %add3A_218, %get3A_41 : vector<16xf32>
      %max3A_220 = arith.constant 0.000000e+00 : f32
      %max3A_221 = vector.broadcast %max3A_220 : f32 to vector<16xf32>
      %max3A_222 = arith.maximumf %add3A_219, %max3A_221 : vector<16xf32>
      %swap3A_223 = arith.index_cast %scan3A_85 : i32 to index
      %swap3A_224 = arith.constant 112 : index
      %swap3A_225 = tpu.vector_load %arg10[%swap3A_223, %swap3A_224] {strides = array<i32>} : memref<128x128xf32, #tpu.memory_space<vmem>>, vector<1x16xf32>,
      %swap3A_226 = vector.shape_cast %swap3A_225 : vector<1x16xf32> to vector<16xf32>
      %swap3A_227 = vector.shape_cast %max3A_222 : vector<16xf32> to vector<1x16xf32>
      tpu.vector_store %arg10[%swap3A_223, %swap3A_224], %swap3A_227 {strides = array<i32>} : memref<128x128xf32, #tpu.memory_space<vmem>>, vector<1x16xf32>,
    }
    %scan3A_84 = arith.constant 16 : i32
    "tpu.region"() ({
      %run_scoped3A = tpu.sem_alloc : memref<!tpu.dma_semaphore, #tpu.memory_space<semaphore_mem>>
      %dma_start3A_85 = arith.constant 0 : i32
      %dma_start3A_86 = arith.constant 0 : i32
      %dma_start3A_87 = tpu.memref_slice %arg10[%dma_start3A_85, %dma_start3A_86] : memref<128x128xf32, #tpu.memory_space<vmem>> -> memref<16x128xf32, #tpu.memory_space<vmem>>
      %dma_start3A_88 = arith.constant 0 : i32
      %dma_start3A_89 = tpu.memref_slice %arg7[%multiple_of3A, %dma_start3A_88] : memref<320000x128xf32, #tpu.memory_space<hbm>> -> memref<16x128xf32, #tpu.memory_space<hbm>>
      %dma_start3A_90 = arith.constant 0 : i32
      %dma_start3A_91 = tpu.memref_slice %arg7[%multiple_of3A, %dma_start3A_90] : memref<320000x128xf32, #tpu.memory_space<hbm>> -> memref<16x128xf32, #tpu.memory_space<hbm>>
      %dma_start3A_92 = arith.constant 0 : i32
      %dma_start3A_93 = arith.constant 0 : i32
      %dma_start3A_94 = tpu.memref_slice %arg10[%dma_start3A_92, %dma_start3A_93] : memref<128x128xf32, #tpu.memory_space<vmem>> -> memref<16x128xf32, #tpu.memory_space<vmem>>
      tpu.enqueue_dma source(%dma_start3A_94 : memref<16x128xf32, #tpu.memory_space<vmem>>) target(%dma_start3A_91 : memref<16x128xf32, #tpu.memory_space<hbm>>) target_semaphore(%run_scoped3A : memref<!tpu.dma_semaphore, #tpu.memory_space<semaphore_mem>>)
      %dma_wait3A_95 = arith.constant 0 : i32
      %dma_wait3A_96 = arith.constant 0 : i32
      %dma_wait3A_97 = tpu.memref_slice %arg10[%dma_wait3A_95, %dma_wait3A_96] : memref<128x128xf32, #tpu.memory_space<vmem>> -> memref<16x128xf32, #tpu.memory_space<vmem>>
      %dma_wait3A_98 = arith.constant 0 : i32
      %dma_wait3A_99 = tpu.memref_slice %arg7[%multiple_of3A, %dma_wait3A_98] : memref<320000x128xf32, #tpu.memory_space<hbm>> -> memref<16x128xf32, #tpu.memory_space<hbm>>
      %dma_wait3A_100 = arith.constant 0 : i32
      %dma_wait3A_101 = tpu.memref_slice %arg7[%multiple_of3A, %dma_wait3A_100] : memref<320000x128xf32, #tpu.memory_space<hbm>> -> memref<16x128xf32, #tpu.memory_space<hbm>>
      %dma_wait3A_102 = arith.constant 0 : i32
      %dma_wait3A_103 = arith.constant 0 : i32
      %dma_wait3A_104 = tpu.memref_slice %arg10[%dma_wait3A_102, %dma_wait3A_103] : memref<128x128xf32, #tpu.memory_space<vmem>> -> memref<16x128xf32, #tpu.memory_space<vmem>>
      tpu.wait_dma2 semaphore(%run_scoped3A : memref<!tpu.dma_semaphore, #tpu.memory_space<semaphore_mem>>) src(%dma_wait3A_104 : memref<16x128xf32, #tpu.memory_space<vmem>>) dst(%dma_wait3A_101 : memref<16x128xf32, #tpu.memory_space<hbm>>)
      tpu.yield
    }) : () -> ()
    return
  }
}

module attributes {stable_mosaic.version = 14 : i64} {
  func.func @_prep_body(%arg0: memref<10000x128xf32, #tpu.memory_space<vmem>>, %arg1: memref<128x128xf32, #tpu.memory_space<vmem>>, %arg2: memref<128xf32, #tpu.memory_space<vmem>>, %arg3: memref<128x128xf32, #tpu.memory_space<vmem>>, %arg4: memref<128x128xf32, #tpu.memory_space<vmem>>, %arg5: memref<128x128xf32, #tpu.memory_space<vmem>>, %arg6: memref<128x128xf32, #tpu.memory_space<vmem>>, %arg7: memref<10000x128xf32, #tpu.memory_space<vmem>>, %arg8: memref<10000x128xf32, #tpu.memory_space<vmem>>, %arg9: memref<10000x128xf32, #tpu.memory_space<vmem>>, %arg10: memref<10000x128xf32, #tpu.memory_space<vmem>>, %arg11: memref<10000x128xf32, #tpu.memory_space<vmem>>) attributes {dimension_semantics = [], scalar_prefetch = 0 : i64, scratch_operands = 0 : i64, tpu.core_type = #tpu.core_type<tc>} {
    %get3A = arith.constant 0 : index
    %get3A_0 = arith.constant 0 : index
    %get3A_1 = vector.load %arg0[%get3A, %get3A_0] : memref<10000x128xf32, #tpu.memory_space<vmem>>, vector<10000x128xf32>
    %get3A_2 = arith.constant 0 : index
    %get3A_3 = arith.constant 0 : index
    %get3A_4 = vector.load %arg1[%get3A_2, %get3A_3] : memref<128x128xf32, #tpu.memory_space<vmem>>, vector<128x128xf32>
    %dot_general3A = arith.constant dense<0.000000e+00> : vector<10000x128xf32>
    %dot_general3A_5 = tpu.matmul %get3A_1, %get3A_4, %dot_general3A {dimension_numbers = #tpu.dot_dimension_numbers<[1], [0], [0], [1], [0, 0, 1, 1], [], []>, transpose_lhs_hint = false} : vector<10000x128xf32>, vector<128x128xf32>, vector<10000x128xf32> -> vector<10000x128xf32>
    %get3A_6 = arith.constant 0 : index
    %get3A_7 = vector.load %arg2[%get3A_6] : memref<128xf32, #tpu.memory_space<vmem>>, vector<128xf32>
    %broadcast_in_dim3A = vector.shape_cast %get3A_7 : vector<128xf32> to vector<1x128xf32>
    %add3A = vector.broadcast %broadcast_in_dim3A : vector<1x128xf32> to vector<10000x128xf32>
    %add3A_8 = arith.addf %dot_general3A_5, %add3A : vector<10000x128xf32>
    %swap3A = arith.constant 0 : index
    %swap3A_9 = arith.constant 0 : index
    %swap3A_10 = vector.load %arg7[%swap3A, %swap3A_9] : memref<10000x128xf32, #tpu.memory_space<vmem>>, vector<10000x128xf32>
    tpu.vector_store %arg7[%swap3A, %swap3A_9], %add3A_8 {strides = array<i32>} : memref<10000x128xf32, #tpu.memory_space<vmem>>, vector<10000x128xf32>,
    %get3A_11 = arith.constant 0 : index
    %get3A_12 = arith.constant 0 : index
    %get3A_13 = vector.load %arg3[%get3A_11, %get3A_12] : memref<128x128xf32, #tpu.memory_space<vmem>>, vector<128x128xf32>
    %dot_general3A_14 = arith.constant dense<0.000000e+00> : vector<10000x128xf32>
    %dot_general3A_15 = tpu.matmul %add3A_8, %get3A_13, %dot_general3A_14 {dimension_numbers = #tpu.dot_dimension_numbers<[1], [0], [0], [1], [0, 0, 1, 1], [], []>, transpose_lhs_hint = false} : vector<10000x128xf32>, vector<128x128xf32>, vector<10000x128xf32> -> vector<10000x128xf32>
    %swap3A_16 = arith.constant 0 : index
    %swap3A_17 = arith.constant 0 : index
    %swap3A_18 = vector.load %arg8[%swap3A_16, %swap3A_17] : memref<10000x128xf32, #tpu.memory_space<vmem>>, vector<10000x128xf32>
    tpu.vector_store %arg8[%swap3A_16, %swap3A_17], %dot_general3A_15 {strides = array<i32>} : memref<10000x128xf32, #tpu.memory_space<vmem>>, vector<10000x128xf32>,
    %get3A_19 = arith.constant 0 : index
    %get3A_20 = arith.constant 0 : index
    %get3A_21 = vector.load %arg4[%get3A_19, %get3A_20] : memref<128x128xf32, #tpu.memory_space<vmem>>, vector<128x128xf32>
    %dot_general3A_22 = arith.constant dense<0.000000e+00> : vector<10000x128xf32>
    %dot_general3A_23 = tpu.matmul %add3A_8, %get3A_21, %dot_general3A_22 {dimension_numbers = #tpu.dot_dimension_numbers<[1], [0], [0], [1], [0, 0, 1, 1], [], []>, transpose_lhs_hint = false} : vector<10000x128xf32>, vector<128x128xf32>, vector<10000x128xf32> -> vector<10000x128xf32>
    %swap3A_24 = arith.constant 0 : index
    %swap3A_25 = arith.constant 0 : index
    %swap3A_26 = vector.load %arg9[%swap3A_24, %swap3A_25] : memref<10000x128xf32, #tpu.memory_space<vmem>>, vector<10000x128xf32>
    tpu.vector_store %arg9[%swap3A_24, %swap3A_25], %dot_general3A_23 {strides = array<i32>} : memref<10000x128xf32, #tpu.memory_space<vmem>>, vector<10000x128xf32>,
    %get3A_27 = arith.constant 0 : index
    %get3A_28 = arith.constant 0 : index
    %get3A_29 = vector.load %arg5[%get3A_27, %get3A_28] : memref<128x128xf32, #tpu.memory_space<vmem>>, vector<128x128xf32>
    %dot_general3A_30 = arith.constant dense<0.000000e+00> : vector<10000x128xf32>
    %dot_general3A_31 = tpu.matmul %add3A_8, %get3A_29, %dot_general3A_30 {dimension_numbers = #tpu.dot_dimension_numbers<[1], [0], [0], [1], [0, 0, 1, 1], [], []>, transpose_lhs_hint = false} : vector<10000x128xf32>, vector<128x128xf32>, vector<10000x128xf32> -> vector<10000x128xf32>
    %swap3A_32 = arith.constant 0 : index
    %swap3A_33 = arith.constant 0 : index
    %swap3A_34 = vector.load %arg10[%swap3A_32, %swap3A_33] : memref<10000x128xf32, #tpu.memory_space<vmem>>, vector<10000x128xf32>
    tpu.vector_store %arg10[%swap3A_32, %swap3A_33], %dot_general3A_31 {strides = array<i32>} : memref<10000x128xf32, #tpu.memory_space<vmem>>, vector<10000x128xf32>,
    %get3A_35 = arith.constant 0 : index
    %get3A_36 = arith.constant 0 : index
    %get3A_37 = vector.load %arg6[%get3A_35, %get3A_36] : memref<128x128xf32, #tpu.memory_space<vmem>>, vector<128x128xf32>
    %dot_general3A_38 = arith.constant dense<0.000000e+00> : vector<10000x128xf32>
    %dot_general3A_39 = tpu.matmul %add3A_8, %get3A_37, %dot_general3A_38 {dimension_numbers = #tpu.dot_dimension_numbers<[1], [0], [0], [1], [0, 0, 1, 1], [], []>, transpose_lhs_hint = false} : vector<10000x128xf32>, vector<128x128xf32>, vector<10000x128xf32> -> vector<10000x128xf32>
    %swap3A_40 = arith.constant 0 : index
    %swap3A_41 = arith.constant 0 : index
    %swap3A_42 = vector.load %arg11[%swap3A_40, %swap3A_41] : memref<10000x128xf32, #tpu.memory_space<vmem>>, vector<10000x128xf32>
    tpu.vector_store %arg11[%swap3A_40, %swap3A_41], %dot_general3A_39 {strides = array<i32>} : memref<10000x128xf32, #tpu.memory_space<vmem>>, vector<10000x128xf32>,
    return
  }
}

module attributes {stable_mosaic.version = 14 : i64} {
  func.func @_edge_embed_body(%arg0: i32, %arg1: memref<2000x16xf32, #tpu.memory_space<vmem>>, %arg2: memref<16x128xf32, #tpu.memory_space<vmem>>, %arg3: memref<128xf32, #tpu.memory_space<vmem>>, %arg4: memref<2000x128xf32, #tpu.memory_space<vmem>>) attributes {dimension_semantics = [#tpu.dimension_semantics<arbitrary>], iteration_bounds = array<i64: 160>, scalar_prefetch = 0 : i64, scratch_operands = 0 : i64, tpu.core_type = #tpu.core_type<tc>, window_params = [{transform_indices = @transform_0, window_bounds = array<i64: 2000, 16>}, {pipeline_mode = #tpu.pipeline_mode<synchronous>, transform_indices = @transform_1, window_bounds = array<i64: 16, 128>}, {pipeline_mode = #tpu.pipeline_mode<synchronous>, transform_indices = @transform_2, window_bounds = array<i64: 128>}, {transform_indices = @transform_3, window_bounds = array<i64: 2000, 128>}]} {
    %get3A = arith.constant 0 : index
    %get3A_0 = arith.constant 0 : index
    %get3A_1 = vector.load %arg1[%get3A, %get3A_0] : memref<2000x16xf32, #tpu.memory_space<vmem>>, vector<2000x16xf32>
    %get3A_2 = arith.constant 0 : index
    %get3A_3 = arith.constant 0 : index
    %get3A_4 = vector.load %arg2[%get3A_2, %get3A_3] : memref<16x128xf32, #tpu.memory_space<vmem>>, vector<16x128xf32>
    %dot_general3A = arith.constant dense<0.000000e+00> : vector<2000x128xf32>
    %dot_general3A_5 = tpu.matmul %get3A_1, %get3A_4, %dot_general3A {dimension_numbers = #tpu.dot_dimension_numbers<[1], [0], [0], [1], [0, 0, 1, 1], [], []>, transpose_lhs_hint = false} : vector<2000x16xf32>, vector<16x128xf32>, vector<2000x128xf32> -> vector<2000x128xf32>
    %get3A_6 = arith.constant 0 : index
    %get3A_7 = vector.load %arg3[%get3A_6] : memref<128xf32, #tpu.memory_space<vmem>>, vector<128xf32>
    %broadcast_in_dim3A = vector.shape_cast %get3A_7 : vector<128xf32> to vector<1x128xf32>
    %add3A = vector.broadcast %broadcast_in_dim3A : vector<1x128xf32> to vector<2000x128xf32>
    %add3A_8 = arith.addf %dot_general3A_5, %add3A : vector<2000x128xf32>
    %swap3A = arith.constant 0 : index
    %swap3A_9 = arith.constant 0 : index
    %swap3A_10 = vector.load %arg4[%swap3A, %swap3A_9] : memref<2000x128xf32, #tpu.memory_space<vmem>>, vector<2000x128xf32>
    tpu.vector_store %arg4[%swap3A, %swap3A_9], %add3A_8 {strides = array<i32>} : memref<2000x128xf32, #tpu.memory_space<vmem>>, vector<2000x128xf32>,
    return
  }
  func.func @transform_0(%arg0: i32) -> (i32, i32) {
    %c0_i32 = arith.constant 0 : i32
    %c0_i32_0 = arith.constant 0 : i32
    return %arg0, %c0_i32 : i32, i32
  }
  func.func @transform_1(%arg0: i32) -> (i32, i32) {
    %c0_i32 = arith.constant 0 : i32
    %c0_i32_0 = arith.constant 0 : i32
    %c0_i32_1 = arith.constant 0 : i32
    return %c0_i32, %c0_i32_0 : i32, i32
  }
  func.func @transform_2(%arg0: i32) -> i32 {
    %c0_i32 = arith.constant 0 : i32
    %c0_i32_0 = arith.constant 0 : i32
    return %c0_i32 : i32
  }
  func.func @transform_3(%arg0: i32) -> (i32, i32) {
    %c0_i32 = arith.constant 0 : i32
    %c0_i32_0 = arith.constant 0 : i32
    return %arg0, %c0_i32 : i32, i32
  }
}

module attributes {stable_mosaic.version = 14 : i64} {
  func.func @_edge_stats_body(%arg0: i32, %arg1: memref<2000x128xf32, #tpu.memory_space<vmem>>, %arg2: memref<2000x128xf32, #tpu.memory_space<vmem>>, %arg3: memref<128x128xf32, #tpu.memory_space<vmem>>, %arg4: memref<8x128xf32, #tpu.memory_space<vmem>>, %arg5: memref<8x128xf32, #tpu.memory_space<vmem>>) attributes {dimension_semantics = [#tpu.dimension_semantics<arbitrary>], iteration_bounds = array<i64: 160>, scalar_prefetch = 0 : i64, scratch_operands = 1 : i64, tpu.core_type = #tpu.core_type<tc>, window_params = [{transform_indices = @transform_0, window_bounds = array<i64: 2000, 128>}, {transform_indices = @transform_1, window_bounds = array<i64: 2000, 128>}, {pipeline_mode = #tpu.pipeline_mode<synchronous>, transform_indices = @transform_2, window_bounds = array<i64: 128, 128>}, {pipeline_mode = #tpu.pipeline_mode<synchronous>, transform_indices = @transform_3, window_bounds = array<i64: 8, 128>}]} {
    %get3A = arith.constant 0 : index
    %get3A_0 = arith.constant 0 : index
    %get3A_1 = vector.load %arg1[%get3A, %get3A_0] : memref<2000x128xf32, #tpu.memory_space<vmem>>, vector<2000x128xf32>
    %get3A_2 = arith.constant 0 : index
    %get3A_3 = arith.constant 0 : index
    %get3A_4 = vector.load %arg3[%get3A_2, %get3A_3] : memref<128x128xf32, #tpu.memory_space<vmem>>, vector<128x128xf32>
    %dot_general3A = arith.constant dense<0.000000e+00> : vector<2000x128xf32>
    %dot_general3A_5 = tpu.matmul %get3A_1, %get3A_4, %dot_general3A {dimension_numbers = #tpu.dot_dimension_numbers<[1], [0], [0], [1], [0, 0, 1, 1], [], []>, transpose_lhs_hint = false} : vector<2000x128xf32>, vector<128x128xf32>, vector<2000x128xf32> -> vector<2000x128xf32>
    %get3A_6 = arith.constant 0 : index
    %get3A_7 = arith.constant 0 : index
    %get3A_8 = vector.load %arg2[%get3A_6, %get3A_7] : memref<2000x128xf32, #tpu.memory_space<vmem>>, vector<2000x128xf32>
    %add3A = arith.addf %dot_general3A_5, %get3A_8 : vector<2000x128xf32>
    %reduce_sum3A = arith.constant dense<0.000000e+00> : vector<128xf32>
    %reduce_sum3A_9 = vector.multi_reduction <add>, %add3A, %reduce_sum3A [0] : vector<2000x128xf32> to vector<128xf32>
    %mul3A = arith.mulf %add3A, %add3A : vector<2000x128xf32>
    %reduce_sum3A_10 = arith.constant dense<0.000000e+00> : vector<128xf32>
    %reduce_sum3A_11 = vector.multi_reduction <add>, %mul3A, %reduce_sum3A_10 [0] : vector<2000x128xf32> to vector<128xf32>
    %eq3A = arith.constant 0 : i32
    %eq3A_12 = arith.cmpi eq, %arg0, %eq3A : i32
    %convert_element_type3A = arith.extui %eq3A_12 : i1 to i32
    %cond3A = arith.constant 0 : i32
    %cond3A_13 = arith.cmpi ne, %convert_element_type3A, %cond3A : i32
    scf.if %cond3A_13 {
      %broadcast_in_dim3A = arith.constant 0.000000e+00 : f32
      %broadcast_in_dim3A_38 = vector.broadcast %broadcast_in_dim3A : f32 to vector<8x128xf32>
      %swap3A_39 = arith.constant 0 : index
      %swap3A_40 = arith.constant 0 : index
      %swap3A_41 = vector.load %arg5[%swap3A_39, %swap3A_40] : memref<8x128xf32, #tpu.memory_space<vmem>>, vector<8x128xf32>
      tpu.vector_store %arg5[%swap3A_39, %swap3A_40], %broadcast_in_dim3A_38 {strides = array<i32>} : memref<8x128xf32, #tpu.memory_space<vmem>>, vector<8x128xf32>,
    } else {
    }
    %get3A_14 = arith.constant 0 : index
    %get3A_15 = arith.constant 0 : index
    %get3A_16 = vector.load %arg5[%get3A_14, %get3A_15] : memref<8x128xf32, #tpu.memory_space<vmem>>, vector<1x128xf32>
    %get3A_17 = vector.shape_cast %get3A_16 : vector<1x128xf32> to vector<128xf32>
    %add3A_18 = arith.addf %get3A_17, %reduce_sum3A_9 : vector<128xf32>
    %swap3A = arith.constant 0 : index
    %swap3A_19 = arith.constant 0 : index
    %swap3A_20 = vector.load %arg5[%swap3A, %swap3A_19] : memref<8x128xf32, #tpu.memory_space<vmem>>, vector<1x128xf32>
    %swap3A_21 = vector.shape_cast %swap3A_20 : vector<1x128xf32> to vector<128xf32>
    %swap3A_22 = vector.shape_cast %add3A_18 : vector<128xf32> to vector<1x128xf32>
    tpu.vector_store %arg5[%swap3A, %swap3A_19], %swap3A_22 {strides = array<i32>} : memref<8x128xf32, #tpu.memory_space<vmem>>, vector<1x128xf32>,
    %get3A_23 = arith.constant 1 : index
    %get3A_24 = arith.constant 0 : index
    %get3A_25 = vector.load %arg5[%get3A_23, %get3A_24] : memref<8x128xf32, #tpu.memory_space<vmem>>, vector<1x128xf32>
    %get3A_26 = vector.shape_cast %get3A_25 : vector<1x128xf32> to vector<128xf32>
    %add3A_27 = arith.addf %get3A_26, %reduce_sum3A_11 : vector<128xf32>
    %swap3A_28 = arith.constant 1 : index
    %swap3A_29 = arith.constant 0 : index
    %swap3A_30 = vector.load %arg5[%swap3A_28, %swap3A_29] : memref<8x128xf32, #tpu.memory_space<vmem>>, vector<1x128xf32>
    %swap3A_31 = vector.shape_cast %swap3A_30 : vector<1x128xf32> to vector<128xf32>
    %swap3A_32 = vector.shape_cast %add3A_27 : vector<128xf32> to vector<1x128xf32>
    tpu.vector_store %arg5[%swap3A_28, %swap3A_29], %swap3A_32 {strides = array<i32>} : memref<8x128xf32, #tpu.memory_space<vmem>>, vector<1x128xf32>,
    %eq3A_33 = arith.constant 159 : i32
    %eq3A_34 = arith.cmpi eq, %arg0, %eq3A_33 : i32
    %convert_element_type3A_35 = arith.extui %eq3A_34 : i1 to i32
    %cond3A_36 = arith.constant 0 : i32
    %cond3A_37 = arith.cmpi ne, %convert_element_type3A_35, %cond3A_36 : i32
    scf.if %cond3A_37 {
      %get3A_38 = arith.constant 0 : index
      %get3A_39 = arith.constant 0 : index
      %get3A_40 = vector.load %arg5[%get3A_38, %get3A_39] : memref<8x128xf32, #tpu.memory_space<vmem>>, vector<8x128xf32>
      %swap3A_41 = arith.constant 0 : index
      %swap3A_42 = arith.constant 0 : index
      %swap3A_43 = vector.load %arg4[%swap3A_41, %swap3A_42] : memref<8x128xf32, #tpu.memory_space<vmem>>, vector<8x128xf32>
      tpu.vector_store %arg4[%swap3A_41, %swap3A_42], %get3A_40 {strides = array<i32>} : memref<8x128xf32, #tpu.memory_space<vmem>>, vector<8x128xf32>,
    } else {
    }
    return
  }
  func.func @transform_0(%arg0: i32) -> (i32, i32) {
    %c0_i32 = arith.constant 0 : i32
    %c0_i32_0 = arith.constant 0 : i32
    return %arg0, %c0_i32 : i32, i32
  }
  func.func @transform_1(%arg0: i32) -> (i32, i32) {
    %c0_i32 = arith.constant 0 : i32
    %c0_i32_0 = arith.constant 0 : i32
    return %arg0, %c0_i32 : i32, i32
  }
  func.func @transform_2(%arg0: i32) -> (i32, i32) {
    %c0_i32 = arith.constant 0 : i32
    %c0_i32_0 = arith.constant 0 : i32
    %c0_i32_1 = arith.constant 0 : i32
    return %c0_i32, %c0_i32_0 : i32, i32
  }
  func.func @transform_3(%arg0: i32) -> (i32, i32) {
    %c0_i32 = arith.constant 0 : i32
    %c0_i32_0 = arith.constant 0 : i32
    %c0_i32_1 = arith.constant 0 : i32
    return %c0_i32, %c0_i32_0 : i32, i32
  }
}

module attributes {stable_mosaic.version = 14 : i64} {
  func.func @_edge_update_body(%arg0: i32, %arg1: memref<2000x128xf32, #tpu.memory_space<vmem>>, %arg2: memref<2000x128xf32, #tpu.memory_space<vmem>>, %arg3: memref<128x128xf32, #tpu.memory_space<vmem>>, %arg4: memref<8x128xf32, #tpu.memory_space<vmem>>, %arg5: memref<2000x128xf32, #tpu.memory_space<vmem>>) attributes {dimension_semantics = [#tpu.dimension_semantics<arbitrary>], iteration_bounds = array<i64: 160>, scalar_prefetch = 0 : i64, scratch_operands = 0 : i64, tpu.core_type = #tpu.core_type<tc>, window_params = [{transform_indices = @transform_0, window_bounds = array<i64: 2000, 128>}, {transform_indices = @transform_1, window_bounds = array<i64: 2000, 128>}, {pipeline_mode = #tpu.pipeline_mode<synchronous>, transform_indices = @transform_2, window_bounds = array<i64: 128, 128>}, {pipeline_mode = #tpu.pipeline_mode<synchronous>, transform_indices = @transform_3, window_bounds = array<i64: 8, 128>}, {transform_indices = @transform_4, window_bounds = array<i64: 2000, 128>}]} {
    %get3A = arith.constant 0 : index
    %get3A_0 = arith.constant 0 : index
    %get3A_1 = vector.load %arg4[%get3A, %get3A_0] : memref<8x128xf32, #tpu.memory_space<vmem>>, vector<1x128xf32>
    %get3A_2 = vector.shape_cast %get3A_1 : vector<1x128xf32> to vector<128xf32>
    %mul3A = arith.constant 3.125000e-06 : f32
    %mul3A_3 = vector.broadcast %mul3A : f32 to vector<128xf32>
    %mul3A_4 = arith.mulf %get3A_2, %mul3A_3 : vector<128xf32>
    %get3A_5 = arith.constant 1 : index
    %get3A_6 = arith.constant 0 : index
    %get3A_7 = vector.load %arg4[%get3A_5, %get3A_6] : memref<8x128xf32, #tpu.memory_space<vmem>>, vector<1x128xf32>
    %get3A_8 = vector.shape_cast %get3A_7 : vector<1x128xf32> to vector<128xf32>
    %mul3A_9 = arith.constant 3.125000e-06 : f32
    %mul3A_10 = vector.broadcast %mul3A_9 : f32 to vector<128xf32>
    %mul3A_11 = arith.mulf %get3A_8, %mul3A_10 : vector<128xf32>
    %mul3A_12 = arith.mulf %mul3A_4, %mul3A_4 : vector<128xf32>
    %sub3A = arith.subf %mul3A_11, %mul3A_12 : vector<128xf32>
    %get3A_13 = arith.constant 0 : index
    %get3A_14 = arith.constant 0 : index
    %get3A_15 = vector.load %arg1[%get3A_13, %get3A_14] : memref<2000x128xf32, #tpu.memory_space<vmem>>, vector<2000x128xf32>
    %get3A_16 = arith.constant 0 : index
    %get3A_17 = arith.constant 0 : index
    %get3A_18 = vector.load %arg3[%get3A_16, %get3A_17] : memref<128x128xf32, #tpu.memory_space<vmem>>, vector<128x128xf32>
    %dot_general3A = arith.constant dense<0.000000e+00> : vector<2000x128xf32>
    %dot_general3A_19 = tpu.matmul %get3A_15, %get3A_18, %dot_general3A {dimension_numbers = #tpu.dot_dimension_numbers<[1], [0], [0], [1], [0, 0, 1, 1], [], []>, transpose_lhs_hint = false} : vector<2000x128xf32>, vector<128x128xf32>, vector<2000x128xf32> -> vector<2000x128xf32>
    %get3A_20 = arith.constant 0 : index
    %get3A_21 = arith.constant 0 : index
    %get3A_22 = vector.load %arg2[%get3A_20, %get3A_21] : memref<2000x128xf32, #tpu.memory_space<vmem>>, vector<2000x128xf32>
    %add3A = arith.addf %dot_general3A_19, %get3A_22 : vector<2000x128xf32>
    %broadcast_in_dim3A = vector.shape_cast %mul3A_4 : vector<128xf32> to vector<1x128xf32>
    %sub3A_23 = vector.broadcast %broadcast_in_dim3A : vector<1x128xf32> to vector<2000x128xf32>
    %sub3A_24 = arith.subf %add3A, %sub3A_23 : vector<2000x128xf32>
    %add3A_25 = arith.constant 9.99999974E-6 : f32
    %add3A_26 = vector.broadcast %add3A_25 : f32 to vector<128xf32>
    %add3A_27 = arith.addf %sub3A, %add3A_26 : vector<128xf32>
    %rsqrt3A = math.rsqrt %add3A_27 : vector<128xf32>
    %broadcast_in_dim3A_28 = vector.shape_cast %rsqrt3A : vector<128xf32> to vector<1x128xf32>
    %mul3A_29 = vector.broadcast %broadcast_in_dim3A_28 : vector<1x128xf32> to vector<2000x128xf32>
    %mul3A_30 = arith.mulf %sub3A_24, %mul3A_29 : vector<2000x128xf32>
    %get3A_31 = arith.constant 0 : index
    %get3A_32 = arith.constant 0 : index
    %get3A_33 = vector.load %arg1[%get3A_31, %get3A_32] : memref<2000x128xf32, #tpu.memory_space<vmem>>, vector<2000x128xf32>
    %max3A = arith.constant 0.000000e+00 : f32
    %max3A_34 = vector.broadcast %max3A : f32 to vector<2000x128xf32>
    %max3A_35 = arith.maximumf %mul3A_30, %max3A_34 : vector<2000x128xf32>
    %add3A_36 = arith.addf %get3A_33, %max3A_35 : vector<2000x128xf32>
    %swap3A = arith.constant 0 : index
    %swap3A_37 = arith.constant 0 : index
    %swap3A_38 = vector.load %arg5[%swap3A, %swap3A_37] : memref<2000x128xf32, #tpu.memory_space<vmem>>, vector<2000x128xf32>
    tpu.vector_store %arg5[%swap3A, %swap3A_37], %add3A_36 {strides = array<i32>} : memref<2000x128xf32, #tpu.memory_space<vmem>>, vector<2000x128xf32>,
    return
  }
  func.func @transform_0(%arg0: i32) -> (i32, i32) {
    %c0_i32 = arith.constant 0 : i32
    %c0_i32_0 = arith.constant 0 : i32
    return %arg0, %c0_i32 : i32, i32
  }
  func.func @transform_1(%arg0: i32) -> (i32, i32) {
    %c0_i32 = arith.constant 0 : i32
    %c0_i32_0 = arith.constant 0 : i32
    return %arg0, %c0_i32 : i32, i32
  }
  func.func @transform_2(%arg0: i32) -> (i32, i32) {
    %c0_i32 = arith.constant 0 : i32
    %c0_i32_0 = arith.constant 0 : i32
    %c0_i32_1 = arith.constant 0 : i32
    return %c0_i32, %c0_i32_0 : i32, i32
  }
  func.func @transform_3(%arg0: i32) -> (i32, i32) {
    %c0_i32 = arith.constant 0 : i32
    %c0_i32_0 = arith.constant 0 : i32
    %c0_i32_1 = arith.constant 0 : i32
    return %c0_i32, %c0_i32_0 : i32, i32
  }
  func.func @transform_4(%arg0: i32) -> (i32, i32) {
    %c0_i32 = arith.constant 0 : i32
    %c0_i32_0 = arith.constant 0 : i32
    return %arg0, %c0_i32 : i32, i32
  }
}

module attributes {stable_mosaic.version = 14 : i64} {
  func.func @body(%arg0: memref<10000x128xf32, #tpu.memory_space<vmem>>, %arg1: memref<10000x128xf32, #tpu.memory_space<vmem>>, %arg2: memref<10000x128xf32, #tpu.memory_space<vmem>>, %arg3: memref<128x128xf32, #tpu.memory_space<vmem>>, %arg4: memref<128x128xf32, #tpu.memory_space<vmem>>, %arg5: memref<10000x128xf32, #tpu.memory_space<vmem>>, %arg6: memref<10000x128xf32, #tpu.memory_space<vmem>>, %arg7: memref<10000x128xf32, #tpu.memory_space<vmem>>) attributes {dimension_semantics = [], scalar_prefetch = 0 : i64, scratch_operands = 0 : i64, tpu.core_type = #tpu.core_type<tc>} {
    %get3A = arith.constant 0 : index
    %get3A_0 = arith.constant 0 : index
    %get3A_1 = vector.load %arg1[%get3A, %get3A_0] : memref<10000x128xf32, #tpu.memory_space<vmem>>, vector<10000x128xf32>
    %get3A_2 = arith.constant 0 : index
    %get3A_3 = arith.constant 0 : index
    %get3A_4 = vector.load %arg2[%get3A_2, %get3A_3] : memref<10000x128xf32, #tpu.memory_space<vmem>>, vector<10000x128xf32>
    %add3A = arith.addf %get3A_1, %get3A_4 : vector<10000x128xf32>
    %reduce_sum3A = arith.constant dense<0.000000e+00> : vector<128xf32>
    %reduce_sum3A_5 = vector.multi_reduction <add>, %add3A, %reduce_sum3A [0] : vector<10000x128xf32> to vector<128xf32>
    %div3A = arith.constant 1.000000e+04 : f32
    %div3A_6 = vector.broadcast %div3A : f32 to vector<128xf32>
    %div3A_7 = arith.divf %reduce_sum3A_5, %div3A_6 : vector<128xf32>
    %mul3A = arith.mulf %add3A, %add3A : vector<10000x128xf32>
    %reduce_sum3A_8 = arith.constant dense<0.000000e+00> : vector<128xf32>
    %reduce_sum3A_9 = vector.multi_reduction <add>, %mul3A, %reduce_sum3A_8 [0] : vector<10000x128xf32> to vector<128xf32>
    %div3A_10 = arith.constant 1.000000e+04 : f32
    %div3A_11 = vector.broadcast %div3A_10 : f32 to vector<128xf32>
    %div3A_12 = arith.divf %reduce_sum3A_9, %div3A_11 : vector<128xf32>
    %mul3A_13 = arith.mulf %div3A_7, %div3A_7 : vector<128xf32>
    %sub3A = arith.subf %div3A_12, %mul3A_13 : vector<128xf32>
    %get3A_14 = arith.constant 0 : index
    %get3A_15 = arith.constant 0 : index
    %get3A_16 = vector.load %arg0[%get3A_14, %get3A_15] : memref<10000x128xf32, #tpu.memory_space<vmem>>, vector<10000x128xf32>
    %broadcast_in_dim3A = vector.shape_cast %div3A_7 : vector<128xf32> to vector<1x128xf32>
    %sub3A_17 = vector.broadcast %broadcast_in_dim3A : vector<1x128xf32> to vector<10000x128xf32>
    %sub3A_18 = arith.subf %add3A, %sub3A_17 : vector<10000x128xf32>
    %add3A_19 = arith.constant 9.99999974E-6 : f32
    %add3A_20 = vector.broadcast %add3A_19 : f32 to vector<128xf32>
    %add3A_21 = arith.addf %sub3A, %add3A_20 : vector<128xf32>
    %rsqrt3A = math.rsqrt %add3A_21 : vector<128xf32>
    %broadcast_in_dim3A_22 = vector.shape_cast %rsqrt3A : vector<128xf32> to vector<1x128xf32>
    %mul3A_23 = vector.broadcast %broadcast_in_dim3A_22 : vector<1x128xf32> to vector<10000x128xf32>
    %mul3A_24 = arith.mulf %sub3A_18, %mul3A_23 : vector<10000x128xf32>
    %max3A = arith.constant 0.000000e+00 : f32
    %max3A_25 = vector.broadcast %max3A : f32 to vector<10000x128xf32>
    %max3A_26 = arith.maximumf %mul3A_24, %max3A_25 : vector<10000x128xf32>
    %add3A_27 = arith.addf %get3A_16, %max3A_26 : vector<10000x128xf32>
    %swap3A = arith.constant 0 : index
    %swap3A_28 = arith.constant 0 : index
    %swap3A_29 = vector.load %arg5[%swap3A, %swap3A_28] : memref<10000x128xf32, #tpu.memory_space<vmem>>, vector<10000x128xf32>
    tpu.vector_store %arg5[%swap3A, %swap3A_28], %add3A_27 {strides = array<i32>} : memref<10000x128xf32, #tpu.memory_space<vmem>>, vector<10000x128xf32>,
    %get3A_30 = arith.constant 0 : index
    %get3A_31 = arith.constant 0 : index
    %get3A_32 = vector.load %arg3[%get3A_30, %get3A_31] : memref<128x128xf32, #tpu.memory_space<vmem>>, vector<128x128xf32>
    %dot_general3A = arith.constant dense<0.000000e+00> : vector<10000x128xf32>
    %dot_general3A_33 = tpu.matmul %add3A_27, %get3A_32, %dot_general3A {dimension_numbers = #tpu.dot_dimension_numbers<[1], [0], [0], [1], [0, 0, 1, 1], [], []>, transpose_lhs_hint = false} : vector<10000x128xf32>, vector<128x128xf32>, vector<10000x128xf32> -> vector<10000x128xf32>
    %swap3A_34 = arith.constant 0 : index
    %swap3A_35 = arith.constant 0 : index
    %swap3A_36 = vector.load %arg6[%swap3A_34, %swap3A_35] : memref<10000x128xf32, #tpu.memory_space<vmem>>, vector<10000x128xf32>
    tpu.vector_store %arg6[%swap3A_34, %swap3A_35], %dot_general3A_33 {strides = array<i32>} : memref<10000x128xf32, #tpu.memory_space<vmem>>, vector<10000x128xf32>,
    %get3A_37 = arith.constant 0 : index
    %get3A_38 = arith.constant 0 : index
    %get3A_39 = vector.load %arg4[%get3A_37, %get3A_38] : memref<128x128xf32, #tpu.memory_space<vmem>>, vector<128x128xf32>
    %dot_general3A_40 = arith.constant dense<0.000000e+00> : vector<10000x128xf32>
    %dot_general3A_41 = tpu.matmul %add3A_27, %get3A_39, %dot_general3A_40 {dimension_numbers = #tpu.dot_dimension_numbers<[1], [0], [0], [1], [0, 0, 1, 1], [], []>, transpose_lhs_hint = false} : vector<10000x128xf32>, vector<128x128xf32>, vector<10000x128xf32> -> vector<10000x128xf32>
    %swap3A_42 = arith.constant 0 : index
    %swap3A_43 = arith.constant 0 : index
    %swap3A_44 = vector.load %arg7[%swap3A_42, %swap3A_43] : memref<10000x128xf32, #tpu.memory_space<vmem>>, vector<10000x128xf32>
    tpu.vector_store %arg7[%swap3A_42, %swap3A_43], %dot_general3A_41 {strides = array<i32>} : memref<10000x128xf32, #tpu.memory_space<vmem>>, vector<10000x128xf32>,
    return
  }
}

module attributes {stable_mosaic.version = 14 : i64} {
  func.func @body(%arg0: memref<10000x128xf32, #tpu.memory_space<vmem>>, %arg1: memref<10000x128xf32, #tpu.memory_space<vmem>>, %arg2: memref<10000x128xf32, #tpu.memory_space<vmem>>, %arg3: memref<10000x128xf32, #tpu.memory_space<vmem>>) attributes {dimension_semantics = [], scalar_prefetch = 0 : i64, scratch_operands = 0 : i64, tpu.core_type = #tpu.core_type<tc>} {
    %get3A = arith.constant 0 : index
    %get3A_0 = arith.constant 0 : index
    %get3A_1 = vector.load %arg1[%get3A, %get3A_0] : memref<10000x128xf32, #tpu.memory_space<vmem>>, vector<10000x128xf32>
    %get3A_2 = arith.constant 0 : index
    %get3A_3 = arith.constant 0 : index
    %get3A_4 = vector.load %arg2[%get3A_2, %get3A_3] : memref<10000x128xf32, #tpu.memory_space<vmem>>, vector<10000x128xf32>
    %add3A = arith.addf %get3A_1, %get3A_4 : vector<10000x128xf32>
    %reduce_sum3A = arith.constant dense<0.000000e+00> : vector<128xf32>
    %reduce_sum3A_5 = vector.multi_reduction <add>, %add3A, %reduce_sum3A [0] : vector<10000x128xf32> to vector<128xf32>
    %div3A = arith.constant 1.000000e+04 : f32
    %div3A_6 = vector.broadcast %div3A : f32 to vector<128xf32>
    %div3A_7 = arith.divf %reduce_sum3A_5, %div3A_6 : vector<128xf32>
    %mul3A = arith.mulf %add3A, %add3A : vector<10000x128xf32>
    %reduce_sum3A_8 = arith.constant dense<0.000000e+00> : vector<128xf32>
    %reduce_sum3A_9 = vector.multi_reduction <add>, %mul3A, %reduce_sum3A_8 [0] : vector<10000x128xf32> to vector<128xf32>
    %div3A_10 = arith.constant 1.000000e+04 : f32
    %div3A_11 = vector.broadcast %div3A_10 : f32 to vector<128xf32>
    %div3A_12 = arith.divf %reduce_sum3A_9, %div3A_11 : vector<128xf32>
    %mul3A_13 = arith.mulf %div3A_7, %div3A_7 : vector<128xf32>
    %sub3A = arith.subf %div3A_12, %mul3A_13 : vector<128xf32>
    %get3A_14 = arith.constant 0 : index
    %get3A_15 = arith.constant 0 : index
    %get3A_16 = vector.load %arg0[%get3A_14, %get3A_15] : memref<10000x128xf32, #tpu.memory_space<vmem>>, vector<10000x128xf32>
    %broadcast_in_dim3A = vector.shape_cast %div3A_7 : vector<128xf32> to vector<1x128xf32>
    %sub3A_17 = vector.broadcast %broadcast_in_dim3A : vector<1x128xf32> to vector<10000x128xf32>
    %sub3A_18 = arith.subf %add3A, %sub3A_17 : vector<10000x128xf32>
    %add3A_19 = arith.constant 9.99999974E-6 : f32
    %add3A_20 = vector.broadcast %add3A_19 : f32 to vector<128xf32>
    %add3A_21 = arith.addf %sub3A, %add3A_20 : vector<128xf32>
    %rsqrt3A = math.rsqrt %add3A_21 : vector<128xf32>
    %broadcast_in_dim3A_22 = vector.shape_cast %rsqrt3A : vector<128xf32> to vector<1x128xf32>
    %mul3A_23 = vector.broadcast %broadcast_in_dim3A_22 : vector<1x128xf32> to vector<10000x128xf32>
    %mul3A_24 = arith.mulf %sub3A_18, %mul3A_23 : vector<10000x128xf32>
    %max3A = arith.constant 0.000000e+00 : f32
    %max3A_25 = vector.broadcast %max3A : f32 to vector<10000x128xf32>
    %max3A_26 = arith.maximumf %mul3A_24, %max3A_25 : vector<10000x128xf32>
    %add3A_27 = arith.addf %get3A_16, %max3A_26 : vector<10000x128xf32>
    %swap3A = arith.constant 0 : index
    %swap3A_28 = arith.constant 0 : index
    %swap3A_29 = vector.load %arg3[%swap3A, %swap3A_28] : memref<10000x128xf32, #tpu.memory_space<vmem>>, vector<10000x128xf32>
    tpu.vector_store %arg3[%swap3A, %swap3A_28], %add3A_27 {strides = array<i32>} : memref<10000x128xf32, #tpu.memory_space<vmem>>, vector<10000x128xf32>,
    return
  }
}

module attributes {stable_mosaic.version = 14 : i64} {
  func.func @_final_head_body(%arg0: memref<10000x128xf32, #tpu.memory_space<vmem>>, %arg1: memref<128x128xf32, #tpu.memory_space<vmem>>, %arg2: memref<128x128xf32, #tpu.memory_space<vmem>>, %arg3: memref<128x128xf32, #tpu.memory_space<vmem>>, %arg4: memref<128xf32, #tpu.memory_space<vmem>>, %arg5: memref<8x128xf32, #tpu.memory_space<vmem>>, %arg6: memref<10000x128xf32, #tpu.memory_space<vmem>>, %arg7: memref<10000x128xf32, #tpu.memory_space<vmem>>) attributes {dimension_semantics = [], scalar_prefetch = 0 : i64, scratch_operands = 0 : i64, tpu.core_type = #tpu.core_type<tc>} {
    %get3A = arith.constant 0 : index
    %get3A_0 = arith.constant 0 : index
    %get3A_1 = vector.load %arg0[%get3A, %get3A_0] : memref<10000x128xf32, #tpu.memory_space<vmem>>, vector<10000x128xf32>
    %reduce_sum3A = arith.constant dense<0.000000e+00> : vector<128xf32>
    %reduce_sum3A_2 = vector.multi_reduction <add>, %get3A_1, %reduce_sum3A [0] : vector<10000x128xf32> to vector<128xf32>
    %div3A = arith.constant 1.000000e+04 : f32
    %div3A_3 = vector.broadcast %div3A : f32 to vector<128xf32>
    %div3A_4 = arith.divf %reduce_sum3A_2, %div3A_3 : vector<128xf32>
    %broadcast_in_dim3A = vector.shape_cast %div3A_4 : vector<128xf32> to vector<1x128xf32>
    %get3A_5 = arith.constant 0 : index
    %get3A_6 = arith.constant 0 : index
    %get3A_7 = vector.load %arg1[%get3A_5, %get3A_6] : memref<128x128xf32, #tpu.memory_space<vmem>>, vector<128x128xf32>
    %dot_general3A = arith.constant dense<0.000000e+00> : vector<1x128xf32>
    %dot_general3A_8 = tpu.matmul %broadcast_in_dim3A, %get3A_7, %dot_general3A {dimension_numbers = #tpu.dot_dimension_numbers<[1], [0], [0], [1], [0, 0, 1, 1], [], []>, transpose_lhs_hint = false} : vector<1x128xf32>, vector<128x128xf32>, vector<1x128xf32> -> vector<1x128xf32>
    %get3A_9 = arith.constant 0 : index
    %get3A_10 = vector.load %arg4[%get3A_9] : memref<128xf32, #tpu.memory_space<vmem>>, vector<128xf32>
    %broadcast_in_dim3A_11 = vector.shape_cast %get3A_10 : vector<128xf32> to vector<1x128xf32>
    %add3A = arith.addf %dot_general3A_8, %broadcast_in_dim3A_11 : vector<1x128xf32>
    %broadcast_in_dim3A_12 = vector.shape_cast %add3A : vector<1x128xf32> to vector<1x128xf32>
    %broadcast_in_dim3A_13 = vector.broadcast %broadcast_in_dim3A_12 : vector<1x128xf32> to vector<8x128xf32>
    %swap3A = arith.constant 0 : index
    %swap3A_14 = arith.constant 0 : index
    %swap3A_15 = vector.load %arg5[%swap3A, %swap3A_14] : memref<8x128xf32, #tpu.memory_space<vmem>>, vector<8x128xf32>
    tpu.vector_store %arg5[%swap3A, %swap3A_14], %broadcast_in_dim3A_13 {strides = array<i32>} : memref<8x128xf32, #tpu.memory_space<vmem>>, vector<8x128xf32>,
    %get3A_16 = arith.constant 0 : index
    %get3A_17 = arith.constant 0 : index
    %get3A_18 = vector.load %arg2[%get3A_16, %get3A_17] : memref<128x128xf32, #tpu.memory_space<vmem>>, vector<128x128xf32>
    %dot_general3A_19 = arith.constant dense<0.000000e+00> : vector<10000x128xf32>
    %dot_general3A_20 = tpu.matmul %get3A_1, %get3A_18, %dot_general3A_19 {dimension_numbers = #tpu.dot_dimension_numbers<[1], [0], [0], [1], [0, 0, 1, 1], [], []>, transpose_lhs_hint = false} : vector<10000x128xf32>, vector<128x128xf32>, vector<10000x128xf32> -> vector<10000x128xf32>
    %swap3A_21 = arith.constant 0 : index
    %swap3A_22 = arith.constant 0 : index
    %swap3A_23 = vector.load %arg6[%swap3A_21, %swap3A_22] : memref<10000x128xf32, #tpu.memory_space<vmem>>, vector<10000x128xf32>
    tpu.vector_store %arg6[%swap3A_21, %swap3A_22], %dot_general3A_20 {strides = array<i32>} : memref<10000x128xf32, #tpu.memory_space<vmem>>, vector<10000x128xf32>,
    %get3A_24 = arith.constant 0 : index
    %get3A_25 = arith.constant 0 : index
    %get3A_26 = vector.load %arg3[%get3A_24, %get3A_25] : memref<128x128xf32, #tpu.memory_space<vmem>>, vector<128x128xf32>
    %dot_general3A_27 = arith.constant dense<0.000000e+00> : vector<10000x128xf32>
    %dot_general3A_28 = tpu.matmul %get3A_1, %get3A_26, %dot_general3A_27 {dimension_numbers = #tpu.dot_dimension_numbers<[1], [0], [0], [1], [0, 0, 1, 1], [], []>, transpose_lhs_hint = false} : vector<10000x128xf32>, vector<128x128xf32>, vector<10000x128xf32> -> vector<10000x128xf32>
    %swap3A_29 = arith.constant 0 : index
    %swap3A_30 = arith.constant 0 : index
    %swap3A_31 = vector.load %arg7[%swap3A_29, %swap3A_30] : memref<10000x128xf32, #tpu.memory_space<vmem>>, vector<10000x128xf32>
    tpu.vector_store %arg7[%swap3A_29, %swap3A_30], %dot_general3A_28 {strides = array<i32>} : memref<10000x128xf32, #tpu.memory_space<vmem>>, vector<10000x128xf32>,
    return
  }
}

</mosaic_0001>

<sc_bundles>
// kernel: kernel.12.cloned.1.call-start
scs
__scs_entry_jumppad:
0x0: {  	(pc) =	sbr.rel $0x88, $3  }
0x1: {  	(tag) =	ssettag $0x0;
	lr =	simm.s32 $0x1  }
0x2: {  	[smem:$0x3F8F] =	sst lr;
	_ =	strace $0xD0000000  }
0x3: {  	_ = 	snop  }
0x4: {  	_ = 	snop  }
0x5: {  	_ = 	snop  }
0x6: {  	_ = 	snop  }
0x7: {  	_ = 	snop  }
__scs_overlays_trampoline_lowered:
0x8: {  	[smem:$0x3F9E] =	sst s0  }
0x9: {  	[smem:$0x3F9F] =	sst s1  }
0xa: {  	[smem:$0x3FA0] =	sst s2  }
0xb: {  	[smem:$0x3FA1] =	sst s3  }
0xc: {  	[smem:$0x3FA2] =	sst s4  }
0xd: {  	[smem:$0x3FA3] =	sst s5  }
0xe: {  	[smem:$0x3FA4] =	sst s6  }
0xf: {  	[smem:$0x3FA5] =	sst s7  }
0x10: {  	[smem:$0x3FA6] =	sst s8  }
0x11: {  	[smem:$0x3FA7] =	sst s9;
	s0 =	simm.s32 @!p0 $0x0  }
0x12: {  	s1 =	sld [smem:$0x3F8D];
	s0 =	simm.s32 @p0 $0x1  }
0x13: {  	[smem:$0x3FA8] =	sst s0;
	s0 =	simm.s32 @!p1 $0x0  }
0x14: {  	s2 =	sld [smem:$0x3F8C];
	s0 =	simm.s32 @p1 $0x1  }
0x15: {  	[smem:$0x3FA9] =	sst s0;
	s0 =	simm.s32 @!p2 $0x0  }
0x16: {  	s3 =	sld [smem:$0x3FDB];
	s0 =	simm.s32 @p2 $0x1  }
0x17: {  	s4 =	simm.s32 $0x1BF5;
	[smem:$0x3FAB] =	sst s0  }
0x18: {  	s0 =	sld [smem:$0x3F8E];
	_ =	swait.ge [sflag:s4], $0x0  }
0x19: {  	s7 =	sld [smem:$0x3F8F]  }
0x1a: {  	s8 =	sadd.s32 $0xFFFFE003, lr  }
0x1b: {  	s9 =	sadd.s32 $0xFFFFFEF7, lr;
	s5 =	simm.s32 $0xFFFFFFFF;
	p2 =	slt.u32 s8, $0xFFFFF086  }
0x1c: {  	p1 =	slt.u32 s9, $0xF7A;
	s5 =	simm.s32 @!p2 $0x0  }
0x1d: {  	s5 =	simm.s32 @p1 $0x1;
	p0 =	seq.s32 s7, s2  }
0x1e: {  	s7 =	smul.u32 @!p0 $0xF7A, s2;
	p2 =	seq.s32 @!p0 s5, $0x0  }
0x1f: {  	s9 =	smul.u32 $0xF7A, s1;
	s8 =	simm.s32 @!p0 $0x1BF5;
	p2 =	por !p2, p0  }
0x20: {  	[sflag:s8] =	ssyncset.s32 @!p0 $0xFFFFF086;
	s6 =	sadd.s32 @!p0 s3, s7;
	s7 =	simm.s32 @!p0 $0x108  }
0x21: {  	s3 =	sadd.s32 s3, s9;
	s6 =	sadd.s32 @!p0 $0x88, s6;
	s7 =	simm.s32 @p2 $0x1082  }
0x22: {  	[simem:s7], [sflag:s8] =	dma.local @!p0 [hbm:s6], $0xF7A  }
0x23: {  	s9 =	sor.u32 $0xD0000000, s2;
	s6 =	simm.s32 $0x108;
	_ =	swait.ge @!p0 [sflag:s8], $0x0  }
0x24: {  	s3 =	sadd.s32 $0x88, s3;
	s6 =	simm.s32 @!p1 $0x1082;
	[sflag:s4] =	ssyncset.s32 $0xFFFFF086  }
0x25: {  	[simem:s6], [sflag:s4] =	dma.local [hbm:s3], $0xF7A  }
0x26: {  	[smem:$0x3F8F] =	sst s1;
	(tag) =	ssettag s2;
	_ =	strace s9  }
0x27: {  	s1 =	sld [smem:$0x3F9F]  }
0x28: {  	s2 =	sld [smem:$0x3FA0]  }
0x29: {  	s4 =	sld [smem:$0x3FA2]  }
0x2a: {  	p0 =	seq.s32 s5, $0x0;
	s5 =	sld [smem:$0x3FA3]  }
0x2b: {  	s6 =	sld [smem:$0x3FA4]  }
0x2c: {  	s7 =	sld [smem:$0x3FA5]  }
0x2d: {  	s3 =	simm.s32 $0x108;
	s8 =	sld [smem:$0x3FA6]  }
0x2e: {  	s3 =	simm.s32 @!p0 $0x1082;
	s9 =	sld [smem:$0x3FA7]  }
0x2f: {  	lr =	sadd.s32 s0, s3;
	s0 =	sld [smem:$0x3F9E]  }
0x30: {  	s3 =	sld [smem:$0x3FA1]  }
0x31: {  	[smem:$0x3FAA] =	sst s10  }
0x32: {  	s10 =	sld [smem:$0x3FA8];
	_ =	sdelay $0x3  }
0x33: {  	p0 =	seq.s32 s10, $0x1;
	s10 =	sld [smem:$0x3FAA];
	_ =	sdelay $0x3  }
0x34: {  	[smem:$0x3FAA] =	sst s10  }
0x35: {  	s10 =	sld [smem:$0x3FA9];
	_ =	sdelay $0x3  }
0x36: {  	p1 =	seq.s32 s10, $0x1;
	s10 =	sld [smem:$0x3FAA];
	_ =	sdelay $0x3  }
0x37: {  	[smem:$0x3FAA] =	sst s10  }
0x38: {  	s10 =	sld [smem:$0x3FAB]  }
0x39: {  	_ = 	snop;
	(pc) =	sbr.ind lr, $3  }
0x3a: {  	_ = 	snop  }
0x3b: {  	_ = 	snop  }
0x3c: {  	p2 =	seq.s32 s10, $0x1;
	s10 =	sld [smem:$0x3FAA]  }
0x3d: {  	_ =	shalt  }
0x3e: {  	_ =	shalt  }
0x3f: {  	_ =	shalt  }
0x40: {  	_ =	shalt  }
0x41: {  	_ =	shalt  }
0x42: {  	_ =	shalt  }
0x43: {  	_ =	shalt  }
0x44: {  	_ =	shalt  }
0x45: {  	_ =	shalt  }
0x46: {  	_ =	shalt  }
0x47: {  	_ =	shalt  }
0x48: {  	_ =	shalt  }
0x49: {  	_ =	shalt  }
0x4a: {  	_ =	shalt  }
0x4b: {  	_ =	shalt  }
0x4c: {  	_ =	shalt  }
0x4d: {  	_ =	shalt  }
0x4e: {  	_ =	shalt  }
0x4f: {  	_ =	shalt  }
0x50: {  	_ =	shalt  }
0x51: {  	_ =	shalt  }
0x52: {  	_ =	shalt  }
0x53: {  	_ =	shalt  }
0x54: {  	_ =	shalt  }
0x55: {  	_ =	shalt  }
0x56: {  	_ =	shalt  }
0x57: {  	_ =	shalt  }
0x58: {  	_ =	shalt  }
0x59: {  	_ =	shalt  }
0x5a: {  	_ =	shalt  }
0x5b: {  	_ =	shalt  }
0x5c: {  	_ =	shalt  }
0x5d: {  	_ =	shalt  }
0x5e: {  	_ =	shalt  }
0x5f: {  	_ =	shalt  }
0x60: {  	_ =	shalt  }
0x61: {  	_ =	shalt  }
0x62: {  	_ =	shalt  }
0x63: {  	_ =	shalt  }
0x64: {  	_ =	shalt  }
0x65: {  	_ =	shalt  }
0x66: {  	_ =	shalt  }
0x67: {  	_ =	shalt  }
0x68: {  	_ =	shalt  }
0x69: {  	_ =	shalt  }
0x6a: {  	_ =	shalt  }
0x6b: {  	_ =	shalt  }
0x6c: {  	_ =	shalt  }
0x6d: {  	_ =	shalt  }
0x6e: {  	_ =	shalt  }
0x6f: {  	_ =	shalt  }
0x70: {  	_ =	shalt  }
0x71: {  	_ =	shalt  }
0x72: {  	_ =	shalt  }
0x73: {  	_ =	shalt  }
0x74: {  	_ =	shalt  }
0x75: {  	_ =	shalt  }
0x76: {  	_ =	shalt  }
0x77: {  	_ =	shalt  }
0x78: {  	_ =	shalt  }
0x79: {  	_ =	shalt  }
0x7a: {  	_ =	shalt  }
0x7b: {  	_ =	shalt  }
0x7c: {  	_ =	shalt  }
0x7d: {  	_ =	shalt  }
0x7e: {  	_ =	shalt  }
0x7f: {  	_ =	shalt  }
0x80: {  	_ =	shalt  }
0x81: {  	_ =	shalt  }
0x82: {  	_ =	shalt  }
0x83: {  	_ =	shalt  }
0x84: {  	_ =	shalt  }
0x85: {  	_ =	shalt  }
0x86: {  	_ =	shalt  }
0x87: {  	_ =	shalt  }
.Lfunc_end0:
.L_simem_size_0:
called_computation.3_lowered:
.L_overlay_start_0:
0x88: {  	s2 =	sld [smem:$0x3FD9]  }
0x89: {  	s3 =	sld [smem:$0x3FFE];
	_ =	sdelay $0x1  }
0x8a: {  	s1 =	srdreg.scid  }
0x8b: {  	s0 =	sand.u32 $0x1, s1  }
0x8c: {  	s17 =	sshll.u32 s0, $0xA;
	s2 =	sadd.s32 s3, s2  }
0x8d: {  	s2 =	sadd.s32 s2, s17  }
0x8e: {  	[smem:$0x3FB6] =	sst s2  }
0x8f: {  	_ = 	snop  }
0x90: {  	s2 =	sld [smem:$0x3FD0];
	(tm) =	ssettm $0x1  }
0x91: {  	s18 =	sld [smem:$0x3FFB];
	_ =	sdelay $0x3  }
0x92: {  	_ =	strace s18  }
0x93: {  	s3 =	sld [smem:$0x3FFC];
	_ =	sdelay $0x3  }
0x94: {  	_ =	strace s3  }
0x95: {  	s3 =	sld [smem:$0x3FFD];
	_ =	sdelay $0x3  }
0x96: {  	_ =	strace s3  }
0x97: {  	_ =	strace $0x8FFFFFFF  }
0x98: {  	s19 =	sld [smem:$0x3FDB];
	_ =	sdelay $0x1  }
0x99: {  	s4 =	simm.s32 $_scs_section_size  }
0x9a: {  	s5 =	simm.s32 $_size__tile_overlayer_lowered;
	s6 =	simm.s32 $_tile_overlayer_lowered  }
0x9b: {  	s22 =	simm.s32 $0x1BFF;
	s21 =	sshll.u32 s6, $0x1;
	s3 =	sadd.s32 s4, s19  }
0x9c: {  	s7 =	simm.s32 $0x0;
	s20 =	sshll.u32 s5, $0x1;
	s5 =	sadd.s32 s21, s3  }
0x9d: {  	[timem:s7], [sflag:s22] =	dma.local [hbm:s5], s20  }
0x9e: {  	_ =	swait.ge [sflag:s22], s20  }
0x9f: {  	s4 =	ssub.s32 $0x0, s20;
	[sflag:s22] =	ssyncset.done $0x0  }
0xa0: {  	[sflag:s22] =	ssyncadd.s32 s4;
	_ =	sdelay $0x1  }
0xa1: {  	s23 =	simm.s32 $0x1B8B  }
0xa2: {  	_ =	swait.ge [sflag:s23], $0x1  }
0xa3: {  	[sflag:s23] =	ssyncset.done $0x0  }
0xa4: {  	s25 =	simm.s32 $0x1B8E;
	s24 =	sld [smem:$0x3FFE];
	[sflag:s23] =	ssyncadd.s32 $0xFFFFFFFF  }
0xa5: {  	s26 =	simm.s32 $execute0_lowered;
	[smem:$0x3FD2] =	sst s25  }
0xa6: {  	s5 =	sshll.u32 s26, $0x1;
	_ =	strace $0x80000046;
	[dreg:$0x1] =	wrdreg $0xFFFFFFFF  }
0xa7: {  	s28 =	simm.s32 $_size_execute0_lowered;
	s3 =	sadd.s32 s3, s5;
	[dreg:$0x0] =	wrdreg $0x0  }
0xa8: {  	s5 =	sshll.u32 s28, $0x1;
	[dreg:$0x2] =	wrdreg s3  }
0xa9: {  	[dreg:$0x3] =	wrdreg s5  }
0xaa: {  	[dreg:$0x4] =	wrdreg $0xC0  }
0xab: {  	_ =	task [dreg:s7], $0x5FFFF  }
0xac: {  	[dreg:$0x1] =	wrdreg $0xFFFFFFFF  }
0xad: {  	[dreg:$0x0] =	wrdreg $0x60  }
0xae: {  	[dreg:$0x2] =	wrdreg s24  }
0xaf: {  	[dreg:$0x3] =	wrdreg s2  }
0xb0: {  	[dreg:$0x4] =	wrdreg $0xA  }
0xb1: {  	_ =	task.clear_ibuf [dreg:s7], $0x5FFFF;
	_ =	strace $0x90000046  }
0xb2: {  	s29 =	simm.s32 $0xA;
	_ =	strace $0x80000048  }
0xb3: {  	_ =	swait.ge [sflag:s29], $0x1  }
0xb4: {  	[sflag:s29] =	ssyncadd.s32 $0xFFFFFFFF  }
0xb5: {  	_ =	strace $0x90000048  }
0xb6: {  	_ =	sfence  }
0xb7: {  	s30 =	sld [smem:$0x0];
	_ =	sdelay $0x2  }
0xb8: {  	s31 =	sshll.u32 s1, $0xD;
	s1 =	sshrl.u32 s1, $0x2  }
0xb9: {  	s3 =	sand.u32 $0x4000, s31;
	s1 =	sadd.s32 s1, s30  }
0xba: {  	s0 =	sor.u32 s3, s0;
	s1 =	sshll.u32 s1, $0x11  }
0xbb: {  	s0 =	sor.u32 s1, s0  }
0xbc: {  	s0 =	sadd.s32 $0x8F2B, s0  }
0xbd: {  	[sflag:s0] =	ssyncadd.remote.s32 $0x1  }
0xbe: {  	_ =	sfence.sel $0xFFFF  }
0xbf: {  	[dreg:$0x0] =	wrdreg $0xFFFFFFFF;
	(pc) =	sbr.abs _section_cstart, $3  }
0xc0: {  	[dreg:$0x1] =	wrdreg $0xFFFFFFFF  }
0xc1: {  	_ =	task.clear_ibuf [dreg:s7], $0x2FFFF;
	_ =	strace $0x9FFFFFFF  }
0xc2: {  	(tm) =	ssettm $0x7FFFFFFF  }
0xc3: {  	_ =	shalt  }
tec
execute0_lowered:
.L_overlay_start_1:
0x0: {  	(tag) =	ssettag $0x1  }
0x1: {  	s0 =	rddreg [dreg:$0x0]  }
0x2: {  	s2 =	rddreg [dreg:$0x1];
	s3 =	simm.s32 $0x0;
	s4 =	srdreg.scid  }
0x3: {  	s1 =	stileid.u32;
	s18 =	simm.s32 $0x4;
	s19 =	simm.s32 $0x80  }
0x4: {  	s20 =	simm.s32 $0x100;
	s21 =	simm.s32 $0x4100;
	s22 =	simm.s32 $0x8100  }
0x5: {  	s23 =	simm.s32 $0x3;
	s24 =	simm.s32 $0x2;
	s25 =	simm.s32 $0x1  }
0x6: {  	s26 =	simm.s32 $0x10;
	s28 =	simm.s32 $0x0;
	[smem:$0x7FF] =	sst s3  }
0x7: {  	s11 =	sand.u32 $0x1, s4;
	s30 =	sshll.u32 s1, $0x1;
	s4 =	sadd.s32 $0x34000, s0  }
0x8: {  	s5 =	sadd.s32 $0x4EEE00, s0;
	s7 =	sadd.s32 $0x3000, s0;
	s6 =	sor.u32 s11, s30  }
0x9: {  	s8 =	sadd.s32 $0x5B200, s0;
	s12 =	ssub.s32 $0x2, s11;
	s6 =	smul.u32 $0x2710, s6  }
0xa: {  	s9 =	sadd.s32 $0xCE00, s0;
	s10 =	sadd.s32 $0xEB2E00, s0;
	s31 =	sshrl.u32 s12, $0x1  }
0xb: {  	s11 =	sadd.s32 $0x9D0E00, s0;
	s0 =	ssub.s32 s12, s31;
	s13 =	sadd.s32 $0x2700, s6  }
0xc: {  	_ =	strace $0x80000047;
	s17 =	smax.u32 s0, $0x1;
	s14 =	sshrl.u32 s13, $0x3  }
0xd: {  	s16 =	sshll.u32 s13, $0x4;
	s12 =	sadd.s32 s2, s14;
	s13 =	sadd.s32 s7, s14  }
0xe: {  	s14 =	sadd.s32 s5, s16;
	s15 =	sadd.s32 s10, s16;
	s16 =	sadd.s32 s11, s16  }
.LBB2_1:
0xf: {  	s29 =	simm.s32 $0x0  }
.LBB2_2:
0x10: {  	s0 =	sshll.u32 s29, $0x7  }
0x11: {  	s0 =	sadd.s32 s6, s0  }
0x12: {  	s30 =	sshrl.u32 s0, $0x3  }
0x13: {  	s1 =	simm.s32 $0x0;
	s31 =	sadd.s32 s2, s30  }
0x14: {  	[tilespmem:s1], [sflag:$0x4] =	stream.linear.gather [hbm4b:s31+s1], $0x80, $0x38;
	[tilespmem:$0xC100] =	vst v63  }
0x15: {  	_ =	swait.ge [sflag:s18], $0x80  }
0x16: {  	[sflag:s18] =	ssyncset.done $0x0  }
0x17: {  	s30 =	sadd.s32 s7, s30;
	[sflag:s18] =	ssyncadd.s32 $0xFFFFFF80  }
0x18: {  	[tilespmem:s19], [sflag:$0x4] =	stream.linear.gather [hbm4b:s30+s1], $0x80, $0x38;
	[tilespmem:$0xC100] =	vst v63  }
0x19: {  	_ =	swait.ge [sflag:s18], $0x80  }
0x1a: {  	s30 =	sshll.u32 s0, $0x4;
	[sflag:s18] =	ssyncset.done $0x0  }
0x1b: {  	s0 =	sadd.s32 s5, s30;
	[sflag:s18] =	ssyncadd.s32 $0xFFFFFF80  }
0x1c: {  	[tilespmem:s20], [sflag:$0x2] =	stream.linear.gather [hbm4b:s0+s1], $0x4000, $0x38;
	[tilespmem:$0xC100] =	vst v63  }
0x1d: {  	_ = 	snop  }
0x1e: {  	[tilespmem:s21], [sflag:$0x1] =	stream.indirect.gather [hbm4b:s4+s19], $0x80, s1, s19, $0xb8;
	[tilespmem:$0xC100] =	vst v63  }
0x1f: {  	_ = 	snop  }
0x20: {  	[tilespmem:s22], [sflag:$0x3] =	stream.indirect.gather [hbm4b:s8+s19], $0x80, s19, s19, $0xb8;
	[tilespmem:$0xC100] =	vst v63  }
0x21: {  	_ =	swait.ge [sflag:s23], $0x4000  }
0x22: {  	[sflag:s23] =	ssyncset.done $0x0  }
0x23: {  	[sflag:s23] =	ssyncadd.s32 $0xFFFFC000  }
0x24: {  	[tilespmem:s22], [sflag:$0x3] =	stream.indirect.gather.add.f32 [hbm:s9], $0x80, s1, s19, $0xb8;
	[tilespmem:$0xC100] =	vst v63  }
0x25: {  	_ =	swait.ge [sflag:s24], $0x4000  }
0x26: {  	[sflag:s24] =	ssyncset.done $0x0  }
0x27: {  	[sflag:s24] =	ssyncadd.s32 $0xFFFFC000  }
0x28: {  	_ =	swait.ge [sflag:s25], $0x4000  }
0x29: {  	[sflag:s25] =	ssyncset.done $0x0  }
0x2a: {  	s31 =	simm.s32 $0x0;
	[sflag:s25] =	ssyncadd.s32 $0xFFFFC000  }
0x2b: {  	v3 =	vld [tilespmem:s31+$0x100]  }
0x2c: {  	v5 =	vld [tilespmem:s31+$0x110]  }
0x2d: {  	v4 =	vld [tilespmem:s31+$0x120]  }
0x2e: {  	v0 =	vld [tilespmem:s31+$0x130]  }
0x2f: {  	v1 =	vld [tilespmem:s31+$0x140]  }
0x30: {  	v2 =	vld [tilespmem:s31+$0x150];
	v6 =	vsub.f32 $0.0e+00, v3  }
0x31: {  	s0 =	simm.s32 $0x200;
	v5 =	vsub.f32 $0.0e+00, v5;
	v3 =	vld [tilespmem:s31+$0x160]  }
.LBB2_3:
0x32: {  	p0 =	sne.s32 s0, $0xFE00;
	v6 =	vmul.f32 $1.442695020e+00, v6;
	v4 =	vsub.f32 $0.0e+00, v4;
	v7 =	vld [tilespmem:s31+$0x170]  }
0x33: {  	v5 =	vmul.f32 $1.442695020e+00, v5;
	v0 =	vsub.f32 $0.0e+00, v0  }
0x34: {  	v4 =	vmul.f32 $1.442695020e+00, v4;
	v1 =	vsub.f32 $0.0e+00, v1;
	(erf) = vpow2.f32 v6  }
0x35: {  	v0 =	vmul.f32 $1.442695020e+00, v0;
	v2 =	vsub.f32 $0.0e+00, v2;
	(erf) = vpow2.f32 v5  }
0x36: {  	v1 =	vmul.f32 $1.442695020e+00, v1;
	v3 =	vsub.f32 $0.0e+00, v3;
	(erf) = vpow2.f32 v4  }
0x37: {  	v2 =	vmul.f32 $1.442695020e+00, v2;
	v4 =	vsub.f32 $0.0e+00, v7;
	(erf) = vpow2.f32 v0  }
0x38: {  	v0 =	vmul.f32 $1.442695020e+00, v3;
	(erf) = vpow2.f32 v1  }
0x39: {  	v1 =	vmul.f32 $1.442695020e+00, v4;
	(erf) = vpow2.f32 v2  }
0x3a: {  	(erf) = vpow2.f32 v0  }
0x3b: {  	(erf) = vpow2.f32 v1;
	_ =	sdelay $0x1  }
0x3c: {  	v0 =	vpop (erf)  }
0x3d: {  	v3 =	vadd.f32 $1.000000000e+00, v0;
	v1 =	vpop (erf)  }
0x3e: {  	v4 =	vadd.f32 $1.000000000e+00, v1;
	v2 =	vpop (erf)  }
0x3f: {  	v5 =	vadd.f32 $1.000000000e+00, v2;
	(erf) = vrcp.f32 v3;
	v0 =	vpop (erf)  }
0x40: {  	v3 =	vadd.f32 $1.000000000e+00, v0;
	(erf) = vrcp.f32 v4;
	v1 =	vpop (erf)  }
0x41: {  	v4 =	vadd.f32 $1.000000000e+00, v1;
	(erf) = vrcp.f32 v5;
	v2 =	vpop (erf)  }
0x42: {  	v2 =	vadd.f32 $1.000000000e+00, v2;
	(erf) = vrcp.f32 v3;
	v0 =	vpop (erf)  }
0x43: {  	v0 =	vadd.f32 $1.000000000e+00, v0;
	(erf) = vrcp.f32 v4;
	v1 =	vpop (erf)  }
0x44: {  	v3 =	vld [tilespmem:s31+$0x4100];
	v1 =	vadd.f32 $1.000000000e+00, v1;
	(erf) = vrcp.f32 v2  }
0x45: {  	v2 =	vld [tilespmem:s31+$0x4110];
	(erf) = vrcp.f32 v0  }
0x46: {  	v0 =	vld [tilespmem:s31+$0x4120];
	(erf) = vrcp.f32 v1  }
0x47: {  	v1 =	vld [tilespmem:s31+$0x4130]  }
0x48: {  	v4 =	vld [tilespmem:s31+$0x4140];
	v5 =	vpop (erf)  }
0x49: {  	v3 =	vmul.f32 v5, v3;
	v5 =	vld [tilespmem:s31+$0x4150];
	v6 =	vpop (erf)  }
0x4a: {  	v9 =	vmul.f32 v6, v2;
	v6 =	vld [tilespmem:s31+$0x4160];
	v7 =	vpop (erf)  }
0x4b: {  	s1 =	sshra.s32 s0, $0x2;
	[tilespmem:s31+$0x100] =	vst v3;
	v10 =	vmul.f32 v7, v0;
	v3 =	vld [tilespmem:s31+$0x4170];
	v7 =	vpop (erf)  }
0x4c: {  	v8 =	vld [tilespmem:s1+$0x100];
	[tilespmem:s31+$0x110] =	vst v9;
	v9 =	vmul.f32 v7, v1;
	v2 =	vpop (erf)  }
0x4d: {  	v7 =	vld [tilespmem:s1+$0x110];
	[tilespmem:s31+$0x120] =	vst v10;
	v10 =	vmul.f32 v2, v4;
	v0 =	vpop (erf)  }
.Ltmp0:
0x4e: {  	v4 =	vld [tilespmem:s1+$0x120];
	[tilespmem:s31+$0x130] =	vst v9;
	v5 =	vmul.f32 v0, v5;
	v1 =	vpop (erf);
	(pc) =	sbr.rel @p0 .LBB2_3-.Ltmp0, $4  }
0x4f: {  	v0 =	vld [tilespmem:s1+$0x130];
	[tilespmem:s31+$0x140] =	vst v10;
	v9 =	vmul.f32 v1, v6;
	v2 =	vpop (erf)  }
0x50: {  	v1 =	vld [tilespmem:s1+$0x140];
	[tilespmem:s31+$0x150] =	vst v5;
	v10 =	vmul.f32 v2, v3  }
0x51: {  	v6 =	vsub.f32 $0.0e+00, v8;
	v2 =	vld [tilespmem:s1+$0x150];
	[tilespmem:s31+$0x160] =	vst v9  }
0x52: {  	s0 =	sadd.s32 $0x200, s0;
	v5 =	vsub.f32 $0.0e+00, v7;
	v3 =	vld [tilespmem:s1+$0x160];
	[tilespmem:s31+$0x170] =	vst v10;
	s31 =	smov.u32 s1  }
0x53: {  	v6 =	vmul.f32 $1.442695020e+00, v6;
	v4 =	vsub.f32 $0.0e+00, v4;
	v7 =	vld [tilespmem:s31+$0x170]  }
0x54: {  	v5 =	vmul.f32 $1.442695020e+00, v5;
	v0 =	vsub.f32 $0.0e+00, v0  }
0x55: {  	(erf) = vpow2.f32 v6;
	v4 =	vmul.f32 $1.442695020e+00, v4;
	v1 =	vsub.f32 $0.0e+00, v1  }
0x56: {  	v0 =	vmul.f32 $1.442695020e+00, v0;
	v2 =	vsub.f32 $0.0e+00, v2;
	(erf) = vpow2.f32 v5  }
0x57: {  	v1 =	vmul.f32 $1.442695020e+00, v1;
	v3 =	vsub.f32 $0.0e+00, v3;
	(erf) = vpow2.f32 v4  }
0x58: {  	v2 =	vmul.f32 $1.442695020e+00, v2;
	v32 =	vsub.f32 $0.0e+00, v7;
	(erf) = vpow2.f32 v0  }
0x59: {  	v33 =	vmul.f32 $1.442695020e+00, v3;
	(erf) = vpow2.f32 v1  }
0x5a: {  	v34 =	vmul.f32 $1.442695020e+00, v32;
	(erf) = vpow2.f32 v2  }
0x5b: {  	(erf) = vpow2.f32 v33  }
0x5c: {  	(erf) = vpow2.f32 v34;
	_ =	sdelay $0x1  }
0x5d: {  	v35 =	vpop (erf)  }
0x5e: {  	v0 =	vadd.f32 $1.000000000e+00, v35;
	v36 =	vpop (erf)  }
0x5f: {  	v1 =	vadd.f32 $1.000000000e+00, v36;
	v37 =	vpop (erf)  }
0x60: {  	(erf) = vrcp.f32 v0;
	v38 =	vadd.f32 $1.000000000e+00, v37;
	v39 =	vpop (erf)  }
0x61: {  	v2 =	vadd.f32 $1.000000000e+00, v39;
	(erf) = vrcp.f32 v1;
	v40 =	vpop (erf)  }
0x62: {  	v1 =	vadd.f32 $1.000000000e+00, v40;
	(erf) = vrcp.f32 v38;
	v41 =	vpop (erf)  }
0x63: {  	v0 =	vadd.f32 $1.000000000e+00, v41;
	(erf) = vrcp.f32 v2;
	v42 =	vpop (erf)  }
0x64: {  	v2 =	vadd.f32 $1.000000000e+00, v42;
	(erf) = vrcp.f32 v1;
	v43 =	vpop (erf)  }
0x65: {  	v44 =	vld [tilespmem:s31+$0x4100];
	v1 =	vadd.f32 $1.000000000e+00, v43;
	(erf) = vrcp.f32 v0  }
0x66: {  	v45 =	vld [tilespmem:s31+$0x4110];
	(erf) = vrcp.f32 v2  }
0x67: {  	v46 =	vld [tilespmem:s31+$0x4120];
	(erf) = vrcp.f32 v1  }
0x68: {  	v47 =	vld [tilespmem:s31+$0x4130]  }
0x69: {  	v48 =	vld [tilespmem:s31+$0x4140];
	v49 =	vpop (erf)  }
0x6a: {  	v50 =	vld [tilespmem:s31+$0x4150];
	v3 =	vmul.f32 v49, v44;
	v51 =	vpop (erf)  }
0x6b: {  	v52 =	vld [tilespmem:s31+$0x4160];
	v0 =	vmul.f32 v51, v45;
	v53 =	vpop (erf)  }
0x6c: {  	v54 =	vld [tilespmem:s31+$0x4170];
	[tilespmem:s31+$0x100] =	vst v3;
	v2 =	vmul.f32 v53, v46;
	v55 =	vpop (erf)  }
0x6d: {  	[tilespmem:s31+$0x110] =	vst v0;
	v56 =	vmul.f32 v55, v47;
	v57 =	vpop (erf)  }
0x6e: {  	[tilespmem:s31+$0x120] =	vst v2;
	v1 =	vmul.f32 v57, v48;
	v58 =	vpop (erf)  }
0x6f: {  	[tilespmem:s31+$0x130] =	vst v56;
	v59 =	vmul.f32 v58, v50;
	v60 =	vpop (erf)  }
0x70: {  	[tilespmem:s31+$0x140] =	vst v1;
	v61 =	vmul.f32 v60, v52;
	v62 =	vpop (erf)  }
0x71: {  	[tilespmem:s31+$0x150] =	vst v59;
	v63 =	vmul.f32 v62, v54  }
0x72: {  	[tilespmem:s31+$0x160] =	vst v61  }
0x73: {  	s0 =	sadd.s32 s10, s30;
	[tilespmem:s31+$0x170] =	vst v63  }
0x74: {  	[hbm4b:s0+s3] =	stream.linear.scatter [tilespmem:s20], [sflag:$0x4], $0x4000, $0x38;
	[tilespmem:$0xC100] =	vst v63  }
0x75: {  	_ =	swait.ge [sflag:s18], $0x4000  }
0x76: {  	[sflag:s18] =	ssyncset.done $0x0  }
0x77: {  	[sflag:s18] =	ssyncadd.s32 $0xFFFFC000  }
0x78: {  	s29 =	sadd.s32 $0x1, s29;
	_ =	swait.ge [sflag:s23], $0x4000  }
0x79: {  	p0 =	sne.s32 s29, $0x4E;
	[sflag:s23] =	ssyncset.done $0x0  }
.Ltmp1:
0x7a: {  	s31 =	sadd.s32 s11, s30;
	[sflag:s23] =	ssyncadd.s32 $0xFFFFC000;
	(pc) =	sbr.rel @p0 .LBB2_2-.Ltmp1, $4  }
0x7b: {  	[hbm4b:s31+s3] =	stream.linear.scatter [tilespmem:s22], [sflag:$0x4], $0x4000, $0x38;
	[tilespmem:$0xC100] =	vst v63  }
0x7c: {  	_ =	swait.ge [sflag:s18], $0x4000  }
0x7d: {  	[sflag:s18] =	ssyncset.done $0x0  }
0x7e: {  	[sflag:s18] =	ssyncadd.s32 $0xFFFFC000  }
0x7f: {  	s0 =	simm.s32 $0x0  }
0x80: {  	[tilespmem:s0], [sflag:$0x4] =	stream.linear.gather [hbm4b:s12+s0], $0x10, $0x38;
	[tilespmem:$0xC100] =	vst v63  }
0x81: {  	_ =	swait.ge [sflag:s18], $0x10  }
0x82: {  	[sflag:s18] =	ssyncset.done $0x0  }
0x83: {  	[sflag:s18] =	ssyncadd.s32 $0xFFFFFFF0  }
0x84: {  	[tilespmem:s19], [sflag:$0x4] =	stream.linear.gather [hbm4b:s13+s0], $0x10, $0x38;
	[tilespmem:$0xC100] =	vst v63  }
0x85: {  	_ =	swait.ge [sflag:s18], $0x10  }
0x86: {  	[sflag:s18] =	ssyncset.done $0x0  }
0x87: {  	[sflag:s18] =	ssyncadd.s32 $0xFFFFFFF0  }
0x88: {  	[tilespmem:s20], [sflag:$0x2] =	stream.linear.gather [hbm4b:s14+s0], $0x800, $0x38;
	[tilespmem:$0xC100] =	vst v63  }
0x89: {  	_ = 	snop  }
0x8a: {  	[tilespmem:s21], [sflag:$0x1] =	stream.indirect.gather [hbm4b:s4+s26], $0x80, s0, s26, $0xb8;
	[tilespmem:$0xC100] =	vst v63  }
0x8b: {  	_ = 	snop  }
0x8c: {  	[tilespmem:s22], [sflag:$0x3] =	stream.indirect.gather [hbm4b:s8+s26], $0x80, s19, s26, $0xb8;
	[tilespmem:$0xC100] =	vst v63  }
0x8d: {  	_ =	swait.ge [sflag:s23], $0x800  }
0x8e: {  	[sflag:s23] =	ssyncset.done $0x0  }
0x8f: {  	[sflag:s23] =	ssyncadd.s32 $0xFFFFF800  }
0x90: {  	[tilespmem:s22], [sflag:$0x3] =	stream.indirect.gather.add.f32 [hbm:s9], $0x80, s0, s26, $0xb8;
	[tilespmem:$0xC100] =	vst v63  }
0x91: {  	_ =	swait.ge [sflag:s24], $0x800  }
0x92: {  	[sflag:s24] =	ssyncset.done $0x0  }
0x93: {  	[sflag:s24] =	ssyncadd.s32 $0xFFFFF800  }
0x94: {  	_ =	swait.ge [sflag:s25], $0x800  }
0x95: {  	[sflag:s25] =	ssyncset.done $0x0  }
0x96: {  	s29 =	simm.s32 $0x0;
	[sflag:s25] =	ssyncadd.s32 $0xFFFFF800  }
0x97: {  	v3 =	vld [tilespmem:s29+$0x100]  }
0x98: {  	v5 =	vld [tilespmem:s29+$0x110]  }
0x99: {  	v4 =	vld [tilespmem:s29+$0x120]  }
0x9a: {  	v0 =	vld [tilespmem:s29+$0x130]  }
0x9b: {  	v1 =	vld [tilespmem:s29+$0x140]  }
0x9c: {  	v2 =	vld [tilespmem:s29+$0x150];
	v6 =	vsub.f32 $0.0e+00, v3  }
0x9d: {  	s0 =	simm.s32 $0x200;
	v5 =	vsub.f32 $0.0e+00, v5;
	v3 =	vld [tilespmem:s29+$0x160]  }
.LBB2_6:
0x9e: {  	p0 =	sne.s32 s0, $0x1E00;
	v6 =	vmul.f32 $1.442695020e+00, v6;
	v4 =	vsub.f32 $0.0e+00, v4;
	v7 =	vld [tilespmem:s29+$0x170]  }
0x9f: {  	v5 =	vmul.f32 $1.442695020e+00, v5;
	v0 =	vsub.f32 $0.0e+00, v0  }
0xa0: {  	v4 =	vmul.f32 $1.442695020e+00, v4;
	v1 =	vsub.f32 $0.0e+00, v1;
	(erf) = vpow2.f32 v6  }
0xa1: {  	v0 =	vmul.f32 $1.442695020e+00, v0;
	v2 =	vsub.f32 $0.0e+00, v2;
	(erf) = vpow2.f32 v5  }
0xa2: {  	v1 =	vmul.f32 $1.442695020e+00, v1;
	v3 =	vsub.f32 $0.0e+00, v3;
	(erf) = vpow2.f32 v4  }
0xa3: {  	v2 =	vmul.f32 $1.442695020e+00, v2;
	v4 =	vsub.f32 $0.0e+00, v7;
	(erf) = vpow2.f32 v0  }
0xa4: {  	v0 =	vmul.f32 $1.442695020e+00, v3;
	(erf) = vpow2.f32 v1  }
0xa5: {  	v1 =	vmul.f32 $1.442695020e+00, v4;
	(erf) = vpow2.f32 v2  }
0xa6: {  	(erf) = vpow2.f32 v0  }
0xa7: {  	(erf) = vpow2.f32 v1;
	_ =	sdelay $0x1  }
0xa8: {  	v0 =	vpop (erf)  }
0xa9: {  	v3 =	vadd.f32 $1.000000000e+00, v0;
	v1 =	vpop (erf)  }
0xaa: {  	v4 =	vadd.f32 $1.000000000e+00, v1;
	v2 =	vpop (erf)  }
0xab: {  	v5 =	vadd.f32 $1.000000000e+00, v2;
	(erf) = vrcp.f32 v3;
	v0 =	vpop (erf)  }
0xac: {  	v3 =	vadd.f32 $1.000000000e+00, v0;
	(erf) = vrcp.f32 v4;
	v1 =	vpop (erf)  }
0xad: {  	v4 =	vadd.f32 $1.000000000e+00, v1;
	(erf) = vrcp.f32 v5;
	v2 =	vpop (erf)  }
0xae: {  	v2 =	vadd.f32 $1.000000000e+00, v2;
	(erf) = vrcp.f32 v3;
	v0 =	vpop (erf)  }
0xaf: {  	v0 =	vadd.f32 $1.000000000e+00, v0;
	(erf) = vrcp.f32 v4;
	v1 =	vpop (erf)  }
0xb0: {  	v3 =	vld [tilespmem:s29+$0x4100];
	v1 =	vadd.f32 $1.000000000e+00, v1;
	(erf) = vrcp.f32 v2  }
0xb1: {  	v2 =	vld [tilespmem:s29+$0x4110];
	(erf) = vrcp.f32 v0  }
0xb2: {  	v0 =	vld [tilespmem:s29+$0x4120];
	(erf) = vrcp.f32 v1  }
0xb3: {  	v1 =	vld [tilespmem:s29+$0x4130]  }
0xb4: {  	v4 =	vld [tilespmem:s29+$0x4140];
	v5 =	vpop (erf)  }
0xb5: {  	v3 =	vmul.f32 v5, v3;
	v5 =	vld [tilespmem:s29+$0x4150];
	v6 =	vpop (erf)  }
0xb6: {  	v9 =	vmul.f32 v6, v2;
	v6 =	vld [tilespmem:s29+$0x4160];
	v7 =	vpop (erf)  }
0xb7: {  	s1 =	sshra.s32 s0, $0x2;
	[tilespmem:s29+$0x100] =	vst v3;
	v10 =	vmul.f32 v7, v0;
	v3 =	vld [tilespmem:s29+$0x4170];
	v7 =	vpop (erf)  }
0xb8: {  	v8 =	vld [tilespmem:s1+$0x100];
	[tilespmem:s29+$0x110] =	vst v9;
	v9 =	vmul.f32 v7, v1;
	v2 =	vpop (erf)  }
0xb9: {  	v7 =	vld [tilespmem:s1+$0x110];
	[tilespmem:s29+$0x120] =	vst v10;
	v10 =	vmul.f32 v2, v4;
	v0 =	vpop (erf)  }
.Ltmp2:
0xba: {  	v4 =	vld [tilespmem:s1+$0x120];
	[tilespmem:s29+$0x130] =	vst v9;
	v5 =	vmul.f32 v0, v5;
	v1 =	vpop (erf);
	(pc) =	sbr.rel @p0 .LBB2_6-.Ltmp2, $4  }
0xbb: {  	v0 =	vld [tilespmem:s1+$0x130];
	[tilespmem:s29+$0x140] =	vst v10;
	v9 =	vmul.f32 v1, v6;
	v2 =	vpop (erf)  }
0xbc: {  	v1 =	vld [tilespmem:s1+$0x140];
	[tilespmem:s29+$0x150] =	vst v5;
	v10 =	vmul.f32 v2, v3  }
0xbd: {  	v6 =	vsub.f32 $0.0e+00, v8;
	v2 =	vld [tilespmem:s1+$0x150];
	[tilespmem:s29+$0x160] =	vst v9  }
0xbe: {  	s0 =	sadd.s32 $0x200, s0;
	v5 =	vsub.f32 $0.0e+00, v7;
	v3 =	vld [tilespmem:s1+$0x160];
	[tilespmem:s29+$0x170] =	vst v10;
	s29 =	smov.u32 s1  }
0xbf: {  	v6 =	vmul.f32 $1.442695020e+00, v6;
	v4 =	vsub.f32 $0.0e+00, v4;
	v7 =	vld [tilespmem:s29+$0x170]  }
0xc0: {  	v5 =	vmul.f32 $1.442695020e+00, v5;
	v0 =	vsub.f32 $0.0e+00, v0  }
0xc1: {  	(erf) = vpow2.f32 v6;
	v4 =	vmul.f32 $1.442695020e+00, v4;
	v1 =	vsub.f32 $0.0e+00, v1  }
0xc2: {  	v0 =	vmul.f32 $1.442695020e+00, v0;
	v2 =	vsub.f32 $0.0e+00, v2;
	(erf) = vpow2.f32 v5  }
0xc3: {  	v1 =	vmul.f32 $1.442695020e+00, v1;
	v3 =	vsub.f32 $0.0e+00, v3;
	(erf) = vpow2.f32 v4  }
0xc4: {  	v2 =	vmul.f32 $1.442695020e+00, v2;
	v32 =	vsub.f32 $0.0e+00, v7;
	(erf) = vpow2.f32 v0  }
0xc5: {  	v33 =	vmul.f32 $1.442695020e+00, v3;
	(erf) = vpow2.f32 v1  }
0xc6: {  	v34 =	vmul.f32 $1.442695020e+00, v32;
	(erf) = vpow2.f32 v2  }
0xc7: {  	(erf) = vpow2.f32 v33  }
0xc8: {  	(erf) = vpow2.f32 v34;
	_ =	sdelay $0x1  }
0xc9: {  	v35 =	vpop (erf)  }
0xca: {  	v0 =	vadd.f32 $1.000000000e+00, v35;
	v36 =	vpop (erf)  }
0xcb: {  	v1 =	vadd.f32 $1.000000000e+00, v36;
	v37 =	vpop (erf)  }
0xcc: {  	(erf) = vrcp.f32 v0;
	v38 =	vadd.f32 $1.000000000e+00, v37;
	v39 =	vpop (erf)  }
0xcd: {  	v2 =	vadd.f32 $1.000000000e+00, v39;
	(erf) = vrcp.f32 v1;
	v40 =	vpop (erf)  }
0xce: {  	v1 =	vadd.f32 $1.000000000e+00, v40;
	(erf) = vrcp.f32 v38;
	v41 =	vpop (erf)  }
0xcf: {  	v0 =	vadd.f32 $1.000000000e+00, v41;
	(erf) = vrcp.f32 v2;
	v42 =	vpop (erf)  }
0xd0: {  	v2 =	vadd.f32 $1.000000000e+00, v42;
	(erf) = vrcp.f32 v1;
	v43 =	vpop (erf)  }
0xd1: {  	v44 =	vld [tilespmem:s29+$0x4100];
	v1 =	vadd.f32 $1.000000000e+00, v43;
	(erf) = vrcp.f32 v0  }
0xd2: {  	v45 =	vld [tilespmem:s29+$0x4110];
	(erf) = vrcp.f32 v2  }
0xd3: {  	v46 =	vld [tilespmem:s29+$0x4120];
	(erf) = vrcp.f32 v1  }
0xd4: {  	v47 =	vld [tilespmem:s29+$0x4130]  }
0xd5: {  	v48 =	vld [tilespmem:s29+$0x4140];
	v49 =	vpop (erf)  }
0xd6: {  	v50 =	vld [tilespmem:s29+$0x4150];
	v3 =	vmul.f32 v49, v44;
	v51 =	vpop (erf)  }
0xd7: {  	v52 =	vld [tilespmem:s29+$0x4160];
	v0 =	vmul.f32 v51, v45;
	v53 =	vpop (erf)  }
0xd8: {  	v54 =	vld [tilespmem:s29+$0x4170];
	[tilespmem:s29+$0x100] =	vst v3;
	v2 =	vmul.f32 v53, v46;
	v55 =	vpop (erf)  }
0xd9: {  	[tilespmem:s29+$0x110] =	vst v0;
	v56 =	vmul.f32 v55, v47;
	v57 =	vpop (erf)  }
0xda: {  	[tilespmem:s29+$0x120] =	vst v2;
	v1 =	vmul.f32 v57, v48;
	v58 =	vpop (erf)  }
0xdb: {  	[tilespmem:s29+$0x130] =	vst v56;
	v59 =	vmul.f32 v58, v50;
	v60 =	vpop (erf)  }
0xdc: {  	[tilespmem:s29+$0x140] =	vst v1;
	v61 =	vmul.f32 v60, v52;
	v62 =	vpop (erf)  }
0xdd: {  	[tilespmem:s29+$0x150] =	vst v59;
	v63 =	vmul.f32 v62, v54  }
0xde: {  	[tilespmem:s29+$0x160] =	vst v61  }
0xdf: {  	[tilespmem:s29+$0x170] =	vst v63  }
0xe0: {  	[hbm4b:s15+s3] =	stream.linear.scatter [tilespmem:s20], [sflag:$0x4], $0x800, $0x38;
	[tilespmem:$0xC100] =	vst v63  }
0xe1: {  	_ =	swait.ge [sflag:s18], $0x800  }
0xe2: {  	[sflag:s18] =	ssyncset.done $0x0  }
0xe3: {  	[sflag:s18] =	ssyncadd.s32 $0xFFFFF800  }
0xe4: {  	s28 =	sadd.s32 $0x1, s28;
	_ =	swait.ge [sflag:s23], $0x800  }
0xe5: {  	p0 =	sne.s32 s28, s17;
	[sflag:s23] =	ssyncset.done $0x0  }
.Ltmp3:
0xe6: {  	[sflag:s23] =	ssyncadd.s32 $0xFFFFF800;
	(pc) =	sbr.rel @p0 .LBB2_1-.Ltmp3, $4  }
0xe7: {  	[hbm4b:s16+s3] =	stream.linear.scatter [tilespmem:s22], [sflag:$0x4], $0x800, $0x38;
	[tilespmem:$0xC100] =	vst v63  }
0xe8: {  	_ =	swait.ge [sflag:s18], $0x800  }
0xe9: {  	[sflag:s18] =	ssyncset.done $0x0  }
0xea: {  	[sflag:s18] =	ssyncadd.s32 $0xFFFFF800  }
0xeb: {  	_ =	sfence.sel $0x180000  }
0xec: {  	[bflag:$0x0] =	sbarrier.arrive $0xFFFF  }
0xed: {  	_ =	strace $0x90000047  }
0xee: {  	s0 =	stileid.u32;
	[bflag:$0x2] =	sbarrier.arrive $0xFFFF  }
0xef: {  	p0 =	sne.s32 s0, $0x0;
	s0 =	rddreg [dreg:$0x2]  }
0xf0: {  	s0 =	sadd.s32 @!p0 $0x100000, s0  }
0xf1: {  	[sflag:s0] =	ssyncadd.tile.s32 @!p0 $0x1;
	_ =	shalt  }
.Lfunc_end2:
_tile_overlayer_lowered:
.L_overlay_start_2:
0xf2: {  	(tag) =	ssettag $0x2  }
0xf3: {  	s0 =	rddreg [dreg:$0x0];
	s2 =	stileid.u32  }
0xf4: {  	s1 =	rddreg [dreg:$0x1];
	p0 =	sne.s32 s2, $0x0  }
0xf5: {  	s3 =	rddreg [dreg:$0x2];
	[bflag:$0x3] =	sbarrier.arrive $0xFFFF;
	s2 =	simm.s32 @!p0 $0x1C04  }
0xf6: {  	[timem:s3], [sflag:s2] =	dma.local @!p0 [hbm:s0], s1  }
0xf7: {  	s0 =	simm.s32 @!p0 $0x4  }
0xf8: {  	_ =	swait.ge @!p0 [sflag:s0], s1  }
0xf9: {  	s1 =	ssub.s32 @!p0 $0x0, s1;
	[sflag:s0] =	ssyncset.done @!p0 $0x0  }
0xfa: {  	[sflag:s0] =	ssyncadd.s32 @!p0 s1  }
0xfb: {  	[bflag:$0x3] =	sbarrier.arrive $0xFFFF  }
0xfc: {  	_ =	shalt  }

// kernel: kernel.15.cloned.1.call-start
scs
__scs_entry_jumppad:
0x0: {  	(pc) =	sbr.rel $0x88, $3  }
0x1: {  	(tag) =	ssettag $0x0;
	lr =	simm.s32 $0x1  }
0x2: {  	[smem:$0x3F8F] =	sst lr;
	_ =	strace $0xD0000000  }
0x3: {  	_ = 	snop  }
0x4: {  	_ = 	snop  }
0x5: {  	_ = 	snop  }
0x6: {  	_ = 	snop  }
0x7: {  	_ = 	snop  }
__scs_overlays_trampoline_lowered:
0x8: {  	[smem:$0x3F9E] =	sst s0  }
0x9: {  	[smem:$0x3F9F] =	sst s1  }
0xa: {  	[smem:$0x3FA0] =	sst s2  }
0xb: {  	[smem:$0x3FA1] =	sst s3  }
0xc: {  	[smem:$0x3FA2] =	sst s4  }
0xd: {  	[smem:$0x3FA3] =	sst s5  }
0xe: {  	[smem:$0x3FA4] =	sst s6  }
0xf: {  	[smem:$0x3FA5] =	sst s7  }
0x10: {  	[smem:$0x3FA6] =	sst s8  }
0x11: {  	[smem:$0x3FA7] =	sst s9;
	s0 =	simm.s32 @!p0 $0x0  }
0x12: {  	s1 =	sld [smem:$0x3F8D];
	s0 =	simm.s32 @p0 $0x1  }
0x13: {  	[smem:$0x3FA8] =	sst s0;
	s0 =	simm.s32 @!p1 $0x0  }
0x14: {  	s2 =	sld [smem:$0x3F8C];
	s0 =	simm.s32 @p1 $0x1  }
0x15: {  	[smem:$0x3FA9] =	sst s0;
	s0 =	simm.s32 @!p2 $0x0  }
0x16: {  	s3 =	sld [smem:$0x3FDB];
	s0 =	simm.s32 @p2 $0x1  }
0x17: {  	s4 =	simm.s32 $0x1BF5;
	[smem:$0x3FAB] =	sst s0  }
0x18: {  	s0 =	sld [smem:$0x3F8E];
	_ =	swait.ge [sflag:s4], $0x0  }
0x19: {  	s7 =	sld [smem:$0x3F8F]  }
0x1a: {  	s8 =	sadd.s32 $0xFFFFE003, lr  }
0x1b: {  	s9 =	sadd.s32 $0xFFFFFEF7, lr;
	s5 =	simm.s32 $0xFFFFFFFF;
	p2 =	slt.u32 s8, $0xFFFFF086  }
0x1c: {  	p1 =	slt.u32 s9, $0xF7A;
	s5 =	simm.s32 @!p2 $0x0  }
0x1d: {  	s5 =	simm.s32 @p1 $0x1;
	p0 =	seq.s32 s7, s2  }
0x1e: {  	s7 =	smul.u32 @!p0 $0xF7A, s2;
	p2 =	seq.s32 @!p0 s5, $0x0  }
0x1f: {  	s9 =	smul.u32 $0xF7A, s1;
	s8 =	simm.s32 @!p0 $0x1BF5;
	p2 =	por !p2, p0  }
0x20: {  	[sflag:s8] =	ssyncset.s32 @!p0 $0xFFFFF086;
	s6 =	sadd.s32 @!p0 s3, s7;
	s7 =	simm.s32 @!p0 $0x108  }
0x21: {  	s3 =	sadd.s32 s3, s9;
	s6 =	sadd.s32 @!p0 $0x88, s6;
	s7 =	simm.s32 @p2 $0x1082  }
0x22: {  	[simem:s7], [sflag:s8] =	dma.local @!p0 [hbm:s6], $0xF7A  }
0x23: {  	s9 =	sor.u32 $0xD0000000, s2;
	s6 =	simm.s32 $0x108;
	_ =	swait.ge @!p0 [sflag:s8], $0x0  }
0x24: {  	s3 =	sadd.s32 $0x88, s3;
	s6 =	simm.s32 @!p1 $0x1082;
	[sflag:s4] =	ssyncset.s32 $0xFFFFF086  }
0x25: {  	[simem:s6], [sflag:s4] =	dma.local [hbm:s3], $0xF7A  }
0x26: {  	[smem:$0x3F8F] =	sst s1;
	(tag) =	ssettag s2;
	_ =	strace s9  }
0x27: {  	s1 =	sld [smem:$0x3F9F]  }
0x28: {  	s2 =	sld [smem:$0x3FA0]  }
0x29: {  	s4 =	sld [smem:$0x3FA2]  }
0x2a: {  	p0 =	seq.s32 s5, $0x0;
	s5 =	sld [smem:$0x3FA3]  }
0x2b: {  	s6 =	sld [smem:$0x3FA4]  }
0x2c: {  	s7 =	sld [smem:$0x3FA5]  }
0x2d: {  	s3 =	simm.s32 $0x108;
	s8 =	sld [smem:$0x3FA6]  }
0x2e: {  	s3 =	simm.s32 @!p0 $0x1082;
	s9 =	sld [smem:$0x3FA7]  }
0x2f: {  	lr =	sadd.s32 s0, s3;
	s0 =	sld [smem:$0x3F9E]  }
0x30: {  	s3 =	sld [smem:$0x3FA1]  }
0x31: {  	[smem:$0x3FAA] =	sst s10  }
0x32: {  	s10 =	sld [smem:$0x3FA8];
	_ =	sdelay $0x3  }
0x33: {  	p0 =	seq.s32 s10, $0x1;
	s10 =	sld [smem:$0x3FAA];
	_ =	sdelay $0x3  }
0x34: {  	[smem:$0x3FAA] =	sst s10  }
0x35: {  	s10 =	sld [smem:$0x3FA9];
	_ =	sdelay $0x3  }
0x36: {  	p1 =	seq.s32 s10, $0x1;
	s10 =	sld [smem:$0x3FAA];
	_ =	sdelay $0x3  }
0x37: {  	[smem:$0x3FAA] =	sst s10  }
0x38: {  	s10 =	sld [smem:$0x3FAB]  }
0x39: {  	_ = 	snop;
	(pc) =	sbr.ind lr, $3  }
0x3a: {  	_ = 	snop  }
0x3b: {  	_ = 	snop  }
0x3c: {  	p2 =	seq.s32 s10, $0x1;
	s10 =	sld [smem:$0x3FAA]  }
0x3d: {  	_ =	shalt  }
0x3e: {  	_ =	shalt  }
0x3f: {  	_ =	shalt  }
0x40: {  	_ =	shalt  }
0x41: {  	_ =	shalt  }
0x42: {  	_ =	shalt  }
0x43: {  	_ =	shalt  }
0x44: {  	_ =	shalt  }
0x45: {  	_ =	shalt  }
0x46: {  	_ =	shalt  }
0x47: {  	_ =	shalt  }
0x48: {  	_ =	shalt  }
0x49: {  	_ =	shalt  }
0x4a: {  	_ =	shalt  }
0x4b: {  	_ =	shalt  }
0x4c: {  	_ =	shalt  }
0x4d: {  	_ =	shalt  }
0x4e: {  	_ =	shalt  }
0x4f: {  	_ =	shalt  }
0x50: {  	_ =	shalt  }
0x51: {  	_ =	shalt  }
0x52: {  	_ =	shalt  }
0x53: {  	_ =	shalt  }
0x54: {  	_ =	shalt  }
0x55: {  	_ =	shalt  }
0x56: {  	_ =	shalt  }
0x57: {  	_ =	shalt  }
0x58: {  	_ =	shalt  }
0x59: {  	_ =	shalt  }
0x5a: {  	_ =	shalt  }
0x5b: {  	_ =	shalt  }
0x5c: {  	_ =	shalt  }
0x5d: {  	_ =	shalt  }
0x5e: {  	_ =	shalt  }
0x5f: {  	_ =	shalt  }
0x60: {  	_ =	shalt  }
0x61: {  	_ =	shalt  }
0x62: {  	_ =	shalt  }
0x63: {  	_ =	shalt  }
0x64: {  	_ =	shalt  }
0x65: {  	_ =	shalt  }
0x66: {  	_ =	shalt  }
0x67: {  	_ =	shalt  }
0x68: {  	_ =	shalt  }
0x69: {  	_ =	shalt  }
0x6a: {  	_ =	shalt  }
0x6b: {  	_ =	shalt  }
0x6c: {  	_ =	shalt  }
0x6d: {  	_ =	shalt  }
0x6e: {  	_ =	shalt  }
0x6f: {  	_ =	shalt  }
0x70: {  	_ =	shalt  }
0x71: {  	_ =	shalt  }
0x72: {  	_ =	shalt  }
0x73: {  	_ =	shalt  }
0x74: {  	_ =	shalt  }
0x75: {  	_ =	shalt  }
0x76: {  	_ =	shalt  }
0x77: {  	_ =	shalt  }
0x78: {  	_ =	shalt  }
0x79: {  	_ =	shalt  }
0x7a: {  	_ =	shalt  }
0x7b: {  	_ =	shalt  }
0x7c: {  	_ =	shalt  }
0x7d: {  	_ =	shalt  }
0x7e: {  	_ =	shalt  }
0x7f: {  	_ =	shalt  }
0x80: {  	_ =	shalt  }
0x81: {  	_ =	shalt  }
0x82: {  	_ =	shalt  }
0x83: {  	_ =	shalt  }
0x84: {  	_ =	shalt  }
0x85: {  	_ =	shalt  }
0x86: {  	_ =	shalt  }
0x87: {  	_ =	shalt  }
.Lfunc_end0:
.L_simem_size_0:
called_computation.4_lowered:
.L_overlay_start_0:
0x88: {  	s2 =	sld [smem:$0x3FD9]  }
0x89: {  	s3 =	sld [smem:$0x3FFE];
	_ =	sdelay $0x1  }
0x8a: {  	s1 =	srdreg.scid  }
0x8b: {  	s0 =	sand.u32 $0x1, s1  }
0x8c: {  	s17 =	sshll.u32 s0, $0xA;
	s2 =	sadd.s32 s3, s2  }
0x8d: {  	s2 =	sadd.s32 s2, s17  }
0x8e: {  	[smem:$0x3FB6] =	sst s2  }
0x8f: {  	_ = 	snop  }
0x90: {  	s2 =	sld [smem:$0x3FD0];
	(tm) =	ssettm $0x1  }
0x91: {  	s18 =	sld [smem:$0x3FFB];
	_ =	sdelay $0x3  }
0x92: {  	_ =	strace s18  }
0x93: {  	s3 =	sld [smem:$0x3FFC];
	_ =	sdelay $0x3  }
0x94: {  	_ =	strace s3  }
0x95: {  	s3 =	sld [smem:$0x3FFD];
	_ =	sdelay $0x3  }
0x96: {  	_ =	strace s3  }
0x97: {  	_ =	strace $0x8FFFFFFF  }
0x98: {  	s19 =	sld [smem:$0x3FDB];
	_ =	sdelay $0x1  }
0x99: {  	s4 =	simm.s32 $_scs_section_size  }
0x9a: {  	s5 =	simm.s32 $_size__tile_overlayer_lowered;
	s6 =	simm.s32 $_tile_overlayer_lowered  }
0x9b: {  	s22 =	simm.s32 $0x1BFF;
	s21 =	sshll.u32 s6, $0x1;
	s3 =	sadd.s32 s4, s19  }
0x9c: {  	s7 =	simm.s32 $0x0;
	s20 =	sshll.u32 s5, $0x1;
	s5 =	sadd.s32 s21, s3  }
0x9d: {  	[timem:s7], [sflag:s22] =	dma.local [hbm:s5], s20  }
0x9e: {  	_ =	swait.ge [sflag:s22], s20  }
0x9f: {  	s4 =	ssub.s32 $0x0, s20;
	[sflag:s22] =	ssyncset.done $0x0  }
0xa0: {  	[sflag:s22] =	ssyncadd.s32 s4;
	_ =	sdelay $0x1  }
0xa1: {  	s23 =	simm.s32 $0x1B8B  }
0xa2: {  	_ =	swait.ge [sflag:s23], $0x1  }
0xa3: {  	[sflag:s23] =	ssyncset.done $0x0  }
0xa4: {  	s25 =	simm.s32 $0x1B8E;
	s24 =	sld [smem:$0x3FFE];
	[sflag:s23] =	ssyncadd.s32 $0xFFFFFFFF  }
0xa5: {  	s26 =	simm.s32 $execute0_lowered;
	[smem:$0x3FD2] =	sst s25  }
0xa6: {  	s5 =	sshll.u32 s26, $0x1;
	_ =	strace $0x80000052;
	[dreg:$0x1] =	wrdreg $0xFFFFFFFF  }
0xa7: {  	s28 =	simm.s32 $_size_execute0_lowered;
	s3 =	sadd.s32 s3, s5;
	[dreg:$0x0] =	wrdreg $0x0  }
0xa8: {  	s5 =	sshll.u32 s28, $0x1;
	[dreg:$0x2] =	wrdreg s3  }
0xa9: {  	[dreg:$0x3] =	wrdreg s5  }
0xaa: {  	[dreg:$0x4] =	wrdreg $0xC0  }
0xab: {  	_ =	task [dreg:s7], $0x5FFFF  }
0xac: {  	[dreg:$0x1] =	wrdreg $0xFFFFFFFF  }
0xad: {  	[dreg:$0x0] =	wrdreg $0x60  }
0xae: {  	[dreg:$0x2] =	wrdreg s24  }
0xaf: {  	[dreg:$0x3] =	wrdreg s2  }
0xb0: {  	[dreg:$0x4] =	wrdreg $0x9  }
0xb1: {  	_ =	task.clear_ibuf [dreg:s7], $0x5FFFF;
	_ =	strace $0x90000052  }
0xb2: {  	s29 =	simm.s32 $0x9;
	_ =	strace $0x80000054  }
0xb3: {  	_ =	swait.ge [sflag:s29], $0x1  }
0xb4: {  	[sflag:s29] =	ssyncadd.s32 $0xFFFFFFFF  }
0xb5: {  	_ =	strace $0x90000054  }
0xb6: {  	_ =	sfence  }
0xb7: {  	s30 =	sld [smem:$0x0];
	_ =	sdelay $0x2  }
0xb8: {  	s31 =	sshll.u32 s1, $0xD;
	s1 =	sshrl.u32 s1, $0x2  }
0xb9: {  	s3 =	sand.u32 $0x4000, s31;
	s1 =	sadd.s32 s1, s30  }
0xba: {  	s0 =	sor.u32 s3, s0;
	s1 =	sshll.u32 s1, $0x11  }
0xbb: {  	s0 =	sor.u32 s1, s0  }
0xbc: {  	s0 =	sadd.s32 $0x8F2B, s0  }
0xbd: {  	[sflag:s0] =	ssyncadd.remote.s32 $0x1  }
0xbe: {  	_ =	sfence.sel $0xFFFF  }
0xbf: {  	[dreg:$0x0] =	wrdreg $0xFFFFFFFF;
	(pc) =	sbr.abs _section_cstart, $3  }
0xc0: {  	[dreg:$0x1] =	wrdreg $0xFFFFFFFF  }
0xc1: {  	_ =	task.clear_ibuf [dreg:s7], $0x2FFFF;
	_ =	strace $0x9FFFFFFF  }
0xc2: {  	(tm) =	ssettm $0x7FFFFFFF  }
0xc3: {  	_ =	shalt  }
tec
execute0_lowered:
.L_overlay_start_1:
0x0: {  	(tag) =	ssettag $0x1  }
0x1: {  	s7 =	rddreg [dreg:$0x0];
	s1 =	srdreg.scid  }
0x2: {  	s0 =	stileid.u32;
	s2 =	rddreg [dreg:$0x1]  }
0x3: {  	s3 =	simm.s32 $0x0;
	s13 =	simm.s32 $0x80;
	s14 =	simm.s32 $0x4080  }
0x4: {  	s15 =	simm.s32 $0x1;
	s8 =	sand.u32 $0x1, s1;
	s4 =	sshll.u32 s0, $0x1  }
0x5: {  	s16 =	simm.s32 $0x10;
	s1 =	rddreg [dreg:$0x2];
	s4 =	sor.u32 s8, s4  }
0x6: {  	s17 =	simm.s32 $0x0;
	[smem:$0x7FF] =	sst s3;
	s4 =	smul.u32 $0x2710, s4  }
0x7: {  	s5 =	sadd.s32 $0x34000, s7;
	s6 =	sadd.s32 $0x1394E00, s7;
	s7 =	sadd.s32 $0xE4600, s7  }
0x8: {  	_ =	strace $0x80000053;
	s8 =	ssub.s32 $0x2, s8;
	s9 =	sadd.s32 $0x2700, s4  }
0x9: {  	s10 =	sshrl.u32 s8, $0x1;
	s11 =	sshrl.u32 s9, $0x3;
	s31 =	sshll.u32 s9, $0x4  }
0xa: {  	s12 =	ssub.s32 s8, s10;
	s8 =	sadd.s32 s2, s11;
	s9 =	sadd.s32 s6, s31  }
0xb: {  	s10 =	sadd.s32 s7, s31;
	s11 =	smax.u32 s12, $0x1;
	s12 =	simm.s32 $0x2  }
.LBB2_1:
0xc: {  	s18 =	simm.s32 $0x0  }
.LBB2_2:
0xd: {  	s19 =	sshll.u32 s18, $0x7  }
0xe: {  	s19 =	sadd.s32 s4, s19  }
0xf: {  	s20 =	sshrl.u32 s19, $0x3  }
0x10: {  	s21 =	simm.s32 $0x0;
	s20 =	sadd.s32 s2, s20  }
0x11: {  	[tilespmem:s21], [sflag:$0x2] =	stream.linear.gather [hbm4b:s20+s21], $0x80, $0x38;
	[tilespmem:$0x8080] =	vst v63  }
0x12: {  	_ =	swait.ge [sflag:s12], $0x80  }
0x13: {  	[sflag:s12] =	ssyncset.done $0x0  }
0x14: {  	s19 =	sshll.u32 s19, $0x4;
	[sflag:s12] =	ssyncadd.s32 $0xFFFFFF80  }
0x15: {  	[tilespmem:s13], [sflag:$0x1] =	stream.indirect.gather [hbm4b:s5+s13], $0x80, s21, s13, $0xb8;
	[tilespmem:$0x8080] =	vst v63  }
0x16: {  	s31 =	sadd.s32 s6, s19  }
0x17: {  	[tilespmem:s14], [sflag:$0x2] =	stream.linear.gather [hbm4b:s31+s21], $0x4000, $0x38;
	[tilespmem:$0x8080] =	vst v63  }
0x18: {  	_ =	swait.ge [sflag:s12], $0x4000  }
0x19: {  	[sflag:s12] =	ssyncset.done $0x0  }
0x1a: {  	[sflag:s12] =	ssyncadd.s32 $0xFFFFC000  }
0x1b: {  	_ =	swait.ge [sflag:s15], $0x4000  }
0x1c: {  	[sflag:s15] =	ssyncset.done $0x0  }
0x1d: {  	s20 =	simm.s32 $0x0;
	[sflag:s15] =	ssyncadd.s32 $0xFFFFC000  }
0x1e: {  	v3 =	vld [tilespmem:s20+$0x4080]  }
0x1f: {  	v5 =	vld [tilespmem:s20+$0x4090]  }
0x20: {  	v4 =	vld [tilespmem:s20+$0x40A0]  }
0x21: {  	v0 =	vld [tilespmem:s20+$0x40B0]  }
0x22: {  	v1 =	vld [tilespmem:s20+$0x40C0]  }
0x23: {  	v2 =	vld [tilespmem:s20+$0x40D0];
	v6 =	vsub.f32 $0.0e+00, v3  }
0x24: {  	s21 =	simm.s32 $0x200;
	v5 =	vsub.f32 $0.0e+00, v5;
	v3 =	vld [tilespmem:s20+$0x40E0]  }
.LBB2_3:
0x25: {  	p0 =	sne.s32 s21, $0xFE00;
	v6 =	vmul.f32 $1.442695020e+00, v6;
	v4 =	vsub.f32 $0.0e+00, v4;
	v7 =	vld [tilespmem:s20+$0x40F0]  }
0x26: {  	v5 =	vmul.f32 $1.442695020e+00, v5;
	v0 =	vsub.f32 $0.0e+00, v0  }
0x27: {  	v4 =	vmul.f32 $1.442695020e+00, v4;
	v1 =	vsub.f32 $0.0e+00, v1;
	(erf) = vpow2.f32 v6  }
0x28: {  	v0 =	vmul.f32 $1.442695020e+00, v0;
	v2 =	vsub.f32 $0.0e+00, v2;
	(erf) = vpow2.f32 v5  }
0x29: {  	v1 =	vmul.f32 $1.442695020e+00, v1;
	v3 =	vsub.f32 $0.0e+00, v3;
	(erf) = vpow2.f32 v4  }
0x2a: {  	v2 =	vmul.f32 $1.442695020e+00, v2;
	v4 =	vsub.f32 $0.0e+00, v7;
	(erf) = vpow2.f32 v0  }
0x2b: {  	v0 =	vmul.f32 $1.442695020e+00, v3;
	(erf) = vpow2.f32 v1  }
0x2c: {  	v1 =	vmul.f32 $1.442695020e+00, v4;
	(erf) = vpow2.f32 v2  }
0x2d: {  	(erf) = vpow2.f32 v0  }
0x2e: {  	(erf) = vpow2.f32 v1;
	_ =	sdelay $0x1  }
0x2f: {  	v0 =	vpop (erf)  }
0x30: {  	v3 =	vadd.f32 $1.000000000e+00, v0;
	v1 =	vpop (erf)  }
0x31: {  	v4 =	vadd.f32 $1.000000000e+00, v1;
	v2 =	vpop (erf)  }
0x32: {  	v5 =	vadd.f32 $1.000000000e+00, v2;
	(erf) = vrcp.f32 v3;
	v0 =	vpop (erf)  }
0x33: {  	v3 =	vadd.f32 $1.000000000e+00, v0;
	(erf) = vrcp.f32 v4;
	v1 =	vpop (erf)  }
0x34: {  	v4 =	vadd.f32 $1.000000000e+00, v1;
	(erf) = vrcp.f32 v5;
	v2 =	vpop (erf)  }
0x35: {  	v2 =	vadd.f32 $1.000000000e+00, v2;
	(erf) = vrcp.f32 v3;
	v0 =	vpop (erf)  }
0x36: {  	v0 =	vadd.f32 $1.000000000e+00, v0;
	(erf) = vrcp.f32 v4;
	v1 =	vpop (erf)  }
0x37: {  	v3 =	vld [tilespmem:s20+$0x80];
	v1 =	vadd.f32 $1.000000000e+00, v1;
	(erf) = vrcp.f32 v2  }
0x38: {  	v2 =	vld [tilespmem:s20+$0x90];
	(erf) = vrcp.f32 v0  }
0x39: {  	v0 =	vld [tilespmem:s20+$0xA0];
	(erf) = vrcp.f32 v1  }
0x3a: {  	v1 =	vld [tilespmem:s20+$0xB0]  }
0x3b: {  	v4 =	vld [tilespmem:s20+$0xC0];
	v5 =	vpop (erf)  }
0x3c: {  	v3 =	vmul.f32 v5, v3;
	v5 =	vld [tilespmem:s20+$0xD0];
	v6 =	vpop (erf)  }
0x3d: {  	v9 =	vmul.f32 v6, v2;
	v6 =	vld [tilespmem:s20+$0xE0];
	v7 =	vpop (erf)  }
0x3e: {  	s22 =	sshra.s32 s21, $0x2;
	[tilespmem:s20+$0x4080] =	vst v3;
	v10 =	vmul.f32 v7, v0;
	v3 =	vld [tilespmem:s20+$0xF0];
	v7 =	vpop (erf)  }
0x3f: {  	v8 =	vld [tilespmem:s22+$0x4080];
	[tilespmem:s20+$0x4090] =	vst v9;
	v9 =	vmul.f32 v7, v1;
	v2 =	vpop (erf)  }
0x40: {  	v7 =	vld [tilespmem:s22+$0x4090];
	[tilespmem:s20+$0x40A0] =	vst v10;
	v10 =	vmul.f32 v2, v4;
	v0 =	vpop (erf)  }
.Ltmp0:
0x41: {  	v4 =	vld [tilespmem:s22+$0x40A0];
	[tilespmem:s20+$0x40B0] =	vst v9;
	v5 =	vmul.f32 v0, v5;
	v1 =	vpop (erf);
	(pc) =	sbr.rel @p0 .LBB2_3-.Ltmp0, $4  }
0x42: {  	v0 =	vld [tilespmem:s22+$0x40B0];
	[tilespmem:s20+$0x40C0] =	vst v10;
	v9 =	vmul.f32 v1, v6;
	v2 =	vpop (erf)  }
0x43: {  	v1 =	vld [tilespmem:s22+$0x40C0];
	[tilespmem:s20+$0x40D0] =	vst v5;
	v10 =	vmul.f32 v2, v3  }
0x44: {  	v6 =	vsub.f32 $0.0e+00, v8;
	v2 =	vld [tilespmem:s22+$0x40D0];
	[tilespmem:s20+$0x40E0] =	vst v9  }
0x45: {  	s21 =	sadd.s32 $0x200, s21;
	v5 =	vsub.f32 $0.0e+00, v7;
	v3 =	vld [tilespmem:s22+$0x40E0];
	[tilespmem:s20+$0x40F0] =	vst v10;
	s20 =	smov.u32 s22  }
0x46: {  	v6 =	vmul.f32 $1.442695020e+00, v6;
	v4 =	vsub.f32 $0.0e+00, v4;
	v7 =	vld [tilespmem:s20+$0x40F0]  }
0x47: {  	v5 =	vmul.f32 $1.442695020e+00, v5;
	v0 =	vsub.f32 $0.0e+00, v0  }
0x48: {  	(erf) = vpow2.f32 v6;
	v4 =	vmul.f32 $1.442695020e+00, v4;
	v1 =	vsub.f32 $0.0e+00, v1  }
0x49: {  	v0 =	vmul.f32 $1.442695020e+00, v0;
	v2 =	vsub.f32 $0.0e+00, v2;
	(erf) = vpow2.f32 v5  }
0x4a: {  	v1 =	vmul.f32 $1.442695020e+00, v1;
	v3 =	vsub.f32 $0.0e+00, v3;
	(erf) = vpow2.f32 v4  }
0x4b: {  	v2 =	vmul.f32 $1.442695020e+00, v2;
	v32 =	vsub.f32 $0.0e+00, v7;
	(erf) = vpow2.f32 v0  }
0x4c: {  	v33 =	vmul.f32 $1.442695020e+00, v3;
	(erf) = vpow2.f32 v1  }
0x4d: {  	v34 =	vmul.f32 $1.442695020e+00, v32;
	(erf) = vpow2.f32 v2  }
0x4e: {  	(erf) = vpow2.f32 v33  }
0x4f: {  	(erf) = vpow2.f32 v34;
	_ =	sdelay $0x1  }
0x50: {  	v35 =	vpop (erf)  }
0x51: {  	v0 =	vadd.f32 $1.000000000e+00, v35;
	v36 =	vpop (erf)  }
0x52: {  	v1 =	vadd.f32 $1.000000000e+00, v36;
	v37 =	vpop (erf)  }
0x53: {  	(erf) = vrcp.f32 v0;
	v38 =	vadd.f32 $1.000000000e+00, v37;
	v39 =	vpop (erf)  }
0x54: {  	v2 =	vadd.f32 $1.000000000e+00, v39;
	(erf) = vrcp.f32 v1;
	v40 =	vpop (erf)  }
0x55: {  	v1 =	vadd.f32 $1.000000000e+00, v40;
	(erf) = vrcp.f32 v38;
	v41 =	vpop (erf)  }
0x56: {  	v0 =	vadd.f32 $1.000000000e+00, v41;
	(erf) = vrcp.f32 v2;
	v42 =	vpop (erf)  }
0x57: {  	v2 =	vadd.f32 $1.000000000e+00, v42;
	(erf) = vrcp.f32 v1;
	v43 =	vpop (erf)  }
0x58: {  	v44 =	vld [tilespmem:s20+$0x80];
	v1 =	vadd.f32 $1.000000000e+00, v43;
	(erf) = vrcp.f32 v0  }
0x59: {  	v45 =	vld [tilespmem:s20+$0x90];
	(erf) = vrcp.f32 v2  }
0x5a: {  	v46 =	vld [tilespmem:s20+$0xA0];
	(erf) = vrcp.f32 v1  }
0x5b: {  	v47 =	vld [tilespmem:s20+$0xB0]  }
0x5c: {  	v48 =	vld [tilespmem:s20+$0xC0];
	v49 =	vpop (erf)  }
0x5d: {  	v50 =	vld [tilespmem:s20+$0xD0];
	v3 =	vmul.f32 v49, v44;
	v51 =	vpop (erf)  }
0x5e: {  	v52 =	vld [tilespmem:s20+$0xE0];
	v0 =	vmul.f32 v51, v45;
	v53 =	vpop (erf)  }
0x5f: {  	v54 =	vld [tilespmem:s20+$0xF0];
	[tilespmem:s20+$0x4080] =	vst v3;
	v2 =	vmul.f32 v53, v46;
	v55 =	vpop (erf)  }
0x60: {  	[tilespmem:s20+$0x4090] =	vst v0;
	v56 =	vmul.f32 v55, v47;
	v57 =	vpop (erf)  }
0x61: {  	[tilespmem:s20+$0x40A0] =	vst v2;
	v1 =	vmul.f32 v57, v48;
	v58 =	vpop (erf)  }
0x62: {  	[tilespmem:s20+$0x40B0] =	vst v56;
	v59 =	vmul.f32 v58, v50;
	v60 =	vpop (erf)  }
0x63: {  	[tilespmem:s20+$0x40C0] =	vst v1;
	v61 =	vmul.f32 v60, v52;
	v62 =	vpop (erf)  }
0x64: {  	s18 =	sadd.s32 $0x1, s18;
	[tilespmem:s20+$0x40D0] =	vst v59;
	v63 =	vmul.f32 v62, v54  }
0x65: {  	p0 =	sne.s32 s18, $0x4E;
	[tilespmem:s20+$0x40E0] =	vst v61  }
.Ltmp1:
0x66: {  	s19 =	sadd.s32 s7, s19;
	[tilespmem:s20+$0x40F0] =	vst v63;
	(pc) =	sbr.rel @p0 .LBB2_2-.Ltmp1, $4  }
0x67: {  	[hbm4b:s19+s3] =	stream.linear.scatter [tilespmem:s14], [sflag:$0x2], $0x4000, $0x38;
	[tilespmem:$0x8080] =	vst v63  }
0x68: {  	_ =	swait.ge [sflag:s12], $0x4000  }
0x69: {  	[sflag:s12] =	ssyncset.done $0x0  }
0x6a: {  	[sflag:s12] =	ssyncadd.s32 $0xFFFFC000  }
0x6b: {  	s18 =	simm.s32 $0x0  }
0x6c: {  	[tilespmem:s18], [sflag:$0x2] =	stream.linear.gather [hbm4b:s8+s18], $0x10, $0x38;
	[tilespmem:$0x8080] =	vst v63  }
0x6d: {  	_ =	swait.ge [sflag:s12], $0x10  }
0x6e: {  	[sflag:s12] =	ssyncset.done $0x0  }
0x6f: {  	[sflag:s12] =	ssyncadd.s32 $0xFFFFFFF0  }
0x70: {  	[tilespmem:s13], [sflag:$0x1] =	stream.indirect.gather [hbm4b:s5+s16], $0x80, s18, s16, $0xb8;
	[tilespmem:$0x8080] =	vst v63  }
0x71: {  	_ = 	snop  }
0x72: {  	[tilespmem:s14], [sflag:$0x2] =	stream.linear.gather [hbm4b:s9+s18], $0x800, $0x38;
	[tilespmem:$0x8080] =	vst v63  }
0x73: {  	_ =	swait.ge [sflag:s12], $0x800  }
0x74: {  	[sflag:s12] =	ssyncset.done $0x0  }
0x75: {  	[sflag:s12] =	ssyncadd.s32 $0xFFFFF800  }
0x76: {  	_ =	swait.ge [sflag:s15], $0x800  }
0x77: {  	[sflag:s15] =	ssyncset.done $0x0  }
0x78: {  	s18 =	simm.s32 $0x0;
	[sflag:s15] =	ssyncadd.s32 $0xFFFFF800  }
0x79: {  	v3 =	vld [tilespmem:s18+$0x4080]  }
0x7a: {  	v5 =	vld [tilespmem:s18+$0x4090]  }
0x7b: {  	v4 =	vld [tilespmem:s18+$0x40A0]  }
0x7c: {  	v0 =	vld [tilespmem:s18+$0x40B0]  }
0x7d: {  	v1 =	vld [tilespmem:s18+$0x40C0]  }
0x7e: {  	v2 =	vld [tilespmem:s18+$0x40D0];
	v6 =	vsub.f32 $0.0e+00, v3  }
0x7f: {  	s19 =	simm.s32 $0x200;
	v5 =	vsub.f32 $0.0e+00, v5;
	v3 =	vld [tilespmem:s18+$0x40E0]  }
.LBB2_6:
0x80: {  	p0 =	sne.s32 s19, $0x1E00;
	v6 =	vmul.f32 $1.442695020e+00, v6;
	v4 =	vsub.f32 $0.0e+00, v4;
	v7 =	vld [tilespmem:s18+$0x40F0]  }
0x81: {  	v5 =	vmul.f32 $1.442695020e+00, v5;
	v0 =	vsub.f32 $0.0e+00, v0  }
0x82: {  	v4 =	vmul.f32 $1.442695020e+00, v4;
	v1 =	vsub.f32 $0.0e+00, v1;
	(erf) = vpow2.f32 v6  }
0x83: {  	v0 =	vmul.f32 $1.442695020e+00, v0;
	v2 =	vsub.f32 $0.0e+00, v2;
	(erf) = vpow2.f32 v5  }
0x84: {  	v1 =	vmul.f32 $1.442695020e+00, v1;
	v3 =	vsub.f32 $0.0e+00, v3;
	(erf) = vpow2.f32 v4  }
0x85: {  	v2 =	vmul.f32 $1.442695020e+00, v2;
	v4 =	vsub.f32 $0.0e+00, v7;
	(erf) = vpow2.f32 v0  }
0x86: {  	v0 =	vmul.f32 $1.442695020e+00, v3;
	(erf) = vpow2.f32 v1  }
0x87: {  	v1 =	vmul.f32 $1.442695020e+00, v4;
	(erf) = vpow2.f32 v2  }
0x88: {  	(erf) = vpow2.f32 v0  }
0x89: {  	(erf) = vpow2.f32 v1;
	_ =	sdelay $0x1  }
0x8a: {  	v0 =	vpop (erf)  }
0x8b: {  	v3 =	vadd.f32 $1.000000000e+00, v0;
	v1 =	vpop (erf)  }
0x8c: {  	v4 =	vadd.f32 $1.000000000e+00, v1;
	v2 =	vpop (erf)  }
0x8d: {  	v5 =	vadd.f32 $1.000000000e+00, v2;
	(erf) = vrcp.f32 v3;
	v0 =	vpop (erf)  }
0x8e: {  	v3 =	vadd.f32 $1.000000000e+00, v0;
	(erf) = vrcp.f32 v4;
	v1 =	vpop (erf)  }
0x8f: {  	v4 =	vadd.f32 $1.000000000e+00, v1;
	(erf) = vrcp.f32 v5;
	v2 =	vpop (erf)  }
0x90: {  	v2 =	vadd.f32 $1.000000000e+00, v2;
	(erf) = vrcp.f32 v3;
	v0 =	vpop (erf)  }
0x91: {  	v0 =	vadd.f32 $1.000000000e+00, v0;
	(erf) = vrcp.f32 v4;
	v1 =	vpop (erf)  }
0x92: {  	v3 =	vld [tilespmem:s18+$0x80];
	v1 =	vadd.f32 $1.000000000e+00, v1;
	(erf) = vrcp.f32 v2  }
0x93: {  	v2 =	vld [tilespmem:s18+$0x90];
	(erf) = vrcp.f32 v0  }
0x94: {  	v0 =	vld [tilespmem:s18+$0xA0];
	(erf) = vrcp.f32 v1  }
0x95: {  	v1 =	vld [tilespmem:s18+$0xB0]  }
0x96: {  	v4 =	vld [tilespmem:s18+$0xC0];
	v5 =	vpop (erf)  }
0x97: {  	v3 =	vmul.f32 v5, v3;
	v5 =	vld [tilespmem:s18+$0xD0];
	v6 =	vpop (erf)  }
0x98: {  	v9 =	vmul.f32 v6, v2;
	v6 =	vld [tilespmem:s18+$0xE0];
	v7 =	vpop (erf)  }
0x99: {  	s20 =	sshra.s32 s19, $0x2;
	[tilespmem:s18+$0x4080] =	vst v3;
	v10 =	vmul.f32 v7, v0;
	v3 =	vld [tilespmem:s18+$0xF0];
	v7 =	vpop (erf)  }
0x9a: {  	v8 =	vld [tilespmem:s20+$0x4080];
	[tilespmem:s18+$0x4090] =	vst v9;
	v9 =	vmul.f32 v7, v1;
	v2 =	vpop (erf)  }
0x9b: {  	v7 =	vld [tilespmem:s20+$0x4090];
	[tilespmem:s18+$0x40A0] =	vst v10;
	v10 =	vmul.f32 v2, v4;
	v0 =	vpop (erf)  }
.Ltmp2:
0x9c: {  	v4 =	vld [tilespmem:s20+$0x40A0];
	[tilespmem:s18+$0x40B0] =	vst v9;
	v5 =	vmul.f32 v0, v5;
	v1 =	vpop (erf);
	(pc) =	sbr.rel @p0 .LBB2_6-.Ltmp2, $4  }
0x9d: {  	v0 =	vld [tilespmem:s20+$0x40B0];
	[tilespmem:s18+$0x40C0] =	vst v10;
	v9 =	vmul.f32 v1, v6;
	v2 =	vpop (erf)  }
0x9e: {  	v1 =	vld [tilespmem:s20+$0x40C0];
	[tilespmem:s18+$0x40D0] =	vst v5;
	v10 =	vmul.f32 v2, v3  }
0x9f: {  	v6 =	vsub.f32 $0.0e+00, v8;
	v2 =	vld [tilespmem:s20+$0x40D0];
	[tilespmem:s18+$0x40E0] =	vst v9  }
0xa0: {  	s19 =	sadd.s32 $0x200, s19;
	v5 =	vsub.f32 $0.0e+00, v7;
	v3 =	vld [tilespmem:s20+$0x40E0];
	[tilespmem:s18+$0x40F0] =	vst v10;
	s18 =	smov.u32 s20  }
0xa1: {  	v6 =	vmul.f32 $1.442695020e+00, v6;
	v4 =	vsub.f32 $0.0e+00, v4;
	v7 =	vld [tilespmem:s18+$0x40F0]  }
0xa2: {  	v5 =	vmul.f32 $1.442695020e+00, v5;
	v0 =	vsub.f32 $0.0e+00, v0  }
0xa3: {  	(erf) = vpow2.f32 v6;
	v4 =	vmul.f32 $1.442695020e+00, v4;
	v1 =	vsub.f32 $0.0e+00, v1  }
0xa4: {  	v0 =	vmul.f32 $1.442695020e+00, v0;
	v2 =	vsub.f32 $0.0e+00, v2;
	(erf) = vpow2.f32 v5  }
0xa5: {  	v1 =	vmul.f32 $1.442695020e+00, v1;
	v3 =	vsub.f32 $0.0e+00, v3;
	(erf) = vpow2.f32 v4  }
0xa6: {  	v2 =	vmul.f32 $1.442695020e+00, v2;
	v32 =	vsub.f32 $0.0e+00, v7;
	(erf) = vpow2.f32 v0  }
0xa7: {  	v33 =	vmul.f32 $1.442695020e+00, v3;
	(erf) = vpow2.f32 v1  }
0xa8: {  	v34 =	vmul.f32 $1.442695020e+00, v32;
	(erf) = vpow2.f32 v2  }
0xa9: {  	(erf) = vpow2.f32 v33  }
0xaa: {  	(erf) = vpow2.f32 v34;
	_ =	sdelay $0x1  }
0xab: {  	v35 =	vpop (erf)  }
0xac: {  	v0 =	vadd.f32 $1.000000000e+00, v35;
	v36 =	vpop (erf)  }
0xad: {  	v1 =	vadd.f32 $1.000000000e+00, v36;
	v37 =	vpop (erf)  }
0xae: {  	(erf) = vrcp.f32 v0;
	v38 =	vadd.f32 $1.000000000e+00, v37;
	v39 =	vpop (erf)  }
0xaf: {  	v2 =	vadd.f32 $1.000000000e+00, v39;
	(erf) = vrcp.f32 v1;
	v40 =	vpop (erf)  }
0xb0: {  	v1 =	vadd.f32 $1.000000000e+00, v40;
	(erf) = vrcp.f32 v38;
	v41 =	vpop (erf)  }
0xb1: {  	v0 =	vadd.f32 $1.000000000e+00, v41;
	(erf) = vrcp.f32 v2;
	v42 =	vpop (erf)  }
0xb2: {  	v2 =	vadd.f32 $1.000000000e+00, v42;
	(erf) = vrcp.f32 v1;
	v43 =	vpop (erf)  }
0xb3: {  	v44 =	vld [tilespmem:s18+$0x80];
	v1 =	vadd.f32 $1.000000000e+00, v43;
	(erf) = vrcp.f32 v0  }
0xb4: {  	v45 =	vld [tilespmem:s18+$0x90];
	(erf) = vrcp.f32 v2  }
0xb5: {  	v46 =	vld [tilespmem:s18+$0xA0];
	(erf) = vrcp.f32 v1  }
0xb6: {  	v47 =	vld [tilespmem:s18+$0xB0]  }
0xb7: {  	v48 =	vld [tilespmem:s18+$0xC0];
	v49 =	vpop (erf)  }
0xb8: {  	v50 =	vld [tilespmem:s18+$0xD0];
	v3 =	vmul.f32 v49, v44;
	v51 =	vpop (erf)  }
0xb9: {  	v52 =	vld [tilespmem:s18+$0xE0];
	v0 =	vmul.f32 v51, v45;
	v53 =	vpop (erf)  }
0xba: {  	v54 =	vld [tilespmem:s18+$0xF0];
	[tilespmem:s18+$0x4080] =	vst v3;
	v2 =	vmul.f32 v53, v46;
	v55 =	vpop (erf)  }
0xbb: {  	[tilespmem:s18+$0x4090] =	vst v0;
	v56 =	vmul.f32 v55, v47;
	v57 =	vpop (erf)  }
0xbc: {  	[tilespmem:s18+$0x40A0] =	vst v2;
	v1 =	vmul.f32 v57, v48;
	v58 =	vpop (erf)  }
0xbd: {  	[tilespmem:s18+$0x40B0] =	vst v56;
	v59 =	vmul.f32 v58, v50;
	v60 =	vpop (erf)  }
0xbe: {  	[tilespmem:s18+$0x40C0] =	vst v1;
	v61 =	vmul.f32 v60, v52;
	v62 =	vpop (erf)  }
0xbf: {  	s17 =	sadd.s32 $0x1, s17;
	[tilespmem:s18+$0x40D0] =	vst v59;
	v63 =	vmul.f32 v62, v54  }
0xc0: {  	p0 =	sne.s32 s17, s11;
	[tilespmem:s18+$0x40E0] =	vst v61  }
.Ltmp3:
0xc1: {  	[tilespmem:s18+$0x40F0] =	vst v63;
	(pc) =	sbr.rel @p0 .LBB2_1-.Ltmp3, $4  }
0xc2: {  	[hbm4b:s10+s3] =	stream.linear.scatter [tilespmem:s14], [sflag:$0x2], $0x800, $0x38;
	[tilespmem:$0x8080] =	vst v63  }
0xc3: {  	_ =	swait.ge [sflag:s12], $0x800  }
0xc4: {  	[sflag:s12] =	ssyncset.done $0x0  }
0xc5: {  	[sflag:s12] =	ssyncadd.s32 $0xFFFFF800  }
0xc6: {  	_ =	sfence.sel $0x180000  }
0xc7: {  	[bflag:$0x0] =	sbarrier.arrive $0xFFFF  }
0xc8: {  	p0 =	sne.s32 s0, $0x0;
	_ =	strace $0x90000053  }
0xc9: {  	s0 =	sadd.s32 @!p0 $0x100000, s1;
	[bflag:$0x2] =	sbarrier.arrive $0xFFFF  }
0xca: {  	[sflag:s0] =	ssyncadd.tile.s32 @!p0 $0x1;
	_ =	shalt  }
.Lfunc_end2:
_tile_overlayer_lowered:
.L_overlay_start_2:
0xcb: {  	(tag) =	ssettag $0x2  }
0xcc: {  	s0 =	rddreg [dreg:$0x0];
	s2 =	stileid.u32  }
0xcd: {  	s1 =	rddreg [dreg:$0x1];
	p0 =	sne.s32 s2, $0x0  }
0xce: {  	s3 =	rddreg [dreg:$0x2];
	[bflag:$0x3] =	sbarrier.arrive $0xFFFF;
	s2 =	simm.s32 @!p0 $0x1C02  }
0xcf: {  	[timem:s3], [sflag:s2] =	dma.local @!p0 [hbm:s0], s1  }
0xd0: {  	s0 =	simm.s32 @!p0 $0x2  }
0xd1: {  	_ =	swait.ge @!p0 [sflag:s0], s1  }
0xd2: {  	s1 =	ssub.s32 @!p0 $0x0, s1;
	[sflag:s0] =	ssyncset.done @!p0 $0x0  }
0xd3: {  	[sflag:s0] =	ssyncadd.s32 @!p0 s1  }
0xd4: {  	[bflag:$0x3] =	sbarrier.arrive $0xFFFF  }
0xd5: {  	_ =	shalt  }

// kernel: kernel.18.cloned.1.call-start
scs
__scs_entry_jumppad:
0x0: {  	(pc) =	sbr.rel $0x88, $3  }
0x1: {  	(tag) =	ssettag $0x0;
	lr =	simm.s32 $0x1  }
0x2: {  	[smem:$0x3F8F] =	sst lr;
	_ =	strace $0xD0000000  }
0x3: {  	_ = 	snop  }
0x4: {  	_ = 	snop  }
0x5: {  	_ = 	snop  }
0x6: {  	_ = 	snop  }
0x7: {  	_ = 	snop  }
__scs_overlays_trampoline_lowered:
0x8: {  	[smem:$0x3F9E] =	sst s0  }
0x9: {  	[smem:$0x3F9F] =	sst s1  }
0xa: {  	[smem:$0x3FA0] =	sst s2  }
0xb: {  	[smem:$0x3FA1] =	sst s3  }
0xc: {  	[smem:$0x3FA2] =	sst s4  }
0xd: {  	[smem:$0x3FA3] =	sst s5  }
0xe: {  	[smem:$0x3FA4] =	sst s6  }
0xf: {  	[smem:$0x3FA5] =	sst s7  }
0x10: {  	[smem:$0x3FA6] =	sst s8  }
0x11: {  	[smem:$0x3FA7] =	sst s9;
	s0 =	simm.s32 @!p0 $0x0  }
0x12: {  	s1 =	sld [smem:$0x3F8D];
	s0 =	simm.s32 @p0 $0x1  }
0x13: {  	[smem:$0x3FA8] =	sst s0;
	s0 =	simm.s32 @!p1 $0x0  }
0x14: {  	s2 =	sld [smem:$0x3F8C];
	s0 =	simm.s32 @p1 $0x1  }
0x15: {  	[smem:$0x3FA9] =	sst s0;
	s0 =	simm.s32 @!p2 $0x0  }
0x16: {  	s3 =	sld [smem:$0x3FDB];
	s0 =	simm.s32 @p2 $0x1  }
0x17: {  	s4 =	simm.s32 $0x1BF5;
	[smem:$0x3FAB] =	sst s0  }
0x18: {  	s0 =	sld [smem:$0x3F8E];
	_ =	swait.ge [sflag:s4], $0x0  }
0x19: {  	s7 =	sld [smem:$0x3F8F]  }
0x1a: {  	s8 =	sadd.s32 $0xFFFFE003, lr  }
0x1b: {  	s9 =	sadd.s32 $0xFFFFFEF7, lr;
	s5 =	simm.s32 $0xFFFFFFFF;
	p2 =	slt.u32 s8, $0xFFFFF086  }
0x1c: {  	p1 =	slt.u32 s9, $0xF7A;
	s5 =	simm.s32 @!p2 $0x0  }
0x1d: {  	s5 =	simm.s32 @p1 $0x1;
	p0 =	seq.s32 s7, s2  }
0x1e: {  	s7 =	smul.u32 @!p0 $0xF7A, s2;
	p2 =	seq.s32 @!p0 s5, $0x0  }
0x1f: {  	s9 =	smul.u32 $0xF7A, s1;
	s8 =	simm.s32 @!p0 $0x1BF5;
	p2 =	por !p2, p0  }
0x20: {  	[sflag:s8] =	ssyncset.s32 @!p0 $0xFFFFF086;
	s6 =	sadd.s32 @!p0 s3, s7;
	s7 =	simm.s32 @!p0 $0x108  }
0x21: {  	s3 =	sadd.s32 s3, s9;
	s6 =	sadd.s32 @!p0 $0x88, s6;
	s7 =	simm.s32 @p2 $0x1082  }
0x22: {  	[simem:s7], [sflag:s8] =	dma.local @!p0 [hbm:s6], $0xF7A  }
0x23: {  	s9 =	sor.u32 $0xD0000000, s2;
	s6 =	simm.s32 $0x108;
	_ =	swait.ge @!p0 [sflag:s8], $0x0  }
0x24: {  	s3 =	sadd.s32 $0x88, s3;
	s6 =	simm.s32 @!p1 $0x1082;
	[sflag:s4] =	ssyncset.s32 $0xFFFFF086  }
0x25: {  	[simem:s6], [sflag:s4] =	dma.local [hbm:s3], $0xF7A  }
0x26: {  	[smem:$0x3F8F] =	sst s1;
	(tag) =	ssettag s2;
	_ =	strace s9  }
0x27: {  	s1 =	sld [smem:$0x3F9F]  }
0x28: {  	s2 =	sld [smem:$0x3FA0]  }
0x29: {  	s4 =	sld [smem:$0x3FA2]  }
0x2a: {  	p0 =	seq.s32 s5, $0x0;
	s5 =	sld [smem:$0x3FA3]  }
0x2b: {  	s6 =	sld [smem:$0x3FA4]  }
0x2c: {  	s7 =	sld [smem:$0x3FA5]  }
0x2d: {  	s3 =	simm.s32 $0x108;
	s8 =	sld [smem:$0x3FA6]  }
0x2e: {  	s3 =	simm.s32 @!p0 $0x1082;
	s9 =	sld [smem:$0x3FA7]  }
0x2f: {  	lr =	sadd.s32 s0, s3;
	s0 =	sld [smem:$0x3F9E]  }
0x30: {  	s3 =	sld [smem:$0x3FA1]  }
0x31: {  	[smem:$0x3FAA] =	sst s10  }
0x32: {  	s10 =	sld [smem:$0x3FA8];
	_ =	sdelay $0x3  }
0x33: {  	p0 =	seq.s32 s10, $0x1;
	s10 =	sld [smem:$0x3FAA];
	_ =	sdelay $0x3  }
0x34: {  	[smem:$0x3FAA] =	sst s10  }
0x35: {  	s10 =	sld [smem:$0x3FA9];
	_ =	sdelay $0x3  }
0x36: {  	p1 =	seq.s32 s10, $0x1;
	s10 =	sld [smem:$0x3FAA];
	_ =	sdelay $0x3  }
0x37: {  	[smem:$0x3FAA] =	sst s10  }
0x38: {  	s10 =	sld [smem:$0x3FAB]  }
0x39: {  	_ = 	snop;
	(pc) =	sbr.ind lr, $3  }
0x3a: {  	_ = 	snop  }
0x3b: {  	_ = 	snop  }
0x3c: {  	p2 =	seq.s32 s10, $0x1;
	s10 =	sld [smem:$0x3FAA]  }
0x3d: {  	_ =	shalt  }
0x3e: {  	_ =	shalt  }
0x3f: {  	_ =	shalt  }
0x40: {  	_ =	shalt  }
0x41: {  	_ =	shalt  }
0x42: {  	_ =	shalt  }
0x43: {  	_ =	shalt  }
0x44: {  	_ =	shalt  }
0x45: {  	_ =	shalt  }
0x46: {  	_ =	shalt  }
0x47: {  	_ =	shalt  }
0x48: {  	_ =	shalt  }
0x49: {  	_ =	shalt  }
0x4a: {  	_ =	shalt  }
0x4b: {  	_ =	shalt  }
0x4c: {  	_ =	shalt  }
0x4d: {  	_ =	shalt  }
0x4e: {  	_ =	shalt  }
0x4f: {  	_ =	shalt  }
0x50: {  	_ =	shalt  }
0x51: {  	_ =	shalt  }
0x52: {  	_ =	shalt  }
0x53: {  	_ =	shalt  }
0x54: {  	_ =	shalt  }
0x55: {  	_ =	shalt  }
0x56: {  	_ =	shalt  }
0x57: {  	_ =	shalt  }
0x58: {  	_ =	shalt  }
0x59: {  	_ =	shalt  }
0x5a: {  	_ =	shalt  }
0x5b: {  	_ =	shalt  }
0x5c: {  	_ =	shalt  }
0x5d: {  	_ =	shalt  }
0x5e: {  	_ =	shalt  }
0x5f: {  	_ =	shalt  }
0x60: {  	_ =	shalt  }
0x61: {  	_ =	shalt  }
0x62: {  	_ =	shalt  }
0x63: {  	_ =	shalt  }
0x64: {  	_ =	shalt  }
0x65: {  	_ =	shalt  }
0x66: {  	_ =	shalt  }
0x67: {  	_ =	shalt  }
0x68: {  	_ =	shalt  }
0x69: {  	_ =	shalt  }
0x6a: {  	_ =	shalt  }
0x6b: {  	_ =	shalt  }
0x6c: {  	_ =	shalt  }
0x6d: {  	_ =	shalt  }
0x6e: {  	_ =	shalt  }
0x6f: {  	_ =	shalt  }
0x70: {  	_ =	shalt  }
0x71: {  	_ =	shalt  }
0x72: {  	_ =	shalt  }
0x73: {  	_ =	shalt  }
0x74: {  	_ =	shalt  }
0x75: {  	_ =	shalt  }
0x76: {  	_ =	shalt  }
0x77: {  	_ =	shalt  }
0x78: {  	_ =	shalt  }
0x79: {  	_ =	shalt  }
0x7a: {  	_ =	shalt  }
0x7b: {  	_ =	shalt  }
0x7c: {  	_ =	shalt  }
0x7d: {  	_ =	shalt  }
0x7e: {  	_ =	shalt  }
0x7f: {  	_ =	shalt  }
0x80: {  	_ =	shalt  }
0x81: {  	_ =	shalt  }
0x82: {  	_ =	shalt  }
0x83: {  	_ =	shalt  }
0x84: {  	_ =	shalt  }
0x85: {  	_ =	shalt  }
0x86: {  	_ =	shalt  }
0x87: {  	_ =	shalt  }
.Lfunc_end0:
.L_simem_size_0:
called_computation.5_lowered:
.L_overlay_start_0:
0x88: {  	s2 =	sld [smem:$0x3FD9]  }
0x89: {  	s3 =	sld [smem:$0x3FFE];
	_ =	sdelay $0x1  }
0x8a: {  	s1 =	srdreg.scid  }
0x8b: {  	s0 =	sand.u32 $0x1, s1  }
0x8c: {  	s17 =	sshll.u32 s0, $0xA;
	s2 =	sadd.s32 s3, s2  }
0x8d: {  	s2 =	sadd.s32 s2, s17  }
0x8e: {  	[smem:$0x3FB6] =	sst s2  }
0x8f: {  	_ = 	snop  }
0x90: {  	s2 =	sld [smem:$0x3FD0];
	(tm) =	ssettm $0x1  }
0x91: {  	s18 =	sld [smem:$0x3FFB];
	_ =	sdelay $0x3  }
0x92: {  	_ =	strace s18  }
0x93: {  	s3 =	sld [smem:$0x3FFC];
	_ =	sdelay $0x3  }
0x94: {  	_ =	strace s3  }
0x95: {  	s3 =	sld [smem:$0x3FFD];
	_ =	sdelay $0x3  }
0x96: {  	_ =	strace s3  }
0x97: {  	_ =	strace $0x8FFFFFFF  }
0x98: {  	s19 =	sld [smem:$0x3FDB];
	_ =	sdelay $0x1  }
0x99: {  	s4 =	simm.s32 $_scs_section_size  }
0x9a: {  	s5 =	simm.s32 $_size__tile_overlayer_lowered;
	s6 =	simm.s32 $_tile_overlayer_lowered  }
0x9b: {  	s22 =	simm.s32 $0x1BFF;
	s21 =	sshll.u32 s6, $0x1;
	s3 =	sadd.s32 s4, s19  }
0x9c: {  	s7 =	simm.s32 $0x0;
	s20 =	sshll.u32 s5, $0x1;
	s5 =	sadd.s32 s21, s3  }
0x9d: {  	[timem:s7], [sflag:s22] =	dma.local [hbm:s5], s20  }
0x9e: {  	_ =	swait.ge [sflag:s22], s20  }
0x9f: {  	s4 =	ssub.s32 $0x0, s20;
	[sflag:s22] =	ssyncset.done $0x0  }
0xa0: {  	[sflag:s22] =	ssyncadd.s32 s4;
	_ =	sdelay $0x1  }
0xa1: {  	s23 =	simm.s32 $0x1B8B  }
0xa2: {  	_ =	swait.ge [sflag:s23], $0x1  }
0xa3: {  	[sflag:s23] =	ssyncset.done $0x0  }
0xa4: {  	s25 =	simm.s32 $0x1B8E;
	s24 =	sld [smem:$0x3FFE];
	[sflag:s23] =	ssyncadd.s32 $0xFFFFFFFF  }
0xa5: {  	s26 =	simm.s32 $execute0_lowered;
	[smem:$0x3FD2] =	sst s25  }
0xa6: {  	s5 =	sshll.u32 s26, $0x1;
	_ =	strace $0x80000058;
	[dreg:$0x1] =	wrdreg $0xFFFFFFFF  }
0xa7: {  	s28 =	simm.s32 $_size_execute0_lowered;
	s3 =	sadd.s32 s3, s5;
	[dreg:$0x0] =	wrdreg $0x0  }
0xa8: {  	s5 =	sshll.u32 s28, $0x1;
	[dreg:$0x2] =	wrdreg s3  }
0xa9: {  	[dreg:$0x3] =	wrdreg s5  }
0xaa: {  	[dreg:$0x4] =	wrdreg $0xC0  }
0xab: {  	_ =	task [dreg:s7], $0x5FFFF  }
0xac: {  	[dreg:$0x1] =	wrdreg $0xFFFFFFFF  }
0xad: {  	[dreg:$0x0] =	wrdreg $0x60  }
0xae: {  	[dreg:$0x2] =	wrdreg s24  }
0xaf: {  	[dreg:$0x3] =	wrdreg s2  }
0xb0: {  	[dreg:$0x4] =	wrdreg $0x9  }
0xb1: {  	_ =	task.clear_ibuf [dreg:s7], $0x5FFFF;
	_ =	strace $0x90000058  }
0xb2: {  	s29 =	simm.s32 $0x9;
	_ =	strace $0x8000005A  }
0xb3: {  	_ =	swait.ge [sflag:s29], $0x1  }
0xb4: {  	[sflag:s29] =	ssyncadd.s32 $0xFFFFFFFF  }
0xb5: {  	_ =	strace $0x9000005A  }
0xb6: {  	_ =	sfence  }
0xb7: {  	s30 =	sld [smem:$0x0];
	_ =	sdelay $0x2  }
0xb8: {  	s31 =	sshll.u32 s1, $0xD;
	s1 =	sshrl.u32 s1, $0x2  }
0xb9: {  	s3 =	sand.u32 $0x4000, s31;
	s1 =	sadd.s32 s1, s30  }
0xba: {  	s0 =	sor.u32 s3, s0;
	s1 =	sshll.u32 s1, $0x11  }
0xbb: {  	s0 =	sor.u32 s1, s0  }
0xbc: {  	s0 =	sadd.s32 $0x8F2B, s0  }
0xbd: {  	[sflag:s0] =	ssyncadd.remote.s32 $0x1  }
0xbe: {  	_ =	sfence.sel $0xFFFF  }
0xbf: {  	[dreg:$0x0] =	wrdreg $0xFFFFFFFF;
	(pc) =	sbr.abs _section_cstart, $3  }
0xc0: {  	[dreg:$0x1] =	wrdreg $0xFFFFFFFF  }
0xc1: {  	_ =	task.clear_ibuf [dreg:s7], $0x2FFFF;
	_ =	strace $0x9FFFFFFF  }
0xc2: {  	(tm) =	ssettm $0x7FFFFFFF  }
0xc3: {  	_ =	shalt  }
tec
execute0_lowered:
.L_overlay_start_1:
0x0: {  	(tag) =	ssettag $0x1  }
0x1: {  	s9 =	rddreg [dreg:$0x0]  }
0x2: {  	s2 =	rddreg [dreg:$0x1]  }
0x3: {  	s0 =	rddreg [dreg:$0x2]  }
0x4: {  	s4 =	srdreg.scid;
	s1 =	stileid.u32;
	s3 =	simm.s32 $0x0  }
0x5: {  	s15 =	simm.s32 $0x3;
	s16 =	simm.s32 $0x80;
	s17 =	simm.s32 $0x100  }
0x6: {  	s18 =	simm.s32 $0x4100;
	s19 =	simm.s32 $0x1;
	s20 =	simm.s32 $0x2  }
0x7: {  	s21 =	simm.s32 $0x10;
	s10 =	sand.u32 $0x1, s4;
	s30 =	sshll.u32 s1, $0x1  }
0x8: {  	s22 =	simm.s32 $0x0;
	[smem:$0x7FF] =	sst s3;
	s4 =	sor.u32 s10, s30  }
0x9: {  	s5 =	sadd.s32 $0xCE00, s9;
	s6 =	sadd.s32 $0x34000, s9;
	s4 =	smul.u32 $0x2710, s4  }
0xa: {  	s7 =	sadd.s32 $0x5B200, s9;
	s8 =	sadd.s32 $0x3000, s9;
	s10 =	ssub.s32 $0x2, s10  }
0xb: {  	s9 =	sadd.s32 $0x5B400, s9;
	s12 =	sshrl.u32 s10, $0x1;
	s11 =	sadd.s32 $0x2700, s4  }
0xc: {  	_ =	strace $0x80000059;
	s14 =	ssub.s32 s10, s12;
	s13 =	sshrl.u32 s11, $0x3  }
0xd: {  	s31 =	sshll.u32 s11, $0x4;
	s10 =	sadd.s32 s2, s13;
	s11 =	sadd.s32 s8, s13  }
0xe: {  	s12 =	sadd.s32 s9, s31;
	s13 =	smax.u32 s14, $0x1;
	s14 =	simm.s32 $0x8100  }
.LBB2_1:
0xf: {  	[tilespmem:s14], [sflag:$0x3] =	stream.linear.gather [hbm4b:s7+s3], $0x400, $0x38;
	[tilespmem:$0x8500] =	vst v63  }
0x10: {  	_ =	swait.ge [sflag:s15], $0x400  }
0x11: {  	[sflag:s15] =	ssyncset.done $0x0  }
0x12: {  	[sflag:s15] =	ssyncadd.s32 $0xFFFFFC00  }
0x13: {  	v7 =	vld [tilespmem:$0x8100]  }
0x14: {  	v6 =	vld [tilespmem:$0x8110]  }
0x15: {  	v5 =	vld [tilespmem:$0x8120]  }
0x16: {  	v4 =	vld [tilespmem:$0x8130]  }
0x17: {  	v3 =	vld [tilespmem:$0x8140]  }
0x18: {  	v2 =	vld [tilespmem:$0x8150]  }
0x19: {  	v1 =	vld [tilespmem:$0x8160]  }
0x1a: {  	s23 =	simm.s32 $0x0;
	v0 =	vld [tilespmem:$0x8170]  }
.LBB2_2:
0x1b: {  	s24 =	sshll.u32 s23, $0x7  }
0x1c: {  	s24 =	sadd.s32 s4, s24  }
0x1d: {  	s25 =	sshrl.u32 s24, $0x3  }
0x1e: {  	s28 =	simm.s32 $0x0;
	s26 =	sadd.s32 s2, s25  }
0x1f: {  	[tilespmem:s28], [sflag:$0x3] =	stream.linear.gather [hbm4b:s26+s28], $0x80, $0x38;
	[tilespmem:$0x8500] =	vst v63  }
0x20: {  	_ =	swait.ge [sflag:s15], $0x80  }
0x21: {  	[sflag:s15] =	ssyncset.done $0x0  }
0x22: {  	s25 =	sadd.s32 s8, s25;
	[sflag:s15] =	ssyncadd.s32 $0xFFFFFF80  }
0x23: {  	[tilespmem:s16], [sflag:$0x3] =	stream.linear.gather [hbm4b:s25+s28], $0x80, $0x38;
	[tilespmem:$0x8500] =	vst v63  }
0x24: {  	_ =	swait.ge [sflag:s15], $0x80  }
0x25: {  	[sflag:s15] =	ssyncset.done $0x0  }
0x26: {  	[sflag:s15] =	ssyncadd.s32 $0xFFFFFF80  }
0x27: {  	[tilespmem:s17], [sflag:$0x1] =	stream.indirect.gather [hbm4b:s5+s16], $0x80, s28, s16, $0xb8;
	[tilespmem:$0x8500] =	vst v63  }
0x28: {  	_ = 	snop  }
0x29: {  	[tilespmem:s18], [sflag:$0x2] =	stream.indirect.gather [hbm4b:s6+s16], $0x80, s16, s16, $0xb8;
	[tilespmem:$0x8500] =	vst v63  }
0x2a: {  	_ =	swait.ge [sflag:s19], $0x4000  }
0x2b: {  	[sflag:s19] =	ssyncset.done $0x0  }
0x2c: {  	[sflag:s19] =	ssyncadd.s32 $0xFFFFC000  }
0x2d: {  	_ =	swait.ge [sflag:s20], $0x4000  }
0x2e: {  	[sflag:s20] =	ssyncset.done $0x0  }
0x2f: {  	s25 =	simm.s32 $0x0;
	[sflag:s20] =	ssyncadd.s32 $0xFFFFC000  }
0x30: {  	v14 =	vld [tilespmem:s25+$0x4100]  }
0x31: {  	v19 =	vld [tilespmem:s25+$0x4110]  }
0x32: {  	v13 =	vld [tilespmem:s25+$0x4120]  }
0x33: {  	v12 =	vld [tilespmem:s25+$0x4130]  }
0x34: {  	v11 =	vld [tilespmem:s25+$0x4140]  }
0x35: {  	v10 =	vld [tilespmem:s25+$0x4150]  }
0x36: {  	v9 =	vld [tilespmem:s25+$0x4160]  }
0x37: {  	v8 =	vld [tilespmem:s25+$0x4170]  }
0x38: {  	v20 =	vld [tilespmem:s25+$0x100]  }
0x39: {  	v21 =	vld [tilespmem:s25+$0x110]  }
0x3a: {  	v18 =	vld [tilespmem:s25+$0x120]  }
0x3b: {  	v17 =	vld [tilespmem:s25+$0x130]  }
0x3c: {  	v16 =	vld [tilespmem:s25+$0x140]  }
0x3d: {  	v15 =	vld [tilespmem:s25+$0x150];
	v20 =	vadd.f32 v14, v20  }
0x3e: {  	s26 =	simm.s32 $0x200;
	v19 =	vadd.f32 v19, v21;
	v14 =	vld [tilespmem:s25+$0x160]  }
.LBB2_3:
0x3f: {  	s28 =	sshra.s32 s26, $0x2;
	p0 =	sne.s32 s26, $0xFE00;
	v20 =	vadd.f32 v20, v7;
	v13 =	vadd.f32 v13, v18;
	v18 =	vld [tilespmem:s25+$0x170]  }
0x40: {  	v21 =	vld [tilespmem:s28+$0x4100];
	v19 =	vadd.f32 v19, v6;
	v12 =	vadd.f32 v12, v17  }
0x41: {  	v22 =	vld [tilespmem:s28+$0x4110];
	v17 =	vmax.f32 v20, $0.0e+00;
	v20 =	vadd.f32 v13, v5;
	v11 =	vadd.f32 v11, v16  }
0x42: {  	v13 =	vld [tilespmem:s28+$0x4120];
	[tilespmem:s25+$0x100] =	vst v17;
	v16 =	vmax.f32 v19, $0.0e+00;
	v17 =	vadd.f32 v12, v4;
	v10 =	vadd.f32 v10, v15  }
0x43: {  	v12 =	vld [tilespmem:s28+$0x4130];
	[tilespmem:s25+$0x110] =	vst v16;
	v15 =	vmax.f32 v20, $0.0e+00;
	v16 =	vadd.f32 v11, v3;
	v9 =	vadd.f32 v9, v14  }
0x44: {  	v11 =	vld [tilespmem:s28+$0x4140];
	[tilespmem:s25+$0x120] =	vst v15;
	v14 =	vmax.f32 v17, $0.0e+00;
	v15 =	vadd.f32 v10, v2;
	v8 =	vadd.f32 v8, v18  }
0x45: {  	v10 =	vld [tilespmem:s28+$0x4150];
	[tilespmem:s25+$0x130] =	vst v14;
	v14 =	vmax.f32 v16, $0.0e+00;
	v16 =	vadd.f32 v9, v1  }
0x46: {  	v9 =	vld [tilespmem:s28+$0x4160];
	[tilespmem:s25+$0x140] =	vst v14;
	v14 =	vmax.f32 v15, $0.0e+00;
	v15 =	vadd.f32 v8, v0  }
0x47: {  	v8 =	vld [tilespmem:s28+$0x4170];
	[tilespmem:s25+$0x150] =	vst v14;
	v14 =	vmax.f32 v16, $0.0e+00  }
0x48: {  	v19 =	vld [tilespmem:s28+$0x100];
	[tilespmem:s25+$0x160] =	vst v14;
	v14 =	vmax.f32 v15, $0.0e+00  }
0x49: {  	v23 =	vld [tilespmem:s28+$0x110];
	[tilespmem:s25+$0x170] =	vst v14;
	s25 =	smov.u32 s28  }
.Ltmp0:
0x4a: {  	v18 =	vld [tilespmem:s25+$0x120];
	(pc) =	sbr.rel @p0 .LBB2_3-.Ltmp0, $4  }
0x4b: {  	v17 =	vld [tilespmem:s25+$0x130]  }
0x4c: {  	v16 =	vld [tilespmem:s25+$0x140]  }
0x4d: {  	v20 =	vadd.f32 v21, v19;
	v15 =	vld [tilespmem:s25+$0x150]  }
0x4e: {  	s26 =	sadd.s32 $0x200, s26;
	v19 =	vadd.f32 v22, v23;
	v14 =	vld [tilespmem:s25+$0x160]  }
0x4f: {  	v20 =	vadd.f32 v20, v7;
	v13 =	vadd.f32 v13, v18;
	v61 =	vld [tilespmem:s25+$0x170]  }
0x50: {  	v19 =	vadd.f32 v19, v6;
	v12 =	vadd.f32 v12, v17  }
0x51: {  	v62 =	vmax.f32 v20, $0.0e+00;
	v13 =	vadd.f32 v13, v5;
	v11 =	vadd.f32 v11, v16  }
0x52: {  	[tilespmem:s25+$0x100] =	vst v62;
	v63 =	vmax.f32 v19, $0.0e+00;
	v12 =	vadd.f32 v12, v4;
	v10 =	vadd.f32 v10, v15  }
0x53: {  	[tilespmem:s25+$0x110] =	vst v63;
	v13 =	vmax.f32 v13, $0.0e+00;
	v11 =	vadd.f32 v11, v3;
	v9 =	vadd.f32 v9, v14  }
0x54: {  	[tilespmem:s25+$0x120] =	vst v13;
	v12 =	vmax.f32 v12, $0.0e+00;
	v10 =	vadd.f32 v10, v2;
	v8 =	vadd.f32 v8, v61  }
0x55: {  	[tilespmem:s25+$0x130] =	vst v12;
	v11 =	vmax.f32 v11, $0.0e+00;
	v9 =	vadd.f32 v9, v1  }
0x56: {  	[tilespmem:s25+$0x140] =	vst v11;
	v10 =	vmax.f32 v10, $0.0e+00;
	v8 =	vadd.f32 v8, v0  }
0x57: {  	s23 =	sadd.s32 $0x1, s23;
	[tilespmem:s25+$0x150] =	vst v10;
	v9 =	vmax.f32 v9, $0.0e+00  }
0x58: {  	s24 =	sshll.u32 s24, $0x4;
	p0 =	sne.s32 s23, $0x4E;
	[tilespmem:s25+$0x160] =	vst v9;
	v8 =	vmax.f32 v8, $0.0e+00  }
.Ltmp1:
0x59: {  	s24 =	sadd.s32 s9, s24;
	[tilespmem:s25+$0x170] =	vst v8;
	(pc) =	sbr.rel @p0 .LBB2_2-.Ltmp1, $4  }
0x5a: {  	[hbm4b:s24+s3] =	stream.linear.scatter [tilespmem:s17], [sflag:$0x3], $0x4000, $0x38;
	[tilespmem:$0x8500] =	vst v63  }
0x5b: {  	_ =	swait.ge [sflag:s15], $0x4000  }
0x5c: {  	[sflag:s15] =	ssyncset.done $0x0  }
0x5d: {  	[sflag:s15] =	ssyncadd.s32 $0xFFFFC000  }
0x5e: {  	s23 =	simm.s32 $0x0  }
0x5f: {  	[tilespmem:s23], [sflag:$0x3] =	stream.linear.gather [hbm4b:s10+s23], $0x10, $0x38;
	[tilespmem:$0x8500] =	vst v63  }
0x60: {  	_ =	swait.ge [sflag:s15], $0x10  }
0x61: {  	[sflag:s15] =	ssyncset.done $0x0  }
0x62: {  	[sflag:s15] =	ssyncadd.s32 $0xFFFFFFF0  }
0x63: {  	[tilespmem:s16], [sflag:$0x3] =	stream.linear.gather [hbm4b:s11+s23], $0x10, $0x38;
	[tilespmem:$0x8500] =	vst v63  }
0x64: {  	_ =	swait.ge [sflag:s15], $0x10  }
0x65: {  	[sflag:s15] =	ssyncset.done $0x0  }
0x66: {  	[sflag:s15] =	ssyncadd.s32 $0xFFFFFFF0  }
0x67: {  	[tilespmem:s17], [sflag:$0x1] =	stream.indirect.gather [hbm4b:s5+s21], $0x80, s23, s21, $0xb8;
	[tilespmem:$0x8500] =	vst v63  }
0x68: {  	_ = 	snop  }
0x69: {  	[tilespmem:s18], [sflag:$0x2] =	stream.indirect.gather [hbm4b:s6+s21], $0x80, s16, s21, $0xb8;
	[tilespmem:$0x8500] =	vst v63  }
0x6a: {  	_ =	swait.ge [sflag:s19], $0x800  }
0x6b: {  	[sflag:s19] =	ssyncset.done $0x0  }
0x6c: {  	[sflag:s19] =	ssyncadd.s32 $0xFFFFF800  }
0x6d: {  	_ =	swait.ge [sflag:s20], $0x800  }
0x6e: {  	[sflag:s20] =	ssyncset.done $0x0  }
0x6f: {  	s23 =	simm.s32 $0x0;
	[sflag:s20] =	ssyncadd.s32 $0xFFFFF800  }
0x70: {  	v14 =	vld [tilespmem:s23+$0x4100]  }
0x71: {  	v19 =	vld [tilespmem:s23+$0x4110]  }
0x72: {  	v13 =	vld [tilespmem:s23+$0x4120]  }
0x73: {  	v12 =	vld [tilespmem:s23+$0x4130]  }
0x74: {  	v11 =	vld [tilespmem:s23+$0x4140]  }
0x75: {  	v10 =	vld [tilespmem:s23+$0x4150]  }
0x76: {  	v9 =	vld [tilespmem:s23+$0x4160]  }
0x77: {  	v8 =	vld [tilespmem:s23+$0x4170]  }
0x78: {  	v20 =	vld [tilespmem:s23+$0x100]  }
0x79: {  	v21 =	vld [tilespmem:s23+$0x110]  }
0x7a: {  	v18 =	vld [tilespmem:s23+$0x120]  }
0x7b: {  	v17 =	vld [tilespmem:s23+$0x130]  }
0x7c: {  	v16 =	vld [tilespmem:s23+$0x140]  }
0x7d: {  	v15 =	vld [tilespmem:s23+$0x150];
	v20 =	vadd.f32 v14, v20  }
0x7e: {  	s24 =	simm.s32 $0x200;
	v19 =	vadd.f32 v19, v21;
	v14 =	vld [tilespmem:s23+$0x160]  }
.LBB2_6:
0x7f: {  	s25 =	sshra.s32 s24, $0x2;
	p0 =	sne.s32 s24, $0x1E00;
	v20 =	vadd.f32 v20, v7;
	v13 =	vadd.f32 v13, v18;
	v18 =	vld [tilespmem:s23+$0x170]  }
0x80: {  	v21 =	vld [tilespmem:s25+$0x4100];
	v19 =	vadd.f32 v19, v6;
	v12 =	vadd.f32 v12, v17  }
0x81: {  	v22 =	vld [tilespmem:s25+$0x4110];
	v17 =	vmax.f32 v20, $0.0e+00;
	v20 =	vadd.f32 v13, v5;
	v11 =	vadd.f32 v11, v16  }
0x82: {  	v13 =	vld [tilespmem:s25+$0x4120];
	[tilespmem:s23+$0x100] =	vst v17;
	v16 =	vmax.f32 v19, $0.0e+00;
	v17 =	vadd.f32 v12, v4;
	v10 =	vadd.f32 v10, v15  }
0x83: {  	v12 =	vld [tilespmem:s25+$0x4130];
	[tilespmem:s23+$0x110] =	vst v16;
	v15 =	vmax.f32 v20, $0.0e+00;
	v16 =	vadd.f32 v11, v3;
	v9 =	vadd.f32 v9, v14  }
0x84: {  	v11 =	vld [tilespmem:s25+$0x4140];
	[tilespmem:s23+$0x120] =	vst v15;
	v14 =	vmax.f32 v17, $0.0e+00;
	v15 =	vadd.f32 v10, v2;
	v8 =	vadd.f32 v8, v18  }
0x85: {  	v10 =	vld [tilespmem:s25+$0x4150];
	[tilespmem:s23+$0x130] =	vst v14;
	v14 =	vmax.f32 v16, $0.0e+00;
	v16 =	vadd.f32 v9, v1  }
0x86: {  	v9 =	vld [tilespmem:s25+$0x4160];
	[tilespmem:s23+$0x140] =	vst v14;
	v14 =	vmax.f32 v15, $0.0e+00;
	v15 =	vadd.f32 v8, v0  }
0x87: {  	v8 =	vld [tilespmem:s25+$0x4170];
	[tilespmem:s23+$0x150] =	vst v14;
	v14 =	vmax.f32 v16, $0.0e+00  }
0x88: {  	v19 =	vld [tilespmem:s25+$0x100];
	[tilespmem:s23+$0x160] =	vst v14;
	v14 =	vmax.f32 v15, $0.0e+00  }
0x89: {  	v23 =	vld [tilespmem:s25+$0x110];
	[tilespmem:s23+$0x170] =	vst v14;
	s23 =	smov.u32 s25  }
.Ltmp2:
0x8a: {  	v18 =	vld [tilespmem:s23+$0x120];
	(pc) =	sbr.rel @p0 .LBB2_6-.Ltmp2, $4  }
0x8b: {  	v17 =	vld [tilespmem:s23+$0x130]  }
0x8c: {  	v16 =	vld [tilespmem:s23+$0x140]  }
0x8d: {  	v20 =	vadd.f32 v21, v19;
	v15 =	vld [tilespmem:s23+$0x150]  }
0x8e: {  	s24 =	sadd.s32 $0x200, s24;
	v19 =	vadd.f32 v22, v23;
	v14 =	vld [tilespmem:s23+$0x160]  }
0x8f: {  	v7 =	vadd.f32 v20, v7;
	v13 =	vadd.f32 v13, v18;
	v60 =	vld [tilespmem:s23+$0x170]  }
0x90: {  	v6 =	vadd.f32 v19, v6;
	v12 =	vadd.f32 v12, v17  }
0x91: {  	v7 =	vmax.f32 v7, $0.0e+00;
	v5 =	vadd.f32 v13, v5;
	v11 =	vadd.f32 v11, v16  }
0x92: {  	[tilespmem:s23+$0x100] =	vst v7;
	v6 =	vmax.f32 v6, $0.0e+00;
	v4 =	vadd.f32 v12, v4;
	v61 =	vadd.f32 v10, v15  }
0x93: {  	[tilespmem:s23+$0x110] =	vst v6;
	v5 =	vmax.f32 v5, $0.0e+00;
	v3 =	vadd.f32 v11, v3;
	v62 =	vadd.f32 v9, v14  }
0x94: {  	[tilespmem:s23+$0x120] =	vst v5;
	v4 =	vmax.f32 v4, $0.0e+00;
	v2 =	vadd.f32 v61, v2;
	v63 =	vadd.f32 v8, v60  }
0x95: {  	[tilespmem:s23+$0x130] =	vst v4;
	v3 =	vmax.f32 v3, $0.0e+00;
	v1 =	vadd.f32 v62, v1  }
0x96: {  	[tilespmem:s23+$0x140] =	vst v3;
	v2 =	vmax.f32 v2, $0.0e+00;
	v0 =	vadd.f32 v63, v0  }
0x97: {  	s22 =	sadd.s32 $0x1, s22;
	[tilespmem:s23+$0x150] =	vst v2;
	v1 =	vmax.f32 v1, $0.0e+00  }
0x98: {  	p0 =	sne.s32 s22, s13;
	[tilespmem:s23+$0x160] =	vst v1;
	v0 =	vmax.f32 v0, $0.0e+00  }
.Ltmp3:
0x99: {  	[tilespmem:s23+$0x170] =	vst v0;
	(pc) =	sbr.rel @p0 .LBB2_1-.Ltmp3, $4  }
0x9a: {  	[hbm4b:s12+s3] =	stream.linear.scatter [tilespmem:s17], [sflag:$0x3], $0x800, $0x38;
	[tilespmem:$0x8500] =	vst v63  }
0x9b: {  	_ =	swait.ge [sflag:s15], $0x800  }
0x9c: {  	[sflag:s15] =	ssyncset.done $0x0  }
0x9d: {  	[sflag:s15] =	ssyncadd.s32 $0xFFFFF800  }
0x9e: {  	_ =	sfence.sel $0x180000  }
0x9f: {  	[bflag:$0x0] =	sbarrier.arrive $0xFFFF  }
0xa0: {  	p0 =	sne.s32 s1, $0x0;
	_ =	strace $0x90000059  }
0xa1: {  	s0 =	sadd.s32 @!p0 $0x100000, s0;
	[bflag:$0x2] =	sbarrier.arrive $0xFFFF  }
0xa2: {  	[sflag:s0] =	ssyncadd.tile.s32 @!p0 $0x1;
	_ =	shalt  }
.Lfunc_end2:
_tile_overlayer_lowered:
.L_overlay_start_2:
0xa3: {  	(tag) =	ssettag $0x2  }
0xa4: {  	s0 =	rddreg [dreg:$0x0];
	s2 =	stileid.u32  }
0xa5: {  	s1 =	rddreg [dreg:$0x1];
	p0 =	sne.s32 s2, $0x0  }
0xa6: {  	s3 =	rddreg [dreg:$0x2];
	[bflag:$0x3] =	sbarrier.arrive $0xFFFF;
	s2 =	simm.s32 @!p0 $0x1C03  }
0xa7: {  	[timem:s3], [sflag:s2] =	dma.local @!p0 [hbm:s0], s1  }
0xa8: {  	s0 =	simm.s32 @!p0 $0x3  }
0xa9: {  	_ =	swait.ge @!p0 [sflag:s0], s1  }
0xaa: {  	s1 =	ssub.s32 @!p0 $0x0, s1;
	[sflag:s0] =	ssyncset.done @!p0 $0x0  }
0xab: {  	[sflag:s0] =	ssyncadd.s32 @!p0 s1  }
0xac: {  	[bflag:$0x3] =	sbarrier.arrive $0xFFFF  }
0xad: {  	_ =	shalt  }

// kernel: scatter_offload_async_start.1
scs
__scs_entry_jumppad:
0x0: {  	(pc) =	sbr.rel $0x88, $3  }
0x1: {  	(tag) =	ssettag $0x0;
	lr =	simm.s32 $0x1  }
0x2: {  	[smem:$0x3F8F] =	sst lr;
	_ =	strace $0xD0000000  }
0x3: {  	_ = 	snop  }
0x4: {  	_ = 	snop  }
0x5: {  	_ = 	snop  }
0x6: {  	_ = 	snop  }
0x7: {  	_ = 	snop  }
__scs_overlays_trampoline_lowered:
0x8: {  	[smem:$0x3F9E] =	sst s0  }
0x9: {  	[smem:$0x3F9F] =	sst s1  }
0xa: {  	[smem:$0x3FA0] =	sst s2  }
0xb: {  	[smem:$0x3FA1] =	sst s3  }
0xc: {  	[smem:$0x3FA2] =	sst s4  }
0xd: {  	[smem:$0x3FA3] =	sst s5  }
0xe: {  	[smem:$0x3FA4] =	sst s6  }
0xf: {  	[smem:$0x3FA5] =	sst s7  }
0x10: {  	[smem:$0x3FA6] =	sst s8  }
0x11: {  	[smem:$0x3FA7] =	sst s9;
	s0 =	simm.s32 @!p0 $0x0  }
0x12: {  	s1 =	sld [smem:$0x3F8D];
	s0 =	simm.s32 @p0 $0x1  }
0x13: {  	[smem:$0x3FA8] =	sst s0;
	s0 =	simm.s32 @!p1 $0x0  }
0x14: {  	s2 =	sld [smem:$0x3F8C];
	s0 =	simm.s32 @p1 $0x1  }
0x15: {  	[smem:$0x3FA9] =	sst s0;
	s0 =	simm.s32 @!p2 $0x0  }
0x16: {  	s3 =	sld [smem:$0x3FDB];
	s0 =	simm.s32 @p2 $0x1  }
0x17: {  	s4 =	simm.s32 $0x1BF5;
	[smem:$0x3FAB] =	sst s0  }
0x18: {  	s0 =	sld [smem:$0x3F8E];
	_ =	swait.ge [sflag:s4], $0x0  }
0x19: {  	s7 =	sld [smem:$0x3F8F]  }
0x1a: {  	s8 =	sadd.s32 $0xFFFFE003, lr  }
0x1b: {  	s9 =	sadd.s32 $0xFFFFFEF7, lr;
	s5 =	simm.s32 $0xFFFFFFFF;
	p2 =	slt.u32 s8, $0xFFFFF086  }
0x1c: {  	p1 =	slt.u32 s9, $0xF7A;
	s5 =	simm.s32 @!p2 $0x0  }
0x1d: {  	s5 =	simm.s32 @p1 $0x1;
	p0 =	seq.s32 s7, s2  }
0x1e: {  	s7 =	smul.u32 @!p0 $0xF7A, s2;
	p2 =	seq.s32 @!p0 s5, $0x0  }
0x1f: {  	s9 =	smul.u32 $0xF7A, s1;
	s8 =	simm.s32 @!p0 $0x1BF5;
	p2 =	por !p2, p0  }
0x20: {  	[sflag:s8] =	ssyncset.s32 @!p0 $0xFFFFF086;
	s6 =	sadd.s32 @!p0 s3, s7;
	s7 =	simm.s32 @!p0 $0x108  }
0x21: {  	s3 =	sadd.s32 s3, s9;
	s6 =	sadd.s32 @!p0 $0x88, s6;
	s7 =	simm.s32 @p2 $0x1082  }
0x22: {  	[simem:s7], [sflag:s8] =	dma.local @!p0 [hbm:s6], $0xF7A  }
0x23: {  	s9 =	sor.u32 $0xD0000000, s2;
	s6 =	simm.s32 $0x108;
	_ =	swait.ge @!p0 [sflag:s8], $0x0  }
0x24: {  	s3 =	sadd.s32 $0x88, s3;
	s6 =	simm.s32 @!p1 $0x1082;
	[sflag:s4] =	ssyncset.s32 $0xFFFFF086  }
0x25: {  	[simem:s6], [sflag:s4] =	dma.local [hbm:s3], $0xF7A  }
0x26: {  	[smem:$0x3F8F] =	sst s1;
	(tag) =	ssettag s2;
	_ =	strace s9  }
0x27: {  	s1 =	sld [smem:$0x3F9F]  }
0x28: {  	s2 =	sld [smem:$0x3FA0]  }
0x29: {  	s4 =	sld [smem:$0x3FA2]  }
0x2a: {  	p0 =	seq.s32 s5, $0x0;
	s5 =	sld [smem:$0x3FA3]  }
0x2b: {  	s6 =	sld [smem:$0x3FA4]  }
0x2c: {  	s7 =	sld [smem:$0x3FA5]  }
0x2d: {  	s3 =	simm.s32 $0x108;
	s8 =	sld [smem:$0x3FA6]  }
0x2e: {  	s3 =	simm.s32 @!p0 $0x1082;
	s9 =	sld [smem:$0x3FA7]  }
0x2f: {  	lr =	sadd.s32 s0, s3;
	s0 =	sld [smem:$0x3F9E]  }
0x30: {  	s3 =	sld [smem:$0x3FA1]  }
0x31: {  	[smem:$0x3FAA] =	sst s10  }
0x32: {  	s10 =	sld [smem:$0x3FA8];
	_ =	sdelay $0x3  }
0x33: {  	p0 =	seq.s32 s10, $0x1;
	s10 =	sld [smem:$0x3FAA];
	_ =	sdelay $0x3  }
0x34: {  	[smem:$0x3FAA] =	sst s10  }
0x35: {  	s10 =	sld [smem:$0x3FA9];
	_ =	sdelay $0x3  }
0x36: {  	p1 =	seq.s32 s10, $0x1;
	s10 =	sld [smem:$0x3FAA];
	_ =	sdelay $0x3  }
0x37: {  	[smem:$0x3FAA] =	sst s10  }
0x38: {  	s10 =	sld [smem:$0x3FAB]  }
0x39: {  	_ = 	snop;
	(pc) =	sbr.ind lr, $3  }
0x3a: {  	_ = 	snop  }
0x3b: {  	_ = 	snop  }
0x3c: {  	p2 =	seq.s32 s10, $0x1;
	s10 =	sld [smem:$0x3FAA]  }
0x3d: {  	_ =	shalt  }
0x3e: {  	_ =	shalt  }
0x3f: {  	_ =	shalt  }
0x40: {  	_ =	shalt  }
0x41: {  	_ =	shalt  }
0x42: {  	_ =	shalt  }
0x43: {  	_ =	shalt  }
0x44: {  	_ =	shalt  }
0x45: {  	_ =	shalt  }
0x46: {  	_ =	shalt  }
0x47: {  	_ =	shalt  }
0x48: {  	_ =	shalt  }
0x49: {  	_ =	shalt  }
0x4a: {  	_ =	shalt  }
0x4b: {  	_ =	shalt  }
0x4c: {  	_ =	shalt  }
0x4d: {  	_ =	shalt  }
0x4e: {  	_ =	shalt  }
0x4f: {  	_ =	shalt  }
0x50: {  	_ =	shalt  }
0x51: {  	_ =	shalt  }
0x52: {  	_ =	shalt  }
0x53: {  	_ =	shalt  }
0x54: {  	_ =	shalt  }
0x55: {  	_ =	shalt  }
0x56: {  	_ =	shalt  }
0x57: {  	_ =	shalt  }
0x58: {  	_ =	shalt  }
0x59: {  	_ =	shalt  }
0x5a: {  	_ =	shalt  }
0x5b: {  	_ =	shalt  }
0x5c: {  	_ =	shalt  }
0x5d: {  	_ =	shalt  }
0x5e: {  	_ =	shalt  }
0x5f: {  	_ =	shalt  }
0x60: {  	_ =	shalt  }
0x61: {  	_ =	shalt  }
0x62: {  	_ =	shalt  }
0x63: {  	_ =	shalt  }
0x64: {  	_ =	shalt  }
0x65: {  	_ =	shalt  }
0x66: {  	_ =	shalt  }
0x67: {  	_ =	shalt  }
0x68: {  	_ =	shalt  }
0x69: {  	_ =	shalt  }
0x6a: {  	_ =	shalt  }
0x6b: {  	_ =	shalt  }
0x6c: {  	_ =	shalt  }
0x6d: {  	_ =	shalt  }
0x6e: {  	_ =	shalt  }
0x6f: {  	_ =	shalt  }
0x70: {  	_ =	shalt  }
0x71: {  	_ =	shalt  }
0x72: {  	_ =	shalt  }
0x73: {  	_ =	shalt  }
0x74: {  	_ =	shalt  }
0x75: {  	_ =	shalt  }
0x76: {  	_ =	shalt  }
0x77: {  	_ =	shalt  }
0x78: {  	_ =	shalt  }
0x79: {  	_ =	shalt  }
0x7a: {  	_ =	shalt  }
0x7b: {  	_ =	shalt  }
0x7c: {  	_ =	shalt  }
0x7d: {  	_ =	shalt  }
0x7e: {  	_ =	shalt  }
0x7f: {  	_ =	shalt  }
0x80: {  	_ =	shalt  }
0x81: {  	_ =	shalt  }
0x82: {  	_ =	shalt  }
0x83: {  	_ =	shalt  }
0x84: {  	_ =	shalt  }
0x85: {  	_ =	shalt  }
0x86: {  	_ =	shalt  }
0x87: {  	_ =	shalt  }
.Lfunc_end0:
.L_simem_size_0:
called_computation.1_lowered:
.L_overlay_start_0:
0x88: {  	s0 =	sld [smem:$0x3FD9]  }
0x89: {  	s1 =	sld [smem:$0x3FFE];
	_ =	sdelay $0x3  }
0x8a: {  	s0 =	sadd.s32 s1, s0  }
0x8b: {  	[smem:$0x3FB6] =	sst s0  }
0x8c: {  	_ = 	snop  }
0x8d: {  	(tm) =	ssettm $0x1  }
0x8e: {  	s15 =	sld [smem:$0x3FFB];
	_ =	sdelay $0x3  }
0x8f: {  	_ =	strace s15  }
0x90: {  	s0 =	sld [smem:$0x3FFC];
	_ =	sdelay $0x3  }
0x91: {  	_ =	strace s0  }
0x92: {  	s0 =	sld [smem:$0x3FFD];
	_ =	sdelay $0x3  }
0x93: {  	_ =	strace s0  }
0x94: {  	_ =	strace $0x8FFFFFFF  }
0x95: {  	s16 =	sld [smem:$0x3FDB];
	_ =	sdelay $0x1  }
0x96: {  	s17 =	simm.s32 $_scs_section_size  }
0x97: {  	s2 =	simm.s32 $_size__tile_overlayer_lowered;
	s3 =	simm.s32 $_tile_overlayer_lowered  }
0x98: {  	s20 =	simm.s32 $0x1BFF;
	s19 =	sshll.u32 s3, $0x1;
	s0 =	sadd.s32 s17, s16  }
0x99: {  	s4 =	simm.s32 $0x0;
	s18 =	sshll.u32 s2, $0x1;
	s2 =	sadd.s32 s19, s0  }
0x9a: {  	[timem:s4], [sflag:s20] =	dma.local [hbm:s2], s18  }
0x9b: {  	_ =	swait.ge [sflag:s20], s18  }
0x9c: {  	s1 =	ssub.s32 $0x0, s18;
	[sflag:s20] =	ssyncset.done $0x0  }
0x9d: {  	[sflag:s20] =	ssyncadd.s32 s1;
	_ =	sdelay $0x1  }
0x9e: {  	s21 =	simm.s32 $0x1B8B  }
0x9f: {  	_ =	swait.ge [sflag:s21], $0x1  }
0xa0: {  	[sflag:s21] =	ssyncset.done $0x0  }
0xa1: {  	s23 =	simm.s32 $0x1B8E;
	s22 =	sld [smem:$0x3FFE];
	[sflag:s21] =	ssyncadd.s32 $0xFFFFFFFF  }
0xa2: {  	s24 =	simm.s32 $execute0_lowered;
	[smem:$0x3FD2] =	sst s23  }
0xa3: {  	s2 =	sshll.u32 s24, $0x1;
	_ =	strace $0x80000049;
	[dreg:$0x1] =	wrdreg $0xFFFFFFFF  }
0xa4: {  	s25 =	simm.s32 $_size_execute0_lowered;
	s0 =	sadd.s32 s0, s2;
	[dreg:$0x0] =	wrdreg $0x0  }
0xa5: {  	s2 =	sshll.u32 s25, $0x1;
	[dreg:$0x2] =	wrdreg s0  }
0xa6: {  	[dreg:$0x3] =	wrdreg s2  }
0xa7: {  	[dreg:$0x4] =	wrdreg $0xC0  }
0xa8: {  	_ =	task [dreg:s4], $0x5FFFF  }
0xa9: {  	[dreg:$0x1] =	wrdreg $0xFFFFFFFF  }
0xaa: {  	[dreg:$0x0] =	wrdreg $0x60  }
0xab: {  	[dreg:$0x2] =	wrdreg s22  }
0xac: {  	[dreg:$0x3] =	wrdreg $0x9  }
0xad: {  	_ =	task.clear_ibuf [dreg:s4], $0x4FFFF;
	_ =	strace $0x90000049  }
0xae: {  	s26 =	simm.s32 $0x9;
	_ =	strace $0x8000004B  }
0xaf: {  	_ =	swait.ge [sflag:s26], $0x1  }
0xb0: {  	[sflag:s26] =	ssyncadd.s32 $0xFFFFFFFF  }
0xb1: {  	_ =	strace $0x9000004B  }
0xb2: {  	_ =	sfence  }
0xb3: {  	s28 =	sld [smem:$0x0];
	_ =	sdelay $0x1  }
0xb4: {  	s29 =	srdreg.scid  }
0xb5: {  	s30 =	sshll.u32 s29, $0xD;
	s31 =	sshrl.u32 s29, $0x2  }
0xb6: {  	s1 =	sand.u32 $0x1, s29;
	s2 =	sand.u32 $0x4000, s30;
	s0 =	sadd.s32 s31, s28  }
0xb7: {  	s1 =	sor.u32 s2, s1;
	s0 =	sshll.u32 s0, $0x11  }
0xb8: {  	s0 =	sor.u32 s0, s1  }
0xb9: {  	s0 =	sadd.s32 $0x8F2B, s0  }
0xba: {  	[sflag:s0] =	ssyncadd.remote.s32 $0x1  }
0xbb: {  	_ =	sfence.sel $0xFFFF  }
0xbc: {  	[dreg:$0x0] =	wrdreg $0xFFFFFFFF;
	(pc) =	sbr.abs _section_cstart, $3  }
0xbd: {  	[dreg:$0x1] =	wrdreg $0xFFFFFFFF  }
0xbe: {  	_ =	task.clear_ibuf [dreg:s4], $0x2FFFF;
	_ =	strace $0x9FFFFFFF  }
0xbf: {  	(tm) =	ssettm $0x7FFFFFFF  }
tec
execute0_lowered:
.L_overlay_start_1:
0x0: {  	(tag) =	ssettag $0x1  }
0x1: {  	s0 =	rddreg [dreg:$0x0];
	_ =	strace $0x8000004A;
	s15 =	stileid.u32  }
0x2: {  	s2 =	simm.s32 $0x1;
	s1 =	smin.u32 s15, $0x8;
	s3 =	sshll.u32 s15, $0x1  }
0x3: {  	v1 =	vimm.s32 $0xFFFFFFFF;
	[sflag:s2] =	ssyncpa.u1 $0x0;
	s1 =	sadd.s32 s1, s3  }
0x4: {  	p0 =	slt.u32 s15, $0x8;
	[tilespmem:$0x10] =	vst v1;
	s4 =	smul.u32 $0x1F40, s1;
	s1 =	simm.s32 $0x5DC0  }
0x5: {  	v0 =	vimm.f32 $0.0e+00;
	[tilespmem:$0x20] =	vst v1;
	s1 =	simm.s32 @!p0 $0x3E80  }
0x6: {  	[tilespmem:$0x30] =	vst v0;
	s1 =	sadd.s32 s1, s4  }
0x7: {  	[tilespmem:$0x40] =	vst v0;
	s5 =	smin.u32 s1, $0x4E200  }
0x8: {  	s7 =	simm.s32 $0x2;
	s8 =	simm.s32 $0x8;
	[tilespmem:$0x50] =	vst v0;
	s9 =	ssub.s32 s5, s4  }
0x9: {  	s31 =	simm.s32 $0x9;
	s16 =	simm.s32 $0x0;
	[tilespmem:$0x60] =	vst v1;
	p0 =	sgt.s32 s9, $0x0  }
0xa: {  	s17 =	simm.s32 $0xF0;
	s18 =	simm.s32 $0xFFFFFFFF;
	[tilespmem:$0x70] =	vst v1;
	s9 =	simm.s32 @!p0 $0x0  }
0xb: {  	s19 =	simm.s32 $0xFFFFC280;
	s20 =	simm.s32 $0xFFFFFFFE;
	[tilespmem:$0x80] =	vst v1;
	s30 =	smulhi.u32 $0x10624DD3, s9  }
0xc: {  	s21 =	simm.s32 $0xF;
	s25 =	simm.s32 $0x0;
	s24 =	simm.s32 $0x0;
	v1 =	vimm.s32 $0x0;
	[tilespmem:$0xB0] =	vst v0  }
0xd: {  	s6 =	sadd.s32 $0xE4400, s0;
	s15 =	sshllo.u32 s15, $0x1;
	[tilespmem:$0x90] =	vst v1;
	s10 =	sshrl.u32 s30, $0x9  }
0xe: {  	[tilespmem:$0xA0] =	vst v1;
	[sflag:s7] =	ssyncpa.u1 $0x0;
	s7 =	simm.s32 $0x7;
	s11 =	smul.u32 $0x1F40, s10  }
.Ltmp0:
0xf: {  	s13 =	sor.u32 $0x80, s3;
	[sflag:s7] =	ssyncpa.u1 $0x0;
	(pc) =	sbr.rel .LBB2_1-.Ltmp0, $4  }
0x10: {  	s14 =	sor.u32 $0x81, s3;
	[sflag:s8] =	ssyncpa.u1 $0x0;
	p0 =	sne.s32 s9, s11  }
0x11: {  	s23 =	smov.u32 s4;
	s1 =	sadd.s32 $0xF8000, s0;
	s2 =	simm.s32 @!p0 $0x0  }
0x12: {  	vm0 =	vmmov $0xffff;
	v2 =	vlaneseq.u32;
	[sflag:s31] =	ssyncpa.u1 $0x0;
	s9 =	sadd.s32 $0xEE200, s0;
	s10 =	sadd.s32 s2, s10  }
0x13: {  	vm1 =	vmxor vm1, vm1;
	vm2 =	vmmov $0x1;
	vm3 =	vcmask $0x3F3C;
	p0 =	por $0x0, $0x0;
	s11 =	sadd.s32 $0x1, s10;
	s12 =	sadd.s32 $0x2, s10  }
.LBB2_9:
0x14: {  	p1 =	slt.u32 s24, $0x3  }
0x15: {  	s0 =	simm.s32 @!p1 $0x2  }
0x16: {  	_ =	swait.ge @!p1 [sflag:s0], $0x1F40  }
0x17: {  	[sflag:s0] =	ssyncset.done @!p1 $0x0  }
0x18: {  	[sflag:s0] =	ssyncadd.s32 @!p1 $0xFFFFE0C0;
	s0 =	simm.s32 @!p1 $0x9  }
0x19: {  	_ =	swait.ge @!p1 [sflag:s0], $0x10  }
0x1a: {  	[sflag:s0] =	ssyncset.done @!p1 $0x0  }
0x1b: {  	[sflag:s0] =	ssyncadd.s32 @!p1 $0xFFFFFFF0;
	p1 =	sne.s32 s24, s12  }
.Ltmp1:
0x1c: {  	s2 =	sadd.s32 $0x1F40, s23;
	(pc) =	sbr.rel @!p1 .LBB2_10-.Ltmp1, $4  }
0x1d: {  	s22 =	smov.u32 s4;
	s31 =	sadd.s32 $0x1, s24;
	s17 =	sadd.s32 $0x1F40, s17  }
0x1e: {  	s18 =	sadd.s32 $0x1, s18;
	s25 =	smov.u32 s23;
	p2 =	slt.s32 s2, s5  }
0x1f: {  	p0 =	por !p0, !p0;
	s19 =	sadd.s32 $0x1F40, s19;
	s22 =	smov.u32 @p2 s2  }
0x20: {  	s20 =	sadd.s32 $0x1, s20;
	s23 =	smov.u32 s22;
	s24 =	smov.u32 s31  }
.LBB2_1:
0x21: {  	p1 =	sge.u32 s24, s10  }
0x22: {  	s0 =	smulhi.u32 @!p1 $0xAAAAAAAB, s24;
	_ =	sdelay $0x1  }
0x23: {  	s0 =	sshrl.u32 @!p1 s0, $0x1  }
0x24: {  	s0 =	smul.u32 @!p1 $0x3, s0;
	_ =	sdelay $0x1  }
0x25: {  	s0 =	ssub.s32 @!p1 s24, s0  }
0x26: {  	s0 =	smul.u32 @!p1 $0x7D00, s0;
	_ =	sdelay $0x1  }
0x27: {  	s2 =	sshrl.u32 @!p1 s23, $0x3;
	s0 =	sshrl.u32 @!p1 s0, $0x2  }
0x28: {  	s22 =	sand.u32 @!p1 $0x7, s23;
	s2 =	sadd.s32 @!p1 s6, s2;
	s0 =	sadd.s32 @!p1 $0x100, s0  }
0x29: {  	[tilespmem:s0], [sflag:$0x7] =	stream.linear.gather @!p1 [hbm4b:s2+s22], $0x1F40, $0x38;
	[tilespmem:$0x11A60] =	vst v63  }
0x2a: {  	s0 =	sadd.s32 $0xFFFFFFFF, s24  }
0x2b: {  	p1 =	sge.u32 s0, s10  }
.Ltmp2:
0x2c: {  	_ = 	snop;
	(pc) =	sbr.rel @p1 .LBB2_5-.Ltmp2, $1  }
0x2d: {  	_ =	sdelay $0x3  }
0x2e: {  	s2 =	smulhi.u32 $0xAAAAAAAB, s0;
	_ =	sdelay $0x1  }
0x2f: {  	s2 =	sshrl.u32 s2, $0x1  }
0x30: {  	s2 =	smul.u32 $0x3, s2;
	_ =	sdelay $0x1  }
0x31: {  	s2 =	ssub.s32 s0, s2  }
0x32: {  	s2 =	smul.u32 $0x7D00, s2  }
0x33: {  	_ =	swait.ge [sflag:s7], $0x1F40  }
0x34: {  	[sflag:s7] =	ssyncset.done $0x0;
	s2 =	sshrl.u32 s2, $0x2  }
0x35: {  	[sflag:s7] =	ssyncadd.s32 $0xFFFFE0C0;
	(ifvalue) =	ssetifvalue $0xFFFFFFFF;
	v3 =	vld.msk [tilespmem:s2+$0x100 ss:$0x1], $0xffff;
	_ =	sdelay $0x2  }
0x36: {  	s30 =	smulhi.u32 $0xAAAAAAAB, s18;
	p1 =	sne.s32 s24, $0x1  }
0x37: {  	v4 =	vimm.s32 @!p1 $0x0  }
0x38: {  	s2 =	sshrl.u32 s30, $0x1;
	v4 =	vperm.xlane @!p1 v3, v4  }
0x39: {  	s22 =	sshll.u32 s24, $0x4;
	s2 =	smul.u32 $0xFFFE8900, s2;
	vm4 =	vlt.u32 v3, $0x2800  }
0x3a: {  	s22 =	sand.u32 $0x10, s22;
	v3 =	vnsel vm4, $0xFFFFFFFE, v3;
	vm4 =	vlt.u32 @!p1 v4, $0x2800  }
0x3b: {  	s2 =	sshra.s32 s2, $0x2;
	[tilespmem:s22+$0x60] =	vst v3;
	v3 =	vnsel @!p1 vm4, $0xFFFFFFFE, v4  }
0x3c: {  	s28 =	sadd.s32 s2, s17;
	[tilespmem:$0x80] =	vst @!p1 v3  }
0x3d: {  	v3 =	vld.msk [tilespmem:s28+$0x0 ss:$0x1], $0xffff;
	_ =	sdelay $0x4  }
0x3e: {  	(xrf1) =	vunique.msk.u32 $0xffff, v3;
	_ =	sdelay $0xd  }
0x3f: {  	v4 =	vimm.s32 $0xFFFFFFFF;
	v5, _, _ =	vpop (xrf1)  }
0x40: {  	vm5 =	vne.s32 v3, v4;
	vm4 =	veq.s32 v5, v2  }
0x41: {  	vm6 =	vlt.u32 v3, $0x2800;
	vm4 =	vmand vm5, vm4  }
0x42: {  	vm4 =	vmand vm6, vm4  }
0x43: {  	v4 =	vnsel vm4, $0xFFFFFFFF, v3  }
0x44: {  	s31 =	sand.u32 $0x1, s0  }
0x45: {  	s0 =	simm.s32 $0x1F40;
	p1 =	seq.s32 s31, $0x1  }
0x46: {  	s0 =	simm.s32 @!p1 $0x0  }
0x47: {  	s26 =	sadd.s32 $0x7DF0, s0;
	(ifvalue) =	ssetifvalue $0xFFFFFFFF  }
0x48: {  	v3 =	vperm.xlane v3, v1;
	[tilespmem:s26], [sflag:$0x8] =	stream.indirect_vreg.gather [hbm4b:s1+s16], $0x1, v4, vm0, $0x4038;
	v4 =	vnsel vm6, $0xFFFFFFFE, v4;
	[tilespmem:$0x11A60] =	vst v63  }
0x49: {  	s2 =	simm.s32 $0x0;
	s22 =	sadd.s32 $0xFFFFFFF0, s28;
	[tilespmem:s28+$0x0] =	vst v4  }
.LBB2_3:
0x4a: {  	v4 =	vld.msk [tilespmem:s22+$0x0 ss:$0x1], $0xffff;
	s2 =	sadd.s32 $0x10, s2;
	v5 =	vmov v3;
	s28 =	smov.u32 s22  }
0x4b: {  	p1 =	slt.u32 s2, $0x1F30;
	_ =	sdelay $0x4  }
0x4c: {  	v3 =	vperm.xlane v4, v1;
	(xrf1) =	vunique.msk.u32 $0xffff, v4;
	_ =	sdelay $0xd  }
0x4d: {  	v6, _, _ =	vpop (xrf1)  }
0x4e: {  	vm5 =	vne.s32 v4, v5;
	vm4 =	veq.s32 v6, v2  }
0x4f: {  	vm6 =	vlt.u32 v4, $0x2800;
	vm4 =	vmand vm5, vm4  }
0x50: {  	vm4 =	vmand vm6, vm4  }
0x51: {  	v4 =	vnsel vm4, $0xFFFFFFFF, v4  }
.Ltmp3:
0x52: {  	v5 =	vnsel vm6, $0xFFFFFFFE, v4;
	(pc) =	sbr.rel @p1 .LBB2_3-.Ltmp3, $3  }
0x53: {  	_ =	sdelay $0x1  }
0x54: {  	s22 =	sadd.s32 $0xFFFFFFF0, s22;
	s26 =	sadd.s32 $0xFFFFFFF0, s26;
	(ifvalue) =	ssetifvalue $0xFFFFFFFF  }
0x55: {  	[tilespmem:s26], [sflag:$0x8] =	stream.indirect_vreg.gather [hbm4b:s1+s16], $0x1, v4, vm0, $0x4038;
	[tilespmem:s28+$0x0] =	vst v5  }
0x56: {  	s2 =	sshrl.u32 s25, $0x3  }
0x57: {  	s0 =	sadd.s32 $0x9D40, s0;
	s2 =	sadd.s32 s9, s2  }
0x58: {  	[tilespmem:s0], [sflag:$0x8] =	stream.linear.gather [hbm:s2], $0x1F40, $0x38;
	[tilespmem:$0x11A60] =	vst v63  }
.LBB2_5:
0x59: {  	p1 =	slt.u32 s24, $0x2  }
0x5a: {  	p2 =	sge.u32 @!p1 s24, s12  }
0x5b: {  	p1 =	por p1, p2  }
.Ltmp4:
0x5c: {  	_ = 	snop;
	(pc) =	sbr.rel @p1 .LBB2_9-.Ltmp4, $1  }
0x5d: {  	_ =	sdelay $0x3  }
0x5e: {  	s0 =	sadd.s32 $0xFFFFFFFE, s24  }
0x5f: {  	s2 =	smulhi.u32 $0xAAAAAAAB, s0;
	_ =	sdelay $0x1  }
0x60: {  	s2 =	sshrl.u32 s2, $0x1  }
0x61: {  	s2 =	smul.u32 $0x3, s2;
	_ =	sdelay $0x1  }
0x62: {  	s0 =	ssub.s32 s0, s2  }
0x63: {  	_ =	swait.ge [sflag:s8], $0x3E80;
	s0 =	smul.u32 $0x1F40, s0  }
0x64: {  	p1 =	sne.s32 s24, s11;
	[sflag:s8] =	ssyncset.done $0x0  }
0x65: {  	[sflag:s8] =	ssyncadd.s32 $0xFFFFC180;
	s2 =	sadd.s32 @!p1 $0x203F, s0  }
0x66: {  	[spmem:s14] =	stream.linear.scatter @!p1 [tilespmem:s2], [sflag:$0x1], $0x1, $0x38;
	[tilespmem:$0x11A60] =	vst v63  }
0x67: {  	s2 =	simm.s32 @!p1 $0x1  }
0x68: {  	_ =	swait.ge @!p1 [sflag:s2], $0x1  }
0x69: {  	s22 =	sshll.u32 s24, $0x4;
	[sflag:s2] =	ssyncset.done @!p1 $0x0  }
0x6a: {  	s25 =	sand.u32 $0x10, s22;
	[sflag:s2] =	ssyncadd.s32 @!p1 $0xFFFFFFFF  }
0x6b: {  	s2 =	sxor.u32 $0x10, s25;
	v4 =	vld [tilespmem:s25+$0x10]  }
0x6c: {  	v5 =	vld [tilespmem:s2+$0x60]  }
0x6d: {  	v3 =	vld [tilespmem:$0x80];
	_ =	sdelay $0x2  }
0x6e: {  	(v2sf) =	vpush v4, $0x0  }
0x6f: {  	(v2sf) =	vpush v5, $0x0  }
0x70: {  	(v2sf) =	vpush v3, $0x0;
	_ =	sdelay $0xc  }
0x71: {  	s22 =	spop (v2sf)  }
0x72: {  	s26 =	spop (v2sf)  }
0x73: {  	s28 =	spop (v2sf)  }
0x74: {  	p2 =	seq.s32 s22, s26;
	p3 =	seq.s32 s28, s22  }
0x75: {  	p3 =	por p2, p3  }
0x76: {  	s26 =	sand.u32 $0x1, s24;
	v4 =	vpsel p3, $0xFFFFFFFF, v4  }
0x77: {  	s29 =	smul.u32 $0x1F40, s26;
	[tilespmem:s25+$0x10] =	vst.msk $0x1, v4  }
0x78: {  	v4 =	vld [tilespmem:$0x30]  }
0x79: {  	v5 =	vld [tilespmem:s29+$0x9D40]  }
0x7a: {  	v6 =	vld [tilespmem:s25+$0x40];
	_ =	sdelay $0x3  }
0x7b: {  	vm4 =	vmmov vm1;
	v5 =	vadd.f32 v5, v4  }
0x7c: {  	vm5 =	vmmov vm2;
	vm4 =	vmmov @p2 vm2;
	s22 =	sshll.u32 s26, $0x4;
	v4 =	vadd.f32 v6, v4  }
0x7d: {  	s26 =	sor.u32 $0x11A40, s22;
	vm5 =	vmmov @p3 vm1;
	[tilespmem:s29+$0x9D40] =	vst.msk vm4, v5  }
0x7e: {  	[tilespmem:s26+$0x0] =	vst.msk vm5, v4  }
0x7f: {  	v4 =	vld [tilespmem:s29+$0x7DF0];
	_ =	sdelay $0x3  }
0x80: {  	v5 =	vimm.f32 $0.0e+00  }
0x81: {  	v4 =	vshift.insert v4, v5, s21  }
0x82: {  	s22 =	sor.u32 $0x40, s2  }
0x83: {  	[tilespmem:s22+$0x0] =	vst.msk $0x1, v4  }
0x84: {  	[tilespmem:s29+$0x7DFF] =	vst.msk $0x1, v5  }
0x85: {  	v4 =	vld [tilespmem:s0+$0x2030];
	_ =	sdelay $0x1  }
0x86: {  	s22 =	smulhi.u32 $0xAAAAAAAB, s20;
	s0 =	simm.s32 $0x1  }
0x87: {  	s0 =	simm.s32 @!p0 $0x0  }
0x88: {  	s22 =	sshrl.u32 s22, $0x1;
	s0 =	smul.u32 $0x7D00, s0  }
0x89: {  	s22 =	smul.u32 $0xFFFE8900, s22;
	v4 =	vshift.insert v4, v1, s21  }
0x8a: {  	s0 =	sshrl.u32 s0, $0x2  }
0x8b: {  	s22 =	sshra.s32 s22, $0x2;
	s30 =	sadd.s32 $0x9D40, s0;
	[tilespmem:s2+$0x10] =	vst.msk $0x1, v4  }
0x8c: {  	s22 =	sadd.s32 s22, s19;
	v6 =	vld [tilespmem:s30+$0x0]  }
0x8d: {  	v7 =	vld [tilespmem:s22+$0x0];
	_ =	sdelay $0x3  }
0x8e: {  	v5 =	vadd.f32 v6, v5  }
0x8f: {  	vm4 =	vne.s32 v7, $0xFFFFFFFF  }
0x90: {  	(xrf2) =	vadd.seg.scan.f32 vm4, v5;
	_ =	sdelay $0x3  }
0x91: {  	s31 =	sadd.s32 $0x5EC0, s0;
	v5 =	vperm.xlane v4, v1  }
0x92: {  	v6 =	vld [tilespmem:s31+$0x0]  }
0x93: {  	vm5 =	veq.s32 v7, v3;
	vm6 =	veq.s32 v7, v5  }
0x94: {  	vm7 =	vgt.u32 v7, $0xFFFFFFFD;
	vm6 =	vmor vm6, vm5  }
0x95: {  	vm6 =	vmor vm6, vm7  }
0x96: {  	v9 =	vld [tilespmem:$0xA0];
	v7 =	vsel vm6, $0xFFFFFFFF, v7  }
0x97: {  	v10 =	vld [tilespmem:$0x90];
	v6 =	vsel vm5, $0x0, v6;
	v8, _, _ =	vpop (xrf2)  }
0x98: {  	v6 =	vadd.f32 v8, v6  }
0x99: {  	s0 =	sadd.s32 $0xDBC0, s0  }
0x9a: {  	vm4 =	vmand vm4, vm3;
	[tilespmem:s0+$0x0] =	vst v6;
	(ifvalue) =	ssetifvalue $0xFFFFFFFF  }
0x9b: {  	vm6 =	veq.s32 v9, $0x1;
	[hbm4b:s1+s16] =	stream.indirect_vreg.scatter [tilespmem:s0], [sflag:$0x2], $0x1, v7, vm0, $0x4038;
	v7 =	vsel vm4, $0x0, v8;
	[tilespmem:$0x11A60] =	vst v63  }
0x9c: {  	s2 =	simm.s32 $0x0;
	s22 =	sadd.s32 $0x10, s22;
	vm4 =	vmor vm6, vm5;
	v6 =	vsel vm5, v8, v10;
	v7 =	vshift.insert v7, v0, s21  }
.LBB2_7:
0x9d: {  	v8 =	vld [tilespmem:s22+$0x0];
	s30 =	sadd.s32 $0x10, s30  }
0x9e: {  	s31 =	sadd.s32 $0x10, s31;
	v9 =	vld [tilespmem:s30+$0x0]  }
0x9f: {  	s2 =	sadd.s32 $0x10, s2;
	v10 =	vld [tilespmem:s31+$0x0]  }
0xa0: {  	p2 =	slt.u32 s2, $0x1F30;
	_ =	sdelay $0x2  }
0xa1: {  	v7 =	vadd.f32 v9, v7  }
0xa2: {  	vm5 =	vne.s32 v8, $0xFFFFFFFF  }
0xa3: {  	vm6 =	vmand vm5, vm3;
	(xrf2) =	vadd.seg.scan.f32 vm5, v7;
	_ =	sdelay $0x5  }
0xa4: {  	vm7 =	veq.s32 v8, v5;
	vm5 =	veq.s32 v8, v3  }
0xa5: {  	vm8 =	vgt.u32 v8, $0xFFFFFFFD;
	vm4 =	vmor vm4, vm5;
	vm7 =	vmor vm7, vm5  }
0xa6: {  	vm7 =	vmor vm7, vm8  }
0xa7: {  	v8 =	vsel vm7, $0xFFFFFFFF, v8  }
.Ltmp5:
0xa8: {  	v7 =	vsel vm5, $0x0, v10;
	v9, _, _ =	vpop (xrf2);
	(pc) =	sbr.rel @p2 .LBB2_7-.Ltmp5, $4  }
0xa9: {  	v6 =	vsel vm5, v9, v6;
	v10 =	vadd.f32 v9, v7;
	v7 =	vsel vm6, $0x0, v9  }
0xaa: {  	s0 =	sadd.s32 $0x10, s0;
	v7 =	vshift.insert v7, v0, s21  }
0xab: {  	s22 =	sadd.s32 $0x10, s22;
	[tilespmem:s0+$0x0] =	vst v10;
	(ifvalue) =	ssetifvalue $0xFFFFFFFF  }
0xac: {  	[hbm4b:s1+s16] =	stream.indirect_vreg.scatter [tilespmem:s0], [sflag:$0x2], $0x1, v8, vm0, $0x4038;
	[tilespmem:$0x11A60] =	vst v63  }
0xad: {  	v3 =	vld [tilespmem:s29+$0xFAF0];
	_ =	sdelay $0x4  }
0xae: {  	v3 =	vshift.insert v3, v0, s21  }
0xaf: {  	s0 =	simm.s32 $0x30  }
0xb0: {  	[tilespmem:s0+$0x0] =	vst.msk $0x1, v3  }
0xb1: {  	v3 =	vsel vm4, $0x1, v1;
	[tilespmem:$0x90] =	vst v6  }
0xb2: {  	s0 =	sadd.s32 @!p1 $0xFAFF, s29;
	[tilespmem:$0xA0] =	vst v3  }
0xb3: {  	[spmem:s15] =	stream.linear.scatter @!p1 [tilespmem:s0], [sflag:$0x1], $0x1, $0x38;
	[tilespmem:$0x11A60] =	vst v63  }
0xb4: {  	s0 =	simm.s32 @!p1 $0x1  }
0xb5: {  	v3 =	vmctz.xlane @!p1 vm4;
	_ =	swait.ge @!p1 [sflag:s0], $0x1  }
0xb6: {  	(v2sf) =	vpush @!p1 v4, $0x0  }
0xb7: {  	(v2sf) =	vpush @!p1 v3, $0x0;
	_ =	sdelay $0xd  }
0xb8: {  	s2 =	spop @!p1 (v2sf)  }
0xb9: {  	s22 =	spop @!p1 (v2sf)  }
0xba: {  	p2 =	sne.s32 @!p1 s28, s2;
	p3 =	slt.s32 @!p1 s22, $0xF  }
0xbb: {  	[sflag:s0] =	ssyncset.done @!p1 $0x0;
	p2 =	por p2, p1;
	p3 =	por !p3, p1  }
0xbc: {  	[sflag:s0] =	ssyncadd.s32 @!p1 $0xFFFFFFFF;
	v3 =	vimm.s32 @!p2 $0xFFFFFFFF;
	s22 =	simm.s32 @p3 $0xF  }
0xbd: {  	[tilespmem:$0x80] =	vst @!p2 v3;
	s2 =	sadd.s32 @!p1 $0x90, s22  }
0xbe: {  	[spmem:s3] =	stream.linear.scatter @!p1 [tilespmem:s2], [sflag:$0x1], $0x1, $0x38;
	[tilespmem:$0x11A60] =	vst v63  }
0xbf: {  	_ =	swait.ge @!p1 [sflag:s0], $0x1  }
0xc0: {  	[sflag:s0] =	ssyncset.done @!p1 $0x0  }
0xc1: {  	s2 =	simm.s32 @!p1 $0x80;
	[sflag:s0] =	ssyncadd.s32 @!p1 $0xFFFFFFFF  }
0xc2: {  	[spmem:s13] =	stream.linear.scatter @!p1 [tilespmem:s2], [sflag:$0x1], $0x1, $0x38;
	[tilespmem:$0x11A60] =	vst v63  }
0xc3: {  	_ =	swait.ge @!p1 [sflag:s0], $0x1  }
0xc4: {  	[sflag:s0] =	ssyncset.done @!p1 $0x0  }
0xc5: {  	[sflag:s0] =	ssyncadd.s32 @!p1 $0xFFFFFFFF;
	(ifvalue) =	ssetifvalue $0xFFFFFFFF;
	v3 =	vld [tilespmem:s25+$0x10];
	_ =	sdelay $0x3  }
.Ltmp6:
0xc6: {  	_ = 	snop;
	(pc) =	sbr.rel .LBB2_9-.Ltmp6, $3  }
0xc7: {  	_ =	sdelay $0x1  }
0xc8: {  	(ifvalue) =	ssetifvalue $0xFFFFFFFF  }
0xc9: {  	[hbm4b:s1+s16] =	stream.indirect_vreg.scatter [tilespmem:s26], [sflag:$0x9], $0x1, v3, vm0, $0x4038;
	[tilespmem:$0x11A60] =	vst v63  }
.LBB2_10:
0xca: {  	_ =	sfence.sel $0x180000  }
0xcb: {  	s0 =	simm.s32 $0x7;
	[bflag:$0x0] =	sbarrier.arrive $0xFFFF  }
0xcc: {  	s26 =	simm.s32 $0x8;
	[sflag:s0] =	ssyncpa.u1 $0x1  }
0xcd: {  	s28 =	simm.s32 $0x9;
	[sflag:s26] =	ssyncpa.u1 $0x1  }
0xce: {  	[sflag:s28] =	ssyncpa.u1 $0x1  }
0xcf: {  	_ =	sfence.stream.spmem  }
0xd0: {  	s29 =	simm.s32 $0x3;
	[bflag:$0x0] =	sbarrier.arrive $0xFFFF  }
0xd1: {  	s30 =	simm.s32 $0x4;
	[sflag:s29] =	ssyncpa.u1 $0x1  }
0xd2: {  	s31 =	simm.s32 $0x3C;
	s2 =	stileid.u32;
	[sflag:s30] =	ssyncpa.u1 $0x1  }
0xd3: {  	p0 =	sne.s32 s2, $0x0;
	[sflag:s31] =	ssyncpa.u1 $0x1  }
0xd4: {  	s0 =	simm.s32 @p0 $0x1;
	_ =	sfence @p0  }
0xd5: {  	[sflag:s0] =	ssyncpa.u1 @p0 $0x1;
	s0 =	simm.s32 @p0 $0x2  }
0xd6: {  	[sflag:s0] =	ssyncpa.u1 @p0 $0x1  }
0xd7: {  	_ =	strace @p0 $0x9000004A  }
0xd8: {  	[bflag:$0x2] =	sbarrier.arrive @p0 $0xFFFF  }
0xd9: {  	_ =	shalt @p0  }
.LBB2_11:
0xda: {  	_ =	sfence.stream.spmem;
	s0 =	simm.s32 $0x5  }
0xdb: {  	s2 =	simm.s32 $0x80;
	s3 =	simm.s32 $0xC0;
	[sflag:s0] =	ssyncpa.u1 $0x0  }
0xdc: {  	[tilespmem:s3], [sflag:$0x5] =	stream.linear.gather [spmem:s2], $0x20, $0x38;
	[tilespmem:$0x11A60] =	vst v63  }
0xdd: {  	s2 =	simm.s32 $0x0;
	s3 =	simm.s32 $0xE0  }
0xde: {  	[tilespmem:s3], [sflag:$0x5] =	stream.linear.gather [spmem:s2], $0x20, $0x38;
	[tilespmem:$0x11A60] =	vst v63  }
.Ltmp7:
0xdf: {  	_ = 	snop;
	(pc) =	sbr.rel .LBB2_12-.Ltmp7, $4  }
0xe0: {  	_ =	swait.ge [sflag:s0], $0x40  }
0xe1: {  	[sflag:s0] =	ssyncset.done $0x0  }
0xe2: {  	s31 =	simm.s32 $0x6;
	[sflag:s0] =	ssyncadd.s32 $0xFFFFFFC0  }
0xe3: {  	s4 =	simm.s32 $0x0;
	[sflag:s31] =	ssyncpa.u1 $0x0  }
.LBB2_17:
0xe4: {  	p0 =	sgt.u32 s5, $0x27FF  }
0xe5: {  	s0 =	sshrl.u32 @!p0 s5, $0x3  }
0xe6: {  	s5 =	sand.u32 @!p0 $0x7, s5;
	s6 =	simm.s32 @!p0 $0xB0;
	s0 =	sadd.s32 @!p0 s1, s0  }
0xe7: {  	[tilespmem:s6], [sflag:$0x6] =	stream.linear.gather @!p0 [hbm4b:s0+s5], $0x1, $0x38;
	[tilespmem:$0x11A60] =	vst v63  }
0xe8: {  	s0 =	simm.s32 @!p0 $0x6  }
0xe9: {  	_ =	swait.ge @!p0 [sflag:s0], $0x1  }
0xea: {  	[sflag:s0] =	ssyncset.done @!p0 $0x0  }
0xeb: {  	[sflag:s0] =	ssyncadd.s32 @!p0 $0xFFFFFFFF  }
0xec: {  	v2 =	vmov @!p0 s4;
	v1 =	vld.msk @!p0 [tilespmem:$0xB0], $0x1;
	_ =	sdelay $0x3  }
0xed: {  	s0 =	simm.s32 @!p0 $0xE0  }
0xee: {  	[tilespmem:v2+s0+$0x0], v1 =	vst.idx.ret.add.f32.msk @!p0 $0x1, v1  }
0xef: {  	[tilespmem:s2+$0xC0] =	vst.msk $0x1, v0  }
0xf0: {  	v0 =	vld.msk [tilespmem:s4+$0xE0], $0x1;
	_ =	sdelay $0x4  }
0xf1: {  	[tilespmem:s2+$0xE0] =	vst.msk $0x1, v0;
	s2 =	sadd.s32 $0x1, s2  }
.LBB2_19:
0xf2: {  	s4 =	sadd.s32 $0x1, s4  }
0xf3: {  	p0 =	sne.s32 s4, $0x20  }
.Ltmp8:
0xf4: {  	_ = 	snop;
	(pc) =	sbr.rel @!p0 .LBB2_20-.Ltmp8, $1  }
0xf5: {  	_ =	sdelay $0x3  }
.LBB2_12:
0xf6: {  	v0 =	vld.msk [tilespmem:s4+$0xC0], $0x1;
	_ =	sdelay $0x4  }
0xf7: {  	(v2sf) =	vpush v0, $0x0;
	_ =	sdelay $0xe  }
0xf8: {  	s5 =	spop (v2sf)  }
0xf9: {  	p0 =	seq.s32 s5, $0xFFFFFFFF  }
.Ltmp9:
0xfa: {  	_ = 	snop;
	(pc) =	sbr.rel @p0 .LBB2_19-.Ltmp9, $1  }
0xfb: {  	_ =	sdelay $0x3  }
0xfc: {  	p0 =	slt.s32 s2, $0x1  }
.Ltmp10:
0xfd: {  	_ = 	snop;
	(pc) =	sbr.rel @p0 .LBB2_17-.Ltmp10, $1  }
0xfe: {  	_ =	sdelay $0x3  }
0xff: {  	s0 =	simm.s32 $0xC0;
	p0 =	por $0x0, $0x0  }
0x100: {  	v1 =	vld.msk @!p0 [tilespmem:s0+$0x0], $0x1;
	_ =	sdelay $0x4  }
0x101: {  	(v2sf) =	vpush @!p0 v1, $0x0;
	_ =	sdelay $0xd  }
0x102: {  	p2 =	sne.s32 s2, $0x1  }
.Ltmp11:
0x103: {  	s6 =	spop @!p0 (v2sf);
	(pc) =	sbr.rel @!p2 .LBB2_16-.Ltmp11, $4  }
0x104: {  	p1 =	seq.s32 @!p0 s5, s6  }
0x105: {  	s6 =	simm.s32 $0x0;
	p1 =	por !p1, p0  }
0x106: {  	s8 =	simm.s32 $0xFFFFFFFF;
	s6 =	simm.s32 @p1 $0xFFFFFFFF  }
0x107: {  	s7 =	simm.s32 $0x1;
	s6 =	smov.u32 @p0 s8  }
.LBB2_15:
0x108: {  	s8 =	smov.u32 s6;
	p0 =	sne.s32 s6, $0xFFFFFFFF  }
0x109: {  	s0 =	sadd.s32 $0x1, s0;
	s6 =	smov.u32 s7;
	s7 =	sadd.s32 $0x1, s7  }
0x10a: {  	p1 =	sne.s32 s2, s7;
	v1 =	vld.msk @!p0 [tilespmem:s0+$0x0], $0x1;
	_ =	sdelay $0x4  }
0x10b: {  	(v2sf) =	vpush @!p0 v1, $0x0;
	_ =	sdelay $0xe  }
.Ltmp12:
0x10c: {  	s9 =	spop @!p0 (v2sf);
	(pc) =	sbr.rel @p1 .LBB2_15-.Ltmp12, $4  }
0x10d: {  	p2 =	seq.s32 @!p0 s5, s9  }
0x10e: {  	p2 =	por !p2, p0  }
0x10f: {  	s6 =	simm.s32 @p2 $0xFFFFFFFF  }
0x110: {  	s6 =	smov.u32 @p0 s8  }
.LBB2_16:
0x111: {  	p0 =	sne.s32 s6, $0xFFFFFFFF  }
.Ltmp13:
0x112: {  	_ = 	snop;
	(pc) =	sbr.rel @!p0 .LBB2_17-.Ltmp13, $1  }
0x113: {  	_ =	sdelay $0x3  }
0x114: {  	v0 =	vld.msk [tilespmem:s4+$0xE0], $0x1;
	v1 =	vmov s6  }
.Ltmp14:
0x115: {  	_ = 	snop;
	(pc) =	sbr.rel .LBB2_19-.Ltmp14, $2  }
0x116: {  	_ =	sdelay $0x2  }
0x117: {  	[tilespmem:v1+s3+$0x0], v0 =	vst.idx.ret.add.f32.msk $0x1, v0  }
.LBB2_20:
0x118: {  	p0 =	slt.s32 s2, $0x1  }
.Ltmp15:
0x119: {  	_ = 	snop;
	(pc) =	sbr.rel @p0 .LBB2_24-.Ltmp15, $3  }
0x11a: {  	_ =	sdelay $0x1  }
0x11b: {  	s0 =	simm.s32 $0x6  }
0x11c: {  	s3 =	simm.s32 $0x0;
	[sflag:s0] =	ssyncpa.u1 $0x1  }
0x11d: {  	s0 =	simm.s32 $0xC0  }
0x11e: {  	v0 =	vld.msk [tilespmem:s0+$0x0], $0x1;
	_ =	sdelay $0x4  }
0x11f: {  	(v2sf) =	vpush v0, $0x0;
	_ =	sdelay $0xe  }
0x120: {  	s2 =	sadd.s32 $0xFFFFFFFF, s2;
	s4 =	spop (v2sf)  }
0x121: {  	p1 =	sne.s32 s2, $0x0;
	p0 =	sgt.u32 s4, $0x27FF  }
.Ltmp16:
0x122: {  	s5 =	sshrl.u32 @!p0 s4, $0x3;
	(pc) =	sbr.rel @!p1 .LBB2_23-.Ltmp16, $4  }
0x123: {  	s0 =	simm.s32 $0xE0;
	s4 =	sand.u32 @!p0 $0x7, s4;
	s5 =	sadd.s32 @!p0 s1, s5  }
0x124: {  	[hbm4b:s5+s4] =	stream.linear.scatter @!p0 [tilespmem:s0], [sflag:$0x5], $0x1, $0x38;
	[tilespmem:$0x11A60] =	vst v63  }
0x125: {  	s5 =	simm.s32 $0x0  }
0x126: {  	s4 =	simm.s32 $0xC1;
	s5 =	simm.s32 @!p0 $0x4  }
.LBB2_22:
0x127: {  	v0 =	vld.msk [tilespmem:s4+$0x0], $0x1;
	s2 =	sadd.s32 $0xFFFFFFFF, s2;
	s3 =	sadd.s32 s3, s5  }
0x128: {  	p0 =	sne.s32 s2, $0x0;
	_ =	sdelay $0x3  }
0x129: {  	(v2sf) =	vpush v0, $0x0;
	_ =	sdelay $0xe  }
.Ltmp17:
0x12a: {  	s6 =	spop (v2sf);
	(pc) =	sbr.rel @p0 .LBB2_22-.Ltmp17, $4  }
0x12b: {  	s5 =	simm.s32 $0x0;
	p1 =	sgt.u32 s6, $0x27FF  }
0x12c: {  	s0 =	sadd.s32 $0x1, s0;
	s5 =	simm.s32 @!p1 $0x4;
	s7 =	sshrl.u32 @!p1 s6, $0x3  }
0x12d: {  	s4 =	sadd.s32 $0x1, s4;
	s6 =	sand.u32 @!p1 $0x7, s6;
	s7 =	sadd.s32 @!p1 s1, s7  }
0x12e: {  	[hbm4b:s7+s6] =	stream.linear.scatter @!p1 [tilespmem:s0], [sflag:$0x5], $0x1, $0x38;
	[tilespmem:$0x11A60] =	vst v63  }
.LBB2_23:
0x12f: {  	s0 =	sadd.s32 s3, s5  }
0x130: {  	s3 =	sshrl.u32 s0, $0x2  }
.LBB2_24:
0x131: {  	s0 =	simm.s32 $0x5  }
0x132: {  	_ =	swait.ge [sflag:s0], s3  }
0x133: {  	s1 =	ssub.s32 $0x0, s3;
	[sflag:s0] =	ssyncset.done $0x0  }
0x134: {  	[sflag:s0] =	ssyncadd.s32 s1  }
0x135: {  	[sflag:s0] =	ssyncpa.u1 $0x1  }
0x136: {  	s29 =	simm.s32 $0x1;
	_ =	sfence  }
0x137: {  	s30 =	simm.s32 $0x2;
	[sflag:s29] =	ssyncpa.u1 $0x1  }
0x138: {  	[sflag:s30] =	ssyncpa.u1 $0x1  }
0x139: {  	_ =	strace $0x9000004A  }
0x13a: {  	[bflag:$0x2] =	sbarrier.arrive $0xFFFF  }
0x13b: {  	s31 =	rddreg [dreg:$0x1]  }
0x13c: {  	s0 =	sadd.s32 $0x100000, s31  }
0x13d: {  	[sflag:s0] =	ssyncadd.tile.s32 $0x1;
	_ =	shalt  }
.Lfunc_end2:
_tile_overlayer_lowered:
.L_overlay_start_2:
0x13e: {  	(tag) =	ssettag $0x2  }
0x13f: {  	s0 =	rddreg [dreg:$0x0];
	s2 =	stileid.u32  }
0x140: {  	s1 =	rddreg [dreg:$0x1];
	p0 =	sne.s32 s2, $0x0  }
0x141: {  	s3 =	rddreg [dreg:$0x2];
	[bflag:$0x3] =	sbarrier.arrive $0xFFFF;
	s2 =	simm.s32 @!p0 $0x1C01  }
0x142: {  	[timem:s3], [sflag:s2] =	dma.local @!p0 [hbm:s0], s1  }
0x143: {  	s0 =	simm.s32 @!p0 $0x1  }
0x144: {  	_ =	swait.ge @!p0 [sflag:s0], s1  }
0x145: {  	s1 =	ssub.s32 @!p0 $0x0, s1;
	[sflag:s0] =	ssyncset.done @!p0 $0x0  }
0x146: {  	[sflag:s0] =	ssyncadd.s32 @!p0 s1  }
0x147: {  	[bflag:$0x3] =	sbarrier.arrive $0xFFFF  }
0x148: {  	_ =	shalt  }

// kernel: scatter_offload_async_start.2
scs
__scs_entry_jumppad:
0x0: {  	(pc) =	sbr.rel $0x88, $3  }
0x1: {  	(tag) =	ssettag $0x0;
	lr =	simm.s32 $0x1  }
0x2: {  	[smem:$0x3F8F] =	sst lr;
	_ =	strace $0xD0000000  }
0x3: {  	_ = 	snop  }
0x4: {  	_ = 	snop  }
0x5: {  	_ = 	snop  }
0x6: {  	_ = 	snop  }
0x7: {  	_ = 	snop  }
__scs_overlays_trampoline_lowered:
0x8: {  	[smem:$0x3F9E] =	sst s0  }
0x9: {  	[smem:$0x3F9F] =	sst s1  }
0xa: {  	[smem:$0x3FA0] =	sst s2  }
0xb: {  	[smem:$0x3FA1] =	sst s3  }
0xc: {  	[smem:$0x3FA2] =	sst s4  }
0xd: {  	[smem:$0x3FA3] =	sst s5  }
0xe: {  	[smem:$0x3FA4] =	sst s6  }
0xf: {  	[smem:$0x3FA5] =	sst s7  }
0x10: {  	[smem:$0x3FA6] =	sst s8  }
0x11: {  	[smem:$0x3FA7] =	sst s9;
	s0 =	simm.s32 @!p0 $0x0  }
0x12: {  	s1 =	sld [smem:$0x3F8D];
	s0 =	simm.s32 @p0 $0x1  }
0x13: {  	[smem:$0x3FA8] =	sst s0;
	s0 =	simm.s32 @!p1 $0x0  }
0x14: {  	s2 =	sld [smem:$0x3F8C];
	s0 =	simm.s32 @p1 $0x1  }
0x15: {  	[smem:$0x3FA9] =	sst s0;
	s0 =	simm.s32 @!p2 $0x0  }
0x16: {  	s3 =	sld [smem:$0x3FDB];
	s0 =	simm.s32 @p2 $0x1  }
0x17: {  	s4 =	simm.s32 $0x1BF5;
	[smem:$0x3FAB] =	sst s0  }
0x18: {  	s0 =	sld [smem:$0x3F8E];
	_ =	swait.ge [sflag:s4], $0x0  }
0x19: {  	s7 =	sld [smem:$0x3F8F]  }
0x1a: {  	s8 =	sadd.s32 $0xFFFFE003, lr  }
0x1b: {  	s9 =	sadd.s32 $0xFFFFFEF7, lr;
	s5 =	simm.s32 $0xFFFFFFFF;
	p2 =	slt.u32 s8, $0xFFFFF086  }
0x1c: {  	p1 =	slt.u32 s9, $0xF7A;
	s5 =	simm.s32 @!p2 $0x0  }
0x1d: {  	s5 =	simm.s32 @p1 $0x1;
	p0 =	seq.s32 s7, s2  }
0x1e: {  	s7 =	smul.u32 @!p0 $0xF7A, s2;
	p2 =	seq.s32 @!p0 s5, $0x0  }
0x1f: {  	s9 =	smul.u32 $0xF7A, s1;
	s8 =	simm.s32 @!p0 $0x1BF5;
	p2 =	por !p2, p0  }
0x20: {  	[sflag:s8] =	ssyncset.s32 @!p0 $0xFFFFF086;
	s6 =	sadd.s32 @!p0 s3, s7;
	s7 =	simm.s32 @!p0 $0x108  }
0x21: {  	s3 =	sadd.s32 s3, s9;
	s6 =	sadd.s32 @!p0 $0x88, s6;
	s7 =	simm.s32 @p2 $0x1082  }
0x22: {  	[simem:s7], [sflag:s8] =	dma.local @!p0 [hbm:s6], $0xF7A  }
0x23: {  	s9 =	sor.u32 $0xD0000000, s2;
	s6 =	simm.s32 $0x108;
	_ =	swait.ge @!p0 [sflag:s8], $0x0  }
0x24: {  	s3 =	sadd.s32 $0x88, s3;
	s6 =	simm.s32 @!p1 $0x1082;
	[sflag:s4] =	ssyncset.s32 $0xFFFFF086  }
0x25: {  	[simem:s6], [sflag:s4] =	dma.local [hbm:s3], $0xF7A  }
0x26: {  	[smem:$0x3F8F] =	sst s1;
	(tag) =	ssettag s2;
	_ =	strace s9  }
0x27: {  	s1 =	sld [smem:$0x3F9F]  }
0x28: {  	s2 =	sld [smem:$0x3FA0]  }
0x29: {  	s4 =	sld [smem:$0x3FA2]  }
0x2a: {  	p0 =	seq.s32 s5, $0x0;
	s5 =	sld [smem:$0x3FA3]  }
0x2b: {  	s6 =	sld [smem:$0x3FA4]  }
0x2c: {  	s7 =	sld [smem:$0x3FA5]  }
0x2d: {  	s3 =	simm.s32 $0x108;
	s8 =	sld [smem:$0x3FA6]  }
0x2e: {  	s3 =	simm.s32 @!p0 $0x1082;
	s9 =	sld [smem:$0x3FA7]  }
0x2f: {  	lr =	sadd.s32 s0, s3;
	s0 =	sld [smem:$0x3F9E]  }
0x30: {  	s3 =	sld [smem:$0x3FA1]  }
0x31: {  	[smem:$0x3FAA] =	sst s10  }
0x32: {  	s10 =	sld [smem:$0x3FA8];
	_ =	sdelay $0x3  }
0x33: {  	p0 =	seq.s32 s10, $0x1;
	s10 =	sld [smem:$0x3FAA];
	_ =	sdelay $0x3  }
0x34: {  	[smem:$0x3FAA] =	sst s10  }
0x35: {  	s10 =	sld [smem:$0x3FA9];
	_ =	sdelay $0x3  }
0x36: {  	p1 =	seq.s32 s10, $0x1;
	s10 =	sld [smem:$0x3FAA];
	_ =	sdelay $0x3  }
0x37: {  	[smem:$0x3FAA] =	sst s10  }
0x38: {  	s10 =	sld [smem:$0x3FAB]  }
0x39: {  	_ = 	snop;
	(pc) =	sbr.ind lr, $3  }
0x3a: {  	_ = 	snop  }
0x3b: {  	_ = 	snop  }
0x3c: {  	p2 =	seq.s32 s10, $0x1;
	s10 =	sld [smem:$0x3FAA]  }
0x3d: {  	_ =	shalt  }
0x3e: {  	_ =	shalt  }
0x3f: {  	_ =	shalt  }
0x40: {  	_ =	shalt  }
0x41: {  	_ =	shalt  }
0x42: {  	_ =	shalt  }
0x43: {  	_ =	shalt  }
0x44: {  	_ =	shalt  }
0x45: {  	_ =	shalt  }
0x46: {  	_ =	shalt  }
0x47: {  	_ =	shalt  }
0x48: {  	_ =	shalt  }
0x49: {  	_ =	shalt  }
0x4a: {  	_ =	shalt  }
0x4b: {  	_ =	shalt  }
0x4c: {  	_ =	shalt  }
0x4d: {  	_ =	shalt  }
0x4e: {  	_ =	shalt  }
0x4f: {  	_ =	shalt  }
0x50: {  	_ =	shalt  }
0x51: {  	_ =	shalt  }
0x52: {  	_ =	shalt  }
0x53: {  	_ =	shalt  }
0x54: {  	_ =	shalt  }
0x55: {  	_ =	shalt  }
0x56: {  	_ =	shalt  }
0x57: {  	_ =	shalt  }
0x58: {  	_ =	shalt  }
0x59: {  	_ =	shalt  }
0x5a: {  	_ =	shalt  }
0x5b: {  	_ =	shalt  }
0x5c: {  	_ =	shalt  }
0x5d: {  	_ =	shalt  }
0x5e: {  	_ =	shalt  }
0x5f: {  	_ =	shalt  }
0x60: {  	_ =	shalt  }
0x61: {  	_ =	shalt  }
0x62: {  	_ =	shalt  }
0x63: {  	_ =	shalt  }
0x64: {  	_ =	shalt  }
0x65: {  	_ =	shalt  }
0x66: {  	_ =	shalt  }
0x67: {  	_ =	shalt  }
0x68: {  	_ =	shalt  }
0x69: {  	_ =	shalt  }
0x6a: {  	_ =	shalt  }
0x6b: {  	_ =	shalt  }
0x6c: {  	_ =	shalt  }
0x6d: {  	_ =	shalt  }
0x6e: {  	_ =	shalt  }
0x6f: {  	_ =	shalt  }
0x70: {  	_ =	shalt  }
0x71: {  	_ =	shalt  }
0x72: {  	_ =	shalt  }
0x73: {  	_ =	shalt  }
0x74: {  	_ =	shalt  }
0x75: {  	_ =	shalt  }
0x76: {  	_ =	shalt  }
0x77: {  	_ =	shalt  }
0x78: {  	_ =	shalt  }
0x79: {  	_ =	shalt  }
0x7a: {  	_ =	shalt  }
0x7b: {  	_ =	shalt  }
0x7c: {  	_ =	shalt  }
0x7d: {  	_ =	shalt  }
0x7e: {  	_ =	shalt  }
0x7f: {  	_ =	shalt  }
0x80: {  	_ =	shalt  }
0x81: {  	_ =	shalt  }
0x82: {  	_ =	shalt  }
0x83: {  	_ =	shalt  }
0x84: {  	_ =	shalt  }
0x85: {  	_ =	shalt  }
0x86: {  	_ =	shalt  }
0x87: {  	_ =	shalt  }
.Lfunc_end0:
.L_simem_size_0:
called_computation.2_lowered:
.L_overlay_start_0:
0x88: {  	s2 =	sld [smem:$0x3FD9]  }
0x89: {  	s3 =	sld [smem:$0x3FFE];
	_ =	sdelay $0x1  }
0x8a: {  	s1 =	srdreg.scid  }
0x8b: {  	s0 =	sand.u32 $0x1, s1  }
0x8c: {  	s15 =	sshll.u32 s0, $0xA;
	s2 =	sadd.s32 s3, s2  }
0x8d: {  	s2 =	sadd.s32 s2, s15  }
0x8e: {  	[smem:$0x3FB6] =	sst s2  }
0x8f: {  	_ = 	snop  }
0x90: {  	(tm) =	ssettm $0x1  }
0x91: {  	s16 =	sld [smem:$0x3FFB];
	_ =	sdelay $0x3  }
0x92: {  	_ =	strace s16  }
0x93: {  	s2 =	sld [smem:$0x3FFC];
	_ =	sdelay $0x3  }
0x94: {  	_ =	strace s2  }
0x95: {  	s2 =	sld [smem:$0x3FFD];
	_ =	sdelay $0x3  }
0x96: {  	_ =	strace s2  }
0x97: {  	_ =	strace $0x8FFFFFFF  }
0x98: {  	s17 =	sld [smem:$0x3FDB];
	_ =	sdelay $0x1  }
0x99: {  	s18 =	simm.s32 $_scs_section_size  }
0x9a: {  	s4 =	simm.s32 $_size__tile_overlayer_lowered;
	s5 =	simm.s32 $_tile_overlayer_lowered  }
0x9b: {  	s21 =	simm.s32 $0x1BFF;
	s20 =	sshll.u32 s5, $0x1;
	s2 =	sadd.s32 s18, s17  }
0x9c: {  	s6 =	simm.s32 $0x0;
	s19 =	sshll.u32 s4, $0x1;
	s4 =	sadd.s32 s20, s2  }
0x9d: {  	[timem:s6], [sflag:s21] =	dma.local [hbm:s4], s19  }
0x9e: {  	_ =	swait.ge [sflag:s21], s19  }
0x9f: {  	s3 =	ssub.s32 $0x0, s19;
	[sflag:s21] =	ssyncset.done $0x0  }
0xa0: {  	[sflag:s21] =	ssyncadd.s32 s3;
	_ =	sdelay $0x1  }
0xa1: {  	s22 =	simm.s32 $0x1B8B  }
0xa2: {  	_ =	swait.ge [sflag:s22], $0x1  }
0xa3: {  	[sflag:s22] =	ssyncset.done $0x0  }
0xa4: {  	s23 =	sld [smem:$0x3FFE];
	[sflag:s22] =	ssyncadd.s32 $0xFFFFFFFF  }
0xa5: {  	s25 =	simm.s32 $0x1B8E;
	s24 =	sld [smem:$0x0]  }
0xa6: {  	s26 =	simm.s32 $execute0_lowered;
	[smem:$0x3FD2] =	sst s25  }
0xa7: {  	s5 =	sshll.u32 s26, $0x1;
	_ =	strace $0x80000055;
	[dreg:$0x1] =	wrdreg $0xFFFFFFFF  }
0xa8: {  	s28 =	simm.s32 $_size_execute0_lowered;
	s2 =	sadd.s32 s2, s5;
	[dreg:$0x0] =	wrdreg $0x0  }
0xa9: {  	s5 =	sshll.u32 s28, $0x1;
	[dreg:$0x2] =	wrdreg s2  }
0xaa: {  	[dreg:$0x3] =	wrdreg s5  }
0xab: {  	[dreg:$0x4] =	wrdreg $0xC0  }
0xac: {  	_ =	task [dreg:s6], $0x5FFFF  }
0xad: {  	[dreg:$0x1] =	wrdreg $0xFFFFFFFF  }
0xae: {  	[dreg:$0x0] =	wrdreg $0x60  }
0xaf: {  	[dreg:$0x2] =	wrdreg s23  }
0xb0: {  	[dreg:$0x3] =	wrdreg s1  }
0xb1: {  	[dreg:$0x4] =	wrdreg s24  }
0xb2: {  	[dreg:$0x5] =	wrdreg $0x9  }
0xb3: {  	_ =	task.clear_ibuf [dreg:s6], $0x6FFFF;
	_ =	strace $0x90000055  }
0xb4: {  	s29 =	simm.s32 $0x9;
	_ =	strace $0x80000057  }
0xb5: {  	_ =	swait.ge [sflag:s29], $0x1  }
0xb6: {  	[sflag:s29] =	ssyncadd.s32 $0xFFFFFFFF  }
0xb7: {  	_ =	strace $0x90000057  }
0xb8: {  	_ =	sfence  }
0xb9: {  	s30 =	sld [smem:$0x0];
	_ =	sdelay $0x2  }
0xba: {  	s31 =	sshll.u32 s1, $0xD;
	s1 =	sshrl.u32 s1, $0x2  }
0xbb: {  	s3 =	sand.u32 $0x4000, s31;
	s1 =	sadd.s32 s1, s30  }
0xbc: {  	s0 =	sor.u32 s3, s0;
	s1 =	sshll.u32 s1, $0x11  }
0xbd: {  	s0 =	sor.u32 s1, s0  }
0xbe: {  	s0 =	sadd.s32 $0x8F2B, s0  }
0xbf: {  	[sflag:s0] =	ssyncadd.remote.s32 $0x1  }
0xc0: {  	_ =	sfence.sel $0xFFFF  }
0xc1: {  	[dreg:$0x0] =	wrdreg $0xFFFFFFFF;
	(pc) =	sbr.abs _section_cstart, $3  }
0xc2: {  	[dreg:$0x1] =	wrdreg $0xFFFFFFFF  }
0xc3: {  	_ =	task.clear_ibuf [dreg:s6], $0x2FFFF;
	_ =	strace $0x9FFFFFFF  }
0xc4: {  	(tm) =	ssettm $0x7FFFFFFF  }
0xc5: {  	_ =	shalt  }
tec
execute0_lowered:
.L_overlay_start_1:
0x0: {  	(tag) =	ssettag $0x1  }
0x1: {  	s2 =	rddreg [dreg:$0x0]  }
0x2: {  	s3 =	rddreg [dreg:$0x1];
	_ =	strace $0x80000056;
	s0 =	simm.s32 $0x1  }
0x3: {  	v0 =	vimm.s32 $0x0;
	[sflag:s0] =	ssyncpa.u1 $0x0;
	s0 =	simm.s32 $0x108  }
0x4: {  	[tilespmem:s0+$0x70] =	vst v0  }
0x5: {  	[tilespmem:s0+$0x60] =	vst v0  }
0x6: {  	[tilespmem:s0+$0x50] =	vst v0  }
0x7: {  	[tilespmem:s0+$0x40] =	vst v0  }
0x8: {  	[tilespmem:s0+$0x30] =	vst v0  }
0x9: {  	s1 =	sadd.s32 $0xCE00, s2;
	s15 =	sadd.s32 $0xD0800, s2;
	s6 =	sadd.s32 $0xE4600, s2;
	[tilespmem:s0+$0x20] =	vst v0  }
0xa: {  	s14 =	sadd.s32 $0xDA600, s2;
	s5 =	sand.u32 $0x1, s3;
	s3 =	simm.s32 $0x40;
	[tilespmem:s0+$0x10] =	vst v0  }
.LBB2_1:
0xb: {  	s3 =	sadd.s32 $0x40, s3;
	[tilespmem:s0+$0x0] =	vst v0;
	s0 =	sadd.s32 $0x80, s0  }
0xc: {  	p0 =	slt.u32 s3, $0x3C40;
	[tilespmem:s0+$0x70] =	vst v0  }
0xd: {  	[tilespmem:s0+$0x60] =	vst v0  }
.Ltmp0:
0xe: {  	[tilespmem:s0+$0x50] =	vst v0;
	(pc) =	sbr.rel @p0 .LBB2_1-.Ltmp0, $4  }
0xf: {  	[tilespmem:s0+$0x40] =	vst v0  }
0x10: {  	[tilespmem:s0+$0x30] =	vst v0  }
0x11: {  	[tilespmem:s0+$0x20] =	vst v0  }
0x12: {  	[tilespmem:s0+$0x10] =	vst v0  }
0x13: {  	s9 =	stileid.u32  }
0x14: {  	s2 =	smul.u32 $0x29, s9  }
0x15: {  	s3 =	smin.u32 s9, $0xB  }
0x16: {  	s2 =	sadd.s32 s3, s2  }
0x17: {  	p0 =	slt.u32 s9, $0xB;
	s7 =	smul.u32 $0xF0, s2;
	s2 =	simm.s32 $0x2760  }
0x18: {  	s2 =	simm.s32 @!p0 $0x2670  }
0x19: {  	s2 =	sadd.s32 s2, s7  }
0x1a: {  	s8 =	smin.u32 s2, $0x27100  }
0x1b: {  	s2 =	ssub.s32 s8, s7  }
0x1c: {  	p0 =	sgt.s32 s2, $0x0  }
0x1d: {  	s29 =	simm.s32 $0x2;
	s10 =	simm.s32 $0x9;
	s2 =	simm.s32 @!p0 $0x0  }
0x1e: {  	s4 =	simm.s32 $0xA;
	s11 =	simm.s32 $0xB;
	s28 =	smulhi.u32 $0x88888889, s2  }
0x1f: {  	[dreg:$0x4] =	wrdreg s5;
	s31 =	smul.u32 $0x4E20, s5;
	s12 =	simm.s32 $0x1  }
0x20: {  	s22 =	simm.s32 $0x0;
	s18 =	simm.s32 $0xC;
	s30 =	sshrl.u32 s28, $0x7  }
0x21: {  	s20 =	simm.s32 $0x0;
	s21 =	simm.s32 $0x0;
	s3 =	smul.u32 $0xF0, s30  }
.Ltmp1:
0x22: {  	[tilespmem:s0+$0x0] =	vst v0;
	v0 =	vimm.s32 $0xFFFFFFFF;
	[sflag:s29] =	ssyncpa.u1 $0x0;
	s16 =	sshll.u32 s9, $0x8;
	(pc) =	sbr.rel .LBB2_3-.Ltmp1, $4  }
0x23: {  	[tilespmem:$0xF208] =	vst v0;
	[sflag:s10] =	ssyncpa.u1 $0x0;
	p0 =	sne.s32 s2, s3;
	s2 =	simm.s32 $0x1  }
0x24: {  	s14 =	sadd.s32 s31, s14;
	[sflag:s4] =	ssyncpa.u1 $0x0;
	s2 =	simm.s32 @!p0 $0x0  }
0x25: {  	s15 =	sadd.s32 s31, s15;
	[sflag:s11] =	ssyncpa.u1 $0x0;
	s13 =	sadd.s32 s2, s30  }
0x26: {  	v0 =	vlaneseq.u32;
	s19 =	smov.u32 s7;
	p0 =	por $0x0, $0x0;
	s17 =	sadd.s32 $0x1, s13  }
.LBB2_18:
0x27: {  	s0 =	sshrl.u32 s31, $0x2  }
.LBB2_20:
0x28: {  	_ =	swait.ge [sflag:s18], s0  }
0x29: {  	s31 =	ssub.s32 $0x0, s0;
	v1 =	vmov s24;
	vm0 =	veq.s32 v0, $0x0;
	[sflag:s18] =	ssyncset.done $0x0  }
0x2a: {  	vm15 =	veq.s32 v0, $0x2;
	v1 =	vsel vm0, s30, v1;
	[sflag:s18] =	ssyncadd.s32 s31  }
0x2b: {  	v1 =	vsel vm15, s22, v1;
	[sflag:s18] =	ssyncpa.u1 $0x1  }
0x2c: {  	[tilespmem:$0xF208] =	vst v1  }
.LBB2_21:
0x2d: {  	s0 =	sadd.s32 $0xF0, s19  }
0x2e: {  	s2 =	smov.u32 s7;
	p1 =	slt.s32 s0, s8  }
0x2f: {  	s2 =	smov.u32 @p1 s0;
	p1 =	sne.s32 s21, s17  }
.Ltmp2:
0x30: {  	_ = 	snop;
	(pc) =	sbr.rel @!p1 .LBB2_22-.Ltmp2, $3  }
0x31: {  	_ =	sdelay $0x1  }
0x32: {  	s22 =	smov.u32 s20;
	s31 =	sadd.s32 $0x1, s21;
	s20 =	smov.u32 s19  }
0x33: {  	p0 =	por !p0, !p0;
	s21 =	smov.u32 s31;
	s19 =	smov.u32 s2  }
.LBB2_3:
0x34: {  	p1 =	sge.u32 s21, s13  }
0x35: {  	s0 =	smulhi.u32 @!p1 $0xAAAAAAAB, s21  }
0x36: {  	s2 =	smov.u32 s19;
	p2 =	sgt.s32 @!p1 s19, $0x27010  }
0x37: {  	s3 =	sshra.s32 @!p1 s19, $0x1F;
	p2 =	por !p2, p1;
	s0 =	sshrl.u32 @!p1 s0, $0x1  }
0x38: {  	s3 =	sand.u32 @!p1 s3, s19;
	s2 =	simm.s32 @p2 $0x27010;
	s0 =	smul.u32 @!p1 $0x3, s0  }
0x39: {  	s2 =	ssub.s32 @!p1 s2, s3  }
0x3a: {  	s2 =	sadd.s32 @!p1 $0xFFFD8FF0, s2;
	s0 =	ssub.s32 @!p1 s21, s0  }
0x3b: {  	s3 =	sshll.u32 @!p1 s2, $0x2;
	p2 =	sgt.s32 @!p1 s2, $0xEF;
	s0 =	smul.u32 @!p1 $0x3C0, s0  }
0x3c: {  	s4 =	sand.u32 @!p1 $0x7, s19;
	s2 =	ssub.s32 @!p1 $0x3C0, s3;
	p2 =	por !p2, p1  }
0x3d: {  	s3 =	sshrl.u32 @!p1 s19, $0x3;
	s2 =	sshrl.u32 @!p1 s2, $0x2;
	s0 =	sshrl.u32 @!p1 s0, $0x2  }
0x3e: {  	s3 =	sadd.s32 @!p1 s3, s14;
	s2 =	simm.s32 @!p2 $0x0;
	s0 =	sadd.s32 @!p1 $0x10248, s0  }
0x3f: {  	[tilespmem:s0], [sflag:$0xA] =	stream.linear.gather @!p1 [hbm4b:s3+s4], s2, $0x38;
	[tilespmem:$0x1F6F8] =	vst v63  }
0x40: {  	s0 =	sadd.s32 $0xFFFFFFFF, s21  }
0x41: {  	p1 =	sge.u32 s0, s13  }
0x42: {  	p2 =	sgt.s32 @!p1 s20, $0x27010  }
0x43: {  	s2 =	smov.u32 s20;
	s3 =	sshra.s32 @!p1 s20, $0x1F;
	p2 =	por !p2, p1  }
0x44: {  	s3 =	sand.u32 @!p1 s3, s20;
	s2 =	simm.s32 @p2 $0x27010  }
0x45: {  	s2 =	ssub.s32 @!p1 s2, s3  }
0x46: {  	s2 =	sadd.s32 @!p1 $0xFFFD8FF0, s2  }
0x47: {  	s4 =	sand.u32 @!p1 $0x1, s0;
	s3 =	sshll.u32 @!p1 s2, $0x2  }
0x48: {  	p2 =	sgt.s32 @!p1 s2, $0xEF;
	s2 =	ssub.s32 @!p1 $0x3C0, s3;
	s3 =	smulhi.u32 @!p1 $0xAAAAAAAB, s0  }
0x49: {  	s23 =	smul.u32 @!p1 $0x3C0, s4;
	p2 =	por !p2, p1;
	s2 =	sshrl.u32 @!p1 s2, $0x2  }
0x4a: {  	s5 =	simm.s32 @!p1 $0xA;
	s2 =	simm.s32 @!p2 $0x0;
	s3 =	sshrl.u32 @!p1 s3, $0x1  }
0x4b: {  	s23 =	sshrl.u32 @!p1 s23, $0x2;
	_ =	swait.ge @!p1 [sflag:s5], s2;
	s3 =	smul.u32 @!p1 $0x3, s3  }
0x4c: {  	s23 =	sadd.s32 @!p1 $0x10518, s23;
	s24 =	ssub.s32 @!p1 $0x0, s2;
	[sflag:s5] =	ssyncset.done @!p1 $0x0  }
0x4d: {  	[sflag:s5] =	ssyncadd.s32 @!p1 s24;
	s5 =	sshrl.u32 @!p1 s20, $0x3;
	s0 =	ssub.s32 @!p1 s0, s3  }
0x4e: {  	s24 =	sand.u32 @!p1 $0x7, s20;
	s5 =	sadd.s32 @!p1 s5, s15;
	s0 =	smul.u32 @!p1 $0x3C0, s0  }
0x4f: {  	[tilespmem:s23], [sflag:$0xB] =	stream.linear.gather @!p1 [hbm4b:s5+s24], s2, $0x38;
	[tilespmem:$0x1F6F8] =	vst v63  }
0x50: {  	s3 =	ssub.s32 @!p1 $0x27100, s20;
	s2 =	smul.u32 @!p1 $0x1E000, s4  }
0x51: {  	p2 =	slt.s32 @!p1 s3, $0xF0  }
0x52: {  	p2 =	por !p2, p1;
	s0 =	sshrl.u32 @!p1 s0, $0x2;
	s2 =	sshrl.u32 @!p1 s2, $0x2  }
0x53: {  	s3 =	simm.s32 @p2 $0xF0;
	s0 =	sadd.s32 @!p1 $0x10248, s0;
	s2 =	sor.u32 @!p1 $0x106F8, s2  }
0x54: {  	[tilespmem:s2], [sflag:$0x9] =	stream.indirect.gather @!p1 [hbm4b:s6+s3], $0x80, s0, s3, $0xb8;
	[tilespmem:$0x1F6F8] =	vst v63  }
0x55: {  	p1 =	slt.u32 s21, $0x2  }
.Ltmp3:
0x56: {  	_ = 	snop;
	(pc) =	sbr.rel @p1 .LBB2_21-.Ltmp3, $1  }
0x57: {  	_ =	sdelay $0x3  }
0x58: {  	p1 =	sgt.s32 s22, $0x27010  }
0x59: {  	s0 =	smov.u32 s22;
	s2 =	sshra.s32 s22, $0x1F;
	s3 =	ssub.s32 $0x27100, s22  }
0x5a: {  	s0 =	simm.s32 @!p1 $0x27010;
	s2 =	sand.u32 s2, s22;
	p1 =	slt.s32 s3, $0xF0  }
0x5b: {  	s0 =	ssub.s32 s0, s2;
	s3 =	simm.s32 @!p1 $0xF0  }
0x5c: {  	s0 =	sadd.s32 $0xFFFD8FF0, s0;
	s25 =	sshll.u32 s3, $0x7  }
0x5d: {  	s26 =	sshll.u32 s0, $0x2;
	s2 =	sand.u32 $0x3FFFFF80, s25  }
0x5e: {  	p1 =	sgt.s32 s0, $0xEF;
	s29 =	ssub.s32 $0x3C0, s26;
	_ =	swait.ge [sflag:s10], s2  }
0x5f: {  	s2 =	ssub.s32 $0x0, s2;
	[sflag:s10] =	ssyncset.done $0x0;
	s0 =	sshrl.u32 s29, $0x2  }
0x60: {  	[sflag:s10] =	ssyncadd.s32 s2;
	s0 =	simm.s32 @p1 $0x0  }
0x61: {  	_ =	swait.ge [sflag:s11], s0  }
0x62: {  	s0 =	ssub.s32 $0x0, s0;
	[sflag:s11] =	ssyncset.done $0x0  }
0x63: {  	[sflag:s11] =	ssyncadd.s32 s0  }
0x64: {  	v1 =	vld [tilespmem:$0xF208];
	_ =	sdelay $0x4  }
0x65: {  	(v2sf) =	vpush v1, $0x0  }
0x66: {  	(v2sf) =	vpush v1, $0x1  }
0x67: {  	(v2sf) =	vpush v1, $0x2;
	_ =	sdelay $0x3  }
0x68: {  	s0 =	sadd.s32 $0xF0, s22  }
0x69: {  	s2 =	ssub.s32 $0x4E200, s22;
	p1 =	slt.s32 s8, s0  }
0x6a: {  	s0 =	smov.u32 @p1 s8;
	p1 =	sgt.s32 s2, $0x0  }
0x6b: {  	s26 =	ssub.s32 s0, s22;
	s2 =	simm.s32 @!p1 $0x0  }
0x6c: {  	p1 =	slt.s32 s2, s26  }
0x6d: {  	s26 =	smov.u32 @p1 s2  }
0x6e: {  	s25 =	simm.s32 $0x1;
	p1 =	slt.s32 s26, $0x1  }
.Ltmp4:
0x6f: {  	s25 =	simm.s32 @!p0 $0x0;
	(pc) =	sbr.rel @p1 .LBB2_8-.Ltmp4, $4  }
0x70: {  	s31 =	smul.u32 $0x3C0, s25  }
0x71: {  	s28 =	spop (v2sf)  }
0x72: {  	s0 =	sshrl.u32 s31, $0x2;
	s30 =	spop (v2sf)  }
0x73: {  	s23 =	sadd.s32 $0x10518, s0;
	s22 =	spop (v2sf)  }
0x74: {  	s0 =	smin.u32 s26, $0x10  }
0x75: {  	v1 =	vmov s0  }
0x76: {  	p2 =	sgt.s32 s26, $0x10;
	vm1 =	vgt.u32 v1, v0  }
.Ltmp5:
0x77: {  	_ = 	snop;
	(pc) =	sbr.rel @!p2 .LBB2_7-.Ltmp5, $2  }
0x78: {  	_ =	sdelay $0x2  }
0x79: {  	s4 =	simm.s32 $0x10;
	s24 =	sadd.s32 $0xFFFFFFF0, s26;
	s0 =	smov.u32 s23;
	vm0 =	vmmov vm1  }
.LBB2_6:
0x7a: {  	s2 =	smin.u32 s24, $0x10;
	s4 =	sadd.s32 $0x10, s4;
	v1 =	vld.msk [tilespmem:s0+$0x0 ss:$0x1], vm1  }
0x7b: {  	v2 =	vmov s2;
	p2 =	slt.s32 s4, s26  }
0x7c: {  	vm1 =	vgt.u32 v2, v0  }
.Ltmp6:
0x7d: {  	(pc) =	sbr.rel @p2 .LBB2_6-.Ltmp6, $3  }
0x7e: {  	_ =	sdelay $0x1  }
0x7f: {  	v1 =	vshll.u32 v1, $0x4  }
0x80: {  	s24 =	sadd.s32 $0xFFFFFFF0, s24;
	[tilespmem:s0+$0x0] =	vst.msk vm0, v1;
	s0 =	sadd.s32 $0x10, s0;
	vm0 =	vmmov vm1  }
.LBB2_7:
0x81: {  	_ =	sdelay $0x4  }
0x82: {  	v1 =	vld.msk [tilespmem:s0+$0x0 ss:$0x1], vm1;
	_ =	sdelay $0x4  }
0x83: {  	v1 =	vshll.u32 v1, $0x4  }
0x84: {  	[tilespmem:s0+$0x0] =	vst.msk vm0, v1  }
.LBB2_8:
0x85: {  	s0 =	sand.u32 $0x1, s21  }
0x86: {  	s2 =	smul.u32 $0x7800, s0  }
0x87: {  	p2 =	sne.s32 s30, $0xFFFFFFFF  }
0x88: {  	v1 =	vld @!p2 [tilespmem:s2+$0x106F8];
	_ =	sdelay $0x2  }
0x89: {  	s0 =	smul.u32 $0xF0, s0;
	_ =	sdelay $0x1  }
0x8a: {  	v2 =	vld.msk @!p2 [tilespmem:s0+$0x10518], $0x1;
	[tilespmem:$0x108] =	vst @!p2 v1  }
0x8b: {  	v1 =	vld @!p2 [tilespmem:s2+$0x10708];
	_ =	sdelay $0x4  }
0x8c: {  	[tilespmem:$0x118] =	vst @!p2 v1  }
0x8d: {  	v1 =	vld @!p2 [tilespmem:s2+$0x10718];
	_ =	sdelay $0x4  }
0x8e: {  	[tilespmem:$0x128] =	vst @!p2 v1  }
0x8f: {  	v1 =	vld @!p2 [tilespmem:s2+$0x10728];
	_ =	sdelay $0x4  }
0x90: {  	[tilespmem:$0x138] =	vst @!p2 v1  }
0x91: {  	v1 =	vld @!p2 [tilespmem:s2+$0x10738];
	_ =	sdelay $0x4  }
0x92: {  	[tilespmem:$0x148] =	vst @!p2 v1  }
0x93: {  	(v2sf) =	vpush @!p2 v2, $0x0;
	v1 =	vld @!p2 [tilespmem:s2+$0x10748];
	_ =	sdelay $0x4  }
0x94: {  	[tilespmem:$0x158] =	vst @!p2 v1  }
0x95: {  	v1 =	vld @!p2 [tilespmem:s2+$0x10758];
	_ =	sdelay $0x4  }
0x96: {  	[tilespmem:$0x168] =	vst @!p2 v1  }
0x97: {  	v1 =	vld @!p2 [tilespmem:s2+$0x10768]  }
.Ltmp7:
0x98: {  	_ = 	snop;
	(pc) =	sbr.rel @p1 .LBB2_19-.Ltmp7, $4  }
0x99: {  	_ = 	snop  }
0x9a: {  	s29 =	spop @!p2 (v2sf)  }
0x9b: {  	s22 =	simm.s32 @!p2 $0x0;
	s24 =	smov.u32 s29  }
0x9c: {  	s29 =	smov.u32 @p2 s28;
	s24 =	smov.u32 @p2 s30;
	[tilespmem:$0x178] =	vst @!p2 v1;
	[sflag:s18] =	ssyncpa.u1 $0x0  }
0x9d: {  	v1 =	vld.msk [tilespmem:s23+$0x0], $0x1;
	_ =	sdelay $0x4  }
0x9e: {  	(v2sf) =	vpush v1, $0x0;
	_ =	sdelay $0xe  }
0x9f: {  	s2 =	smul.u32 $0x1E000, s25;
	s0 =	spop (v2sf)  }
0xa0: {  	s26 =	ssub.s32 $0x0, s26;
	p1 =	seq.s32 s29, s0  }
0xa1: {  	s30 =	sadd.s32 $0x1, s26;
	s2 =	sshrl.u32 s2, $0x2;
	p2 =	sgt.s32 @!p1 s29, $0x0  }
0xa2: {  	s25 =	sor.u32 $0x10738, s2;
	s2 =	smov.u32 s29;
	p2 =	por !p2, p1  }
0xa3: {  	s2 =	simm.s32 @p2 $0x0;
	p2 =	seq.s32 s30, $0x0  }
.Ltmp8:
0xa4: {  	_ = 	snop;
	(pc) =	sbr.rel @p2 .LBB2_11-.Ltmp8, $4  }
0xa5: {  	_ = 	snop  }
0xa6: {  	s28 =	simm.s32 $0x0;
	s31 =	sadd.s32 $0x1, s23;
	s2 =	smin.u32 @!p1 s2, $0x270F0  }
0xa7: {  	s4 =	simm.s32 @!p1 $0x1;
	s5 =	simm.s32 @!p1 $0x7988;
	s3 =	sand.u32 @!p1 $0x3FFF8, s2  }
0xa8: {  	s4 =	smov.u32 @p1 s28;
	s2 =	sand.u32 @!p1 $0x7, s2;
	s3 =	sadd.s32 @!p1 s1, s3  }
.LBB2_10:
0xa9: {  	s9 =	smov.u32 s4  }
0xaa: {  	[tilespmem:s5], [sflag:$0x2] =	stream.linear.gather @!p1 [hbm4b:s3+s2], $0x80, $0x38;
	[tilespmem:$0x1F6F8] =	vst v63  }
0xab: {  	s30 =	sadd.s32 $0x1, s30;
	s2 =	smov.u32 s0;
	v1 =	vld.msk [tilespmem:s31+$0x0], $0x1  }
0xac: {  	p2 =	seq.s32 s30, $0x0;
	_ =	sdelay $0x3  }
0xad: {  	(v2sf) =	vpush v1, $0x0;
	_ =	sdelay $0xe  }
0xae: {  	s0 =	spop (v2sf)  }
0xaf: {  	p1 =	seq.s32 s2, s0  }
0xb0: {  	p3 =	sgt.s32 @!p1 s2, $0x0;
	s3 =	sshll.u32 @!p1 s4, $0x9;
	s4 =	sadd.s32 @!p1 $0x1, s4  }
.Ltmp9:
0xb1: {  	p3 =	por !p3, p1;
	s3 =	sshra.s32 @!p1 s3, $0x2;
	(pc) =	sbr.rel @!p2 .LBB2_10-.Ltmp9, $4  }
0xb2: {  	s4 =	smov.u32 @p1 s9;
	s2 =	simm.s32 @p3 $0x0;
	s5 =	sadd.s32 @!p1 $0x7988, s3  }
0xb3: {  	s2 =	smin.u32 @!p1 s2, $0x270F0  }
0xb4: {  	s3 =	sand.u32 @!p1 $0x3FFF8, s2;
	s2 =	sand.u32 @!p1 $0x7, s2  }
0xb5: {  	s31 =	sadd.s32 $0x1, s31;
	s3 =	sadd.s32 @!p1 s1, s3  }
.LBB2_11:
0xb6: {  	[tilespmem:s5], [sflag:$0x2] =	stream.linear.gather @!p1 [hbm4b:s3+s2], $0x80, $0x38;
	[tilespmem:$0x1F6F8] =	vst v63  }
.Ltmp10:
0xb7: {  	s0 =	sshll.u32 s4, $0x7;
	(pc) =	sbr.rel .LBB2_12-.Ltmp10, $4  }
0xb8: {  	s30 =	simm.s32 $0x2;
	s0 =	sand.u32 $0x3FFFFF80, s0  }
0xb9: {  	_ =	swait.ge [sflag:s30], s0  }
0xba: {  	s0 =	ssub.s32 $0x0, s0;
	[sflag:s30] =	ssyncset.done $0x0  }
0xbb: {  	s31 =	simm.s32 $0x0;
	[sflag:s30] =	ssyncadd.s32 s0  }
.LBB2_13:
0xbc: {  	s0 =	sshra.s32 s0, $0x2;
	v1 =	vld [tilespmem:s25+$0xFFFFFFC0]  }
0xbd: {  	v2 =	vld [tilespmem:s0+$0x108];
	_ =	sdelay $0x4  }
0xbe: {  	v1 =	vmax.f32 v1, v2  }
0xbf: {  	v2 =	vld [tilespmem:s0+$0x118];
	[tilespmem:s0+$0x108] =	vst v1  }
0xc0: {  	v1 =	vld [tilespmem:s25+$0xFFFFFFD0];
	_ =	sdelay $0x4  }
0xc1: {  	v1 =	vmax.f32 v1, v2  }
0xc2: {  	v2 =	vld [tilespmem:s0+$0x128];
	[tilespmem:s0+$0x118] =	vst v1  }
0xc3: {  	v1 =	vld [tilespmem:s25+$0xFFFFFFE0];
	_ =	sdelay $0x4  }
0xc4: {  	v1 =	vmax.f32 v1, v2  }
0xc5: {  	v2 =	vld [tilespmem:s0+$0x138];
	[tilespmem:s0+$0x128] =	vst v1  }
0xc6: {  	v1 =	vld [tilespmem:s25+$0xFFFFFFF0];
	_ =	sdelay $0x4  }
0xc7: {  	v1 =	vmax.f32 v1, v2  }
0xc8: {  	v2 =	vld [tilespmem:s0+$0x148];
	[tilespmem:s0+$0x138] =	vst v1  }
0xc9: {  	v1 =	vld [tilespmem:s25+$0x0];
	_ =	sdelay $0x4  }
0xca: {  	v1 =	vmax.f32 v1, v2  }
0xcb: {  	v2 =	vld [tilespmem:s0+$0x158];
	[tilespmem:s0+$0x148] =	vst v1  }
0xcc: {  	v1 =	vld [tilespmem:s25+$0x10];
	_ =	sdelay $0x4  }
0xcd: {  	v1 =	vmax.f32 v1, v2  }
0xce: {  	v2 =	vld [tilespmem:s0+$0x168];
	[tilespmem:s0+$0x158] =	vst v1  }
0xcf: {  	v1 =	vld [tilespmem:s25+$0x20];
	_ =	sdelay $0x4  }
0xd0: {  	v1 =	vmax.f32 v1, v2  }
0xd1: {  	v2 =	vld [tilespmem:s0+$0x178];
	[tilespmem:s0+$0x168] =	vst v1  }
0xd2: {  	v1 =	vld [tilespmem:s25+$0x30];
	_ =	sdelay $0x4  }
0xd3: {  	v1 =	vmax.f32 v1, v2  }
0xd4: {  	[tilespmem:s0+$0x178] =	vst v1  }
.LBB2_17:
0xd5: {  	s26 =	sadd.s32 $0x1, s26  }
0xd6: {  	p1 =	seq.s32 s26, $0x0  }
.Ltmp11:
0xd7: {  	_ = 	snop;
	(pc) =	sbr.rel @p1 .LBB2_18-.Ltmp11, $2  }
0xd8: {  	_ =	sdelay $0x2  }
0xd9: {  	s23 =	sadd.s32 $0x1, s23;
	s25 =	sadd.s32 $0x80, s25;
	s29 =	smov.u32 s30  }
.LBB2_12:
0xda: {  	v1 =	vld.msk [tilespmem:s23+$0x0], $0x1;
	_ =	sdelay $0x4  }
0xdb: {  	(v2sf) =	vpush v1, $0x0;
	_ =	sdelay $0xe  }
0xdc: {  	s30 =	spop (v2sf)  }
0xdd: {  	p1 =	sne.s32 s29, s30  }
.Ltmp12:
0xde: {  	_ = 	snop;
	(pc) =	sbr.rel @!p1 .LBB2_13-.Ltmp12, $2  }
0xdf: {  	_ =	sdelay $0x2  }
0xe0: {  	s0 =	sshll.u32 s22, $0x9  }
0xe1: {  	p1 =	seq.s32 s29, s24  }
.Ltmp13:
0xe2: {  	_ = 	snop;
	(pc) =	sbr.rel @!p1 .LBB2_15-.Ltmp13, $1  }
0xe3: {  	_ =	sdelay $0x3  }
0xe4: {  	s0 =	sshra.s32 s0, $0x2  }
.Ltmp14:
0xe5: {  	s0 =	sadd.s32 $0x108, s0;
	(pc) =	sbr.rel .LBB2_16-.Ltmp14, $4  }
0xe6: {  	[spmem:s16] =	stream.linear.scatter [tilespmem:s0], [sflag:$0x1], $0x80, $0x38;
	[tilespmem:$0x1F6F8] =	vst v63  }
0xe7: {  	_ =	swait.ge [sflag:s12], $0x80  }
0xe8: {  	[sflag:s12] =	ssyncset.done $0x0  }
0xe9: {  	[sflag:s12] =	ssyncadd.s32 $0xFFFFFF80  }
.LBB2_15:
0xea: {  	s2 =	sshll.u32 s28, $0x9;
	s0 =	sshra.s32 s0, $0x2  }
0xeb: {  	s2 =	sshra.s32 s2, $0x2;
	v2 =	vld [tilespmem:s0+$0x108]  }
0xec: {  	v1 =	vld [tilespmem:s2+$0x7988];
	_ =	sdelay $0x4  }
0xed: {  	v1 =	vmax.f32 v1, v2  }
0xee: {  	v2 =	vld [tilespmem:s0+$0x118];
	[tilespmem:s0+$0x108] =	vst v1  }
0xef: {  	v1 =	vld [tilespmem:s2+$0x7998];
	_ =	sdelay $0x4  }
0xf0: {  	v1 =	vmax.f32 v1, v2  }
0xf1: {  	v2 =	vld [tilespmem:s0+$0x128];
	[tilespmem:s0+$0x118] =	vst v1  }
0xf2: {  	v1 =	vld [tilespmem:s2+$0x79A8];
	_ =	sdelay $0x4  }
0xf3: {  	v1 =	vmax.f32 v1, v2  }
0xf4: {  	v2 =	vld [tilespmem:s0+$0x138];
	[tilespmem:s0+$0x128] =	vst v1  }
0xf5: {  	v1 =	vld [tilespmem:s2+$0x79B8];
	_ =	sdelay $0x4  }
0xf6: {  	v1 =	vmax.f32 v1, v2  }
0xf7: {  	v2 =	vld [tilespmem:s0+$0x148];
	[tilespmem:s0+$0x138] =	vst v1  }
0xf8: {  	v1 =	vld [tilespmem:s2+$0x79C8];
	_ =	sdelay $0x4  }
0xf9: {  	v1 =	vmax.f32 v1, v2  }
0xfa: {  	v2 =	vld [tilespmem:s0+$0x158];
	[tilespmem:s0+$0x148] =	vst v1  }
0xfb: {  	v1 =	vld [tilespmem:s2+$0x79D8];
	_ =	sdelay $0x4  }
0xfc: {  	v1 =	vmax.f32 v1, v2  }
0xfd: {  	v2 =	vld [tilespmem:s0+$0x168];
	[tilespmem:s0+$0x158] =	vst v1  }
0xfe: {  	v1 =	vld [tilespmem:s2+$0x79E8];
	_ =	sdelay $0x4  }
0xff: {  	v1 =	vmax.f32 v1, v2  }
0x100: {  	v2 =	vld [tilespmem:s0+$0x178];
	[tilespmem:s0+$0x168] =	vst v1  }
0x101: {  	v1 =	vld [tilespmem:s2+$0x79F8];
	_ =	sdelay $0x3  }
0x102: {  	p1 =	sgt.u32 s29, $0x270F0  }
0x103: {  	s2 =	sand.u32 @!p1 $0x3FFF8, s29;
	v1 =	vmax.f32 v1, v2  }
0x104: {  	s3 =	sadd.s32 $0x108, s0;
	[tilespmem:s0+$0x178] =	vst v1;
	s0 =	sadd.s32 @!p1 s1, s2;
	s2 =	sand.u32 @!p1 $0x7, s29  }
0x105: {  	[hbm4b:s0+s2] =	stream.linear.scatter @!p1 [tilespmem:s3], [sflag:$0xC], $0x80, $0x38;
	[tilespmem:$0x1F6F8] =	vst v63  }
0x106: {  	s0 =	simm.s32 $0x0  }
0x107: {  	s0 =	simm.s32 @!p1 $0x200  }
0x108: {  	s31 =	sadd.s32 s0, s31  }
.LBB2_16:
0x109: {  	s0 =	sadd.s32 $0x1, s22  }
0x10a: {  	s2 =	smulhi.u32 $0x88888889, s0;
	_ =	sdelay $0x1  }
0x10b: {  	v1 =	vld [tilespmem:s25+$0xFFFFFFC0];
	s2 =	sshrl.u32 s2, $0x7  }
0x10c: {  	s2 =	smul.u32 $0xF0, s2;
	_ =	sdelay $0x1  }
0x10d: {  	s22 =	ssub.s32 s0, s2  }
0x10e: {  	s0 =	sshll.u32 s22, $0x7  }
0x10f: {  	[tilespmem:s0+$0x108] =	vst v1  }
0x110: {  	v1 =	vld [tilespmem:s25+$0xFFFFFFD0];
	_ =	sdelay $0x4  }
0x111: {  	[tilespmem:s0+$0x118] =	vst v1  }
0x112: {  	v1 =	vld [tilespmem:s25+$0xFFFFFFE0];
	_ =	sdelay $0x4  }
0x113: {  	[tilespmem:s0+$0x128] =	vst v1  }
0x114: {  	v1 =	vld [tilespmem:s25+$0xFFFFFFF0];
	_ =	sdelay $0x4  }
0x115: {  	[tilespmem:s0+$0x138] =	vst v1  }
0x116: {  	v1 =	vld [tilespmem:s25+$0x0];
	_ =	sdelay $0x4  }
0x117: {  	[tilespmem:s0+$0x148] =	vst v1  }
0x118: {  	v1 =	vld [tilespmem:s25+$0x10];
	_ =	sdelay $0x4  }
0x119: {  	[tilespmem:s0+$0x158] =	vst v1  }
0x11a: {  	v1 =	vld [tilespmem:s25+$0x20];
	_ =	sdelay $0x4  }
0x11b: {  	[tilespmem:s0+$0x168] =	vst v1  }
0x11c: {  	v1 =	vld [tilespmem:s25+$0x30]  }
.Ltmp15:
0x11d: {  	_ = 	snop;
	(pc) =	sbr.rel .LBB2_17-.Ltmp15, $2  }
0x11e: {  	_ =	sdelay $0x2  }
0x11f: {  	s28 =	sadd.s32 $0x1, s28;
	[tilespmem:s0+$0x178] =	vst v1  }
.LBB2_19:
.Ltmp16:
0x120: {  	(pc) =	sbr.rel .LBB2_20-.Ltmp16, $4  }
0x121: {  	_ = 	snop  }
0x122: {  	s0 =	simm.s32 $0x2  }
0x123: {  	_ =	swait.ge [sflag:s0], $0x0  }
0x124: {  	s30 =	smov.u32 s29;
	[sflag:s0] =	ssyncset.done $0x0;
	s0 =	simm.s32 $0x0  }
.LBB2_22:
0x125: {  	_ =	sfence.sel $0x180000  }
0x126: {  	s0 =	simm.s32 $0x9;
	[bflag:$0x0] =	sbarrier.arrive $0xFFFF  }
0x127: {  	s24 =	simm.s32 $0xA;
	[sflag:s0] =	ssyncpa.u1 $0x1  }
0x128: {  	s25 =	simm.s32 $0xB;
	[sflag:s24] =	ssyncpa.u1 $0x1  }
0x129: {  	s26 =	simm.s32 $0x2;
	[sflag:s25] =	ssyncpa.u1 $0x1  }
0x12a: {  	[sflag:s26] =	ssyncpa.u1 $0x1  }
0x12b: {  	v0 =	vld [tilespmem:$0xF208];
	_ =	sdelay $0x4  }
0x12c: {  	(v2sf) =	vpush v0, $0x0  }
0x12d: {  	(v2sf) =	vpush v0, $0x1;
	_ =	sdelay $0x1  }
0x12e: {  	(v2sf) =	vpush v0, $0x2;
	_ =	sdelay $0xb  }
0x12f: {  	s0 =	spop (v2sf)  }
0x130: {  	s2 =	spop (v2sf)  }
0x131: {  	s3 =	smov.u32 s0;
	p0 =	sne.s32 s0, s2  }
0x132: {  	s4 =	spop (v2sf);
	s3 =	simm.s32 @!p0 $0xFFFFFFFF  }
0x133: {  	v2 =	vimm.s32 $0x1;
	v3 =	vlaneseq.u32;
	p0 =	seq.s32 s4, $0xFFFFFFFF;
	v1 =	vmov s3  }
0x134: {  	s16 =	stileid.u32;
	v0 =	vperm.xlane v0, v2;
	p1 =	sne.s32 @!p0 s0, s2;
	v1 =	vperm.xlane v1, v3  }
0x135: {  	vm0 =	vcmask $0x3F04;
	s6 =	simm.s32 $0xF208;
	s0 =	simm.s32 @!p0 $0x1;
	p1 =	por !p1, p0  }
0x136: {  	s3 =	sshll.u32 s16, $0x1;
	s2 =	sshll.u32 @!p0 s4, $0x9;
	s0 =	simm.s32 @p1 $0x0;
	v0 =	vsel vm0, v1, v0  }
0x137: {  	s5 =	sor.u32 $0x1000, s3;
	s2 =	sshra.s32 @!p0 s2, $0x2;
	s0 =	sor.u32 @!p0 s0, s3;
	[tilespmem:$0xF208] =	vst v0  }
0x138: {  	[spmem:s5] =	stream.linear.scatter [tilespmem:s6], [sflag:$0x1], $0x2, $0x38;
	[tilespmem:$0x1F6F8] =	vst v63  }
0x139: {  	s2 =	sadd.s32 @!p0 $0x108, s2;
	s0 =	sshll.u32 @!p0 s0, $0x7  }
0x13a: {  	[spmem:s0] =	stream.linear.scatter @!p0 [tilespmem:s2], [sflag:$0x1], $0x80, $0x38;
	[tilespmem:$0x1F6F8] =	vst v63  }
0x13b: {  	s0 =	simm.s32 @!p0 $0x82  }
0x13c: {  	s28 =	simm.s32 $0x1;
	s0 =	simm.s32 @p0 $0x2  }
0x13d: {  	_ =	swait.ge [sflag:s28], s0  }
0x13e: {  	s0 =	ssub.s32 $0x0, s0;
	[sflag:s28] =	ssyncset.done $0x0  }
0x13f: {  	p0 =	sne.s32 s16, $0x0;
	[sflag:s28] =	ssyncadd.s32 s0  }
.Ltmp17:
0x140: {  	_ =	sfence.stream.spmem;
	(pc) =	sbr.rel @p0 .LBB2_39-.Ltmp17, $4  }
0x141: {  	s29 =	simm.s32 $0x3;
	[bflag:$0x0] =	sbarrier.arrive $0xFFFF  }
0x142: {  	s30 =	simm.s32 $0x4;
	[sflag:s29] =	ssyncpa.u1 $0x1  }
0x143: {  	s31 =	simm.s32 $0x3C;
	[sflag:s30] =	ssyncpa.u1 $0x1  }
0x144: {  	s15 =	rddreg [dreg:$0x4];
	[sflag:s31] =	ssyncpa.u1 $0x1  }
0x145: {  	_ =	sfence.stream.spmem;
	s0 =	simm.s32 $0x5  }
0x146: {  	s2 =	simm.s32 $0x1000;
	s3 =	simm.s32 $0xF218;
	[sflag:s0] =	ssyncpa.u1 $0x0  }
0x147: {  	[tilespmem:s3], [sflag:$0x5] =	stream.linear.gather [spmem:s2], $0x20, $0x38;
	[tilespmem:$0x1F6F8] =	vst v63  }
0x148: {  	s26 =	simm.s32 $0x0;
	s28 =	simm.s32 $0xF238  }
0x149: {  	[tilespmem:s28], [sflag:$0x5] =	stream.linear.gather [spmem:s26], $0x1000, $0x38;
	[tilespmem:$0x1F6F8] =	vst v63  }
0x14a: {  	_ =	swait.ge [sflag:s0], $0x1020  }
0x14b: {  	[sflag:s0] =	ssyncset.done $0x0  }
0x14c: {  	s29 =	simm.s32 $0x0;
	[sflag:s0] =	ssyncadd.s32 $0xFFFFEFE0  }
0x14d: {  	v0 =	vld.msk [tilespmem:s29+$0xF218], $0x1;
	_ =	sdelay $0x1  }
0x14e: {  	s30 =	simm.s32 $0x1  }
0x14f: {  	v1 =	vld.msk [tilespmem:s30+$0xF218], $0x1;
	_ =	sdelay $0x1  }
0x150: {  	(v2sf) =	vpush v0, $0x0;
	_ =	sdelay $0x2  }
0x151: {  	(v2sf) =	vpush v1, $0x0;
	_ =	sdelay $0x2  }
0x152: {  	s31 =	simm.s32 $0x2  }
0x153: {  	v0 =	vld.msk [tilespmem:s31+$0xF218], $0x1;
	_ =	sdelay $0x2  }
0x154: {  	s4 =	simm.s32 $0xFFFFFFFF;
	s5 =	simm.s32 $0xFFFFFFFF;
	s0 =	simm.s32 $0xC  }
.LBB2_24:
0x155: {  	s2 =	smov.u32 s5;
	s3 =	smov.u32 s4  }
0x156: {  	s4 =	sshra.s32 s0, $0x2;
	p1 =	sne.s32 s0, $0x7C;
	s0 =	sadd.s32 $0x4, s0;
	(v2sf) =	vpush v0, $0x0  }
0x157: {  	v0 =	vld.msk [tilespmem:s4+$0xF218], $0x1  }
.Ltmp18:
0x158: {  	(pc) =	sbr.rel @p1 .LBB2_24-.Ltmp18, $4  }
0x159: {  	s5 =	spop (v2sf)  }
0x15a: {  	p2 =	sne.s32 s3, $0xFFFFFFFF;
	s4 =	smov.u32 s5  }
0x15b: {  	p3 =	seq.s32 s5, $0xFFFFFFFF;
	s4 =	smov.u32 @p2 s3  }
0x15c: {  	s5 =	smov.u32 @p3 s2;
	s4 =	smov.u32 @p3 s3  }
0x15d: {  	(v2sf) =	vpush v0, $0x0;
	_ =	sdelay $0x8  }
0x15e: {  	s0 =	spop (v2sf)  }
0x15f: {  	p1 =	sne.s32 s4, $0xFFFFFFFF;
	s2 =	smov.u32 s0  }
0x160: {  	s9 =	simm.s32 $0x6;
	p2 =	seq.s32 s0, $0xFFFFFFFF;
	s2 =	smov.u32 @p1 s4  }
0x161: {  	s6 =	simm.s32 $0x0;
	s2 =	smov.u32 @p2 s4;
	s3 =	spop (v2sf)  }
0x162: {  	s0 =	smov.u32 @p2 s5;
	p1 =	sne.s32 s2, $0xFFFFFFFF;
	s4 =	smov.u32 s3  }
.Ltmp19:
0x163: {  	p2 =	seq.s32 s3, $0xFFFFFFFF;
	s4 =	smov.u32 @p1 s2;
	(pc) =	sbr.rel .LBB2_26-.Ltmp19, $4  }
0x164: {  	s10 =	simm.s32 $0xF188;
	s4 =	smov.u32 @p2 s2;
	s7 =	spop (v2sf)  }
0x165: {  	s11 =	simm.s32 $0x0;
	p1 =	sne.s32 s4, $0xFFFFFFFF;
	s8 =	smov.u32 s7  }
0x166: {  	s3 =	smov.u32 @p2 s0;
	p2 =	seq.s32 s7, $0xFFFFFFFF;
	s8 =	smov.u32 @p1 s4  }
0x167: {  	[sflag:s9] =	ssyncpa.u1 $0x0;
	s7 =	smov.u32 @p2 s3;
	s8 =	smov.u32 @p2 s4  }
.LBB2_32:
0x168: {  	p1 =	sgt.u32 s12, $0x270F0  }
0x169: {  	p2 =	seq.s32 @!p1 s12, s8  }
0x16a: {  	p1 =	por p1, p2  }
0x16b: {  	p2 =	sne.s32 @!p1 s12, s7  }
0x16c: {  	p1 =	por p1, !p2  }
0x16d: {  	s0 =	sshll.u32 @p1 s11, $0x9  }
0x16e: {  	s0 =	sand.u32 @!p1 $0x3FFF8, s12  }
0x16f: {  	s2 =	sand.u32 @!p1 $0x7, s12;
	s0 =	sadd.s32 @!p1 s1, s0  }
0x170: {  	[tilespmem:s10], [sflag:$0x6] =	stream.linear.gather @!p1 [hbm4b:s0+s2], $0x80, $0x38;
	[tilespmem:$0x1F6F8] =	vst v63  }
0x171: {  	_ =	swait.ge @!p1 [sflag:s9], $0x80  }
0x172: {  	[sflag:s9] =	ssyncset.done @!p1 $0x0  }
0x173: {  	s0 =	sshll.u32 @!p1 s11, $0x9;
	[sflag:s9] =	ssyncadd.s32 @!p1 $0xFFFFFF80  }
0x174: {  	s2 =	sshrl.u32 @!p1 s0, $0x2;
	v1 =	vld @!p1 [tilespmem:$0xF188]  }
0x175: {  	v2 =	vld @!p1 [tilespmem:s2+$0xF238];
	_ =	sdelay $0x4  }
0x176: {  	v1 =	vmax.f32 @!p1 v1, v2  }
0x177: {  	v2 =	vld @!p1 [tilespmem:s2+$0xF248];
	[tilespmem:s2+$0xF238] =	vst @!p1 v1  }
0x178: {  	v1 =	vld @!p1 [tilespmem:$0xF198];
	_ =	sdelay $0x4  }
0x179: {  	v1 =	vmax.f32 @!p1 v1, v2  }
0x17a: {  	v2 =	vld @!p1 [tilespmem:s2+$0xF258];
	[tilespmem:s2+$0xF248] =	vst @!p1 v1  }
0x17b: {  	v1 =	vld @!p1 [tilespmem:$0xF1A8];
	_ =	sdelay $0x4  }
0x17c: {  	v1 =	vmax.f32 @!p1 v1, v2  }
0x17d: {  	v2 =	vld @!p1 [tilespmem:s2+$0xF268];
	[tilespmem:s2+$0xF258] =	vst @!p1 v1  }
0x17e: {  	v1 =	vld @!p1 [tilespmem:$0xF1B8];
	_ =	sdelay $0x4  }
0x17f: {  	v1 =	vmax.f32 @!p1 v1, v2  }
0x180: {  	v2 =	vld @!p1 [tilespmem:s2+$0xF278];
	[tilespmem:s2+$0xF268] =	vst @!p1 v1  }
0x181: {  	v1 =	vld @!p1 [tilespmem:$0xF1C8];
	_ =	sdelay $0x4  }
0x182: {  	v1 =	vmax.f32 @!p1 v1, v2  }
0x183: {  	v2 =	vld @!p1 [tilespmem:s2+$0xF288];
	[tilespmem:s2+$0xF278] =	vst @!p1 v1  }
0x184: {  	v1 =	vld @!p1 [tilespmem:$0xF1D8];
	_ =	sdelay $0x4  }
0x185: {  	v1 =	vmax.f32 @!p1 v1, v2  }
0x186: {  	v2 =	vld @!p1 [tilespmem:s2+$0xF298];
	[tilespmem:s2+$0xF288] =	vst @!p1 v1  }
0x187: {  	v1 =	vld @!p1 [tilespmem:$0xF1E8];
	_ =	sdelay $0x4  }
0x188: {  	v1 =	vmax.f32 @!p1 v1, v2  }
0x189: {  	v2 =	vld @!p1 [tilespmem:s2+$0xF2A8];
	[tilespmem:s2+$0xF298] =	vst @!p1 v1  }
0x18a: {  	v1 =	vld @!p1 [tilespmem:$0xF1F8];
	_ =	sdelay $0x4  }
0x18b: {  	v1 =	vmax.f32 @!p1 v1, v2  }
0x18c: {  	[tilespmem:s2+$0xF2A8] =	vst @!p1 v1  }
0x18d: {  	s0 =	sshrl.u32 s0, $0x2;
	[tilespmem:s6+$0xF218] =	vst.msk $0x1, v0  }
0x18e: {  	v0 =	vld [tilespmem:s0+$0xF238];
	_ =	sdelay $0x2  }
0x18f: {  	s31 =	sshll.u32 s6, $0x9  }
0x190: {  	s2 =	sshra.s32 s31, $0x2  }
0x191: {  	[tilespmem:s2+$0xF238] =	vst v0  }
0x192: {  	v0 =	vld [tilespmem:s0+$0xF248];
	_ =	sdelay $0x4  }
0x193: {  	[tilespmem:s2+$0xF248] =	vst v0  }
0x194: {  	v0 =	vld [tilespmem:s0+$0xF258];
	_ =	sdelay $0x4  }
0x195: {  	[tilespmem:s2+$0xF258] =	vst v0  }
0x196: {  	v0 =	vld [tilespmem:s0+$0xF268];
	_ =	sdelay $0x4  }
0x197: {  	[tilespmem:s2+$0xF268] =	vst v0  }
0x198: {  	v0 =	vld [tilespmem:s0+$0xF278];
	_ =	sdelay $0x4  }
0x199: {  	[tilespmem:s2+$0xF278] =	vst v0  }
0x19a: {  	v0 =	vld [tilespmem:s0+$0xF288];
	_ =	sdelay $0x4  }
0x19b: {  	[tilespmem:s2+$0xF288] =	vst v0  }
0x19c: {  	v0 =	vld [tilespmem:s0+$0xF298];
	_ =	sdelay $0x4  }
0x19d: {  	[tilespmem:s2+$0xF298] =	vst v0  }
0x19e: {  	v0 =	vld [tilespmem:s0+$0xF2A8];
	_ =	sdelay $0x4  }
0x19f: {  	s6 =	sadd.s32 $0x1, s6;
	[tilespmem:s2+$0xF2A8] =	vst v0  }
.LBB2_33:
0x1a0: {  	s11 =	sadd.s32 $0x1, s11  }
0x1a1: {  	p1 =	sne.s32 s11, $0x20  }
.Ltmp20:
0x1a2: {  	_ = 	snop;
	(pc) =	sbr.rel @!p1 .LBB2_34-.Ltmp20, $1  }
0x1a3: {  	_ =	sdelay $0x3  }
.LBB2_26:
0x1a4: {  	v0 =	vld.msk [tilespmem:s11+$0xF218], $0x1;
	_ =	sdelay $0x4  }
0x1a5: {  	(v2sf) =	vpush v0, $0x0;
	_ =	sdelay $0xe  }
0x1a6: {  	s12 =	spop (v2sf)  }
0x1a7: {  	p1 =	seq.s32 s12, $0xFFFFFFFF  }
.Ltmp21:
0x1a8: {  	_ = 	snop;
	(pc) =	sbr.rel @p1 .LBB2_33-.Ltmp21, $1  }
0x1a9: {  	_ =	sdelay $0x3  }
0x1aa: {  	p1 =	slt.s32 s6, $0x1  }
.Ltmp22:
0x1ab: {  	_ = 	snop;
	(pc) =	sbr.rel @p1 .LBB2_32-.Ltmp22, $1  }
0x1ac: {  	_ =	sdelay $0x3  }
0x1ad: {  	s13 =	simm.s32 $0xF218;
	p1 =	por $0x0, $0x0  }
0x1ae: {  	v1 =	vld.msk @!p1 [tilespmem:s13+$0x0], $0x1;
	_ =	sdelay $0x4  }
0x1af: {  	(v2sf) =	vpush @!p1 v1, $0x0;
	_ =	sdelay $0xd  }
0x1b0: {  	p3 =	sne.s32 s6, $0x1  }
.Ltmp23:
0x1b1: {  	s0 =	spop @!p1 (v2sf);
	(pc) =	sbr.rel @!p3 .LBB2_30-.Ltmp23, $4  }
0x1b2: {  	p2 =	seq.s32 @!p1 s12, s0  }
0x1b3: {  	s14 =	simm.s32 $0x0;
	p2 =	por !p2, p1  }
0x1b4: {  	s2 =	simm.s32 $0xFFFFFFFF;
	s14 =	simm.s32 @p2 $0xFFFFFFFF  }
0x1b5: {  	s0 =	simm.s32 $0x1;
	s14 =	smov.u32 @p1 s2  }
.LBB2_29:
0x1b6: {  	s2 =	smov.u32 s14;
	p1 =	sne.s32 s14, $0xFFFFFFFF  }
0x1b7: {  	s13 =	sadd.s32 $0x1, s13;
	s14 =	smov.u32 s0;
	s0 =	sadd.s32 $0x1, s0  }
0x1b8: {  	p2 =	sne.s32 s6, s0;
	v1 =	vld.msk @!p1 [tilespmem:s13+$0x0], $0x1;
	_ =	sdelay $0x4  }
0x1b9: {  	(v2sf) =	vpush @!p1 v1, $0x0;
	_ =	sdelay $0xe  }
.Ltmp24:
0x1ba: {  	s3 =	spop @!p1 (v2sf);
	(pc) =	sbr.rel @p2 .LBB2_29-.Ltmp24, $4  }
0x1bb: {  	p3 =	seq.s32 @!p1 s12, s3  }
0x1bc: {  	p3 =	por !p3, p1  }
0x1bd: {  	s14 =	simm.s32 @p3 $0xFFFFFFFF  }
0x1be: {  	s14 =	smov.u32 @p1 s2  }
.LBB2_30:
0x1bf: {  	p1 =	seq.s32 s14, $0xFFFFFFFF  }
.Ltmp25:
0x1c0: {  	_ = 	snop;
	(pc) =	sbr.rel @p1 .LBB2_32-.Ltmp25, $1  }
0x1c1: {  	_ =	sdelay $0x3  }
0x1c2: {  	s0 =	sshll.u32 s11, $0x7  }
0x1c3: {  	s2 =	sshll.u32 s14, $0x9;
	s0 =	sand.u32 $0x3FFFFF80, s0  }
0x1c4: {  	s2 =	sshra.s32 s2, $0x2;
	v0 =	vld [tilespmem:s0+$0xF238]  }
0x1c5: {  	v1 =	vld [tilespmem:s2+$0xF238];
	_ =	sdelay $0x4  }
0x1c6: {  	v0 =	vmax.f32 v0, v1  }
0x1c7: {  	v57 =	vld [tilespmem:s2+$0xF248];
	[tilespmem:s2+$0xF238] =	vst v0  }
0x1c8: {  	v0 =	vld [tilespmem:s0+$0xF248];
	_ =	sdelay $0x4  }
0x1c9: {  	v0 =	vmax.f32 v0, v57  }
0x1ca: {  	v58 =	vld [tilespmem:s2+$0xF258];
	[tilespmem:s2+$0xF248] =	vst v0  }
0x1cb: {  	v0 =	vld [tilespmem:s0+$0xF258];
	_ =	sdelay $0x4  }
0x1cc: {  	v0 =	vmax.f32 v0, v58  }
0x1cd: {  	v59 =	vld [tilespmem:s2+$0xF268];
	[tilespmem:s2+$0xF258] =	vst v0  }
0x1ce: {  	v0 =	vld [tilespmem:s0+$0xF268];
	_ =	sdelay $0x4  }
0x1cf: {  	v0 =	vmax.f32 v0, v59  }
0x1d0: {  	v60 =	vld [tilespmem:s2+$0xF278];
	[tilespmem:s2+$0xF268] =	vst v0  }
0x1d1: {  	v0 =	vld [tilespmem:s0+$0xF278];
	_ =	sdelay $0x4  }
0x1d2: {  	v0 =	vmax.f32 v0, v60  }
0x1d3: {  	v61 =	vld [tilespmem:s2+$0xF288];
	[tilespmem:s2+$0xF278] =	vst v0  }
0x1d4: {  	v0 =	vld [tilespmem:s0+$0xF288];
	_ =	sdelay $0x4  }
0x1d5: {  	v0 =	vmax.f32 v0, v61  }
0x1d6: {  	v62 =	vld [tilespmem:s2+$0xF298];
	[tilespmem:s2+$0xF288] =	vst v0  }
0x1d7: {  	v0 =	vld [tilespmem:s0+$0xF298];
	_ =	sdelay $0x4  }
0x1d8: {  	v0 =	vmax.f32 v0, v62  }
0x1d9: {  	v63 =	vld [tilespmem:s2+$0xF2A8];
	[tilespmem:s2+$0xF298] =	vst v0  }
0x1da: {  	v0 =	vld [tilespmem:s0+$0xF2A8];
	_ =	sdelay $0x1  }
.Ltmp26:
0x1db: {  	_ = 	snop;
	(pc) =	sbr.rel .LBB2_33-.Ltmp26, $3  }
0x1dc: {  	_ =	sdelay $0x1  }
0x1dd: {  	v0 =	vmax.f32 v0, v63  }
0x1de: {  	[tilespmem:s2+$0xF2A8] =	vst v0  }
.LBB2_34:
0x1df: {  	s0 =	simm.s32 $0x6;
	p1 =	seq.s32 s6, $0x0  }
0x1e0: {  	[sflag:s0] =	ssyncpa.u1 $0x1;
	v0 =	vimm.s32 @p1 $0xFFFFFFFF  }
0x1e1: {  	s9 =	sadd.s32 $0xFFFFFFFF, s6;
	[tilespmem:$0x10238] =	vst @p1 v0  }
0x1e2: {  	v0 =	vld.msk @!p1 [tilespmem:s9+$0xF218], $0x1;
	_ =	sdelay $0x1  }
0x1e3: {  	v1 =	vld.msk @!p1 [tilespmem:$0xF218], $0x1;
	_ =	sdelay $0x2  }
0x1e4: {  	p2 =	seq.s32 @!p1 s9, $0x0;
	v0 =	vbroadcast @!p1 v0, $0x0  }
0x1e5: {  	vm0 =	vmmov @!p1 $0x1;
	p2 =	por !p2, p1  }
0x1e6: {  	v1 =	vnsel @!p1 vm0, $0xFFFFFFFF, v1;
	vm0 =	vcmask @!p1 $0x308;
	v0 =	vpsel !p2, $0xFFFFFFFF, v0  }
0x1e7: {  	p2 =	sne.s32 @!p1 s8, s7;
	v0 =	vsel @!p1 vm0, v1, v0  }
0x1e8: {  	s0 =	simm.s32 @!p1 $0xF238;
	s2 =	simm.s32 @!p1 $0x0;
	p3 =	por !p2, p1;
	[tilespmem:$0x10238] =	vst @!p1 v0  }
0x1e9: {  	[spmem:s2] =	stream.linear.scatter @!p1 [tilespmem:s0], [sflag:$0x1], $0x80, $0x38;
	[tilespmem:$0x1F6F8] =	vst v63  }
0x1ea: {  	s0 =	sshll.u32 @!p3 s9, $0x9  }
0x1eb: {  	s0 =	sshra.s32 @!p3 s0, $0x2  }
0x1ec: {  	s2 =	simm.s32 @!p3 $0x80;
	s0 =	sadd.s32 @!p3 $0xF238, s0  }
0x1ed: {  	[spmem:s2] =	stream.linear.scatter @!p3 [tilespmem:s0], [sflag:$0x1], $0x80, $0x38;
	[tilespmem:$0x1F6F8] =	vst v63  }
0x1ee: {  	s0 =	simm.s32 @!p3 $0x1  }
0x1ef: {  	_ =	swait.ge @!p3 [sflag:s0], $0x100  }
0x1f0: {  	p1 =	por p2, p1;
	[sflag:s0] =	ssyncset.done @!p3 $0x0  }
0x1f1: {  	[sflag:s0] =	ssyncadd.s32 @!p3 $0xFFFFFF00;
	s0 =	simm.s32 @!p1 $0x1  }
0x1f2: {  	_ =	swait.ge @!p1 [sflag:s0], $0x80  }
0x1f3: {  	s29 =	simm.s32 $0x10238;
	[sflag:s0] =	ssyncset.done @!p1 $0x0  }
0x1f4: {  	s30 =	simm.s32 $0x1000;
	s31 =	simm.s32 $0x1;
	[sflag:s0] =	ssyncadd.s32 @!p1 $0xFFFFFF80  }
0x1f5: {  	[spmem:s30] =	stream.linear.scatter [tilespmem:s29], [sflag:$0x1], $0x10, $0x38;
	[tilespmem:$0x1F6F8] =	vst v63  }
0x1f6: {  	_ =	swait.ge [sflag:s31], $0x10  }
0x1f7: {  	[sflag:s31] =	ssyncset.done $0x0  }
0x1f8: {  	p1 =	seq.s32 s15, $0x0;
	s8 =	rddreg [dreg:$0x1];
	[sflag:s31] =	ssyncadd.s32 $0xFFFFFFF0  }
0x1f9: {  	s2 =	sshll.u32 @p1 s8, $0xE;
	s7 =	rddreg [dreg:$0x2]  }
0x1fa: {  	s0 =	sadd.s32 @p1 $0x15C3C, s2;
	s2 =	sshll.u32 @p1 s7, $0x11  }
0x1fb: {  	_ =	sfence.stream.spmem;
	s0 =	sor.u32 @p1 s2, s0  }
0x1fc: {  	[sflag:s0] =	ssyncadd.remote.s32 @p1 $0x1;
	s0 =	simm.s32 @p1 $0x4  }
0x1fd: {  	s3 =	simm.s32 @!p1 $0x3C;
	s2 =	sand.u32 $0xFFFFFFFE, s8;
	_ =	swait.ge @p1 [sflag:s0], $0x22  }
0x1fe: {  	s4 =	simm.s32 @!p1 $0x0;
	s2 =	sadd.s32 @!p1 $0x4, s2;
	[sflag:s0] =	ssyncset.done @p1 $0x0  }
0x1ff: {  	s5 =	simm.s32 @!p1 $0x100;
	[sflag:s0] =	ssyncadd.s32 @p1 $0xFFFFFFDE;
	s0 =	sshll.u32 @!p1 s2, $0x1A  }
0x200: {  	s2 =	sshll.u32 @!p1 s2, $0xD;
	s0 =	sor.u32 @!p1 s0, s7;
	_ =	swait.eq @!p1 [sflag:s3], $0x1  }
0x201: {  	s2 =	sor.u32 @!p1 $0x1C04, s2;
	s3 =	simm.s32 @!p1 $0x1C03;
	s0 =	sor.u32 @!p1 $0x80004000, s0  }
0x202: {  	[spmem:s5], [sflag:s2] =	dma.general @!p1 [spmem:s4], [sflag:s3], length:$0x20, [dreg:$0x0], stride_count:$0x0, ici_dest:s0, dma_misc:DstOpCode:WRITE  }
0x203: {  	p2 =	slt.s32 s9, $0x2;
	s4 =	simm.s32 @!p1 $0x200;
	s5 =	simm.s32 @!p1 $0x202  }
0x204: {  	[spmem:s5], [sflag:s2] =	dma.general @!p1 [spmem:s4], [sflag:s3], length:$0x2, [dreg:$0x0], stride_count:$0x0, ici_dest:s0, dma_misc:DstOpCode:WRITE  }
.Ltmp27:
0x205: {  	s0 =	simm.s32 @!p1 $0x3;
	(pc) =	sbr.rel @p2 .LBB2_38-.Ltmp27, $4  }
0x206: {  	s2 =	sshll.u32 @!p1 s8, $0xE;
	_ =	swait.ge @!p1 [sflag:s0], $0x22  }
0x207: {  	s3 =	sshll.u32 @!p1 s7, $0x11;
	s2 =	sadd.s32 @!p1 $0x11C3C, s2;
	[sflag:s0] =	ssyncset.done @!p1 $0x0  }
0x208: {  	[sflag:s0] =	ssyncadd.s32 @!p1 $0xFFFFFFDE;
	s0 =	sor.u32 @!p1 s3, s2  }
0x209: {  	[sflag:s0] =	ssyncadd.remote.s32 @!p1 $0xFFFFFFFF;
	s0 =	simm.s32 $0x0  }
0x20a: {  	s0 =	simm.s32 $0xF219  }
0x20b: {  	v0 =	vld.msk [tilespmem:s0+$0x0], $0x1;
	_ =	sdelay $0x4  }
0x20c: {  	(v2sf) =	vpush v0, $0x0;
	_ =	sdelay $0xb  }
0x20d: {  	s31 =	sadd.s32 $0xFFFFFFFE, s6  }
0x20e: {  	s0 =	sadd.s32 $0xFFFFFFFF, s31  }
0x20f: {  	p2 =	sne.s32 s0, $0x0  }
.Ltmp28:
0x210: {  	s2 =	spop (v2sf);
	(pc) =	sbr.rel @!p2 .LBB2_37-.Ltmp28, $4  }
0x211: {  	s4 =	simm.s32 $0xF2B8;
	s7 =	simm.s32 $0x0;
	p1 =	sgt.u32 s2, $0x270F0  }
0x212: {  	s5 =	simm.s32 $0x0;
	s6 =	simm.s32 $0xF21A;
	s3 =	sand.u32 @!p1 $0x3FFF8, s2  }
0x213: {  	s2 =	sand.u32 @!p1 $0x7, s2;
	s7 =	simm.s32 @!p1 $0x200;
	s3 =	sadd.s32 @!p1 s1, s3  }
0x214: {  	[hbm4b:s3+s2] =	stream.linear.scatter @!p1 [tilespmem:s4], [sflag:$0x5], $0x80, $0x38;
	[tilespmem:$0x1F6F8] =	vst v63  }
.LBB2_36:
0x215: {  	v0 =	vld.msk [tilespmem:s6+$0x0], $0x1;
	s0 =	sadd.s32 $0xFFFFFFFF, s0;
	s5 =	sadd.s32 s5, s7  }
0x216: {  	p1 =	sne.s32 s0, $0x0;
	_ =	sdelay $0x3  }
0x217: {  	(v2sf) =	vpush v0, $0x0;
	_ =	sdelay $0xe  }
.Ltmp29:
0x218: {  	s2 =	spop (v2sf);
	(pc) =	sbr.rel @p1 .LBB2_36-.Ltmp29, $4  }
0x219: {  	s7 =	simm.s32 $0x0;
	p2 =	sgt.u32 s2, $0x270F0  }
0x21a: {  	s4 =	sadd.s32 $0x80, s4;
	s7 =	simm.s32 @!p2 $0x200;
	s3 =	sand.u32 @!p2 $0x3FFF8, s2  }
0x21b: {  	s6 =	sadd.s32 $0x1, s6;
	s2 =	sand.u32 @!p2 $0x7, s2;
	s3 =	sadd.s32 @!p2 s1, s3  }
0x21c: {  	[hbm4b:s3+s2] =	stream.linear.scatter @!p2 [tilespmem:s4], [sflag:$0x5], $0x80, $0x38;
	[tilespmem:$0x1F6F8] =	vst v63  }
.LBB2_37:
0x21d: {  	s0 =	sadd.s32 s5, s7  }
0x21e: {  	s0 =	sshrl.u32 s0, $0x2  }
.LBB2_38:
0x21f: {  	s2 =	simm.s32 $0x5  }
0x220: {  	_ =	swait.ge [sflag:s2], s0  }
0x221: {  	s31 =	ssub.s32 $0x0, s0;
	[sflag:s2] =	ssyncset.done $0x0  }
0x222: {  	[sflag:s2] =	ssyncadd.s32 s31  }
0x223: {  	[sflag:s2] =	ssyncpa.u1 $0x1  }
.LBB2_39:
0x224: {  	s0 =	sor.u32 s15, s16  }
0x225: {  	p1 =	sne.s32 s0, $0x0  }
.Ltmp30:
0x226: {  	_ = 	snop;
	(pc) =	sbr.rel @p1 .LBB2_54-.Ltmp30, $3  }
0x227: {  	_ =	sdelay $0x1  }
0x228: {  	[bflag:$0x0] =	sbarrier.arrive $0xFFFF  }
0x229: {  	_ =	sfence  }
0x22a: {  	s0 =	simm.s32 $0x7  }
0x22b: {  	s2 =	simm.s32 $0x1000;
	s3 =	simm.s32 $0xF218;
	[sflag:s0] =	ssyncpa.u1 $0x0  }
0x22c: {  	[tilespmem:s3], [sflag:$0x7] =	stream.linear.gather [spmem:s2], $0x20, $0x38;
	[tilespmem:$0x1F6F8] =	vst v63  }
0x22d: {  	s30 =	simm.s32 $0xF238;
	s2 =	simm.s32 $0x0  }
0x22e: {  	[tilespmem:s30], [sflag:$0x7] =	stream.linear.gather [spmem:s2], $0x1000, $0x38;
	[tilespmem:$0x1F6F8] =	vst v63  }
.Ltmp31:
0x22f: {  	_ = 	snop;
	(pc) =	sbr.rel .LBB2_41-.Ltmp31, $4  }
0x230: {  	_ =	swait.ge [sflag:s0], $0x1020  }
0x231: {  	[sflag:s0] =	ssyncset.done $0x0  }
0x232: {  	s31 =	simm.s32 $0x8;
	[sflag:s0] =	ssyncadd.s32 $0xFFFFEFE0  }
0x233: {  	s3 =	simm.s32 $0x0;
	[sflag:s31] =	ssyncpa.u1 $0x0  }
.LBB2_47:
0x234: {  	p1 =	slt.u32 s4, $0x270F1  }
0x235: {  	s0 =	sand.u32 @p1 $0x3FFF8, s4  }
0x236: {  	s4 =	sand.u32 @p1 $0x7, s4;
	s5 =	simm.s32 @p1 $0xF188;
	s0 =	sadd.s32 @p1 s1, s0  }
0x237: {  	[tilespmem:s5], [sflag:$0x8] =	stream.linear.gather @p1 [hbm4b:s0+s4], $0x80, $0x38;
	[tilespmem:$0x1F6F8] =	vst v63  }
0x238: {  	s0 =	simm.s32 @p1 $0x8  }
0x239: {  	_ =	swait.ge @p1 [sflag:s0], $0x80  }
0x23a: {  	[sflag:s0] =	ssyncset.done @p1 $0x0  }
0x23b: {  	[sflag:s0] =	ssyncadd.s32 @p1 $0xFFFFFF80;
	s0 =	sshll.u32 @p1 s3, $0x9  }
0x23c: {  	s4 =	sshrl.u32 @p1 s0, $0x2;
	v1 =	vld @p1 [tilespmem:$0xF188]  }
0x23d: {  	v2 =	vld @p1 [tilespmem:s4+$0xF238];
	_ =	sdelay $0x4  }
0x23e: {  	v1 =	vmax.f32 @p1 v1, v2  }
0x23f: {  	v2 =	vld @p1 [tilespmem:s4+$0xF248];
	[tilespmem:s4+$0xF238] =	vst @p1 v1  }
0x240: {  	v1 =	vld @p1 [tilespmem:$0xF198];
	_ =	sdelay $0x4  }
0x241: {  	v1 =	vmax.f32 @p1 v1, v2  }
0x242: {  	v2 =	vld @p1 [tilespmem:s4+$0xF258];
	[tilespmem:s4+$0xF248] =	vst @p1 v1  }
0x243: {  	v1 =	vld @p1 [tilespmem:$0xF1A8];
	_ =	sdelay $0x4  }
0x244: {  	v1 =	vmax.f32 @p1 v1, v2  }
0x245: {  	v2 =	vld @p1 [tilespmem:s4+$0xF268];
	[tilespmem:s4+$0xF258] =	vst @p1 v1  }
0x246: {  	v1 =	vld @p1 [tilespmem:$0xF1B8];
	_ =	sdelay $0x4  }
0x247: {  	v1 =	vmax.f32 @p1 v1, v2  }
0x248: {  	v2 =	vld @p1 [tilespmem:s4+$0xF278];
	[tilespmem:s4+$0xF268] =	vst @p1 v1  }
0x249: {  	v1 =	vld @p1 [tilespmem:$0xF1C8];
	_ =	sdelay $0x4  }
0x24a: {  	v1 =	vmax.f32 @p1 v1, v2  }
0x24b: {  	v2 =	vld @p1 [tilespmem:s4+$0xF288];
	[tilespmem:s4+$0xF278] =	vst @p1 v1  }
0x24c: {  	v1 =	vld @p1 [tilespmem:$0xF1D8];
	_ =	sdelay $0x4  }
0x24d: {  	v1 =	vmax.f32 @p1 v1, v2  }
0x24e: {  	v2 =	vld @p1 [tilespmem:s4+$0xF298];
	[tilespmem:s4+$0xF288] =	vst @p1 v1  }
0x24f: {  	v1 =	vld @p1 [tilespmem:$0xF1E8];
	_ =	sdelay $0x4  }
0x250: {  	v1 =	vmax.f32 @p1 v1, v2  }
0x251: {  	v2 =	vld @p1 [tilespmem:s4+$0xF2A8];
	[tilespmem:s4+$0xF298] =	vst @p1 v1  }
0x252: {  	v1 =	vld @p1 [tilespmem:$0xF1F8];
	_ =	sdelay $0x4  }
0x253: {  	s5 =	sshll.u32 @!p1 s3, $0x9;
	v1 =	vmax.f32 @p1 v1, v2  }
0x254: {  	s5 =	smov.u32 @p1 s0;
	[tilespmem:s4+$0xF2A8] =	vst @p1 v1  }
0x255: {  	s0 =	sshrl.u32 s5, $0x2;
	[tilespmem:s2+$0xF218] =	vst.msk $0x1, v0  }
0x256: {  	v0 =	vld [tilespmem:s0+$0xF238];
	_ =	sdelay $0x2  }
0x257: {  	s31 =	sshll.u32 s2, $0x9  }
0x258: {  	s4 =	sshra.s32 s31, $0x2  }
0x259: {  	[tilespmem:s4+$0xF238] =	vst v0  }
0x25a: {  	v0 =	vld [tilespmem:s0+$0xF248];
	_ =	sdelay $0x4  }
0x25b: {  	[tilespmem:s4+$0xF248] =	vst v0  }
0x25c: {  	v0 =	vld [tilespmem:s0+$0xF258];
	_ =	sdelay $0x4  }
0x25d: {  	[tilespmem:s4+$0xF258] =	vst v0  }
0x25e: {  	v0 =	vld [tilespmem:s0+$0xF268];
	_ =	sdelay $0x4  }
0x25f: {  	[tilespmem:s4+$0xF268] =	vst v0  }
0x260: {  	v0 =	vld [tilespmem:s0+$0xF278];
	_ =	sdelay $0x4  }
0x261: {  	[tilespmem:s4+$0xF278] =	vst v0  }
0x262: {  	v0 =	vld [tilespmem:s0+$0xF288];
	_ =	sdelay $0x4  }
0x263: {  	[tilespmem:s4+$0xF288] =	vst v0  }
0x264: {  	v0 =	vld [tilespmem:s0+$0xF298];
	_ =	sdelay $0x4  }
0x265: {  	[tilespmem:s4+$0xF298] =	vst v0  }
0x266: {  	v0 =	vld [tilespmem:s0+$0xF2A8];
	_ =	sdelay $0x4  }
0x267: {  	s2 =	sadd.s32 $0x1, s2;
	[tilespmem:s4+$0xF2A8] =	vst v0  }
.LBB2_48:
0x268: {  	s3 =	sadd.s32 $0x1, s3  }
0x269: {  	p1 =	sne.s32 s3, $0x20  }
.Ltmp32:
0x26a: {  	_ = 	snop;
	(pc) =	sbr.rel @!p1 .LBB2_49-.Ltmp32, $1  }
0x26b: {  	_ =	sdelay $0x3  }
.LBB2_41:
0x26c: {  	v0 =	vld.msk [tilespmem:s3+$0xF218], $0x1;
	_ =	sdelay $0x4  }
0x26d: {  	(v2sf) =	vpush v0, $0x0;
	_ =	sdelay $0xe  }
0x26e: {  	s4 =	spop (v2sf)  }
0x26f: {  	p1 =	seq.s32 s4, $0xFFFFFFFF  }
.Ltmp33:
0x270: {  	_ = 	snop;
	(pc) =	sbr.rel @p1 .LBB2_48-.Ltmp33, $1  }
0x271: {  	_ =	sdelay $0x3  }
0x272: {  	p1 =	slt.s32 s2, $0x1  }
.Ltmp34:
0x273: {  	_ = 	snop;
	(pc) =	sbr.rel @p1 .LBB2_47-.Ltmp34, $1  }
0x274: {  	_ =	sdelay $0x3  }
0x275: {  	s5 =	simm.s32 $0xF218;
	p1 =	por $0x0, $0x0  }
0x276: {  	v1 =	vld.msk @!p1 [tilespmem:s5+$0x0], $0x1;
	_ =	sdelay $0x4  }
0x277: {  	(v2sf) =	vpush @!p1 v1, $0x0;
	_ =	sdelay $0xd  }
0x278: {  	p3 =	sne.s32 s2, $0x1  }
.Ltmp35:
0x279: {  	s0 =	spop @!p1 (v2sf);
	(pc) =	sbr.rel @!p3 .LBB2_45-.Ltmp35, $4  }
0x27a: {  	p2 =	seq.s32 @!p1 s4, s0  }
0x27b: {  	s6 =	simm.s32 $0x0;
	p2 =	por !p2, p1  }
0x27c: {  	s7 =	simm.s32 $0xFFFFFFFF;
	s6 =	simm.s32 @p2 $0xFFFFFFFF  }
0x27d: {  	s0 =	simm.s32 $0x1;
	s6 =	smov.u32 @p1 s7  }
.LBB2_44:
0x27e: {  	s7 =	smov.u32 s6;
	p1 =	sne.s32 s6, $0xFFFFFFFF  }
0x27f: {  	s5 =	sadd.s32 $0x1, s5;
	s6 =	smov.u32 s0;
	s0 =	sadd.s32 $0x1, s0  }
0x280: {  	p2 =	sne.s32 s2, s0;
	v1 =	vld.msk @!p1 [tilespmem:s5+$0x0], $0x1;
	_ =	sdelay $0x4  }
0x281: {  	(v2sf) =	vpush @!p1 v1, $0x0;
	_ =	sdelay $0xe  }
.Ltmp36:
0x282: {  	s8 =	spop @!p1 (v2sf);
	(pc) =	sbr.rel @p2 .LBB2_44-.Ltmp36, $4  }
0x283: {  	p3 =	seq.s32 @!p1 s4, s8  }
0x284: {  	p3 =	por !p3, p1  }
0x285: {  	s6 =	simm.s32 @p3 $0xFFFFFFFF  }
0x286: {  	s6 =	smov.u32 @p1 s7  }
.LBB2_45:
0x287: {  	p1 =	seq.s32 s6, $0xFFFFFFFF  }
.Ltmp37:
0x288: {  	_ = 	snop;
	(pc) =	sbr.rel @p1 .LBB2_47-.Ltmp37, $1  }
0x289: {  	_ =	sdelay $0x3  }
0x28a: {  	s0 =	sshll.u32 s3, $0x7  }
0x28b: {  	s4 =	sshll.u32 s6, $0x9;
	s0 =	sand.u32 $0x3FFFFF80, s0  }
0x28c: {  	s4 =	sshra.s32 s4, $0x2;
	v0 =	vld [tilespmem:s0+$0xF238]  }
0x28d: {  	v1 =	vld [tilespmem:s4+$0xF238];
	_ =	sdelay $0x4  }
0x28e: {  	v0 =	vmax.f32 v0, v1  }
0x28f: {  	v57 =	vld [tilespmem:s4+$0xF248];
	[tilespmem:s4+$0xF238] =	vst v0  }
0x290: {  	v0 =	vld [tilespmem:s0+$0xF248];
	_ =	sdelay $0x4  }
0x291: {  	v0 =	vmax.f32 v0, v57  }
0x292: {  	v58 =	vld [tilespmem:s4+$0xF258];
	[tilespmem:s4+$0xF248] =	vst v0  }
0x293: {  	v0 =	vld [tilespmem:s0+$0xF258];
	_ =	sdelay $0x4  }
0x294: {  	v0 =	vmax.f32 v0, v58  }
0x295: {  	v59 =	vld [tilespmem:s4+$0xF268];
	[tilespmem:s4+$0xF258] =	vst v0  }
0x296: {  	v0 =	vld [tilespmem:s0+$0xF268];
	_ =	sdelay $0x4  }
0x297: {  	v0 =	vmax.f32 v0, v59  }
0x298: {  	v60 =	vld [tilespmem:s4+$0xF278];
	[tilespmem:s4+$0xF268] =	vst v0  }
0x299: {  	v0 =	vld [tilespmem:s0+$0xF278];
	_ =	sdelay $0x4  }
0x29a: {  	v0 =	vmax.f32 v0, v60  }
0x29b: {  	v61 =	vld [tilespmem:s4+$0xF288];
	[tilespmem:s4+$0xF278] =	vst v0  }
0x29c: {  	v0 =	vld [tilespmem:s0+$0xF288];
	_ =	sdelay $0x4  }
0x29d: {  	v0 =	vmax.f32 v0, v61  }
0x29e: {  	v62 =	vld [tilespmem:s4+$0xF298];
	[tilespmem:s4+$0xF288] =	vst v0  }
0x29f: {  	v0 =	vld [tilespmem:s0+$0xF298];
	_ =	sdelay $0x4  }
0x2a0: {  	v0 =	vmax.f32 v0, v62  }
0x2a1: {  	v63 =	vld [tilespmem:s4+$0xF2A8];
	[tilespmem:s4+$0xF298] =	vst v0  }
0x2a2: {  	v0 =	vld [tilespmem:s0+$0xF2A8];
	_ =	sdelay $0x1  }
.Ltmp38:
0x2a3: {  	_ = 	snop;
	(pc) =	sbr.rel .LBB2_48-.Ltmp38, $3  }
0x2a4: {  	_ =	sdelay $0x1  }
0x2a5: {  	v0 =	vmax.f32 v0, v63  }
0x2a6: {  	[tilespmem:s4+$0xF2A8] =	vst v0  }
.LBB2_49:
0x2a7: {  	p1 =	slt.s32 s2, $0x1  }
.Ltmp39:
0x2a8: {  	_ = 	snop;
	(pc) =	sbr.rel @p1 .LBB2_53-.Ltmp39, $3  }
0x2a9: {  	_ =	sdelay $0x1  }
0x2aa: {  	s0 =	simm.s32 $0x8  }
0x2ab: {  	s3 =	simm.s32 $0x0;
	[sflag:s0] =	ssyncpa.u1 $0x1  }
0x2ac: {  	s0 =	simm.s32 $0xF218  }
0x2ad: {  	v0 =	vld.msk [tilespmem:s0+$0x0], $0x1;
	_ =	sdelay $0x4  }
0x2ae: {  	(v2sf) =	vpush v0, $0x0;
	_ =	sdelay $0xe  }
0x2af: {  	s0 =	sadd.s32 $0xFFFFFFFF, s2;
	s5 =	spop (v2sf)  }
0x2b0: {  	p2 =	sne.s32 s0, $0x0;
	p1 =	sgt.u32 s5, $0x270F0  }
.Ltmp40:
0x2b1: {  	s6 =	sand.u32 @!p1 $0x3FFF8, s5;
	(pc) =	sbr.rel @!p2 .LBB2_52-.Ltmp40, $4  }
0x2b2: {  	s4 =	simm.s32 $0xF238;
	s5 =	sand.u32 @!p1 $0x7, s5;
	s2 =	sadd.s32 @!p1 s1, s6  }
0x2b3: {  	[hbm4b:s2+s5] =	stream.linear.scatter @!p1 [tilespmem:s4], [sflag:$0x7], $0x80, $0x38;
	[tilespmem:$0x1F6F8] =	vst v63  }
0x2b4: {  	s5 =	simm.s32 $0x0  }
0x2b5: {  	s2 =	simm.s32 $0xF219;
	s5 =	simm.s32 @!p1 $0x200  }
.LBB2_51:
0x2b6: {  	v0 =	vld.msk [tilespmem:s2+$0x0], $0x1;
	s0 =	sadd.s32 $0xFFFFFFFF, s0;
	s3 =	sadd.s32 s3, s5  }
0x2b7: {  	p1 =	sne.s32 s0, $0x0;
	_ =	sdelay $0x3  }
0x2b8: {  	(v2sf) =	vpush v0, $0x0;
	_ =	sdelay $0xe  }
.Ltmp41:
0x2b9: {  	s6 =	spop (v2sf);
	(pc) =	sbr.rel @p1 .LBB2_51-.Ltmp41, $4  }
0x2ba: {  	s5 =	simm.s32 $0x0;
	p2 =	sgt.u32 s6, $0x270F0  }
0x2bb: {  	s4 =	sadd.s32 $0x80, s4;
	s5 =	simm.s32 @!p2 $0x200;
	s7 =	sand.u32 @!p2 $0x3FFF8, s6  }
0x2bc: {  	s2 =	sadd.s32 $0x1, s2;
	s6 =	sand.u32 @!p2 $0x7, s6;
	s7 =	sadd.s32 @!p2 s1, s7  }
0x2bd: {  	[hbm4b:s7+s6] =	stream.linear.scatter @!p2 [tilespmem:s4], [sflag:$0x7], $0x80, $0x38;
	[tilespmem:$0x1F6F8] =	vst v63  }
.LBB2_52:
0x2be: {  	s0 =	sadd.s32 s3, s5  }
0x2bf: {  	s3 =	sshrl.u32 s0, $0x2  }
.LBB2_53:
0x2c0: {  	s0 =	simm.s32 $0x7  }
0x2c1: {  	_ =	swait.ge [sflag:s0], s3  }
0x2c2: {  	s1 =	ssub.s32 $0x0, s3;
	[sflag:s0] =	ssyncset.done $0x0  }
0x2c3: {  	[sflag:s0] =	ssyncadd.s32 s1  }
0x2c4: {  	[sflag:s0] =	ssyncpa.u1 $0x1  }
.LBB2_54:
0x2c5: {  	_ =	sfence;
	s0 =	simm.s32 $0x1  }
0x2c6: {  	[sflag:s0] =	ssyncpa.u1 $0x1  }
0x2c7: {  	_ =	strace $0x90000056  }
0x2c8: {  	[bflag:$0x2] =	sbarrier.arrive $0xFFFF  }
0x2c9: {  	s0 =	rddreg [dreg:$0x3]  }
0x2ca: {  	s0 =	sadd.s32 @!p0 $0x100000, s0  }
0x2cb: {  	[sflag:s0] =	ssyncadd.tile.s32 @!p0 $0x1;
	_ =	shalt  }
.Lfunc_end2:
_tile_overlayer_lowered:
.L_overlay_start_2:
0x2cc: {  	(tag) =	ssettag $0x2  }
0x2cd: {  	s0 =	rddreg [dreg:$0x0];
	s2 =	stileid.u32  }
0x2ce: {  	s1 =	rddreg [dreg:$0x1];
	p0 =	sne.s32 s2, $0x0  }
0x2cf: {  	s3 =	rddreg [dreg:$0x2];
	[bflag:$0x3] =	sbarrier.arrive $0xFFFF;
	s2 =	simm.s32 @!p0 $0x1C01  }
0x2d0: {  	[timem:s3], [sflag:s2] =	dma.local @!p0 [hbm:s0], s1  }
0x2d1: {  	s0 =	simm.s32 @!p0 $0x1  }
0x2d2: {  	_ =	swait.ge @!p0 [sflag:s0], s1  }
0x2d3: {  	s1 =	ssub.s32 @!p0 $0x0, s1;
	[sflag:s0] =	ssyncset.done @!p0 $0x0  }
0x2d4: {  	[sflag:s0] =	ssyncadd.s32 @!p0 s1  }
0x2d5: {  	[bflag:$0x3] =	sbarrier.arrive $0xFFFF  }
0x2d6: {  	_ =	shalt  }

// kernel: scatter_offload_async_start
scs
__scs_entry_jumppad:
0x0: {  	(pc) =	sbr.rel $0x88, $3  }
0x1: {  	(tag) =	ssettag $0x0;
	lr =	simm.s32 $0x1  }
0x2: {  	[smem:$0x3F8F] =	sst lr;
	_ =	strace $0xD0000000  }
0x3: {  	_ = 	snop  }
0x4: {  	_ = 	snop  }
0x5: {  	_ = 	snop  }
0x6: {  	_ = 	snop  }
0x7: {  	_ = 	snop  }
__scs_overlays_trampoline_lowered:
0x8: {  	[smem:$0x3F9E] =	sst s0  }
0x9: {  	[smem:$0x3F9F] =	sst s1  }
0xa: {  	[smem:$0x3FA0] =	sst s2  }
0xb: {  	[smem:$0x3FA1] =	sst s3  }
0xc: {  	[smem:$0x3FA2] =	sst s4  }
0xd: {  	[smem:$0x3FA3] =	sst s5  }
0xe: {  	[smem:$0x3FA4] =	sst s6  }
0xf: {  	[smem:$0x3FA5] =	sst s7  }
0x10: {  	[smem:$0x3FA6] =	sst s8  }
0x11: {  	[smem:$0x3FA7] =	sst s9;
	s0 =	simm.s32 @!p0 $0x0  }
0x12: {  	s1 =	sld [smem:$0x3F8D];
	s0 =	simm.s32 @p0 $0x1  }
0x13: {  	[smem:$0x3FA8] =	sst s0;
	s0 =	simm.s32 @!p1 $0x0  }
0x14: {  	s2 =	sld [smem:$0x3F8C];
	s0 =	simm.s32 @p1 $0x1  }
0x15: {  	[smem:$0x3FA9] =	sst s0;
	s0 =	simm.s32 @!p2 $0x0  }
0x16: {  	s3 =	sld [smem:$0x3FDB];
	s0 =	simm.s32 @p2 $0x1  }
0x17: {  	s4 =	simm.s32 $0x1BF5;
	[smem:$0x3FAB] =	sst s0  }
0x18: {  	s0 =	sld [smem:$0x3F8E];
	_ =	swait.ge [sflag:s4], $0x0  }
0x19: {  	s7 =	sld [smem:$0x3F8F]  }
0x1a: {  	s8 =	sadd.s32 $0xFFFFE003, lr  }
0x1b: {  	s9 =	sadd.s32 $0xFFFFFEF7, lr;
	s5 =	simm.s32 $0xFFFFFFFF;
	p2 =	slt.u32 s8, $0xFFFFF086  }
0x1c: {  	p1 =	slt.u32 s9, $0xF7A;
	s5 =	simm.s32 @!p2 $0x0  }
0x1d: {  	s5 =	simm.s32 @p1 $0x1;
	p0 =	seq.s32 s7, s2  }
0x1e: {  	s7 =	smul.u32 @!p0 $0xF7A, s2;
	p2 =	seq.s32 @!p0 s5, $0x0  }
0x1f: {  	s9 =	smul.u32 $0xF7A, s1;
	s8 =	simm.s32 @!p0 $0x1BF5;
	p2 =	por !p2, p0  }
0x20: {  	[sflag:s8] =	ssyncset.s32 @!p0 $0xFFFFF086;
	s6 =	sadd.s32 @!p0 s3, s7;
	s7 =	simm.s32 @!p0 $0x108  }
0x21: {  	s3 =	sadd.s32 s3, s9;
	s6 =	sadd.s32 @!p0 $0x88, s6;
	s7 =	simm.s32 @p2 $0x1082  }
0x22: {  	[simem:s7], [sflag:s8] =	dma.local @!p0 [hbm:s6], $0xF7A  }
0x23: {  	s9 =	sor.u32 $0xD0000000, s2;
	s6 =	simm.s32 $0x108;
	_ =	swait.ge @!p0 [sflag:s8], $0x0  }
0x24: {  	s3 =	sadd.s32 $0x88, s3;
	s6 =	simm.s32 @!p1 $0x1082;
	[sflag:s4] =	ssyncset.s32 $0xFFFFF086  }
0x25: {  	[simem:s6], [sflag:s4] =	dma.local [hbm:s3], $0xF7A  }
0x26: {  	[smem:$0x3F8F] =	sst s1;
	(tag) =	ssettag s2;
	_ =	strace s9  }
0x27: {  	s1 =	sld [smem:$0x3F9F]  }
0x28: {  	s2 =	sld [smem:$0x3FA0]  }
0x29: {  	s4 =	sld [smem:$0x3FA2]  }
0x2a: {  	p0 =	seq.s32 s5, $0x0;
	s5 =	sld [smem:$0x3FA3]  }
0x2b: {  	s6 =	sld [smem:$0x3FA4]  }
0x2c: {  	s7 =	sld [smem:$0x3FA5]  }
0x2d: {  	s3 =	simm.s32 $0x108;
	s8 =	sld [smem:$0x3FA6]  }
0x2e: {  	s3 =	simm.s32 @!p0 $0x1082;
	s9 =	sld [smem:$0x3FA7]  }
0x2f: {  	lr =	sadd.s32 s0, s3;
	s0 =	sld [smem:$0x3F9E]  }
0x30: {  	s3 =	sld [smem:$0x3FA1]  }
0x31: {  	[smem:$0x3FAA] =	sst s10  }
0x32: {  	s10 =	sld [smem:$0x3FA8];
	_ =	sdelay $0x3  }
0x33: {  	p0 =	seq.s32 s10, $0x1;
	s10 =	sld [smem:$0x3FAA];
	_ =	sdelay $0x3  }
0x34: {  	[smem:$0x3FAA] =	sst s10  }
0x35: {  	s10 =	sld [smem:$0x3FA9];
	_ =	sdelay $0x3  }
0x36: {  	p1 =	seq.s32 s10, $0x1;
	s10 =	sld [smem:$0x3FAA];
	_ =	sdelay $0x3  }
0x37: {  	[smem:$0x3FAA] =	sst s10  }
0x38: {  	s10 =	sld [smem:$0x3FAB]  }
0x39: {  	_ = 	snop;
	(pc) =	sbr.ind lr, $3  }
0x3a: {  	_ = 	snop  }
0x3b: {  	_ = 	snop  }
0x3c: {  	p2 =	seq.s32 s10, $0x1;
	s10 =	sld [smem:$0x3FAA]  }
0x3d: {  	_ =	shalt  }
0x3e: {  	_ =	shalt  }
0x3f: {  	_ =	shalt  }
0x40: {  	_ =	shalt  }
0x41: {  	_ =	shalt  }
0x42: {  	_ =	shalt  }
0x43: {  	_ =	shalt  }
0x44: {  	_ =	shalt  }
0x45: {  	_ =	shalt  }
0x46: {  	_ =	shalt  }
0x47: {  	_ =	shalt  }
0x48: {  	_ =	shalt  }
0x49: {  	_ =	shalt  }
0x4a: {  	_ =	shalt  }
0x4b: {  	_ =	shalt  }
0x4c: {  	_ =	shalt  }
0x4d: {  	_ =	shalt  }
0x4e: {  	_ =	shalt  }
0x4f: {  	_ =	shalt  }
0x50: {  	_ =	shalt  }
0x51: {  	_ =	shalt  }
0x52: {  	_ =	shalt  }
0x53: {  	_ =	shalt  }
0x54: {  	_ =	shalt  }
0x55: {  	_ =	shalt  }
0x56: {  	_ =	shalt  }
0x57: {  	_ =	shalt  }
0x58: {  	_ =	shalt  }
0x59: {  	_ =	shalt  }
0x5a: {  	_ =	shalt  }
0x5b: {  	_ =	shalt  }
0x5c: {  	_ =	shalt  }
0x5d: {  	_ =	shalt  }
0x5e: {  	_ =	shalt  }
0x5f: {  	_ =	shalt  }
0x60: {  	_ =	shalt  }
0x61: {  	_ =	shalt  }
0x62: {  	_ =	shalt  }
0x63: {  	_ =	shalt  }
0x64: {  	_ =	shalt  }
0x65: {  	_ =	shalt  }
0x66: {  	_ =	shalt  }
0x67: {  	_ =	shalt  }
0x68: {  	_ =	shalt  }
0x69: {  	_ =	shalt  }
0x6a: {  	_ =	shalt  }
0x6b: {  	_ =	shalt  }
0x6c: {  	_ =	shalt  }
0x6d: {  	_ =	shalt  }
0x6e: {  	_ =	shalt  }
0x6f: {  	_ =	shalt  }
0x70: {  	_ =	shalt  }
0x71: {  	_ =	shalt  }
0x72: {  	_ =	shalt  }
0x73: {  	_ =	shalt  }
0x74: {  	_ =	shalt  }
0x75: {  	_ =	shalt  }
0x76: {  	_ =	shalt  }
0x77: {  	_ =	shalt  }
0x78: {  	_ =	shalt  }
0x79: {  	_ =	shalt  }
0x7a: {  	_ =	shalt  }
0x7b: {  	_ =	shalt  }
0x7c: {  	_ =	shalt  }
0x7d: {  	_ =	shalt  }
0x7e: {  	_ =	shalt  }
0x7f: {  	_ =	shalt  }
0x80: {  	_ =	shalt  }
0x81: {  	_ =	shalt  }
0x82: {  	_ =	shalt  }
0x83: {  	_ =	shalt  }
0x84: {  	_ =	shalt  }
0x85: {  	_ =	shalt  }
0x86: {  	_ =	shalt  }
0x87: {  	_ =	shalt  }
.Lfunc_end0:
.L_simem_size_0:
called_computation_lowered:
.L_overlay_start_0:
0x88: {  	s2 =	sld [smem:$0x3FD9]  }
0x89: {  	s3 =	sld [smem:$0x3FFE];
	_ =	sdelay $0x1  }
0x8a: {  	s1 =	srdreg.scid  }
0x8b: {  	s0 =	sand.u32 $0x1, s1  }
0x8c: {  	s12 =	sshll.u32 s0, $0xA;
	s2 =	sadd.s32 s3, s2  }
0x8d: {  	s2 =	sadd.s32 s2, s12  }
0x8e: {  	[smem:$0x3FB6] =	sst s2  }
0x8f: {  	_ = 	snop  }
0x90: {  	(tm) =	ssettm $0x1  }
0x91: {  	s13 =	sld [smem:$0x3FFB];
	_ =	sdelay $0x3  }
0x92: {  	_ =	strace s13  }
0x93: {  	s2 =	sld [smem:$0x3FFC];
	_ =	sdelay $0x3  }
0x94: {  	_ =	strace s2  }
0x95: {  	s2 =	sld [smem:$0x3FFD];
	_ =	sdelay $0x3  }
0x96: {  	_ =	strace s2  }
0x97: {  	_ =	strace $0x8FFFFFFF  }
0x98: {  	s14 =	sld [smem:$0x3FDB];
	_ =	sdelay $0x1  }
0x99: {  	s15 =	simm.s32 $_scs_section_size  }
0x9a: {  	s4 =	simm.s32 $_size__tile_overlayer_lowered;
	s5 =	simm.s32 $_tile_overlayer_lowered  }
0x9b: {  	s19 =	simm.s32 $0x1BFF;
	s17 =	sshll.u32 s5, $0x1;
	s6 =	sadd.s32 s15, s14  }
0x9c: {  	s20 =	simm.s32 $0x0;
	s16 =	sshll.u32 s4, $0x1;
	s18 =	sadd.s32 s17, s6  }
0x9d: {  	[timem:s20], [sflag:s19] =	dma.local [hbm:s18], s16  }
0x9e: {  	_ =	swait.ge [sflag:s19], s16  }
0x9f: {  	s3 =	ssub.s32 $0x0, s16;
	[sflag:s19] =	ssyncset.done $0x0  }
0xa0: {  	[sflag:s19] =	ssyncadd.s32 s3;
	_ =	sdelay $0x1  }
0xa1: {  	s21 =	simm.s32 $0x1B8B  }
0xa2: {  	_ =	swait.ge [sflag:s21], $0x1  }
0xa3: {  	[sflag:s21] =	ssyncset.done $0x0  }
0xa4: {  	[sflag:s21] =	ssyncadd.s32 $0xFFFFFFFF  }
0xa5: {  	s3 =	sld [smem:$0x0]  }
0xa6: {  	s4 =	sand.u32 $0xFFFFFFFE, s1  }
0xa7: {  	p0 =	sne.s32 s1, s4  }
0xa8: {  	s4 =	sshll.u32 @p0 s4, $0xE  }
0xa9: {  	s5 =	sadd.s32 @p0 $0x11B8D, s4;
	s7 =	sshll.u32 @p0 s3, $0x11  }
0xaa: {  	s5 =	sor.u32 @p0 s7, s5  }
0xab: {  	[sflag:s5] =	ssyncadd.remote.s32 @p0 $0x1;
	_ =	sdelay $0x1  }
0xac: {  	s5 =	simm.s32 @p0 $0x1B8D  }
0xad: {  	_ =	swait.eq @p0 [sflag:s5], $0x1  }
0xae: {  	[sflag:s5] =	ssyncadd.s32 @p0 $0xFFFFFFFF  }
0xaf: {  	s7 =	sshll.u32 @!p0 s1, $0xE  }
0xb0: {  	s7 =	sor.u32 @!p0 $0x4000, s7;
	s5 =	simm.s32 @!p0 $0x1B8D  }
0xb1: {  	s9 =	sshll.u32 @!p0 s3, $0x11;
	s8 =	sadd.s32 @!p0 $0x11B8D, s7;
	_ =	swait.eq @!p0 [sflag:s5], $0x1  }
0xb2: {  	[sflag:s5] =	ssyncadd.s32 @!p0 $0xFFFFFFFF;
	s5 =	sor.u32 @!p0 s9, s8  }
0xb3: {  	s23 =	simm.s32 $0x1B8E;
	s22 =	sld [smem:$0x3FFE];
	[sflag:s5] =	ssyncadd.remote.s32 @!p0 $0x1  }
0xb4: {  	s24 =	simm.s32 $execute0_lowered;
	[smem:$0x3FD2] =	sst s23  }
0xb5: {  	s8 =	sshll.u32 s24, $0x1;
	_ =	strace $0x8000004C;
	[dreg:$0x1] =	wrdreg $0xFFFFFFFF  }
0xb6: {  	s25 =	simm.s32 $_size_execute0_lowered;
	s8 =	sadd.s32 s6, s8;
	[dreg:$0x0] =	wrdreg $0x0  }
0xb7: {  	s9 =	sshll.u32 s25, $0x1;
	[dreg:$0x2] =	wrdreg s8  }
0xb8: {  	[dreg:$0x3] =	wrdreg s9  }
0xb9: {  	[dreg:$0x4] =	wrdreg $0xC0  }
0xba: {  	s26 =	simm.s32 $execute1_lowered;
	_ =	task [dreg:s20], $0x5FFFF  }
0xbb: {  	s8 =	sshll.u32 s26, $0x1;
	[dreg:$0x1] =	wrdreg $0xFFFFFFFF  }
0xbc: {  	s6 =	sadd.s32 s6, s8;
	[dreg:$0x0] =	wrdreg $0x60  }
0xbd: {  	[dreg:$0x2] =	wrdreg s6  }
0xbe: {  	[dreg:$0x3] =	wrdreg s22  }
0xbf: {  	[dreg:$0x4] =	wrdreg $0xA  }
0xc0: {  	_ =	task.clear_ibuf [dreg:s20], $0x5FFFF;
	_ =	strace $0x9000004C  }
0xc1: {  	s28 =	simm.s32 $0xA;
	_ =	strace $0x8000004E  }
0xc2: {  	_ =	swait.ge [sflag:s28], $0x1  }
0xc3: {  	[sflag:s28] =	ssyncadd.s32 $0xFFFFFFFF  }
0xc4: {  	_ =	strace $0x9000004E  }
0xc5: {  	s6 =	sld [smem:$0x0];
	_ =	sdelay $0x3  }
0xc6: {  	s4 =	sadd.s32 @p0 $0x11BF3, s4;
	s8 =	sshll.u32 @p0 s6, $0x11  }
0xc7: {  	s4 =	sor.u32 @p0 s8, s4  }
0xc8: {  	[sflag:s4] =	ssyncadd.remote.s32 @p0 $0x1;
	_ =	sdelay $0x1  }
0xc9: {  	s4 =	simm.s32 @p0 $0x1BF3  }
0xca: {  	_ =	swait.eq @p0 [sflag:s4], $0x1  }
0xcb: {  	[sflag:s4] =	ssyncadd.s32 @p0 $0xFFFFFFFF;
	_ =	sdelay $0x1  }
0xcc: {  	s4 =	simm.s32 @!p0 $0x1BF3  }
0xcd: {  	s7 =	sadd.s32 @!p0 $0x11BF3, s7;
	s6 =	sshll.u32 @!p0 s6, $0x11;
	_ =	swait.eq @!p0 [sflag:s4], $0x1  }
0xce: {  	[sflag:s4] =	ssyncadd.s32 @!p0 $0xFFFFFFFF;
	s4 =	sor.u32 @!p0 s6, s7  }
0xcf: {  	[sflag:s4] =	ssyncadd.remote.s32 @!p0 $0x1  }
0xd0: {  	_ =	strace $0x8000004F;
	[dreg:$0x1] =	wrdreg $0xFFFFFFFF  }
0xd1: {  	[dreg:$0x0] =	wrdreg $0x2030  }
0xd2: {  	[dreg:$0x2] =	wrdreg s22  }
0xd3: {  	[dreg:$0x3] =	wrdreg s1  }
0xd4: {  	[dreg:$0x4] =	wrdreg s3  }
0xd5: {  	[dreg:$0x5] =	wrdreg $0xB  }
0xd6: {  	_ =	task.clear_ibuf [dreg:s20], $0x6FFFF;
	_ =	strace $0x9000004F  }
0xd7: {  	s29 =	simm.s32 $0xB;
	_ =	strace $0x80000051  }
0xd8: {  	_ =	swait.ge [sflag:s29], $0x1  }
0xd9: {  	[sflag:s29] =	ssyncadd.s32 $0xFFFFFFFF  }
0xda: {  	_ =	strace $0x90000051  }
0xdb: {  	_ =	sfence  }
0xdc: {  	s30 =	sld [smem:$0x0];
	_ =	sdelay $0x2  }
0xdd: {  	s31 =	sshll.u32 s1, $0xD;
	s1 =	sshrl.u32 s1, $0x2  }
0xde: {  	s4 =	sand.u32 $0x4000, s31;
	s1 =	sadd.s32 s1, s30  }
0xdf: {  	s0 =	sor.u32 s4, s0;
	s1 =	sshll.u32 s1, $0x11  }
0xe0: {  	s0 =	sor.u32 s1, s0  }
0xe1: {  	s0 =	sadd.s32 $0x8F2B, s0  }
0xe2: {  	[sflag:s0] =	ssyncadd.remote.s32 $0x1  }
0xe3: {  	_ =	sfence.sel $0xFFFF  }
0xe4: {  	[dreg:$0x0] =	wrdreg $0xFFFFFFFF;
	(pc) =	sbr.abs _section_cstart, $3  }
0xe5: {  	[dreg:$0x1] =	wrdreg $0xFFFFFFFF  }
0xe6: {  	_ =	task.clear_ibuf [dreg:s20], $0x2FFFF;
	_ =	strace $0x9FFFFFFF  }
0xe7: {  	(tm) =	ssettm $0x7FFFFFFF  }
tec
execute0_lowered:
.L_overlay_start_1:
0x0: {  	(tag) =	ssettag $0x1  }
0x1: {  	s2 =	rddreg [dreg:$0x0]  }
0x2: {  	s4 =	rddreg [dreg:$0x1]  }
0x3: {  	s0 =	rddreg [dreg:$0x2];
	s3 =	stileid.u32  }
0x4: {  	[bflag:$0x3] =	sbarrier.arrive $0xFFFF;
	s1 =	simm.s32 $_size_execute1_lowered;
	s29 =	srdreg.scid  }
0x5: {  	s7 =	simm.s32 $0x2;
	s8 =	simm.s32 $0x0;
	p0 =	sne.s32 s3, $0x0  }
0x6: {  	s1 =	sshll.u32 s1, $0x1;
	s5 =	simm.s32 @!p0 $0x1C3F;
	s6 =	simm.s32 @!p0 $0x4060  }
0x7: {  	[timem:s6], [sflag:s5] =	dma.local @!p0 [hbm:s2], s1  }
0x8: {  	s12 =	simm.s32 $0x0;
	s10 =	simm.s32 $0x0;
	s2 =	sshll.u32 s29, $0x7  }
.Ltmp0:
0x9: {  	s3 =	sshll.u32 s3, $0x8;
	s30 =	sand.u32 $0x80, s2;
	(pc) =	sbr.rel .LBB2_1-.Ltmp0, $4  }
0xa: {  	s11 =	simm.s32 $0x0;
	s5 =	simm.s32 $0x1;
	s3 =	sor.u32 s3, s30  }
0xb: {  	_ =	strace $0x8000004D;
	s2 =	sadd.s32 $0xCE00, s4;
	s31 =	ssub.s32 $0x2700, s3  }
0xc: {  	s4 =	sadd.s32 $0x34000, s4;
	[sflag:s5] =	ssyncpa.u1 $0x0;
	s6 =	sshrl.u32 s31, $0xC  }
0xd: {  	[sflag:s7] =	ssyncpa.u1 $0x0;
	s9 =	smov.u32 s3;
	s7 =	sadd.s32 $0x2, s6  }
.LBB2_4:
0xe: {  	_ = 	snop  }
.LBB2_7:
0xf: {  	_ =	sdelay $0x3  }
0x10: {  	[tilespmem:v0+s16+$0x0 ss:$0x1] =	vst.idx.msk @p1 $0xffff, v2  }
0x11: {  	v56 =	vld.idx.msk [tilespmem:v1+s15+$0x0 ss:$0x1], $0xffff;
	s24 =	sor.u32 $0x70, s15;
	[tilespmem:v0+s17+$0x0 ss:$0x1] =	vst.idx.msk @p1 $0xffff, v4  }
0x12: {  	s25 =	sor.u32 $0x10, s15;
	[tilespmem:v0+s18+$0x0 ss:$0x1] =	vst.idx.msk @p1 $0xffff, v3;
	v57 =	vld.idx.msk [tilespmem:v1+s24+$0x0 ss:$0x1], $0xffff  }
0x13: {  	s26 =	sor.u32 $0x20, s15;
	[tilespmem:v0+s19+$0x0 ss:$0x1] =	vst.idx.msk @p1 $0xffff, v5;
	v58 =	vld.idx.msk [tilespmem:v1+s25+$0x0 ss:$0x1], $0xffff  }
0x14: {  	s28 =	sor.u32 $0x30, s15;
	[tilespmem:v0+s20+$0x0 ss:$0x1] =	vst.idx.msk @p1 $0xffff, v6;
	v59 =	vld.idx.msk [tilespmem:v1+s26+$0x0 ss:$0x1], $0xffff  }
0x15: {  	s29 =	sor.u32 $0x40, s15;
	[tilespmem:v0+s21+$0x0 ss:$0x1] =	vst.idx.msk @p1 $0xffff, v7;
	v60 =	vld.idx.msk [tilespmem:v1+s28+$0x0 ss:$0x1], $0xffff  }
0x16: {  	s30 =	sor.u32 $0x50, s15;
	v61 =	vld.idx.msk [tilespmem:v1+s29+$0x0 ss:$0x1], $0xffff;
	[tilespmem:v0+s15+$0x0 ss:$0x1] =	vst.idx.msk $0xffff, v56  }
0x17: {  	s31 =	sor.u32 $0x60, s15;
	v62 =	vld.idx.msk [tilespmem:v1+s30+$0x0 ss:$0x1], $0xffff;
	[tilespmem:v0+s24+$0x0 ss:$0x1] =	vst.idx.msk $0xffff, v57  }
0x18: {  	v63 =	vld.idx.msk [tilespmem:v1+s31+$0x0 ss:$0x1], $0xffff;
	[tilespmem:v0+s25+$0x0 ss:$0x1] =	vst.idx.msk $0xffff, v58  }
0x19: {  	[tilespmem:v0+s26+$0x0 ss:$0x1] =	vst.idx.msk $0xffff, v59  }
0x1a: {  	[tilespmem:v0+s28+$0x0 ss:$0x1] =	vst.idx.msk $0xffff, v60  }
0x1b: {  	[tilespmem:v0+s29+$0x0 ss:$0x1] =	vst.idx.msk $0xffff, v61  }
0x1c: {  	[tilespmem:v0+s30+$0x0 ss:$0x1] =	vst.idx.msk $0xffff, v62  }
0x1d: {  	[tilespmem:v0+s31+$0x0 ss:$0x1] =	vst.idx.msk $0xffff, v63  }
.LBB2_8:
0x1e: {  	s15 =	sand.u32 $0x1FFFFFF, s10  }
0x1f: {  	s16 =	smulhi.u32 $0x1A36E2F, s15;
	_ =	sdelay $0x1  }
0x20: {  	s16 =	sshrl.u32 s16, $0x6  }
0x21: {  	s16 =	smul.u32 $0x2710, s16;
	_ =	sdelay $0x1  }
0x22: {  	s15 =	ssub.s32 s15, s16  }
0x23: {  	s15 =	sshll.u32 s15, $0x4  }
0x24: {  	s15 =	sadd.s32 s4, s15  }
0x25: {  	[hbm4b:s15+s8] =	stream.linear.scatter [tilespmem:s14], [sflag:$0x2], s13, $0x38;
	[tilespmem:$0x10000] =	vst v63  }
.LBB2_9:
0x26: {  	p1 =	slt.u32 s11, $0x2  }
0x27: {  	p2 =	sgt.s32 @!p1 s12, $0x2690  }
0x28: {  	s13 =	smov.u32 s12;
	s14 =	sshra.s32 @!p1 s12, $0x1F;
	p2 =	por !p2, p1  }
0x29: {  	s12 =	sand.u32 @!p1 s14, s12;
	s13 =	simm.s32 @p2 $0x2690  }
0x2a: {  	s12 =	ssub.s32 @!p1 s13, s12  }
0x2b: {  	s12 =	sadd.s32 @!p1 $0xFFFFD970, s12  }
0x2c: {  	s13 =	sshll.u32 @!p1 s12, $0x9  }
0x2d: {  	p2 =	sgt.s32 @!p1 s12, $0x7F;
	s12 =	ssub.s32 @!p1 $0x10000, s13  }
0x2e: {  	s14 =	sadd.s32 $0x1000, s9;
	p2 =	por !p2, p1;
	s12 =	sshrl.u32 @!p1 s12, $0x2  }
0x2f: {  	s12 =	simm.s32 @!p2 $0x0;
	p2 =	sgt.s32 s14, $0x270F  }
0x30: {  	s14 =	smov.u32 @p2 s3;
	p2 =	sne.s32 s11, s7  }
.Ltmp1:
0x31: {  	_ = 	snop;
	(pc) =	sbr.rel @!p2 .LBB2_10-.Ltmp1, $4  }
0x32: {  	s13 =	simm.s32 @!p1 $0x2  }
0x33: {  	_ =	swait.ge @!p1 [sflag:s13], s12;
	s15 =	ssub.s32 @!p1 $0x0, s12  }
0x34: {  	s12 =	smov.u32 s10;
	s11 =	sadd.s32 $0x1, s11;
	[sflag:s13] =	ssyncset.done @!p1 $0x0  }
0x35: {  	s10 =	smov.u32 s9;
	s9 =	smov.u32 s14;
	[sflag:s13] =	ssyncadd.s32 @!p1 s15  }
.LBB2_1:
0x36: {  	p1 =	sgt.u32 s11, s6  }
0x37: {  	s13 =	sand.u32 @!p1 $0x1FFFFFF, s9  }
0x38: {  	p2 =	sgt.s32 @!p1 s9, $0x2690;
	s14 =	smulhi.u32 @!p1 $0x1A36E2F, s13  }
0x39: {  	s15 =	smov.u32 s9;
	s16 =	sshra.s32 @!p1 s9, $0x1F;
	p2 =	por !p2, p1  }
0x3a: {  	s16 =	sand.u32 @!p1 s16, s9;
	s15 =	simm.s32 @p2 $0x2690;
	s14 =	sshrl.u32 @!p1 s14, $0x6  }
0x3b: {  	s15 =	ssub.s32 @!p1 s15, s16;
	s14 =	smul.u32 @!p1 $0x2710, s14  }
0x3c: {  	s16 =	sxor.u32 @!p1 $0xFFFFFFFF, s11;
	s15 =	sadd.s32 @!p1 $0xFFFFD970, s15  }
0x3d: {  	s16 =	sshll.u32 @!p1 s16, $0xE;
	s13 =	ssub.s32 @!p1 s13, s14;
	s14 =	sshll.u32 @!p1 s15, $0x9  }
0x3e: {  	s16 =	sand.u32 @!p1 $0x4000, s16;
	p2 =	sgt.s32 @!p1 s15, $0x7F;
	s14 =	ssub.s32 @!p1 $0x10000, s14  }
0x3f: {  	p2 =	por !p2, p1;
	s13 =	sshll.u32 @!p1 s13, $0x4;
	s14 =	sshrl.u32 @!p1 s14, $0x2  }
0x40: {  	s15 =	simm.s32 @!p1 $0x0;
	s13 =	sadd.s32 @!p1 s2, s13;
	s14 =	simm.s32 @!p2 $0x0  }
0x41: {  	[tilespmem:s16], [sflag:$0x1] =	stream.linear.gather @!p1 [hbm4b:s13+s15], s14, $0x38;
	[tilespmem:$0x10000] =	vst v63  }
0x42: {  	p1 =	seq.s32 s11, $0x0  }
0x43: {  	p2 =	sge.u32 @!p1 s11, s7  }
0x44: {  	p1 =	por p1, p2  }
.Ltmp2:
0x45: {  	_ = 	snop;
	(pc) =	sbr.rel @p1 .LBB2_9-.Ltmp2, $1  }
0x46: {  	_ =	sdelay $0x3  }
0x47: {  	p1 =	sgt.s32 s10, $0x2690;
	s13 =	smov.u32 s10;
	s14 =	sshra.s32 s10, $0x1F  }
0x48: {  	s13 =	simm.s32 @!p1 $0x2690;
	s14 =	sand.u32 s14, s10  }
0x49: {  	s13 =	ssub.s32 s13, s14  }
0x4a: {  	s13 =	sadd.s32 $0xFFFFD970, s13  }
0x4b: {  	s31 =	sshll.u32 s13, $0x9  }
0x4c: {  	s14 =	ssub.s32 $0x10000, s31  }
0x4d: {  	p1 =	sgt.s32 s13, $0x7F;
	s13 =	sshrl.u32 s14, $0x2;
	s14 =	sadd.s32 $0x80, s10  }
0x4e: {  	s13 =	simm.s32 @p1 $0x0;
	p1 =	slt.s32 s14, $0x2710  }
0x4f: {  	s14 =	simm.s32 @!p1 $0x2710  }
0x50: {  	s16 =	ssub.s32 s14, s10  }
0x51: {  	p1 =	slt.s32 s16, $0x1  }
.Ltmp3:
0x52: {  	_ = 	snop;
	(pc) =	sbr.rel @p1 .LBB2_8-.Ltmp3, $4  }
0x53: {  	_ = 	snop  }
0x54: {  	s15 =	sshll.u32 s11, $0xE;
	_ =	swait.ge [sflag:s5], s13  }
0x55: {  	s15 =	sand.u32 $0x4000, s15;
	s17 =	ssub.s32 $0x0, s13;
	[sflag:s5] =	ssyncset.done $0x0  }
0x56: {  	s14 =	sor.u32 $0x8000, s15;
	[sflag:s5] =	ssyncadd.s32 s17  }
0x57: {  	p2 =	sne.s32 s16, $0x1  }
.Ltmp4:
0x58: {  	v1 =	vmov s15;
	v0 =	vmov s14;
	(pc) =	sbr.rel @!p2 .LBB2_4-.Ltmp4, $3  }
0x59: {  	_ =	sdelay $0x1  }
0x5a: {  	s17 =	simm.s32 $0x0  }
0x5b: {  	s23 =	sadd.s32 $0xFFFFFFFF, s16;
	p1 =	por $0x0, $0x0;
	s15 =	sand.u32 $0x3F80, s17  }
0x5c: {  	_ =	sdelay $0x3  }
0x5d: {  	v6 =	vld.idx.msk [tilespmem:v1+s15+$0x0 ss:$0x1], $0xffff;
	s24 =	sor.u32 $0x70, s15  }
0x5e: {  	s16 =	sor.u32 $0x10, s15;
	v8 =	vld.idx.msk [tilespmem:v1+s24+$0x0 ss:$0x1], $0xffff  }
0x5f: {  	s17 =	sor.u32 $0x20, s15;
	p2 =	sne.s32 s23, $0x1;
	v2 =	vld.idx.msk [tilespmem:v1+s16+$0x0 ss:$0x1], $0xffff  }
.Ltmp5:
0x60: {  	s18 =	sor.u32 $0x30, s15;
	v4 =	vld.idx.msk [tilespmem:v1+s17+$0x0 ss:$0x1], $0xffff;
	(pc) =	sbr.rel @!p2 .LBB2_7-.Ltmp5, $4  }
0x61: {  	s19 =	sor.u32 $0x40, s15;
	v3 =	vld.idx.msk [tilespmem:v1+s18+$0x0 ss:$0x1], $0xffff  }
0x62: {  	s21 =	sor.u32 $0x60, s15;
	v5 =	vld.idx.msk [tilespmem:v1+s19+$0x0 ss:$0x1], $0xffff  }
0x63: {  	s20 =	sor.u32 $0x50, s15;
	s22 =	simm.s32 $0x80;
	v7 =	vld.idx.msk [tilespmem:v1+s21+$0x0 ss:$0x1], $0xffff;
	[tilespmem:v0+s15+$0x0 ss:$0x1] =	vst.idx.msk $0xffff, v6  }
0x64: {  	s23 =	sadd.s32 $0xFFFFFFFF, s23;
	p1 =	por $0x1, $0x1;
	v6 =	vld.idx.msk [tilespmem:v1+s20+$0x0 ss:$0x1], $0xffff;
	s15 =	sand.u32 $0x3F80, s22;
	[tilespmem:v0+s24+$0x0 ss:$0x1] =	vst.idx.msk $0xffff, v8  }
.LBB2_6:
0x65: {  	p2 =	sne.s32 s23, $0x1;
	v8 =	vld.idx.msk [tilespmem:v1+s15+$0x0 ss:$0x1], $0xffff;
	s24 =	sor.u32 $0x70, s15;
	[tilespmem:v0+s16+$0x0 ss:$0x1] =	vst.idx.msk $0xffff, v2;
	s16 =	sor.u32 $0x10, s15  }
0x66: {  	s25 =	sor.u32 $0x30, s15;
	s26 =	sor.u32 $0x40, s15;
	v9 =	vld.idx.msk [tilespmem:v1+s24+$0x0 ss:$0x1], $0xffff;
	[tilespmem:v0+s17+$0x0 ss:$0x1] =	vst.idx.msk $0xffff, v4;
	s17 =	sor.u32 $0x20, s15  }
0x67: {  	s28 =	sor.u32 $0x50, s15;
	s29 =	sor.u32 $0x60, s15;
	v2 =	vld.idx.msk [tilespmem:v1+s16+$0x0 ss:$0x1], $0xffff;
	[tilespmem:v0+s18+$0x0 ss:$0x1] =	vst.idx.msk $0xffff, v3;
	s18 =	smov.u32 s25  }
.Ltmp6:
0x68: {  	v4 =	vld.idx.msk [tilespmem:v1+s17+$0x0 ss:$0x1], $0xffff;
	[tilespmem:v0+s19+$0x0 ss:$0x1] =	vst.idx.msk $0xffff, v5;
	s19 =	smov.u32 s26;
	(pc) =	sbr.rel @p2 .LBB2_6-.Ltmp6, $4  }
0x69: {  	v3 =	vld.idx.msk [tilespmem:v1+s18+$0x0 ss:$0x1], $0xffff;
	[tilespmem:v0+s20+$0x0 ss:$0x1] =	vst.idx.msk $0xffff, v6;
	s20 =	smov.u32 s28  }
0x6a: {  	v5 =	vld.idx.msk [tilespmem:v1+s19+$0x0 ss:$0x1], $0xffff;
	[tilespmem:v0+s21+$0x0 ss:$0x1] =	vst.idx.msk $0xffff, v7;
	s21 =	smov.u32 s29  }
0x6b: {  	s22 =	sadd.s32 $0x80, s22;
	[tilespmem:v0+s15+$0x0 ss:$0x1] =	vst.idx.msk $0xffff, v8;
	v6 =	vld.idx.msk [tilespmem:v1+s20+$0x0 ss:$0x1], $0xffff  }
0x6c: {  	s23 =	sadd.s32 $0xFFFFFFFF, s23;
	s15 =	sand.u32 $0x3F80, s22;
	v7 =	vld.idx.msk [tilespmem:v1+s21+$0x0 ss:$0x1], $0xffff;
	[tilespmem:v0+s24+$0x0 ss:$0x1] =	vst.idx.msk $0xffff, v9  }
.Ltmp7:
0x6d: {  	_ = 	snop;
	(pc) =	sbr.rel .LBB2_7-.Ltmp7, $1  }
0x6e: {  	_ =	sdelay $0x3  }
.LBB2_10:
0x6f: {  	_ =	sfence.sel $0x180000  }
0x70: {  	s2 =	simm.s32 $0x1;
	[bflag:$0x0] =	sbarrier.arrive $0xFFFF  }
0x71: {  	s31 =	simm.s32 $0x2;
	[sflag:s2] =	ssyncpa.u1 $0x1  }
0x72: {  	[sflag:s31] =	ssyncpa.u1 $0x1  }
0x73: {  	_ =	strace $0x9000004D  }
0x74: {  	s0 =	sadd.s32 @!p0 $0x100000, s0;
	[bflag:$0x2] =	sbarrier.arrive $0xFFFF  }
0x75: {  	[sflag:s0] =	ssyncadd.tile.s32 @!p0 $0x1;
	s0 =	simm.s32 @!p0 $0x3F  }
0x76: {  	_ =	swait.ge @!p0 [sflag:s0], s1  }
0x77: {  	s1 =	ssub.s32 @!p0 $0x0, s1;
	[sflag:s0] =	ssyncset.done @!p0 $0x0  }
0x78: {  	[sflag:s0] =	ssyncadd.s32 @!p0 s1  }
0x79: {  	[bflag:$0x3] =	sbarrier.arrive $0xFFFF  }
0x7a: {  	_ =	shalt  }
.Lfunc_end2:
execute1_lowered:
.L_overlay_start_2:
0x7b: {  	(tag) =	ssettag $0x2  }
0x7c: {  	s2 =	rddreg [dreg:$0x0]  }
0x7d: {  	s3 =	rddreg [dreg:$0x1];
	_ =	strace $0x80000050;
	s0 =	simm.s32 $0x1  }
0x7e: {  	v0 =	vimm.s32 $0x0;
	[sflag:s0] =	ssyncpa.u1 $0x0;
	s0 =	simm.s32 $0x108  }
0x7f: {  	[tilespmem:s0+$0x70] =	vst v0  }
0x80: {  	[tilespmem:s0+$0x60] =	vst v0  }
0x81: {  	[tilespmem:s0+$0x50] =	vst v0  }
0x82: {  	[tilespmem:s0+$0x40] =	vst v0  }
0x83: {  	[tilespmem:s0+$0x30] =	vst v0  }
0x84: {  	s1 =	sadd.s32 $0x34000, s2;
	s15 =	sadd.s32 $0xD0800, s2;
	s6 =	sadd.s32 $0xEB2E00, s2;
	[tilespmem:s0+$0x20] =	vst v0  }
0x85: {  	s14 =	sadd.s32 $0xDA600, s2;
	s5 =	sand.u32 $0x1, s3;
	s3 =	simm.s32 $0x40;
	[tilespmem:s0+$0x10] =	vst v0  }
.LBB3_1:
0x86: {  	s3 =	sadd.s32 $0x40, s3;
	[tilespmem:s0+$0x0] =	vst v0;
	s0 =	sadd.s32 $0x80, s0  }
0x87: {  	p0 =	slt.u32 s3, $0x3C40;
	[tilespmem:s0+$0x70] =	vst v0  }
0x88: {  	[tilespmem:s0+$0x60] =	vst v0  }
.Ltmp8:
0x89: {  	[tilespmem:s0+$0x50] =	vst v0;
	(pc) =	sbr.rel @p0 .LBB3_1-.Ltmp8, $4  }
0x8a: {  	[tilespmem:s0+$0x40] =	vst v0  }
0x8b: {  	[tilespmem:s0+$0x30] =	vst v0  }
0x8c: {  	[tilespmem:s0+$0x20] =	vst v0  }
0x8d: {  	[tilespmem:s0+$0x10] =	vst v0  }
0x8e: {  	s9 =	stileid.u32  }
0x8f: {  	s2 =	smul.u32 $0x29, s9  }
0x90: {  	s3 =	smin.u32 s9, $0xB  }
0x91: {  	s2 =	sadd.s32 s3, s2  }
0x92: {  	p0 =	slt.u32 s9, $0xB;
	s7 =	smul.u32 $0xF0, s2;
	s2 =	simm.s32 $0x2760  }
0x93: {  	s2 =	simm.s32 @!p0 $0x2670  }
0x94: {  	s2 =	sadd.s32 s2, s7  }
0x95: {  	s8 =	smin.u32 s2, $0x27100  }
0x96: {  	s2 =	ssub.s32 s8, s7  }
0x97: {  	p0 =	sgt.s32 s2, $0x0  }
0x98: {  	s29 =	simm.s32 $0x2;
	s10 =	simm.s32 $0x9;
	s2 =	simm.s32 @!p0 $0x0  }
0x99: {  	s4 =	simm.s32 $0xA;
	s11 =	simm.s32 $0xB;
	s28 =	smulhi.u32 $0x88888889, s2  }
0x9a: {  	[dreg:$0x4] =	wrdreg s5;
	s31 =	smul.u32 $0x4E20, s5;
	s12 =	simm.s32 $0x1  }
0x9b: {  	s22 =	simm.s32 $0x0;
	s18 =	simm.s32 $0xC;
	s30 =	sshrl.u32 s28, $0x7  }
0x9c: {  	s20 =	simm.s32 $0x0;
	s21 =	simm.s32 $0x0;
	s3 =	smul.u32 $0xF0, s30  }
.Ltmp9:
0x9d: {  	[tilespmem:s0+$0x0] =	vst v0;
	v0 =	vimm.s32 $0xFFFFFFFF;
	[sflag:s29] =	ssyncpa.u1 $0x0;
	s16 =	sshll.u32 s9, $0x8;
	(pc) =	sbr.rel .LBB3_3-.Ltmp9, $4  }
0x9e: {  	[tilespmem:$0xF208] =	vst v0;
	[sflag:s10] =	ssyncpa.u1 $0x0;
	p0 =	sne.s32 s2, s3;
	s2 =	simm.s32 $0x1  }
0x9f: {  	s14 =	sadd.s32 s31, s14;
	[sflag:s4] =	ssyncpa.u1 $0x0;
	s2 =	simm.s32 @!p0 $0x0  }
0xa0: {  	s15 =	sadd.s32 s31, s15;
	[sflag:s11] =	ssyncpa.u1 $0x0;
	s13 =	sadd.s32 s2, s30  }
0xa1: {  	v0 =	vlaneseq.u32;
	s19 =	smov.u32 s7;
	p0 =	por $0x0, $0x0;
	s17 =	sadd.s32 $0x1, s13  }
.LBB3_18:
0xa2: {  	s0 =	sshrl.u32 s31, $0x2  }
.LBB3_20:
0xa3: {  	_ =	swait.ge [sflag:s18], s0  }
0xa4: {  	s31 =	ssub.s32 $0x0, s0;
	v1 =	vmov s24;
	vm0 =	veq.s32 v0, $0x0;
	[sflag:s18] =	ssyncset.done $0x0  }
0xa5: {  	vm15 =	veq.s32 v0, $0x2;
	v1 =	vsel vm0, s30, v1;
	[sflag:s18] =	ssyncadd.s32 s31  }
0xa6: {  	v1 =	vsel vm15, s22, v1;
	[sflag:s18] =	ssyncpa.u1 $0x1  }
0xa7: {  	[tilespmem:$0xF208] =	vst v1  }
.LBB3_21:
0xa8: {  	s0 =	sadd.s32 $0xF0, s19  }
0xa9: {  	s2 =	smov.u32 s7;
	p1 =	slt.s32 s0, s8  }
0xaa: {  	s2 =	smov.u32 @p1 s0;
	p1 =	sne.s32 s21, s17  }
.Ltmp10:
0xab: {  	_ = 	snop;
	(pc) =	sbr.rel @!p1 .LBB3_22-.Ltmp10, $3  }
0xac: {  	_ =	sdelay $0x1  }
0xad: {  	s22 =	smov.u32 s20;
	s31 =	sadd.s32 $0x1, s21;
	s20 =	smov.u32 s19  }
0xae: {  	p0 =	por !p0, !p0;
	s21 =	smov.u32 s31;
	s19 =	smov.u32 s2  }
.LBB3_3:
0xaf: {  	p1 =	sge.u32 s21, s13  }
0xb0: {  	s0 =	smulhi.u32 @!p1 $0xAAAAAAAB, s21  }
0xb1: {  	s2 =	smov.u32 s19;
	p2 =	sgt.s32 @!p1 s19, $0x27010  }
0xb2: {  	s3 =	sshra.s32 @!p1 s19, $0x1F;
	p2 =	por !p2, p1;
	s0 =	sshrl.u32 @!p1 s0, $0x1  }
0xb3: {  	s3 =	sand.u32 @!p1 s3, s19;
	s2 =	simm.s32 @p2 $0x27010;
	s0 =	smul.u32 @!p1 $0x3, s0  }
0xb4: {  	s2 =	ssub.s32 @!p1 s2, s3  }
0xb5: {  	s2 =	sadd.s32 @!p1 $0xFFFD8FF0, s2;
	s0 =	ssub.s32 @!p1 s21, s0  }
0xb6: {  	s3 =	sshll.u32 @!p1 s2, $0x2;
	p2 =	sgt.s32 @!p1 s2, $0xEF;
	s0 =	smul.u32 @!p1 $0x3C0, s0  }
0xb7: {  	s4 =	sand.u32 @!p1 $0x7, s19;
	s2 =	ssub.s32 @!p1 $0x3C0, s3;
	p2 =	por !p2, p1  }
0xb8: {  	s3 =	sshrl.u32 @!p1 s19, $0x3;
	s2 =	sshrl.u32 @!p1 s2, $0x2;
	s0 =	sshrl.u32 @!p1 s0, $0x2  }
0xb9: {  	s3 =	sadd.s32 @!p1 s3, s14;
	s2 =	simm.s32 @!p2 $0x0;
	s0 =	sadd.s32 @!p1 $0x10248, s0  }
0xba: {  	[tilespmem:s0], [sflag:$0xA] =	stream.linear.gather @!p1 [hbm4b:s3+s4], s2, $0x38;
	[tilespmem:$0x1F6F8] =	vst v63  }
0xbb: {  	s0 =	sadd.s32 $0xFFFFFFFF, s21  }
0xbc: {  	p1 =	sge.u32 s0, s13  }
0xbd: {  	p2 =	sgt.s32 @!p1 s20, $0x27010  }
0xbe: {  	s2 =	smov.u32 s20;
	s3 =	sshra.s32 @!p1 s20, $0x1F;
	p2 =	por !p2, p1  }
0xbf: {  	s3 =	sand.u32 @!p1 s3, s20;
	s2 =	simm.s32 @p2 $0x27010  }
0xc0: {  	s2 =	ssub.s32 @!p1 s2, s3  }
0xc1: {  	s2 =	sadd.s32 @!p1 $0xFFFD8FF0, s2  }
0xc2: {  	s4 =	sand.u32 @!p1 $0x1, s0;
	s3 =	sshll.u32 @!p1 s2, $0x2  }
0xc3: {  	p2 =	sgt.s32 @!p1 s2, $0xEF;
	s2 =	ssub.s32 @!p1 $0x3C0, s3;
	s3 =	smulhi.u32 @!p1 $0xAAAAAAAB, s0  }
0xc4: {  	s23 =	smul.u32 @!p1 $0x3C0, s4;
	p2 =	por !p2, p1;
	s2 =	sshrl.u32 @!p1 s2, $0x2  }
0xc5: {  	s5 =	simm.s32 @!p1 $0xA;
	s2 =	simm.s32 @!p2 $0x0;
	s3 =	sshrl.u32 @!p1 s3, $0x1  }
0xc6: {  	s23 =	sshrl.u32 @!p1 s23, $0x2;
	_ =	swait.ge @!p1 [sflag:s5], s2;
	s3 =	smul.u32 @!p1 $0x3, s3  }
0xc7: {  	s23 =	sadd.s32 @!p1 $0x10518, s23;
	s24 =	ssub.s32 @!p1 $0x0, s2;
	[sflag:s5] =	ssyncset.done @!p1 $0x0  }
0xc8: {  	[sflag:s5] =	ssyncadd.s32 @!p1 s24;
	s5 =	sshrl.u32 @!p1 s20, $0x3;
	s0 =	ssub.s32 @!p1 s0, s3  }
0xc9: {  	s24 =	sand.u32 @!p1 $0x7, s20;
	s5 =	sadd.s32 @!p1 s5, s15;
	s0 =	smul.u32 @!p1 $0x3C0, s0  }
0xca: {  	[tilespmem:s23], [sflag:$0xB] =	stream.linear.gather @!p1 [hbm4b:s5+s24], s2, $0x38;
	[tilespmem:$0x1F6F8] =	vst v63  }
0xcb: {  	s3 =	ssub.s32 @!p1 $0x27100, s20;
	s2 =	smul.u32 @!p1 $0x1E000, s4  }
0xcc: {  	p2 =	slt.s32 @!p1 s3, $0xF0  }
0xcd: {  	p2 =	por !p2, p1;
	s0 =	sshrl.u32 @!p1 s0, $0x2;
	s2 =	sshrl.u32 @!p1 s2, $0x2  }
0xce: {  	s3 =	simm.s32 @p2 $0xF0;
	s0 =	sadd.s32 @!p1 $0x10248, s0;
	s2 =	sor.u32 @!p1 $0x106F8, s2  }
0xcf: {  	[tilespmem:s2], [sflag:$0x9] =	stream.indirect.gather @!p1 [hbm4b:s6+s3], $0x80, s0, s3, $0xb8;
	[tilespmem:$0x1F6F8] =	vst v63  }
0xd0: {  	p1 =	slt.u32 s21, $0x2  }
.Ltmp11:
0xd1: {  	_ = 	snop;
	(pc) =	sbr.rel @p1 .LBB3_21-.Ltmp11, $1  }
0xd2: {  	_ =	sdelay $0x3  }
0xd3: {  	p1 =	sgt.s32 s22, $0x27010  }
0xd4: {  	s0 =	smov.u32 s22;
	s2 =	sshra.s32 s22, $0x1F;
	s3 =	ssub.s32 $0x27100, s22  }
0xd5: {  	s0 =	simm.s32 @!p1 $0x27010;
	s2 =	sand.u32 s2, s22;
	p1 =	slt.s32 s3, $0xF0  }
0xd6: {  	s0 =	ssub.s32 s0, s2;
	s3 =	simm.s32 @!p1 $0xF0  }
0xd7: {  	s0 =	sadd.s32 $0xFFFD8FF0, s0;
	s25 =	sshll.u32 s3, $0x7  }
0xd8: {  	s26 =	sshll.u32 s0, $0x2;
	s2 =	sand.u32 $0x3FFFFF80, s25  }
0xd9: {  	p1 =	sgt.s32 s0, $0xEF;
	s29 =	ssub.s32 $0x3C0, s26;
	_ =	swait.ge [sflag:s10], s2  }
0xda: {  	s2 =	ssub.s32 $0x0, s2;
	[sflag:s10] =	ssyncset.done $0x0;
	s0 =	sshrl.u32 s29, $0x2  }
0xdb: {  	[sflag:s10] =	ssyncadd.s32 s2;
	s0 =	simm.s32 @p1 $0x0  }
0xdc: {  	_ =	swait.ge [sflag:s11], s0  }
0xdd: {  	s0 =	ssub.s32 $0x0, s0;
	[sflag:s11] =	ssyncset.done $0x0  }
0xde: {  	[sflag:s11] =	ssyncadd.s32 s0  }
0xdf: {  	v1 =	vld [tilespmem:$0xF208];
	_ =	sdelay $0x4  }
0xe0: {  	(v2sf) =	vpush v1, $0x0  }
0xe1: {  	(v2sf) =	vpush v1, $0x1  }
0xe2: {  	(v2sf) =	vpush v1, $0x2;
	_ =	sdelay $0x3  }
0xe3: {  	s0 =	sadd.s32 $0xF0, s22  }
0xe4: {  	s2 =	ssub.s32 $0x4E200, s22;
	p1 =	slt.s32 s8, s0  }
0xe5: {  	s0 =	smov.u32 @p1 s8;
	p1 =	sgt.s32 s2, $0x0  }
0xe6: {  	s26 =	ssub.s32 s0, s22;
	s2 =	simm.s32 @!p1 $0x0  }
0xe7: {  	p1 =	slt.s32 s2, s26  }
0xe8: {  	s26 =	smov.u32 @p1 s2  }
0xe9: {  	s25 =	simm.s32 $0x1;
	p1 =	slt.s32 s26, $0x1  }
.Ltmp12:
0xea: {  	s25 =	simm.s32 @!p0 $0x0;
	(pc) =	sbr.rel @p1 .LBB3_8-.Ltmp12, $4  }
0xeb: {  	s31 =	smul.u32 $0x3C0, s25  }
0xec: {  	s28 =	spop (v2sf)  }
0xed: {  	s0 =	sshrl.u32 s31, $0x2;
	s30 =	spop (v2sf)  }
0xee: {  	s23 =	sadd.s32 $0x10518, s0;
	s22 =	spop (v2sf)  }
0xef: {  	s0 =	smin.u32 s26, $0x10  }
0xf0: {  	v1 =	vmov s0  }
0xf1: {  	p2 =	sgt.s32 s26, $0x10;
	vm1 =	vgt.u32 v1, v0  }
.Ltmp13:
0xf2: {  	_ = 	snop;
	(pc) =	sbr.rel @!p2 .LBB3_7-.Ltmp13, $2  }
0xf3: {  	_ =	sdelay $0x2  }
0xf4: {  	s4 =	simm.s32 $0x10;
	s24 =	sadd.s32 $0xFFFFFFF0, s26;
	s0 =	smov.u32 s23;
	vm0 =	vmmov vm1  }
.LBB3_6:
0xf5: {  	s2 =	smin.u32 s24, $0x10;
	s4 =	sadd.s32 $0x10, s4;
	v1 =	vld.msk [tilespmem:s0+$0x0 ss:$0x1], vm1  }
0xf6: {  	v2 =	vmov s2;
	p2 =	slt.s32 s4, s26  }
0xf7: {  	vm1 =	vgt.u32 v2, v0  }
.Ltmp14:
0xf8: {  	(pc) =	sbr.rel @p2 .LBB3_6-.Ltmp14, $3  }
0xf9: {  	_ =	sdelay $0x1  }
0xfa: {  	v1 =	vshll.u32 v1, $0x4  }
0xfb: {  	s24 =	sadd.s32 $0xFFFFFFF0, s24;
	[tilespmem:s0+$0x0] =	vst.msk vm0, v1;
	s0 =	sadd.s32 $0x10, s0;
	vm0 =	vmmov vm1  }
.LBB3_7:
0xfc: {  	_ =	sdelay $0x4  }
0xfd: {  	v1 =	vld.msk [tilespmem:s0+$0x0 ss:$0x1], vm1;
	_ =	sdelay $0x4  }
0xfe: {  	v1 =	vshll.u32 v1, $0x4  }
0xff: {  	[tilespmem:s0+$0x0] =	vst.msk vm0, v1  }
.LBB3_8:
0x100: {  	s0 =	sand.u32 $0x1, s21  }
0x101: {  	s2 =	smul.u32 $0x7800, s0  }
0x102: {  	p2 =	sne.s32 s30, $0xFFFFFFFF  }
0x103: {  	v1 =	vld @!p2 [tilespmem:s2+$0x106F8];
	_ =	sdelay $0x2  }
0x104: {  	s0 =	smul.u32 $0xF0, s0;
	_ =	sdelay $0x1  }
0x105: {  	v2 =	vld.msk @!p2 [tilespmem:s0+$0x10518], $0x1;
	[tilespmem:$0x108] =	vst @!p2 v1  }
0x106: {  	v1 =	vld @!p2 [tilespmem:s2+$0x10708];
	_ =	sdelay $0x4  }
0x107: {  	[tilespmem:$0x118] =	vst @!p2 v1  }
0x108: {  	v1 =	vld @!p2 [tilespmem:s2+$0x10718];
	_ =	sdelay $0x4  }
0x109: {  	[tilespmem:$0x128] =	vst @!p2 v1  }
0x10a: {  	v1 =	vld @!p2 [tilespmem:s2+$0x10728];
	_ =	sdelay $0x4  }
0x10b: {  	[tilespmem:$0x138] =	vst @!p2 v1  }
0x10c: {  	v1 =	vld @!p2 [tilespmem:s2+$0x10738];
	_ =	sdelay $0x4  }
0x10d: {  	[tilespmem:$0x148] =	vst @!p2 v1  }
0x10e: {  	(v2sf) =	vpush @!p2 v2, $0x0;
	v1 =	vld @!p2 [tilespmem:s2+$0x10748];
	_ =	sdelay $0x4  }
0x10f: {  	[tilespmem:$0x158] =	vst @!p2 v1  }
0x110: {  	v1 =	vld @!p2 [tilespmem:s2+$0x10758];
	_ =	sdelay $0x4  }
0x111: {  	[tilespmem:$0x168] =	vst @!p2 v1  }
0x112: {  	v1 =	vld @!p2 [tilespmem:s2+$0x10768]  }
.Ltmp15:
0x113: {  	_ = 	snop;
	(pc) =	sbr.rel @p1 .LBB3_19-.Ltmp15, $4  }
0x114: {  	_ = 	snop  }
0x115: {  	s29 =	spop @!p2 (v2sf)  }
0x116: {  	s22 =	simm.s32 @!p2 $0x0;
	s24 =	smov.u32 s29  }
0x117: {  	s29 =	smov.u32 @p2 s28;
	s24 =	smov.u32 @p2 s30;
	[tilespmem:$0x178] =	vst @!p2 v1;
	[sflag:s18] =	ssyncpa.u1 $0x0  }
0x118: {  	v1 =	vld.msk [tilespmem:s23+$0x0], $0x1;
	_ =	sdelay $0x4  }
0x119: {  	(v2sf) =	vpush v1, $0x0;
	_ =	sdelay $0xe  }
0x11a: {  	s2 =	smul.u32 $0x1E000, s25;
	s0 =	spop (v2sf)  }
0x11b: {  	s26 =	ssub.s32 $0x0, s26;
	p1 =	seq.s32 s29, s0  }
0x11c: {  	s30 =	sadd.s32 $0x1, s26;
	s2 =	sshrl.u32 s2, $0x2;
	p2 =	sgt.s32 @!p1 s29, $0x0  }
0x11d: {  	s25 =	sor.u32 $0x10738, s2;
	s2 =	smov.u32 s29;
	p2 =	por !p2, p1  }
0x11e: {  	s2 =	simm.s32 @p2 $0x0;
	p2 =	seq.s32 s30, $0x0  }
.Ltmp16:
0x11f: {  	_ = 	snop;
	(pc) =	sbr.rel @p2 .LBB3_11-.Ltmp16, $4  }
0x120: {  	_ = 	snop  }
0x121: {  	s28 =	simm.s32 $0x0;
	s31 =	sadd.s32 $0x1, s23;
	s2 =	smin.u32 @!p1 s2, $0x270F0  }
0x122: {  	s4 =	simm.s32 @!p1 $0x1;
	s5 =	simm.s32 @!p1 $0x7988;
	s3 =	sand.u32 @!p1 $0x3FFF8, s2  }
0x123: {  	s4 =	smov.u32 @p1 s28;
	s2 =	sand.u32 @!p1 $0x7, s2;
	s3 =	sadd.s32 @!p1 s1, s3  }
.LBB3_10:
0x124: {  	s9 =	smov.u32 s4  }
0x125: {  	[tilespmem:s5], [sflag:$0x2] =	stream.linear.gather @!p1 [hbm4b:s3+s2], $0x80, $0x38;
	[tilespmem:$0x1F6F8] =	vst v63  }
0x126: {  	s30 =	sadd.s32 $0x1, s30;
	s2 =	smov.u32 s0;
	v1 =	vld.msk [tilespmem:s31+$0x0], $0x1  }
0x127: {  	p2 =	seq.s32 s30, $0x0;
	_ =	sdelay $0x3  }
0x128: {  	(v2sf) =	vpush v1, $0x0;
	_ =	sdelay $0xe  }
0x129: {  	s0 =	spop (v2sf)  }
0x12a: {  	p1 =	seq.s32 s2, s0  }
0x12b: {  	p3 =	sgt.s32 @!p1 s2, $0x0;
	s3 =	sshll.u32 @!p1 s4, $0x9;
	s4 =	sadd.s32 @!p1 $0x1, s4  }
.Ltmp17:
0x12c: {  	p3 =	por !p3, p1;
	s3 =	sshra.s32 @!p1 s3, $0x2;
	(pc) =	sbr.rel @!p2 .LBB3_10-.Ltmp17, $4  }
0x12d: {  	s4 =	smov.u32 @p1 s9;
	s2 =	simm.s32 @p3 $0x0;
	s5 =	sadd.s32 @!p1 $0x7988, s3  }
0x12e: {  	s2 =	smin.u32 @!p1 s2, $0x270F0  }
0x12f: {  	s3 =	sand.u32 @!p1 $0x3FFF8, s2;
	s2 =	sand.u32 @!p1 $0x7, s2  }
0x130: {  	s31 =	sadd.s32 $0x1, s31;
	s3 =	sadd.s32 @!p1 s1, s3  }
.LBB3_11:
0x131: {  	[tilespmem:s5], [sflag:$0x2] =	stream.linear.gather @!p1 [hbm4b:s3+s2], $0x80, $0x38;
	[tilespmem:$0x1F6F8] =	vst v63  }
.Ltmp18:
0x132: {  	s0 =	sshll.u32 s4, $0x7;
	(pc) =	sbr.rel .LBB3_12-.Ltmp18, $4  }
0x133: {  	s30 =	simm.s32 $0x2;
	s0 =	sand.u32 $0x3FFFFF80, s0  }
0x134: {  	_ =	swait.ge [sflag:s30], s0  }
0x135: {  	s0 =	ssub.s32 $0x0, s0;
	[sflag:s30] =	ssyncset.done $0x0  }
0x136: {  	s31 =	simm.s32 $0x0;
	[sflag:s30] =	ssyncadd.s32 s0  }
.LBB3_13:
0x137: {  	s0 =	sshra.s32 s0, $0x2;
	v1 =	vld [tilespmem:s25+$0xFFFFFFC0]  }
0x138: {  	v2 =	vld [tilespmem:s0+$0x108];
	_ =	sdelay $0x4  }
0x139: {  	v1 =	vmax.f32 v1, v2  }
0x13a: {  	v2 =	vld [tilespmem:s0+$0x118];
	[tilespmem:s0+$0x108] =	vst v1  }
0x13b: {  	v1 =	vld [tilespmem:s25+$0xFFFFFFD0];
	_ =	sdelay $0x4  }
0x13c: {  	v1 =	vmax.f32 v1, v2  }
0x13d: {  	v2 =	vld [tilespmem:s0+$0x128];
	[tilespmem:s0+$0x118] =	vst v1  }
0x13e: {  	v1 =	vld [tilespmem:s25+$0xFFFFFFE0];
	_ =	sdelay $0x4  }
0x13f: {  	v1 =	vmax.f32 v1, v2  }
0x140: {  	v2 =	vld [tilespmem:s0+$0x138];
	[tilespmem:s0+$0x128] =	vst v1  }
0x141: {  	v1 =	vld [tilespmem:s25+$0xFFFFFFF0];
	_ =	sdelay $0x4  }
0x142: {  	v1 =	vmax.f32 v1, v2  }
0x143: {  	v2 =	vld [tilespmem:s0+$0x148];
	[tilespmem:s0+$0x138] =	vst v1  }
0x144: {  	v1 =	vld [tilespmem:s25+$0x0];
	_ =	sdelay $0x4  }
0x145: {  	v1 =	vmax.f32 v1, v2  }
0x146: {  	v2 =	vld [tilespmem:s0+$0x158];
	[tilespmem:s0+$0x148] =	vst v1  }
0x147: {  	v1 =	vld [tilespmem:s25+$0x10];
	_ =	sdelay $0x4  }
0x148: {  	v1 =	vmax.f32 v1, v2  }
0x149: {  	v2 =	vld [tilespmem:s0+$0x168];
	[tilespmem:s0+$0x158] =	vst v1  }
0x14a: {  	v1 =	vld [tilespmem:s25+$0x20];
	_ =	sdelay $0x4  }
0x14b: {  	v1 =	vmax.f32 v1, v2  }
0x14c: {  	v2 =	vld [tilespmem:s0+$0x178];
	[tilespmem:s0+$0x168] =	vst v1  }
0x14d: {  	v1 =	vld [tilespmem:s25+$0x30];
	_ =	sdelay $0x4  }
0x14e: {  	v1 =	vmax.f32 v1, v2  }
0x14f: {  	[tilespmem:s0+$0x178] =	vst v1  }
.LBB3_17:
0x150: {  	s26 =	sadd.s32 $0x1, s26  }
0x151: {  	p1 =	seq.s32 s26, $0x0  }
.Ltmp19:
0x152: {  	_ = 	snop;
	(pc) =	sbr.rel @p1 .LBB3_18-.Ltmp19, $2  }
0x153: {  	_ =	sdelay $0x2  }
0x154: {  	s23 =	sadd.s32 $0x1, s23;
	s25 =	sadd.s32 $0x80, s25;
	s29 =	smov.u32 s30  }
.LBB3_12:
0x155: {  	v1 =	vld.msk [tilespmem:s23+$0x0], $0x1;
	_ =	sdelay $0x4  }
0x156: {  	(v2sf) =	vpush v1, $0x0;
	_ =	sdelay $0xe  }
0x157: {  	s30 =	spop (v2sf)  }
0x158: {  	p1 =	sne.s32 s29, s30  }
.Ltmp20:
0x159: {  	_ = 	snop;
	(pc) =	sbr.rel @!p1 .LBB3_13-.Ltmp20, $2  }
0x15a: {  	_ =	sdelay $0x2  }
0x15b: {  	s0 =	sshll.u32 s22, $0x9  }
0x15c: {  	p1 =	seq.s32 s29, s24  }
.Ltmp21:
0x15d: {  	_ = 	snop;
	(pc) =	sbr.rel @!p1 .LBB3_15-.Ltmp21, $1  }
0x15e: {  	_ =	sdelay $0x3  }
0x15f: {  	s0 =	sshra.s32 s0, $0x2  }
.Ltmp22:
0x160: {  	s0 =	sadd.s32 $0x108, s0;
	(pc) =	sbr.rel .LBB3_16-.Ltmp22, $4  }
0x161: {  	[spmem:s16] =	stream.linear.scatter [tilespmem:s0], [sflag:$0x1], $0x80, $0x38;
	[tilespmem:$0x1F6F8] =	vst v63  }
0x162: {  	_ =	swait.ge [sflag:s12], $0x80  }
0x163: {  	[sflag:s12] =	ssyncset.done $0x0  }
0x164: {  	[sflag:s12] =	ssyncadd.s32 $0xFFFFFF80  }
.LBB3_15:
0x165: {  	s2 =	sshll.u32 s28, $0x9;
	s0 =	sshra.s32 s0, $0x2  }
0x166: {  	s2 =	sshra.s32 s2, $0x2;
	v2 =	vld [tilespmem:s0+$0x108]  }
0x167: {  	v1 =	vld [tilespmem:s2+$0x7988];
	_ =	sdelay $0x4  }
0x168: {  	v1 =	vmax.f32 v1, v2  }
0x169: {  	v2 =	vld [tilespmem:s0+$0x118];
	[tilespmem:s0+$0x108] =	vst v1  }
0x16a: {  	v1 =	vld [tilespmem:s2+$0x7998];
	_ =	sdelay $0x4  }
0x16b: {  	v1 =	vmax.f32 v1, v2  }
0x16c: {  	v2 =	vld [tilespmem:s0+$0x128];
	[tilespmem:s0+$0x118] =	vst v1  }
0x16d: {  	v1 =	vld [tilespmem:s2+$0x79A8];
	_ =	sdelay $0x4  }
0x16e: {  	v1 =	vmax.f32 v1, v2  }
0x16f: {  	v2 =	vld [tilespmem:s0+$0x138];
	[tilespmem:s0+$0x128] =	vst v1  }
0x170: {  	v1 =	vld [tilespmem:s2+$0x79B8];
	_ =	sdelay $0x4  }
0x171: {  	v1 =	vmax.f32 v1, v2  }
0x172: {  	v2 =	vld [tilespmem:s0+$0x148];
	[tilespmem:s0+$0x138] =	vst v1  }
0x173: {  	v1 =	vld [tilespmem:s2+$0x79C8];
	_ =	sdelay $0x4  }
0x174: {  	v1 =	vmax.f32 v1, v2  }
0x175: {  	v2 =	vld [tilespmem:s0+$0x158];
	[tilespmem:s0+$0x148] =	vst v1  }
0x176: {  	v1 =	vld [tilespmem:s2+$0x79D8];
	_ =	sdelay $0x4  }
0x177: {  	v1 =	vmax.f32 v1, v2  }
0x178: {  	v2 =	vld [tilespmem:s0+$0x168];
	[tilespmem:s0+$0x158] =	vst v1  }
0x179: {  	v1 =	vld [tilespmem:s2+$0x79E8];
	_ =	sdelay $0x4  }
0x17a: {  	v1 =	vmax.f32 v1, v2  }
0x17b: {  	v2 =	vld [tilespmem:s0+$0x178];
	[tilespmem:s0+$0x168] =	vst v1  }
0x17c: {  	v1 =	vld [tilespmem:s2+$0x79F8];
	_ =	sdelay $0x3  }
0x17d: {  	p1 =	sgt.u32 s29, $0x270F0  }
0x17e: {  	s2 =	sand.u32 @!p1 $0x3FFF8, s29;
	v1 =	vmax.f32 v1, v2  }
0x17f: {  	s3 =	sadd.s32 $0x108, s0;
	[tilespmem:s0+$0x178] =	vst v1;
	s0 =	sadd.s32 @!p1 s1, s2;
	s2 =	sand.u32 @!p1 $0x7, s29  }
0x180: {  	[hbm4b:s0+s2] =	stream.linear.scatter @!p1 [tilespmem:s3], [sflag:$0xC], $0x80, $0x38;
	[tilespmem:$0x1F6F8] =	vst v63  }
0x181: {  	s0 =	simm.s32 $0x0  }
0x182: {  	s0 =	simm.s32 @!p1 $0x200  }
0x183: {  	s31 =	sadd.s32 s0, s31  }
.LBB3_16:
0x184: {  	s0 =	sadd.s32 $0x1, s22  }
0x185: {  	s2 =	smulhi.u32 $0x88888889, s0;
	_ =	sdelay $0x1  }
0x186: {  	v1 =	vld [tilespmem:s25+$0xFFFFFFC0];
	s2 =	sshrl.u32 s2, $0x7  }
0x187: {  	s2 =	smul.u32 $0xF0, s2;
	_ =	sdelay $0x1  }
0x188: {  	s22 =	ssub.s32 s0, s2  }
0x189: {  	s0 =	sshll.u32 s22, $0x7  }
0x18a: {  	[tilespmem:s0+$0x108] =	vst v1  }
0x18b: {  	v1 =	vld [tilespmem:s25+$0xFFFFFFD0];
	_ =	sdelay $0x4  }
0x18c: {  	[tilespmem:s0+$0x118] =	vst v1  }
0x18d: {  	v1 =	vld [tilespmem:s25+$0xFFFFFFE0];
	_ =	sdelay $0x4  }
0x18e: {  	[tilespmem:s0+$0x128] =	vst v1  }
0x18f: {  	v1 =	vld [tilespmem:s25+$0xFFFFFFF0];
	_ =	sdelay $0x4  }
0x190: {  	[tilespmem:s0+$0x138] =	vst v1  }
0x191: {  	v1 =	vld [tilespmem:s25+$0x0];
	_ =	sdelay $0x4  }
0x192: {  	[tilespmem:s0+$0x148] =	vst v1  }
0x193: {  	v1 =	vld [tilespmem:s25+$0x10];
	_ =	sdelay $0x4  }
0x194: {  	[tilespmem:s0+$0x158] =	vst v1  }
0x195: {  	v1 =	vld [tilespmem:s25+$0x20];
	_ =	sdelay $0x4  }
0x196: {  	[tilespmem:s0+$0x168] =	vst v1  }
0x197: {  	v1 =	vld [tilespmem:s25+$0x30]  }
.Ltmp23:
0x198: {  	_ = 	snop;
	(pc) =	sbr.rel .LBB3_17-.Ltmp23, $2  }
0x199: {  	_ =	sdelay $0x2  }
0x19a: {  	s28 =	sadd.s32 $0x1, s28;
	[tilespmem:s0+$0x178] =	vst v1  }
.LBB3_19:
.Ltmp24:
0x19b: {  	(pc) =	sbr.rel .LBB3_20-.Ltmp24, $4  }
0x19c: {  	_ = 	snop  }
0x19d: {  	s0 =	simm.s32 $0x2  }
0x19e: {  	_ =	swait.ge [sflag:s0], $0x0  }
0x19f: {  	s30 =	smov.u32 s29;
	[sflag:s0] =	ssyncset.done $0x0;
	s0 =	simm.s32 $0x0  }
.LBB3_22:
0x1a0: {  	_ =	sfence.sel $0x180000  }
0x1a1: {  	s0 =	simm.s32 $0x9;
	[bflag:$0x0] =	sbarrier.arrive $0xFFFF  }
0x1a2: {  	s24 =	simm.s32 $0xA;
	[sflag:s0] =	ssyncpa.u1 $0x1  }
0x1a3: {  	s25 =	simm.s32 $0xB;
	[sflag:s24] =	ssyncpa.u1 $0x1  }
0x1a4: {  	s26 =	simm.s32 $0x2;
	[sflag:s25] =	ssyncpa.u1 $0x1  }
0x1a5: {  	[sflag:s26] =	ssyncpa.u1 $0x1  }
0x1a6: {  	v0 =	vld [tilespmem:$0xF208];
	_ =	sdelay $0x4  }
0x1a7: {  	(v2sf) =	vpush v0, $0x0  }
0x1a8: {  	(v2sf) =	vpush v0, $0x1;
	_ =	sdelay $0x1  }
0x1a9: {  	(v2sf) =	vpush v0, $0x2;
	_ =	sdelay $0xb  }
0x1aa: {  	s0 =	spop (v2sf)  }
0x1ab: {  	s2 =	spop (v2sf)  }
0x1ac: {  	s3 =	smov.u32 s0;
	p0 =	sne.s32 s0, s2  }
0x1ad: {  	s4 =	spop (v2sf);
	s3 =	simm.s32 @!p0 $0xFFFFFFFF  }
0x1ae: {  	v2 =	vimm.s32 $0x1;
	v3 =	vlaneseq.u32;
	p0 =	seq.s32 s4, $0xFFFFFFFF;
	v1 =	vmov s3  }
0x1af: {  	s16 =	stileid.u32;
	v0 =	vperm.xlane v0, v2;
	p1 =	sne.s32 @!p0 s0, s2;
	v1 =	vperm.xlane v1, v3  }
0x1b0: {  	vm0 =	vcmask $0x3F04;
	s6 =	simm.s32 $0xF208;
	s0 =	simm.s32 @!p0 $0x1;
	p1 =	por !p1, p0  }
0x1b1: {  	s3 =	sshll.u32 s16, $0x1;
	s2 =	sshll.u32 @!p0 s4, $0x9;
	s0 =	simm.s32 @p1 $0x0;
	v0 =	vsel vm0, v1, v0  }
0x1b2: {  	s5 =	sor.u32 $0x1000, s3;
	s2 =	sshra.s32 @!p0 s2, $0x2;
	s0 =	sor.u32 @!p0 s0, s3;
	[tilespmem:$0xF208] =	vst v0  }
0x1b3: {  	[spmem:s5] =	stream.linear.scatter [tilespmem:s6], [sflag:$0x1], $0x2, $0x38;
	[tilespmem:$0x1F6F8] =	vst v63  }
0x1b4: {  	s2 =	sadd.s32 @!p0 $0x108, s2;
	s0 =	sshll.u32 @!p0 s0, $0x7  }
0x1b5: {  	[spmem:s0] =	stream.linear.scatter @!p0 [tilespmem:s2], [sflag:$0x1], $0x80, $0x38;
	[tilespmem:$0x1F6F8] =	vst v63  }
0x1b6: {  	s0 =	simm.s32 @!p0 $0x82  }
0x1b7: {  	s28 =	simm.s32 $0x1;
	s0 =	simm.s32 @p0 $0x2  }
0x1b8: {  	_ =	swait.ge [sflag:s28], s0  }
0x1b9: {  	s0 =	ssub.s32 $0x0, s0;
	[sflag:s28] =	ssyncset.done $0x0  }
0x1ba: {  	p0 =	sne.s32 s16, $0x0;
	[sflag:s28] =	ssyncadd.s32 s0  }
.Ltmp25:
0x1bb: {  	_ =	sfence.stream.spmem;
	(pc) =	sbr.rel @p0 .LBB3_39-.Ltmp25, $4  }
0x1bc: {  	s29 =	simm.s32 $0x3;
	[bflag:$0x0] =	sbarrier.arrive $0xFFFF  }
0x1bd: {  	s30 =	simm.s32 $0x4;
	[sflag:s29] =	ssyncpa.u1 $0x1  }
0x1be: {  	s31 =	simm.s32 $0x3C;
	[sflag:s30] =	ssyncpa.u1 $0x1  }
0x1bf: {  	s15 =	rddreg [dreg:$0x4];
	[sflag:s31] =	ssyncpa.u1 $0x1  }
0x1c0: {  	_ =	sfence.stream.spmem;
	s0 =	simm.s32 $0x5  }
0x1c1: {  	s2 =	simm.s32 $0x1000;
	s3 =	simm.s32 $0xF218;
	[sflag:s0] =	ssyncpa.u1 $0x0  }
0x1c2: {  	[tilespmem:s3], [sflag:$0x5] =	stream.linear.gather [spmem:s2], $0x20, $0x38;
	[tilespmem:$0x1F6F8] =	vst v63  }
0x1c3: {  	s26 =	simm.s32 $0x0;
	s28 =	simm.s32 $0xF238  }
0x1c4: {  	[tilespmem:s28], [sflag:$0x5] =	stream.linear.gather [spmem:s26], $0x1000, $0x38;
	[tilespmem:$0x1F6F8] =	vst v63  }
0x1c5: {  	_ =	swait.ge [sflag:s0], $0x1020  }
0x1c6: {  	[sflag:s0] =	ssyncset.done $0x0  }
0x1c7: {  	s29 =	simm.s32 $0x0;
	[sflag:s0] =	ssyncadd.s32 $0xFFFFEFE0  }
0x1c8: {  	v0 =	vld.msk [tilespmem:s29+$0xF218], $0x1;
	_ =	sdelay $0x1  }
0x1c9: {  	s30 =	simm.s32 $0x1  }
0x1ca: {  	v1 =	vld.msk [tilespmem:s30+$0xF218], $0x1;
	_ =	sdelay $0x1  }
0x1cb: {  	(v2sf) =	vpush v0, $0x0;
	_ =	sdelay $0x2  }
0x1cc: {  	(v2sf) =	vpush v1, $0x0;
	_ =	sdelay $0x2  }
0x1cd: {  	s31 =	simm.s32 $0x2  }
0x1ce: {  	v0 =	vld.msk [tilespmem:s31+$0xF218], $0x1;
	_ =	sdelay $0x2  }
0x1cf: {  	s4 =	simm.s32 $0xFFFFFFFF;
	s5 =	simm.s32 $0xFFFFFFFF;
	s0 =	simm.s32 $0xC  }
.LBB3_24:
0x1d0: {  	s2 =	smov.u32 s5;
	s3 =	smov.u32 s4  }
0x1d1: {  	s4 =	sshra.s32 s0, $0x2;
	p1 =	sne.s32 s0, $0x7C;
	s0 =	sadd.s32 $0x4, s0;
	(v2sf) =	vpush v0, $0x0  }
0x1d2: {  	v0 =	vld.msk [tilespmem:s4+$0xF218], $0x1  }
.Ltmp26:
0x1d3: {  	(pc) =	sbr.rel @p1 .LBB3_24-.Ltmp26, $4  }
0x1d4: {  	s5 =	spop (v2sf)  }
0x1d5: {  	p2 =	sne.s32 s3, $0xFFFFFFFF;
	s4 =	smov.u32 s5  }
0x1d6: {  	p3 =	seq.s32 s5, $0xFFFFFFFF;
	s4 =	smov.u32 @p2 s3  }
0x1d7: {  	s5 =	smov.u32 @p3 s2;
	s4 =	smov.u32 @p3 s3  }
0x1d8: {  	(v2sf) =	vpush v0, $0x0;
	_ =	sdelay $0x8  }
0x1d9: {  	s0 =	spop (v2sf)  }
0x1da: {  	p1 =	sne.s32 s4, $0xFFFFFFFF;
	s2 =	smov.u32 s0  }
0x1db: {  	s9 =	simm.s32 $0x6;
	p2 =	seq.s32 s0, $0xFFFFFFFF;
	s2 =	smov.u32 @p1 s4  }
0x1dc: {  	s6 =	simm.s32 $0x0;
	s2 =	smov.u32 @p2 s4;
	s3 =	spop (v2sf)  }
0x1dd: {  	s0 =	smov.u32 @p2 s5;
	p1 =	sne.s32 s2, $0xFFFFFFFF;
	s4 =	smov.u32 s3  }
.Ltmp27:
0x1de: {  	p2 =	seq.s32 s3, $0xFFFFFFFF;
	s4 =	smov.u32 @p1 s2;
	(pc) =	sbr.rel .LBB3_26-.Ltmp27, $4  }
0x1df: {  	s10 =	simm.s32 $0xF188;
	s4 =	smov.u32 @p2 s2;
	s7 =	spop (v2sf)  }
0x1e0: {  	s11 =	simm.s32 $0x0;
	p1 =	sne.s32 s4, $0xFFFFFFFF;
	s8 =	smov.u32 s7  }
0x1e1: {  	s3 =	smov.u32 @p2 s0;
	p2 =	seq.s32 s7, $0xFFFFFFFF;
	s8 =	smov.u32 @p1 s4  }
0x1e2: {  	[sflag:s9] =	ssyncpa.u1 $0x0;
	s7 =	smov.u32 @p2 s3;
	s8 =	smov.u32 @p2 s4  }
.LBB3_32:
0x1e3: {  	p1 =	sgt.u32 s12, $0x270F0  }
0x1e4: {  	p2 =	seq.s32 @!p1 s12, s8  }
0x1e5: {  	p1 =	por p1, p2  }
0x1e6: {  	p2 =	sne.s32 @!p1 s12, s7  }
0x1e7: {  	p1 =	por p1, !p2  }
0x1e8: {  	s0 =	sshll.u32 @p1 s11, $0x9  }
0x1e9: {  	s0 =	sand.u32 @!p1 $0x3FFF8, s12  }
0x1ea: {  	s2 =	sand.u32 @!p1 $0x7, s12;
	s0 =	sadd.s32 @!p1 s1, s0  }
0x1eb: {  	[tilespmem:s10], [sflag:$0x6] =	stream.linear.gather @!p1 [hbm4b:s0+s2], $0x80, $0x38;
	[tilespmem:$0x1F6F8] =	vst v63  }
0x1ec: {  	_ =	swait.ge @!p1 [sflag:s9], $0x80  }
0x1ed: {  	[sflag:s9] =	ssyncset.done @!p1 $0x0  }
0x1ee: {  	s0 =	sshll.u32 @!p1 s11, $0x9;
	[sflag:s9] =	ssyncadd.s32 @!p1 $0xFFFFFF80  }
0x1ef: {  	s2 =	sshrl.u32 @!p1 s0, $0x2;
	v1 =	vld @!p1 [tilespmem:$0xF188]  }
0x1f0: {  	v2 =	vld @!p1 [tilespmem:s2+$0xF238];
	_ =	sdelay $0x4  }
0x1f1: {  	v1 =	vmax.f32 @!p1 v1, v2  }
0x1f2: {  	v2 =	vld @!p1 [tilespmem:s2+$0xF248];
	[tilespmem:s2+$0xF238] =	vst @!p1 v1  }
0x1f3: {  	v1 =	vld @!p1 [tilespmem:$0xF198];
	_ =	sdelay $0x4  }
0x1f4: {  	v1 =	vmax.f32 @!p1 v1, v2  }
0x1f5: {  	v2 =	vld @!p1 [tilespmem:s2+$0xF258];
	[tilespmem:s2+$0xF248] =	vst @!p1 v1  }
0x1f6: {  	v1 =	vld @!p1 [tilespmem:$0xF1A8];
	_ =	sdelay $0x4  }
0x1f7: {  	v1 =	vmax.f32 @!p1 v1, v2  }
0x1f8: {  	v2 =	vld @!p1 [tilespmem:s2+$0xF268];
	[tilespmem:s2+$0xF258] =	vst @!p1 v1  }
0x1f9: {  	v1 =	vld @!p1 [tilespmem:$0xF1B8];
	_ =	sdelay $0x4  }
0x1fa: {  	v1 =	vmax.f32 @!p1 v1, v2  }
0x1fb: {  	v2 =	vld @!p1 [tilespmem:s2+$0xF278];
	[tilespmem:s2+$0xF268] =	vst @!p1 v1  }
0x1fc: {  	v1 =	vld @!p1 [tilespmem:$0xF1C8];
	_ =	sdelay $0x4  }
0x1fd: {  	v1 =	vmax.f32 @!p1 v1, v2  }
0x1fe: {  	v2 =	vld @!p1 [tilespmem:s2+$0xF288];
	[tilespmem:s2+$0xF278] =	vst @!p1 v1  }
0x1ff: {  	v1 =	vld @!p1 [tilespmem:$0xF1D8];
	_ =	sdelay $0x4  }
0x200: {  	v1 =	vmax.f32 @!p1 v1, v2  }
0x201: {  	v2 =	vld @!p1 [tilespmem:s2+$0xF298];
	[tilespmem:s2+$0xF288] =	vst @!p1 v1  }
0x202: {  	v1 =	vld @!p1 [tilespmem:$0xF1E8];
	_ =	sdelay $0x4  }
0x203: {  	v1 =	vmax.f32 @!p1 v1, v2  }
0x204: {  	v2 =	vld @!p1 [tilespmem:s2+$0xF2A8];
	[tilespmem:s2+$0xF298] =	vst @!p1 v1  }
0x205: {  	v1 =	vld @!p1 [tilespmem:$0xF1F8];
	_ =	sdelay $0x4  }
0x206: {  	v1 =	vmax.f32 @!p1 v1, v2  }
0x207: {  	[tilespmem:s2+$0xF2A8] =	vst @!p1 v1  }
0x208: {  	s0 =	sshrl.u32 s0, $0x2;
	[tilespmem:s6+$0xF218] =	vst.msk $0x1, v0  }
0x209: {  	v0 =	vld [tilespmem:s0+$0xF238];
	_ =	sdelay $0x2  }
0x20a: {  	s31 =	sshll.u32 s6, $0x9  }
0x20b: {  	s2 =	sshra.s32 s31, $0x2  }
0x20c: {  	[tilespmem:s2+$0xF238] =	vst v0  }
0x20d: {  	v0 =	vld [tilespmem:s0+$0xF248];
	_ =	sdelay $0x4  }
0x20e: {  	[tilespmem:s2+$0xF248] =	vst v0  }
0x20f: {  	v0 =	vld [tilespmem:s0+$0xF258];
	_ =	sdelay $0x4  }
0x210: {  	[tilespmem:s2+$0xF258] =	vst v0  }
0x211: {  	v0 =	vld [tilespmem:s0+$0xF268];
	_ =	sdelay $0x4  }
0x212: {  	[tilespmem:s2+$0xF268] =	vst v0  }
0x213: {  	v0 =	vld [tilespmem:s0+$0xF278];
	_ =	sdelay $0x4  }
0x214: {  	[tilespmem:s2+$0xF278] =	vst v0  }
0x215: {  	v0 =	vld [tilespmem:s0+$0xF288];
	_ =	sdelay $0x4  }
0x216: {  	[tilespmem:s2+$0xF288] =	vst v0  }
0x217: {  	v0 =	vld [tilespmem:s0+$0xF298];
	_ =	sdelay $0x4  }
0x218: {  	[tilespmem:s2+$0xF298] =	vst v0  }
0x219: {  	v0 =	vld [tilespmem:s0+$0xF2A8];
	_ =	sdelay $0x4  }
0x21a: {  	s6 =	sadd.s32 $0x1, s6;
	[tilespmem:s2+$0xF2A8] =	vst v0  }
.LBB3_33:
0x21b: {  	s11 =	sadd.s32 $0x1, s11  }
0x21c: {  	p1 =	sne.s32 s11, $0x20  }
.Ltmp28:
0x21d: {  	_ = 	snop;
	(pc) =	sbr.rel @!p1 .LBB3_34-.Ltmp28, $1  }
0x21e: {  	_ =	sdelay $0x3  }
.LBB3_26:
0x21f: {  	v0 =	vld.msk [tilespmem:s11+$0xF218], $0x1;
	_ =	sdelay $0x4  }
0x220: {  	(v2sf) =	vpush v0, $0x0;
	_ =	sdelay $0xe  }
0x221: {  	s12 =	spop (v2sf)  }
0x222: {  	p1 =	seq.s32 s12, $0xFFFFFFFF  }
.Ltmp29:
0x223: {  	_ = 	snop;
	(pc) =	sbr.rel @p1 .LBB3_33-.Ltmp29, $1  }
0x224: {  	_ =	sdelay $0x3  }
0x225: {  	p1 =	slt.s32 s6, $0x1  }
.Ltmp30:
0x226: {  	_ = 	snop;
	(pc) =	sbr.rel @p1 .LBB3_32-.Ltmp30, $1  }
0x227: {  	_ =	sdelay $0x3  }
0x228: {  	s13 =	simm.s32 $0xF218;
	p1 =	por $0x0, $0x0  }
0x229: {  	v1 =	vld.msk @!p1 [tilespmem:s13+$0x0], $0x1;
	_ =	sdelay $0x4  }
0x22a: {  	(v2sf) =	vpush @!p1 v1, $0x0;
	_ =	sdelay $0xd  }
0x22b: {  	p3 =	sne.s32 s6, $0x1  }
.Ltmp31:
0x22c: {  	s0 =	spop @!p1 (v2sf);
	(pc) =	sbr.rel @!p3 .LBB3_30-.Ltmp31, $4  }
0x22d: {  	p2 =	seq.s32 @!p1 s12, s0  }
0x22e: {  	s14 =	simm.s32 $0x0;
	p2 =	por !p2, p1  }
0x22f: {  	s2 =	simm.s32 $0xFFFFFFFF;
	s14 =	simm.s32 @p2 $0xFFFFFFFF  }
0x230: {  	s0 =	simm.s32 $0x1;
	s14 =	smov.u32 @p1 s2  }
.LBB3_29:
0x231: {  	s2 =	smov.u32 s14;
	p1 =	sne.s32 s14, $0xFFFFFFFF  }
0x232: {  	s13 =	sadd.s32 $0x1, s13;
	s14 =	smov.u32 s0;
	s0 =	sadd.s32 $0x1, s0  }
0x233: {  	p2 =	sne.s32 s6, s0;
	v1 =	vld.msk @!p1 [tilespmem:s13+$0x0], $0x1;
	_ =	sdelay $0x4  }
0x234: {  	(v2sf) =	vpush @!p1 v1, $0x0;
	_ =	sdelay $0xe  }
.Ltmp32:
0x235: {  	s3 =	spop @!p1 (v2sf);
	(pc) =	sbr.rel @p2 .LBB3_29-.Ltmp32, $4  }
0x236: {  	p3 =	seq.s32 @!p1 s12, s3  }
0x237: {  	p3 =	por !p3, p1  }
0x238: {  	s14 =	simm.s32 @p3 $0xFFFFFFFF  }
0x239: {  	s14 =	smov.u32 @p1 s2  }
.LBB3_30:
0x23a: {  	p1 =	seq.s32 s14, $0xFFFFFFFF  }
.Ltmp33:
0x23b: {  	_ = 	snop;
	(pc) =	sbr.rel @p1 .LBB3_32-.Ltmp33, $1  }
0x23c: {  	_ =	sdelay $0x3  }
0x23d: {  	s0 =	sshll.u32 s11, $0x7  }
0x23e: {  	s2 =	sshll.u32 s14, $0x9;
	s0 =	sand.u32 $0x3FFFFF80, s0  }
0x23f: {  	s2 =	sshra.s32 s2, $0x2;
	v0 =	vld [tilespmem:s0+$0xF238]  }
0x240: {  	v1 =	vld [tilespmem:s2+$0xF238];
	_ =	sdelay $0x4  }
0x241: {  	v0 =	vmax.f32 v0, v1  }
0x242: {  	v57 =	vld [tilespmem:s2+$0xF248];
	[tilespmem:s2+$0xF238] =	vst v0  }
0x243: {  	v0 =	vld [tilespmem:s0+$0xF248];
	_ =	sdelay $0x4  }
0x244: {  	v0 =	vmax.f32 v0, v57  }
0x245: {  	v58 =	vld [tilespmem:s2+$0xF258];
	[tilespmem:s2+$0xF248] =	vst v0  }
0x246: {  	v0 =	vld [tilespmem:s0+$0xF258];
	_ =	sdelay $0x4  }
0x247: {  	v0 =	vmax.f32 v0, v58  }
0x248: {  	v59 =	vld [tilespmem:s2+$0xF268];
	[tilespmem:s2+$0xF258] =	vst v0  }
0x249: {  	v0 =	vld [tilespmem:s0+$0xF268];
	_ =	sdelay $0x4  }
0x24a: {  	v0 =	vmax.f32 v0, v59  }
0x24b: {  	v60 =	vld [tilespmem:s2+$0xF278];
	[tilespmem:s2+$0xF268] =	vst v0  }
0x24c: {  	v0 =	vld [tilespmem:s0+$0xF278];
	_ =	sdelay $0x4  }
0x24d: {  	v0 =	vmax.f32 v0, v60  }
0x24e: {  	v61 =	vld [tilespmem:s2+$0xF288];
	[tilespmem:s2+$0xF278] =	vst v0  }
0x24f: {  	v0 =	vld [tilespmem:s0+$0xF288];
	_ =	sdelay $0x4  }
0x250: {  	v0 =	vmax.f32 v0, v61  }
0x251: {  	v62 =	vld [tilespmem:s2+$0xF298];
	[tilespmem:s2+$0xF288] =	vst v0  }
0x252: {  	v0 =	vld [tilespmem:s0+$0xF298];
	_ =	sdelay $0x4  }
0x253: {  	v0 =	vmax.f32 v0, v62  }
0x254: {  	v63 =	vld [tilespmem:s2+$0xF2A8];
	[tilespmem:s2+$0xF298] =	vst v0  }
0x255: {  	v0 =	vld [tilespmem:s0+$0xF2A8];
	_ =	sdelay $0x1  }
.Ltmp34:
0x256: {  	_ = 	snop;
	(pc) =	sbr.rel .LBB3_33-.Ltmp34, $3  }
0x257: {  	_ =	sdelay $0x1  }
0x258: {  	v0 =	vmax.f32 v0, v63  }
0x259: {  	[tilespmem:s2+$0xF2A8] =	vst v0  }
.LBB3_34:
0x25a: {  	s0 =	simm.s32 $0x6;
	p1 =	seq.s32 s6, $0x0  }
0x25b: {  	[sflag:s0] =	ssyncpa.u1 $0x1;
	v0 =	vimm.s32 @p1 $0xFFFFFFFF  }
0x25c: {  	s9 =	sadd.s32 $0xFFFFFFFF, s6;
	[tilespmem:$0x10238] =	vst @p1 v0  }
0x25d: {  	v0 =	vld.msk @!p1 [tilespmem:s9+$0xF218], $0x1;
	_ =	sdelay $0x1  }
0x25e: {  	v1 =	vld.msk @!p1 [tilespmem:$0xF218], $0x1;
	_ =	sdelay $0x2  }
0x25f: {  	p2 =	seq.s32 @!p1 s9, $0x0;
	v0 =	vbroadcast @!p1 v0, $0x0  }
0x260: {  	vm0 =	vmmov @!p1 $0x1;
	p2 =	por !p2, p1  }
0x261: {  	v1 =	vnsel @!p1 vm0, $0xFFFFFFFF, v1;
	vm0 =	vcmask @!p1 $0x308;
	v0 =	vpsel !p2, $0xFFFFFFFF, v0  }
0x262: {  	p2 =	sne.s32 @!p1 s8, s7;
	v0 =	vsel @!p1 vm0, v1, v0  }
0x263: {  	s0 =	simm.s32 @!p1 $0xF238;
	s2 =	simm.s32 @!p1 $0x0;
	p3 =	por !p2, p1;
	[tilespmem:$0x10238] =	vst @!p1 v0  }
0x264: {  	[spmem:s2] =	stream.linear.scatter @!p1 [tilespmem:s0], [sflag:$0x1], $0x80, $0x38;
	[tilespmem:$0x1F6F8] =	vst v63  }
0x265: {  	s0 =	sshll.u32 @!p3 s9, $0x9  }
0x266: {  	s0 =	sshra.s32 @!p3 s0, $0x2  }
0x267: {  	s2 =	simm.s32 @!p3 $0x80;
	s0 =	sadd.s32 @!p3 $0xF238, s0  }
0x268: {  	[spmem:s2] =	stream.linear.scatter @!p3 [tilespmem:s0], [sflag:$0x1], $0x80, $0x38;
	[tilespmem:$0x1F6F8] =	vst v63  }
0x269: {  	s0 =	simm.s32 @!p3 $0x1  }
0x26a: {  	_ =	swait.ge @!p3 [sflag:s0], $0x100  }
0x26b: {  	p1 =	por p2, p1;
	[sflag:s0] =	ssyncset.done @!p3 $0x0  }
0x26c: {  	[sflag:s0] =	ssyncadd.s32 @!p3 $0xFFFFFF00;
	s0 =	simm.s32 @!p1 $0x1  }
0x26d: {  	_ =	swait.ge @!p1 [sflag:s0], $0x80  }
0x26e: {  	s29 =	simm.s32 $0x10238;
	[sflag:s0] =	ssyncset.done @!p1 $0x0  }
0x26f: {  	s30 =	simm.s32 $0x1000;
	s31 =	simm.s32 $0x1;
	[sflag:s0] =	ssyncadd.s32 @!p1 $0xFFFFFF80  }
0x270: {  	[spmem:s30] =	stream.linear.scatter [tilespmem:s29], [sflag:$0x1], $0x10, $0x38;
	[tilespmem:$0x1F6F8] =	vst v63  }
0x271: {  	_ =	swait.ge [sflag:s31], $0x10  }
0x272: {  	[sflag:s31] =	ssyncset.done $0x0  }
0x273: {  	p1 =	seq.s32 s15, $0x0;
	s8 =	rddreg [dreg:$0x1];
	[sflag:s31] =	ssyncadd.s32 $0xFFFFFFF0  }
0x274: {  	s2 =	sshll.u32 @p1 s8, $0xE;
	s7 =	rddreg [dreg:$0x2]  }
0x275: {  	s0 =	sadd.s32 @p1 $0x15C3C, s2;
	s2 =	sshll.u32 @p1 s7, $0x11  }
0x276: {  	_ =	sfence.stream.spmem;
	s0 =	sor.u32 @p1 s2, s0  }
0x277: {  	[sflag:s0] =	ssyncadd.remote.s32 @p1 $0x1;
	s0 =	simm.s32 @p1 $0x4  }
0x278: {  	s3 =	simm.s32 @!p1 $0x3C;
	s2 =	sand.u32 $0xFFFFFFFE, s8;
	_ =	swait.ge @p1 [sflag:s0], $0x22  }
0x279: {  	s4 =	simm.s32 @!p1 $0x0;
	s2 =	sadd.s32 @!p1 $0x4, s2;
	[sflag:s0] =	ssyncset.done @p1 $0x0  }
0x27a: {  	s5 =	simm.s32 @!p1 $0x100;
	[sflag:s0] =	ssyncadd.s32 @p1 $0xFFFFFFDE;
	s0 =	sshll.u32 @!p1 s2, $0x1A  }
0x27b: {  	s2 =	sshll.u32 @!p1 s2, $0xD;
	s0 =	sor.u32 @!p1 s0, s7;
	_ =	swait.eq @!p1 [sflag:s3], $0x1  }
0x27c: {  	s2 =	sor.u32 @!p1 $0x1C04, s2;
	s3 =	simm.s32 @!p1 $0x1C03;
	s0 =	sor.u32 @!p1 $0x80004000, s0  }
0x27d: {  	[spmem:s5], [sflag:s2] =	dma.general @!p1 [spmem:s4], [sflag:s3], length:$0x20, [dreg:$0x0], stride_count:$0x0, ici_dest:s0, dma_misc:DstOpCode:WRITE  }
0x27e: {  	p2 =	slt.s32 s9, $0x2;
	s4 =	simm.s32 @!p1 $0x200;
	s5 =	simm.s32 @!p1 $0x202  }
0x27f: {  	[spmem:s5], [sflag:s2] =	dma.general @!p1 [spmem:s4], [sflag:s3], length:$0x2, [dreg:$0x0], stride_count:$0x0, ici_dest:s0, dma_misc:DstOpCode:WRITE  }
.Ltmp35:
0x280: {  	s0 =	simm.s32 @!p1 $0x3;
	(pc) =	sbr.rel @p2 .LBB3_38-.Ltmp35, $4  }
0x281: {  	s2 =	sshll.u32 @!p1 s8, $0xE;
	_ =	swait.ge @!p1 [sflag:s0], $0x22  }
0x282: {  	s3 =	sshll.u32 @!p1 s7, $0x11;
	s2 =	sadd.s32 @!p1 $0x11C3C, s2;
	[sflag:s0] =	ssyncset.done @!p1 $0x0  }
0x283: {  	[sflag:s0] =	ssyncadd.s32 @!p1 $0xFFFFFFDE;
	s0 =	sor.u32 @!p1 s3, s2  }
0x284: {  	[sflag:s0] =	ssyncadd.remote.s32 @!p1 $0xFFFFFFFF;
	s0 =	simm.s32 $0x0  }
0x285: {  	s0 =	simm.s32 $0xF219  }
0x286: {  	v0 =	vld.msk [tilespmem:s0+$0x0], $0x1;
	_ =	sdelay $0x4  }
0x287: {  	(v2sf) =	vpush v0, $0x0;
	_ =	sdelay $0xb  }
0x288: {  	s31 =	sadd.s32 $0xFFFFFFFE, s6  }
0x289: {  	s0 =	sadd.s32 $0xFFFFFFFF, s31  }
0x28a: {  	p2 =	sne.s32 s0, $0x0  }
.Ltmp36:
0x28b: {  	s2 =	spop (v2sf);
	(pc) =	sbr.rel @!p2 .LBB3_37-.Ltmp36, $4  }
0x28c: {  	s4 =	simm.s32 $0xF2B8;
	s7 =	simm.s32 $0x0;
	p1 =	sgt.u32 s2, $0x270F0  }
0x28d: {  	s5 =	simm.s32 $0x0;
	s6 =	simm.s32 $0xF21A;
	s3 =	sand.u32 @!p1 $0x3FFF8, s2  }
0x28e: {  	s2 =	sand.u32 @!p1 $0x7, s2;
	s7 =	simm.s32 @!p1 $0x200;
	s3 =	sadd.s32 @!p1 s1, s3  }
0x28f: {  	[hbm4b:s3+s2] =	stream.linear.scatter @!p1 [tilespmem:s4], [sflag:$0x5], $0x80, $0x38;
	[tilespmem:$0x1F6F8] =	vst v63  }
.LBB3_36:
0x290: {  	v0 =	vld.msk [tilespmem:s6+$0x0], $0x1;
	s0 =	sadd.s32 $0xFFFFFFFF, s0;
	s5 =	sadd.s32 s5, s7  }
0x291: {  	p1 =	sne.s32 s0, $0x0;
	_ =	sdelay $0x3  }
0x292: {  	(v2sf) =	vpush v0, $0x0;
	_ =	sdelay $0xe  }
.Ltmp37:
0x293: {  	s2 =	spop (v2sf);
	(pc) =	sbr.rel @p1 .LBB3_36-.Ltmp37, $4  }
0x294: {  	s7 =	simm.s32 $0x0;
	p2 =	sgt.u32 s2, $0x270F0  }
0x295: {  	s4 =	sadd.s32 $0x80, s4;
	s7 =	simm.s32 @!p2 $0x200;
	s3 =	sand.u32 @!p2 $0x3FFF8, s2  }
0x296: {  	s6 =	sadd.s32 $0x1, s6;
	s2 =	sand.u32 @!p2 $0x7, s2;
	s3 =	sadd.s32 @!p2 s1, s3  }
0x297: {  	[hbm4b:s3+s2] =	stream.linear.scatter @!p2 [tilespmem:s4], [sflag:$0x5], $0x80, $0x38;
	[tilespmem:$0x1F6F8] =	vst v63  }
.LBB3_37:
0x298: {  	s0 =	sadd.s32 s5, s7  }
0x299: {  	s0 =	sshrl.u32 s0, $0x2  }
.LBB3_38:
0x29a: {  	s2 =	simm.s32 $0x5  }
0x29b: {  	_ =	swait.ge [sflag:s2], s0  }
0x29c: {  	s31 =	ssub.s32 $0x0, s0;
	[sflag:s2] =	ssyncset.done $0x0  }
0x29d: {  	[sflag:s2] =	ssyncadd.s32 s31  }
0x29e: {  	[sflag:s2] =	ssyncpa.u1 $0x1  }
.LBB3_39:
0x29f: {  	s0 =	sor.u32 s15, s16  }
0x2a0: {  	p1 =	sne.s32 s0, $0x0  }
.Ltmp38:
0x2a1: {  	_ = 	snop;
	(pc) =	sbr.rel @p1 .LBB3_54-.Ltmp38, $3  }
0x2a2: {  	_ =	sdelay $0x1  }
0x2a3: {  	[bflag:$0x0] =	sbarrier.arrive $0xFFFF  }
0x2a4: {  	_ =	sfence  }
0x2a5: {  	s0 =	simm.s32 $0x7  }
0x2a6: {  	s2 =	simm.s32 $0x1000;
	s3 =	simm.s32 $0xF218;
	[sflag:s0] =	ssyncpa.u1 $0x0  }
0x2a7: {  	[tilespmem:s3], [sflag:$0x7] =	stream.linear.gather [spmem:s2], $0x20, $0x38;
	[tilespmem:$0x1F6F8] =	vst v63  }
0x2a8: {  	s30 =	simm.s32 $0xF238;
	s2 =	simm.s32 $0x0  }
0x2a9: {  	[tilespmem:s30], [sflag:$0x7] =	stream.linear.gather [spmem:s2], $0x1000, $0x38;
	[tilespmem:$0x1F6F8] =	vst v63  }
.Ltmp39:
0x2aa: {  	_ = 	snop;
	(pc) =	sbr.rel .LBB3_41-.Ltmp39, $4  }
0x2ab: {  	_ =	swait.ge [sflag:s0], $0x1020  }
0x2ac: {  	[sflag:s0] =	ssyncset.done $0x0  }
0x2ad: {  	s31 =	simm.s32 $0x8;
	[sflag:s0] =	ssyncadd.s32 $0xFFFFEFE0  }
0x2ae: {  	s3 =	simm.s32 $0x0;
	[sflag:s31] =	ssyncpa.u1 $0x0  }
.LBB3_47:
0x2af: {  	p1 =	slt.u32 s4, $0x270F1  }
0x2b0: {  	s0 =	sand.u32 @p1 $0x3FFF8, s4  }
0x2b1: {  	s4 =	sand.u32 @p1 $0x7, s4;
	s5 =	simm.s32 @p1 $0xF188;
	s0 =	sadd.s32 @p1 s1, s0  }
0x2b2: {  	[tilespmem:s5], [sflag:$0x8] =	stream.linear.gather @p1 [hbm4b:s0+s4], $0x80, $0x38;
	[tilespmem:$0x1F6F8] =	vst v63  }
0x2b3: {  	s0 =	simm.s32 @p1 $0x8  }
0x2b4: {  	_ =	swait.ge @p1 [sflag:s0], $0x80  }
0x2b5: {  	[sflag:s0] =	ssyncset.done @p1 $0x0  }
0x2b6: {  	[sflag:s0] =	ssyncadd.s32 @p1 $0xFFFFFF80;
	s0 =	sshll.u32 @p1 s3, $0x9  }
0x2b7: {  	s4 =	sshrl.u32 @p1 s0, $0x2;
	v1 =	vld @p1 [tilespmem:$0xF188]  }
0x2b8: {  	v2 =	vld @p1 [tilespmem:s4+$0xF238];
	_ =	sdelay $0x4  }
0x2b9: {  	v1 =	vmax.f32 @p1 v1, v2  }
0x2ba: {  	v2 =	vld @p1 [tilespmem:s4+$0xF248];
	[tilespmem:s4+$0xF238] =	vst @p1 v1  }
0x2bb: {  	v1 =	vld @p1 [tilespmem:$0xF198];
	_ =	sdelay $0x4  }
0x2bc: {  	v1 =	vmax.f32 @p1 v1, v2  }
0x2bd: {  	v2 =	vld @p1 [tilespmem:s4+$0xF258];
	[tilespmem:s4+$0xF248] =	vst @p1 v1  }
0x2be: {  	v1 =	vld @p1 [tilespmem:$0xF1A8];
	_ =	sdelay $0x4  }
0x2bf: {  	v1 =	vmax.f32 @p1 v1, v2  }
0x2c0: {  	v2 =	vld @p1 [tilespmem:s4+$0xF268];
	[tilespmem:s4+$0xF258] =	vst @p1 v1  }
0x2c1: {  	v1 =	vld @p1 [tilespmem:$0xF1B8];
	_ =	sdelay $0x4  }
0x2c2: {  	v1 =	vmax.f32 @p1 v1, v2  }
0x2c3: {  	v2 =	vld @p1 [tilespmem:s4+$0xF278];
	[tilespmem:s4+$0xF268] =	vst @p1 v1  }
0x2c4: {  	v1 =	vld @p1 [tilespmem:$0xF1C8];
	_ =	sdelay $0x4  }
0x2c5: {  	v1 =	vmax.f32 @p1 v1, v2  }
0x2c6: {  	v2 =	vld @p1 [tilespmem:s4+$0xF288];
	[tilespmem:s4+$0xF278] =	vst @p1 v1  }
0x2c7: {  	v1 =	vld @p1 [tilespmem:$0xF1D8];
	_ =	sdelay $0x4  }
0x2c8: {  	v1 =	vmax.f32 @p1 v1, v2  }
0x2c9: {  	v2 =	vld @p1 [tilespmem:s4+$0xF298];
	[tilespmem:s4+$0xF288] =	vst @p1 v1  }
0x2ca: {  	v1 =	vld @p1 [tilespmem:$0xF1E8];
	_ =	sdelay $0x4  }
0x2cb: {  	v1 =	vmax.f32 @p1 v1, v2  }
0x2cc: {  	v2 =	vld @p1 [tilespmem:s4+$0xF2A8];
	[tilespmem:s4+$0xF298] =	vst @p1 v1  }
0x2cd: {  	v1 =	vld @p1 [tilespmem:$0xF1F8];
	_ =	sdelay $0x4  }
0x2ce: {  	s5 =	sshll.u32 @!p1 s3, $0x9;
	v1 =	vmax.f32 @p1 v1, v2  }
0x2cf: {  	s5 =	smov.u32 @p1 s0;
	[tilespmem:s4+$0xF2A8] =	vst @p1 v1  }
0x2d0: {  	s0 =	sshrl.u32 s5, $0x2;
	[tilespmem:s2+$0xF218] =	vst.msk $0x1, v0  }
0x2d1: {  	v0 =	vld [tilespmem:s0+$0xF238];
	_ =	sdelay $0x2  }
0x2d2: {  	s31 =	sshll.u32 s2, $0x9  }
0x2d3: {  	s4 =	sshra.s32 s31, $0x2  }
0x2d4: {  	[tilespmem:s4+$0xF238] =	vst v0  }
0x2d5: {  	v0 =	vld [tilespmem:s0+$0xF248];
	_ =	sdelay $0x4  }
0x2d6: {  	[tilespmem:s4+$0xF248] =	vst v0  }
0x2d7: {  	v0 =	vld [tilespmem:s0+$0xF258];
	_ =	sdelay $0x4  }
0x2d8: {  	[tilespmem:s4+$0xF258] =	vst v0  }
0x2d9: {  	v0 =	vld [tilespmem:s0+$0xF268];
	_ =	sdelay $0x4  }
0x2da: {  	[tilespmem:s4+$0xF268] =	vst v0  }
0x2db: {  	v0 =	vld [tilespmem:s0+$0xF278];
	_ =	sdelay $0x4  }
0x2dc: {  	[tilespmem:s4+$0xF278] =	vst v0  }
0x2dd: {  	v0 =	vld [tilespmem:s0+$0xF288];
	_ =	sdelay $0x4  }
0x2de: {  	[tilespmem:s4+$0xF288] =	vst v0  }
0x2df: {  	v0 =	vld [tilespmem:s0+$0xF298];
	_ =	sdelay $0x4  }
0x2e0: {  	[tilespmem:s4+$0xF298] =	vst v0  }
0x2e1: {  	v0 =	vld [tilespmem:s0+$0xF2A8];
	_ =	sdelay $0x4  }
0x2e2: {  	s2 =	sadd.s32 $0x1, s2;
	[tilespmem:s4+$0xF2A8] =	vst v0  }
.LBB3_48:
0x2e3: {  	s3 =	sadd.s32 $0x1, s3  }
0x2e4: {  	p1 =	sne.s32 s3, $0x20  }
.Ltmp40:
0x2e5: {  	_ = 	snop;
	(pc) =	sbr.rel @!p1 .LBB3_49-.Ltmp40, $1  }
0x2e6: {  	_ =	sdelay $0x3  }
.LBB3_41:
0x2e7: {  	v0 =	vld.msk [tilespmem:s3+$0xF218], $0x1;
	_ =	sdelay $0x4  }
0x2e8: {  	(v2sf) =	vpush v0, $0x0;
	_ =	sdelay $0xe  }
0x2e9: {  	s4 =	spop (v2sf)  }
0x2ea: {  	p1 =	seq.s32 s4, $0xFFFFFFFF  }
.Ltmp41:
0x2eb: {  	_ = 	snop;
	(pc) =	sbr.rel @p1 .LBB3_48-.Ltmp41, $1  }
0x2ec: {  	_ =	sdelay $0x3  }
0x2ed: {  	p1 =	slt.s32 s2, $0x1  }
.Ltmp42:
0x2ee: {  	_ = 	snop;
	(pc) =	sbr.rel @p1 .LBB3_47-.Ltmp42, $1  }
0x2ef: {  	_ =	sdelay $0x3  }
0x2f0: {  	s5 =	simm.s32 $0xF218;
	p1 =	por $0x0, $0x0  }
0x2f1: {  	v1 =	vld.msk @!p1 [tilespmem:s5+$0x0], $0x1;
	_ =	sdelay $0x4  }
0x2f2: {  	(v2sf) =	vpush @!p1 v1, $0x0;
	_ =	sdelay $0xd  }
0x2f3: {  	p3 =	sne.s32 s2, $0x1  }
.Ltmp43:
0x2f4: {  	s0 =	spop @!p1 (v2sf);
	(pc) =	sbr.rel @!p3 .LBB3_45-.Ltmp43, $4  }
0x2f5: {  	p2 =	seq.s32 @!p1 s4, s0  }
0x2f6: {  	s6 =	simm.s32 $0x0;
	p2 =	por !p2, p1  }
0x2f7: {  	s7 =	simm.s32 $0xFFFFFFFF;
	s6 =	simm.s32 @p2 $0xFFFFFFFF  }
0x2f8: {  	s0 =	simm.s32 $0x1;
	s6 =	smov.u32 @p1 s7  }
.LBB3_44:
0x2f9: {  	s7 =	smov.u32 s6;
	p1 =	sne.s32 s6, $0xFFFFFFFF  }
0x2fa: {  	s5 =	sadd.s32 $0x1, s5;
	s6 =	smov.u32 s0;
	s0 =	sadd.s32 $0x1, s0  }
0x2fb: {  	p2 =	sne.s32 s2, s0;
	v1 =	vld.msk @!p1 [tilespmem:s5+$0x0], $0x1;
	_ =	sdelay $0x4  }
0x2fc: {  	(v2sf) =	vpush @!p1 v1, $0x0;
	_ =	sdelay $0xe  }
.Ltmp44:
0x2fd: {  	s8 =	spop @!p1 (v2sf);
	(pc) =	sbr.rel @p2 .LBB3_44-.Ltmp44, $4  }
0x2fe: {  	p3 =	seq.s32 @!p1 s4, s8  }
0x2ff: {  	p3 =	por !p3, p1  }
0x300: {  	s6 =	simm.s32 @p3 $0xFFFFFFFF  }
0x301: {  	s6 =	smov.u32 @p1 s7  }
.LBB3_45:
0x302: {  	p1 =	seq.s32 s6, $0xFFFFFFFF  }
.Ltmp45:
0x303: {  	_ = 	snop;
	(pc) =	sbr.rel @p1 .LBB3_47-.Ltmp45, $1  }
0x304: {  	_ =	sdelay $0x3  }
0x305: {  	s0 =	sshll.u32 s3, $0x7  }
0x306: {  	s4 =	sshll.u32 s6, $0x9;
	s0 =	sand.u32 $0x3FFFFF80, s0  }
0x307: {  	s4 =	sshra.s32 s4, $0x2;
	v0 =	vld [tilespmem:s0+$0xF238]  }
0x308: {  	v1 =	vld [tilespmem:s4+$0xF238];
	_ =	sdelay $0x4  }
0x309: {  	v0 =	vmax.f32 v0, v1  }
0x30a: {  	v57 =	vld [tilespmem:s4+$0xF248];
	[tilespmem:s4+$0xF238] =	vst v0  }
0x30b: {  	v0 =	vld [tilespmem:s0+$0xF248];
	_ =	sdelay $0x4  }
0x30c: {  	v0 =	vmax.f32 v0, v57  }
0x30d: {  	v58 =	vld [tilespmem:s4+$0xF258];
	[tilespmem:s4+$0xF248] =	vst v0  }
0x30e: {  	v0 =	vld [tilespmem:s0+$0xF258];
	_ =	sdelay $0x4  }
0x30f: {  	v0 =	vmax.f32 v0, v58  }
0x310: {  	v59 =	vld [tilespmem:s4+$0xF268];
	[tilespmem:s4+$0xF258] =	vst v0  }
0x311: {  	v0 =	vld [tilespmem:s0+$0xF268];
	_ =	sdelay $0x4  }
0x312: {  	v0 =	vmax.f32 v0, v59  }
0x313: {  	v60 =	vld [tilespmem:s4+$0xF278];
	[tilespmem:s4+$0xF268] =	vst v0  }
0x314: {  	v0 =	vld [tilespmem:s0+$0xF278];
	_ =	sdelay $0x4  }
0x315: {  	v0 =	vmax.f32 v0, v60  }
0x316: {  	v61 =	vld [tilespmem:s4+$0xF288];
	[tilespmem:s4+$0xF278] =	vst v0  }
0x317: {  	v0 =	vld [tilespmem:s0+$0xF288];
	_ =	sdelay $0x4  }
0x318: {  	v0 =	vmax.f32 v0, v61  }
0x319: {  	v62 =	vld [tilespmem:s4+$0xF298];
	[tilespmem:s4+$0xF288] =	vst v0  }
0x31a: {  	v0 =	vld [tilespmem:s0+$0xF298];
	_ =	sdelay $0x4  }
0x31b: {  	v0 =	vmax.f32 v0, v62  }
0x31c: {  	v63 =	vld [tilespmem:s4+$0xF2A8];
	[tilespmem:s4+$0xF298] =	vst v0  }
0x31d: {  	v0 =	vld [tilespmem:s0+$0xF2A8];
	_ =	sdelay $0x1  }
.Ltmp46:
0x31e: {  	_ = 	snop;
	(pc) =	sbr.rel .LBB3_48-.Ltmp46, $3  }
0x31f: {  	_ =	sdelay $0x1  }
0x320: {  	v0 =	vmax.f32 v0, v63  }
0x321: {  	[tilespmem:s4+$0xF2A8] =	vst v0  }
.LBB3_49:
0x322: {  	p1 =	slt.s32 s2, $0x1  }
.Ltmp47:
0x323: {  	_ = 	snop;
	(pc) =	sbr.rel @p1 .LBB3_53-.Ltmp47, $3  }
0x324: {  	_ =	sdelay $0x1  }
0x325: {  	s0 =	simm.s32 $0x8  }
0x326: {  	s3 =	simm.s32 $0x0;
	[sflag:s0] =	ssyncpa.u1 $0x1  }
0x327: {  	s0 =	simm.s32 $0xF218  }
0x328: {  	v0 =	vld.msk [tilespmem:s0+$0x0], $0x1;
	_ =	sdelay $0x4  }
0x329: {  	(v2sf) =	vpush v0, $0x0;
	_ =	sdelay $0xe  }
0x32a: {  	s0 =	sadd.s32 $0xFFFFFFFF, s2;
	s5 =	spop (v2sf)  }
0x32b: {  	p2 =	sne.s32 s0, $0x0;
	p1 =	sgt.u32 s5, $0x270F0  }
.Ltmp48:
0x32c: {  	s6 =	sand.u32 @!p1 $0x3FFF8, s5;
	(pc) =	sbr.rel @!p2 .LBB3_52-.Ltmp48, $4  }
0x32d: {  	s4 =	simm.s32 $0xF238;
	s5 =	sand.u32 @!p1 $0x7, s5;
	s2 =	sadd.s32 @!p1 s1, s6  }
0x32e: {  	[hbm4b:s2+s5] =	stream.linear.scatter @!p1 [tilespmem:s4], [sflag:$0x7], $0x80, $0x38;
	[tilespmem:$0x1F6F8] =	vst v63  }
0x32f: {  	s5 =	simm.s32 $0x0  }
0x330: {  	s2 =	simm.s32 $0xF219;
	s5 =	simm.s32 @!p1 $0x200  }
.LBB3_51:
0x331: {  	v0 =	vld.msk [tilespmem:s2+$0x0], $0x1;
	s0 =	sadd.s32 $0xFFFFFFFF, s0;
	s3 =	sadd.s32 s3, s5  }
0x332: {  	p1 =	sne.s32 s0, $0x0;
	_ =	sdelay $0x3  }
0x333: {  	(v2sf) =	vpush v0, $0x0;
	_ =	sdelay $0xe  }
.Ltmp49:
0x334: {  	s6 =	spop (v2sf);
	(pc) =	sbr.rel @p1 .LBB3_51-.Ltmp49, $4  }
0x335: {  	s5 =	simm.s32 $0x0;
	p2 =	sgt.u32 s6, $0x270F0  }
0x336: {  	s4 =	sadd.s32 $0x80, s4;
	s5 =	simm.s32 @!p2 $0x200;
	s7 =	sand.u32 @!p2 $0x3FFF8, s6  }
0x337: {  	s2 =	sadd.s32 $0x1, s2;
	s6 =	sand.u32 @!p2 $0x7, s6;
	s7 =	sadd.s32 @!p2 s1, s7  }
0x338: {  	[hbm4b:s7+s6] =	stream.linear.scatter @!p2 [tilespmem:s4], [sflag:$0x7], $0x80, $0x38;
	[tilespmem:$0x1F6F8] =	vst v63  }
.LBB3_52:
0x339: {  	s0 =	sadd.s32 s3, s5  }
0x33a: {  	s3 =	sshrl.u32 s0, $0x2  }
.LBB3_53:
0x33b: {  	s0 =	simm.s32 $0x7  }
0x33c: {  	_ =	swait.ge [sflag:s0], s3  }
0x33d: {  	s1 =	ssub.s32 $0x0, s3;
	[sflag:s0] =	ssyncset.done $0x0  }
0x33e: {  	[sflag:s0] =	ssyncadd.s32 s1  }
0x33f: {  	[sflag:s0] =	ssyncpa.u1 $0x1  }
.LBB3_54:
0x340: {  	_ =	sfence;
	s0 =	simm.s32 $0x1  }
0x341: {  	[sflag:s0] =	ssyncpa.u1 $0x1  }
0x342: {  	_ =	strace $0x90000050  }
0x343: {  	[bflag:$0x2] =	sbarrier.arrive $0xFFFF  }
0x344: {  	s0 =	rddreg [dreg:$0x3]  }
0x345: {  	s0 =	sadd.s32 @!p0 $0x100000, s0  }
0x346: {  	[sflag:s0] =	ssyncadd.tile.s32 @!p0 $0x1;
	_ =	shalt  }
.Lfunc_end3:
_tile_overlayer_lowered:
.L_overlay_start_3:
0x347: {  	(tag) =	ssettag $0x3  }
0x348: {  	s0 =	rddreg [dreg:$0x0];
	s2 =	stileid.u32  }
0x349: {  	s1 =	rddreg [dreg:$0x1];
	p0 =	sne.s32 s2, $0x0  }
0x34a: {  	s3 =	rddreg [dreg:$0x2];
	[bflag:$0x3] =	sbarrier.arrive $0xFFFF;
	s2 =	simm.s32 @!p0 $0x1C01  }
0x34b: {  	[timem:s3], [sflag:s2] =	dma.local @!p0 [hbm:s0], s1  }
0x34c: {  	s0 =	simm.s32 @!p0 $0x1  }
0x34d: {  	_ =	swait.ge @!p0 [sflag:s0], s1  }
0x34e: {  	s1 =	ssub.s32 @!p0 $0x0, s1;
	[sflag:s0] =	ssyncset.done @!p0 $0x0  }
0x34f: {  	[sflag:s0] =	ssyncadd.s32 @!p0 s1  }
0x350: {  	[bflag:$0x3] =	sbarrier.arrive $0xFFFF  }
0x351: {  	_ =	shalt  }

</sc_bundles>
